<compile_context>
chip_gen: v7x
topology: tpu7x:2x2x1
jax: 0.10.2.dev20260603
libtpu: 0.0.44.dev20260713+nightly
codegen_flags: <defaults>
</compile_context>

<pallas_src>
import functools

import jax
import jax.numpy as jnp
from jax import lax
from jax.experimental import pallas as pl
from jax.experimental.pallas import tpu as pltpu
from jax.experimental.pallas import tpu_sc as plsc

_NC = 2
_NS = 16
_NW = _NC * _NS
_SNB = 8


def _silu(x):
    return x * jax.nn.sigmoid(x)


def _proj_body(h_ref, w1at_ref, w1bt_ref, s_ref, t_ref):
    hb = h_ref[...]
    s_ref[...] = jnp.dot(hb, w1at_ref[...], preferred_element_type=jnp.float32)
    t_ref[...] = jnp.dot(hb, w1bt_ref[...], preferred_element_type=jnp.float32)


def _sc_gather(hp_s, hp_t, row, col, *, chunk):
    e = row.shape[0]
    n, d = hp_s.shape
    epc = e // _NS
    nch = epc // chunk
    assert nch * chunk == epc
    rps = -(-n // _NS)
    rps += (-rps) % 8
    tail = n - (_NS - 1) * rps
    assert tail > 0 and rps % 8 == 0
    mesh = plsc.VectorSubcoreMesh(core_axis_name="c", subcore_axis_name="s")

    nb = 4

    @functools.partial(
        pl.kernel,
        out_type=[jax.ShapeDtypeStruct((e, d), jnp.float32),
                  jax.ShapeDtypeStruct((e, d), jnp.float32)],
        mesh=mesh,
        scratch_types=[pltpu.VMEM((epc,), jnp.int32)]
                      + [pltpu.VMEM((chunk, d), jnp.float32)] * nb
                      + [pltpu.VMEM_SHARED((n, d), jnp.float32)]
                      + [pltpu.SemaphoreType.DMA] * (2 * nb),
    )
    def k(hp_s_hbm, hp_t_hbm, row_hbm, col_hbm, s_hbm, t_hbm,
          idx_v, *rest):
        bufs = rest[:nb]
        hp_sh = rest[nb]
        sgs = rest[nb + 1:nb + 1 + nb]
        sws = rest[nb + 1 + nb:]
        cid = lax.axis_index("c")
        sid = lax.axis_index("s")
        base = sid * epc

        def load_hp(src_hbm):
            @pl.when(sid < _NS - 1)
            def _():
                pltpu.sync_copy(src_hbm.at[pl.ds(sid * rps, rps)],
                                hp_sh.at[pl.ds(sid * rps, rps)])

            @pl.when(sid == _NS - 1)
            def _():
                pltpu.sync_copy(src_hbm.at[pl.ds(sid * rps, tail)],
                                hp_sh.at[pl.ds(sid * rps, tail)])

        def serve(idx_hbm, out_hbm):
            pltpu.sync_copy(idx_hbm.at[pl.ds(base, epc)], idx_v)

            def gather(ko, buf, sg):
                pltpu.async_copy(hp_sh.at[idx_v.at[pl.ds(ko * chunk, chunk)]],
                                 buf, sg)

            def gather_wait(ko, buf, sg):
                pltpu.make_async_copy(
                    hp_sh.at[idx_v.at[pl.ds(ko * chunk, chunk)]], buf, sg
                ).wait()

            def wb(ko, buf, sw):
                pltpu.async_copy(buf, out_hbm.at[pl.ds(base + ko * chunk, chunk)],
                                 sw)

            def wb_wait(ko, buf, sw):
                pltpu.make_async_copy(
                    buf, out_hbm.at[pl.ds(base + ko * chunk, chunk)], sw
                ).wait()

            for j in range(min(nb, nch)):
                gather(j, bufs[j], sgs[j])

            nch_main = nch - (nch % nb)

            @pl.loop(0, nch_main, step=nb)
            def _(k0):
                for j in range(nb):
                    gather_wait(k0 + j, bufs[j], sgs[j])
                    wb(k0 + j, bufs[j], sws[j])
                for j in range(nb):
                    wb_wait(k0 + j, bufs[j], sws[j])

                    @pl.when(k0 + j + nb < nch)
                    def _(j=j, k0=k0):
                        gather(k0 + j + nb, bufs[j], sgs[j])

            for c in range(nch_main, nch):
                gather_wait(c, bufs[c % nb], sgs[c % nb])
                wb(c, bufs[c % nb], sws[c % nb])
                wb_wait(c, bufs[c % nb], sws[c % nb])

        @pl.when(cid == 0)
        def _():
            load_hp(hp_s_hbm)

        @pl.when(cid == 1)
        def _():
            load_hp(hp_t_hbm)

        plsc.subcore_barrier()

        @pl.when(cid == 0)
        def _():
            serve(row_hbm, s_hbm)

        @pl.when(cid == 1)
        def _():
            serve(col_hbm, t_hbm)

    return k(hp_s, hp_t, row, col)


def _edge_body(s_ref, t_ref, cd_ref, w1c_ref, b1_ref, w2t_ref, b2_ref, m_ref):
    cd = cd_ref[...]
    radial = jnp.sum(cd * cd, axis=1, keepdims=True)
    x = s_ref[...] + t_ref[...] + radial * w1c_ref[...] + b1_ref[...]
    x = _silu(x)
    y = jnp.dot(x, w2t_ref[...], preferred_element_type=jnp.float32) + b2_ref[...]
    m_ref[...] = _silu(y)


def _sc_scatter(m, row, zeros, n, *, chunk):
    e, d = m.shape
    epw = e // _NW
    rps = -(-n // _NS)
    rps += (-rps) % 8
    tail = n - (_NS - 1) * rps
    assert tail > 0 and rps % 8 == 0
    mesh = plsc.VectorSubcoreMesh(core_axis_name="c", subcore_axis_name="s")

    @functools.partial(
        pl.kernel,
        out_type=jax.ShapeDtypeStruct((_NC, n, d), jnp.float32),
        mesh=mesh,
        scratch_types=[pltpu.VMEM((chunk,), jnp.int32)] * _SNB
                      + [pltpu.VMEM((chunk, d), jnp.float32)] * _SNB
                      + [pltpu.VMEM_SHARED((n, d), jnp.float32)]
                      + [pltpu.SemaphoreType.DMA] * (2 * _SNB),
    )
    def k(m_hbm, row_hbm, z_hbm, out_hbm, *rest):
        ivs = rest[:_SNB]
        mvs = rest[_SNB:2 * _SNB]
        agg_sh = rest[2 * _SNB]
        sis = rest[2 * _SNB + 1:3 * _SNB + 1]
        sms = rest[3 * _SNB + 1:]
        cid = lax.axis_index("c")
        sid = lax.axis_index("s")
        wid = sid * _NC + cid
        base = wid * epw
        nch = epw // chunk

        @pl.when(sid < _NS - 1)
        def _():
            pltpu.sync_copy(z_hbm.at[pl.ds(sid * rps, rps)],
                            agg_sh.at[pl.ds(sid * rps, rps)])

        @pl.when(sid == _NS - 1)
        def _():
            pltpu.sync_copy(z_hbm.at[pl.ds(sid * rps, tail)],
                            agg_sh.at[pl.ds(sid * rps, tail)])

        plsc.subcore_barrier()

        def prefetch(ko, iv, mv, si, sm):
            off = base + ko * chunk
            pltpu.async_copy(row_hbm.at[pl.ds(off, chunk)], iv, si)
            pltpu.async_copy(m_hbm.at[pl.ds(off, chunk)], mv, sm)

        def scatter(ko, iv, mv, si, sm):
            off = base + ko * chunk
            pltpu.make_async_copy(row_hbm.at[pl.ds(off, chunk)], iv, si).wait()
            pltpu.make_async_copy(m_hbm.at[pl.ds(off, chunk)], mv, sm).wait()
            pltpu.sync_copy(mv, agg_sh.at[iv], add=True)

        for j in range(min(_SNB, nch)):
            prefetch(j, ivs[j], mvs[j], sis[j], sms[j])

        nch_main = nch - (nch % _SNB)

        @pl.loop(0, nch_main, step=_SNB)
        def _(k0):
            for j in range(_SNB):
                scatter(k0 + j, ivs[j], mvs[j], sis[j], sms[j])

                @pl.when(k0 + j + _SNB < nch)
                def _(j=j, k0=k0):
                    prefetch(k0 + j + _SNB, ivs[j], mvs[j], sis[j], sms[j])

        for c in range(nch_main, nch):
            scatter(c, ivs[c % _SNB], mvs[c % _SNB], sis[c % _SNB],
                    sms[c % _SNB])

        plsc.subcore_barrier()

        @pl.when(sid < _NS - 1)
        def _():
            pltpu.sync_copy(agg_sh.at[pl.ds(sid * rps, rps)],
                            out_hbm.at[cid].at[pl.ds(sid * rps, rps)])

        @pl.when(sid == _NS - 1)
        def _():
            pltpu.sync_copy(agg_sh.at[pl.ds(sid * rps, tail)],
                            out_hbm.at[cid].at[pl.ds(sid * rps, tail)])

    return k(m, row, zeros)


def _node_body(h_ref, agg_a_ref, agg_b_ref, w3at_ref, w3bt_ref, b3_ref,
               w4t_ref, b4_ref, o_ref):
    agg = (agg_a_ref[0] + agg_a_ref[1]) + (agg_b_ref[0] + agg_b_ref[1])
    x = (jnp.dot(h_ref[...], w3at_ref[...], preferred_element_type=jnp.float32)
         + jnp.dot(agg, w3bt_ref[...], preferred_element_type=jnp.float32)
         + b3_ref[...])
    x = _silu(x)
    o_ref[...] = jnp.dot(x, w4t_ref[...], preferred_element_type=jnp.float32) + b4_ref[...]


def kernel(h, edges_index, coord_diff, w1, b1, w2, b2, w3, b3, w4, b4):
    n, d = h.shape
    e = edges_index.shape[1]
    hd = w1.shape[0]

    ei = edges_index.astype(jnp.int32)
    row = ei[0]
    col = ei[1]

    w1at = w1[:, :d].T
    w1bt = w1[:, d:2 * d].T
    w1c = w1[:, 2 * d].reshape(1, hd)
    b1r = b1.reshape(1, hd)
    w2t = w2.T
    b2r = b2.reshape(1, hd)
    w3at = w3[:, :d].T
    w3bt = w3[:, d:].T
    b3r = b3.reshape(1, hd)
    w4t = w4.T
    b4r = b4.reshape(1, d)

    nblk = 2000
    hp_s, hp_t = pl.pallas_call(
        _proj_body,
        grid=(n // nblk,),
        in_specs=[pl.BlockSpec((nblk, d), lambda i: (i, 0)),
                  pl.BlockSpec((d, hd), lambda i: (0, 0)),
                  pl.BlockSpec((d, hd), lambda i: (0, 0))],
        out_specs=[pl.BlockSpec((nblk, hd), lambda i: (i, 0)),
                   pl.BlockSpec((nblk, hd), lambda i: (i, 0))],
        out_shape=[jax.ShapeDtypeStruct((n, hd), jnp.float32),
                   jax.ShapeDtypeStruct((n, hd), jnp.float32)],
    )(h, w1at, w1bt)

    zeros = jnp.zeros((n, hd), jnp.float32)
    eblk = 2000

    def half(row_h, col_h, cd_h):
        eh = row_h.shape[0]
        s_g, t_g = _sc_gather(hp_s, hp_t, row_h, col_h, chunk=80)
        m = pl.pallas_call(
            _edge_body,
            grid=(eh // eblk,),
            in_specs=[pl.BlockSpec((eblk, hd), lambda i: (i, 0)),
                      pl.BlockSpec((eblk, hd), lambda i: (i, 0)),
                      pl.BlockSpec((eblk, 3), lambda i: (i, 0)),
                      pl.BlockSpec((1, hd), lambda i: (0, 0)),
                      pl.BlockSpec((1, hd), lambda i: (0, 0)),
                      pl.BlockSpec((hd, hd), lambda i: (0, 0)),
                      pl.BlockSpec((1, hd), lambda i: (0, 0))],
            out_specs=pl.BlockSpec((eblk, hd), lambda i: (i, 0)),
            out_shape=jax.ShapeDtypeStruct((eh, hd), jnp.float32),
        )(s_g, t_g, cd_h, w1c, b1r, w2t, b2r)
        return _sc_scatter(m, row_h, zeros, n, chunk=40)

    e2 = e // 2
    agg_a = half(row[:e2], col[:e2], coord_diff[:e2])
    agg_b = half(row[e2:], col[e2:], coord_diff[e2:])

    out = pl.pallas_call(
        _node_body,
        grid=(n // nblk,),
        in_specs=[pl.BlockSpec((nblk, d), lambda i: (i, 0)),
                  pl.BlockSpec((_NC, nblk, hd), lambda i: (0, i, 0)),
                  pl.BlockSpec((_NC, nblk, hd), lambda i: (0, i, 0)),
                  pl.BlockSpec((d, hd), lambda i: (0, 0)),
                  pl.BlockSpec((hd, hd), lambda i: (0, 0)),
                  pl.BlockSpec((1, hd), lambda i: (0, 0)),
                  pl.BlockSpec((hd, d), lambda i: (0, 0)),
                  pl.BlockSpec((1, d), lambda i: (0, 0))],
        out_specs=pl.BlockSpec((nblk, d), lambda i: (i, 0)),
        out_shape=jax.ShapeDtypeStruct((n, d), jnp.float32),
    )(h, agg_a, agg_b, w3at, w3bt, b3r, w4t, b4r)
    return out

# --- scband reference (transcript-rebuilt; emitter-appended) ---
"""Pipeline reference for scband-egcl-90804198572798 (READ-ONLY COPY).

The authoritative reference and input builder live on the scoring server;
editing this copy changes nothing except your own understanding.
"""

import jax, jax.numpy as jnp
import numpy as np

N_NODES = 10000
N_EDGES = 320000
D = 128
H = 128

def silu(x):
    return x * jax.nn.sigmoid(x)

def setup_inputs(seed: int = 0) -> dict:
    key = jax.random.key(seed)
    ks = jax.random.split(key, 12)
    h = jax.random.normal(ks[0], (N_NODES, D), dtype=jnp.float32)
    edges_index = jax.random.randint(ks[1], (2, N_EDGES), 0, N_NODES, dtype=jnp.int64)
    coord_diff = jax.random.normal(ks[2], (N_EDGES, 3), dtype=jnp.float32)
    in_edge = 2 * D + 1
    def lin(k, fan_in, fan_out):
        bound = 1.0 / np.sqrt(fan_in)
        kw, kb = jax.random.split(k)
        w = jax.random.uniform(kw, (fan_out, fan_in), minval=-bound, maxval=bound, dtype=jnp.float32)
        b = jax.random.uniform(kb, (fan_out,), minval=-bound, maxval=bound, dtype=jnp.float32)
        return w, b
    w1, b1 = lin(ks[3], in_edge, H)
    w2, b2 = lin(ks[4], H, H)
    w3, b3 = lin(ks[5], H + D, H)
    w4, b4 = lin(ks[6], H, D)
    return {"h": h, "edges_index": edges_index, "coord_diff": coord_diff,
            "w1": w1, "b1": b1, "w2": w2, "b2": b2,
            "w3": w3, "b3": b3, "w4": w4, "b4": b4}

def reference(h, edges_index, coord_diff, w1, b1, w2, b2, w3, b3, w4, b4):
    radial = jnp.sum(coord_diff ** 2, axis=1, keepdims=True)
    row = edges_index[0]
    col = edges_index[1]
    source = jnp.take(h, row, axis=0)
    target = jnp.take(h, col, axis=0)
    edge_in = jnp.concatenate([source, target, radial], axis=1)
    m = silu(edge_in @ w1.T + b1)
    m = silu(m @ w2.T + b2)
    agg = jax.ops.segment_sum(m, row, num_segments=h.shape[0])
    node_in = jnp.concatenate([h, agg], axis=1)
    out = silu(node_in @ w3.T + b3)
    out = out @ w4.T + b4
    return out

if __name__ == "__main__":
    import jax
    _d = setup_inputs()
    print(jax.jit(kernel)(*tuple(_d.values())))

</pallas_src>

<mosaic_0001>
#map = affine_map<(d0, d1) -> (0, 0)>
#map1 = affine_map<(d0, d1) -> (0)>
#map2 = affine_map<(d0, d1) -> (0, 0, 0)>
module attributes {stable_mosaic.version = 14 : i64} {
  func.func @k(%arg0: i32, %arg1: i32, %arg2: memref<160000x128xf32, #tpu.memory_space<hbm>>, %arg3: memref<160000xi32, #tpu.memory_space<hbm>>, %arg4: memref<10000x128xf32, #tpu.memory_space<hbm>>, %arg5: memref<2x10000x128xf32, #tpu.memory_space<hbm>>, %arg6: memref<40xi32, #tpu.memory_space<vmem>>, %arg7: memref<40xi32, #tpu.memory_space<vmem>>, %arg8: memref<40xi32, #tpu.memory_space<vmem>>, %arg9: memref<40xi32, #tpu.memory_space<vmem>>, %arg10: memref<40xi32, #tpu.memory_space<vmem>>, %arg11: memref<40xi32, #tpu.memory_space<vmem>>, %arg12: memref<40xi32, #tpu.memory_space<vmem>>, %arg13: memref<40xi32, #tpu.memory_space<vmem>>, %arg14: memref<40x128xf32, #tpu.memory_space<vmem>>, %arg15: memref<40x128xf32, #tpu.memory_space<vmem>>, %arg16: memref<40x128xf32, #tpu.memory_space<vmem>>, %arg17: memref<40x128xf32, #tpu.memory_space<vmem>>, %arg18: memref<40x128xf32, #tpu.memory_space<vmem>>, %arg19: memref<40x128xf32, #tpu.memory_space<vmem>>, %arg20: memref<40x128xf32, #tpu.memory_space<vmem>>, %arg21: memref<40x128xf32, #tpu.memory_space<vmem>>, %arg22: memref<10000x128xf32, #tpu.memory_space<vmem_shared>>, %arg23: memref<!tpu.dma_semaphore, #tpu.memory_space<semaphore_mem>>, %arg24: memref<!tpu.dma_semaphore, #tpu.memory_space<semaphore_mem>>, %arg25: memref<!tpu.dma_semaphore, #tpu.memory_space<semaphore_mem>>, %arg26: memref<!tpu.dma_semaphore, #tpu.memory_space<semaphore_mem>>, %arg27: memref<!tpu.dma_semaphore, #tpu.memory_space<semaphore_mem>>, %arg28: memref<!tpu.dma_semaphore, #tpu.memory_space<semaphore_mem>>, %arg29: memref<!tpu.dma_semaphore, #tpu.memory_space<semaphore_mem>>, %arg30: memref<!tpu.dma_semaphore, #tpu.memory_space<semaphore_mem>>, %arg31: memref<!tpu.dma_semaphore, #tpu.memory_space<semaphore_mem>>, %arg32: memref<!tpu.dma_semaphore, #tpu.memory_space<semaphore_mem>>, %arg33: memref<!tpu.dma_semaphore, #tpu.memory_space<semaphore_mem>>, %arg34: memref<!tpu.dma_semaphore, #tpu.memory_space<semaphore_mem>>, %arg35: memref<!tpu.dma_semaphore, #tpu.memory_space<semaphore_mem>>, %arg36: memref<!tpu.dma_semaphore, #tpu.memory_space<semaphore_mem>>, %arg37: memref<!tpu.dma_semaphore, #tpu.memory_space<semaphore_mem>>, %arg38: memref<!tpu.dma_semaphore, #tpu.memory_space<semaphore_mem>>) attributes {dimension_semantics = [#tpu.dimension_semantics<core_parallel>, #tpu.dimension_semantics<subcore_parallel>], iteration_bounds = array<i64: 2, 16>, scalar_prefetch = 0 : i64, scratch_operands = 33 : i64, tpu.core_type = #tpu.core_type<sc_vector_subcore>, window_params = [{transform_indices = #map}, {transform_indices = #map1}, {transform_indices = #map}, {transform_indices = #map2}]} {
    %mul3A = arith.constant 2 : i32
    %mul3A_0 = arith.muli %arg1, %mul3A : i32
    %add3A = arith.addi %mul3A_0, %arg0 : i32
    %mul3A_1 = arith.constant 5000 : i32
    %mul3A_2 = arith.muli %add3A, %mul3A_1 : i32
    %lt3A = arith.constant 15 : i32
    %lt3A_3 = arith.cmpi slt, %arg1, %lt3A : i32
    %convert_element_type3A = arith.extui %lt3A_3 : i1 to i32
    %cond3A = arith.constant 0 : i32
    %cond3A_4 = arith.cmpi ne, %convert_element_type3A, %cond3A : i32
    scf.if %cond3A_4 {
      %mul3A_126 = arith.constant 632 : i32
      %mul3A_127 = arith.muli %arg1, %mul3A_126 : i32
      %mul3A_128 = arith.constant 632 : i32
      %mul3A_129 = arith.muli %arg1, %mul3A_128 : i32
      "tpu.region"() ({
        %run_scoped3A = tpu.sem_alloc : memref<!tpu.dma_semaphore, #tpu.memory_space<semaphore_mem>>
        %dma_start3A_130 = arith.constant 0 : i32
        %dma_start3A_131 = tpu.memref_slice %arg22[%mul3A_129, %dma_start3A_130] : memref<10000x128xf32, #tpu.memory_space<vmem_shared>> -> memref<632x128xf32, #tpu.memory_space<vmem_shared>>
        %dma_start3A_132 = arith.constant 0 : i32
        %dma_start3A_133 = tpu.memref_slice %arg4[%mul3A_127, %dma_start3A_132] : memref<10000x128xf32, #tpu.memory_space<hbm>> -> memref<632x128xf32, #tpu.memory_space<hbm>>
        tpu.enqueue_dma source(%dma_start3A_133 : memref<632x128xf32, #tpu.memory_space<hbm>>) target(%dma_start3A_131 : memref<632x128xf32, #tpu.memory_space<vmem_shared>>) target_semaphore(%run_scoped3A : memref<!tpu.dma_semaphore, #tpu.memory_space<semaphore_mem>>)
        %dma_wait3A_134 = arith.constant 0 : i32
        %dma_wait3A_135 = tpu.memref_slice %arg22[%mul3A_129, %dma_wait3A_134] : memref<10000x128xf32, #tpu.memory_space<vmem_shared>> -> memref<632x128xf32, #tpu.memory_space<vmem_shared>>
        %dma_wait3A_136 = arith.constant 0 : i32
        %dma_wait3A_137 = tpu.memref_slice %arg4[%mul3A_127, %dma_wait3A_136] : memref<10000x128xf32, #tpu.memory_space<hbm>> -> memref<632x128xf32, #tpu.memory_space<hbm>>
        tpu.wait_dma2 semaphore(%run_scoped3A : memref<!tpu.dma_semaphore, #tpu.memory_space<semaphore_mem>>) src(%dma_wait3A_137 : memref<632x128xf32, #tpu.memory_space<hbm>>) dst(%dma_wait3A_135 : memref<632x128xf32, #tpu.memory_space<vmem_shared>>)
        tpu.yield
      }) : () -> ()
    } else {
    }
    %eq3A = arith.constant 15 : i32
    %eq3A_5 = arith.cmpi eq, %arg1, %eq3A : i32
    %convert_element_type3A_6 = arith.extui %eq3A_5 : i1 to i32
    %cond3A_7 = arith.constant 0 : i32
    %cond3A_8 = arith.cmpi ne, %convert_element_type3A_6, %cond3A_7 : i32
    scf.if %cond3A_8 {
      %mul3A_126 = arith.constant 632 : i32
      %mul3A_127 = arith.muli %arg1, %mul3A_126 : i32
      %mul3A_128 = arith.constant 632 : i32
      %mul3A_129 = arith.muli %arg1, %mul3A_128 : i32
      "tpu.region"() ({
        %run_scoped3A = tpu.sem_alloc : memref<!tpu.dma_semaphore, #tpu.memory_space<semaphore_mem>>
        %dma_start3A_130 = arith.constant 0 : i32
        %dma_start3A_131 = tpu.memref_slice %arg22[%mul3A_129, %dma_start3A_130] : memref<10000x128xf32, #tpu.memory_space<vmem_shared>> -> memref<520x128xf32, #tpu.memory_space<vmem_shared>>
        %dma_start3A_132 = arith.constant 0 : i32
        %dma_start3A_133 = tpu.memref_slice %arg4[%mul3A_127, %dma_start3A_132] : memref<10000x128xf32, #tpu.memory_space<hbm>> -> memref<520x128xf32, #tpu.memory_space<hbm>>
        tpu.enqueue_dma source(%dma_start3A_133 : memref<520x128xf32, #tpu.memory_space<hbm>>) target(%dma_start3A_131 : memref<520x128xf32, #tpu.memory_space<vmem_shared>>) target_semaphore(%run_scoped3A : memref<!tpu.dma_semaphore, #tpu.memory_space<semaphore_mem>>)
        %dma_wait3A_134 = arith.constant 0 : i32
        %dma_wait3A_135 = tpu.memref_slice %arg22[%mul3A_129, %dma_wait3A_134] : memref<10000x128xf32, #tpu.memory_space<vmem_shared>> -> memref<520x128xf32, #tpu.memory_space<vmem_shared>>
        %dma_wait3A_136 = arith.constant 0 : i32
        %dma_wait3A_137 = tpu.memref_slice %arg4[%mul3A_127, %dma_wait3A_136] : memref<10000x128xf32, #tpu.memory_space<hbm>> -> memref<520x128xf32, #tpu.memory_space<hbm>>
        tpu.wait_dma2 semaphore(%run_scoped3A : memref<!tpu.dma_semaphore, #tpu.memory_space<semaphore_mem>>) src(%dma_wait3A_137 : memref<520x128xf32, #tpu.memory_space<hbm>>) dst(%dma_wait3A_135 : memref<520x128xf32, #tpu.memory_space<vmem_shared>>)
        tpu.yield
      }) : () -> ()
    } else {
    }
    %barrier3A = arith.constant 0 : index
    tpu.barrier barrier_id(%barrier3A)
    %add3A_9 = arith.constant 0 : i32
    %add3A_10 = arith.addi %mul3A_2, %add3A_9 : i32
    %dma_start3A = tpu.memref_slice %arg3[%add3A_10] : memref<160000xi32, #tpu.memory_space<hbm>> -> memref<40xi32, #tpu.memory_space<hbm>>
    %dma_start3A_11 = tpu.memref_slice %arg3[%add3A_10] : memref<160000xi32, #tpu.memory_space<hbm>> -> memref<40xi32, #tpu.memory_space<hbm>>
    tpu.enqueue_dma source(%dma_start3A_11 : memref<40xi32, #tpu.memory_space<hbm>>) target(%arg6 : memref<40xi32, #tpu.memory_space<vmem>>) target_semaphore(%arg23 : memref<!tpu.dma_semaphore, #tpu.memory_space<semaphore_mem>>)
    %dma_start3A_12 = arith.constant 0 : i32
    %dma_start3A_13 = tpu.memref_slice %arg2[%add3A_10, %dma_start3A_12] : memref<160000x128xf32, #tpu.memory_space<hbm>> -> memref<40x128xf32, #tpu.memory_space<hbm>>
    %dma_start3A_14 = arith.constant 0 : i32
    %dma_start3A_15 = tpu.memref_slice %arg2[%add3A_10, %dma_start3A_14] : memref<160000x128xf32, #tpu.memory_space<hbm>> -> memref<40x128xf32, #tpu.memory_space<hbm>>
    tpu.enqueue_dma source(%dma_start3A_15 : memref<40x128xf32, #tpu.memory_space<hbm>>) target(%arg14 : memref<40x128xf32, #tpu.memory_space<vmem>>) target_semaphore(%arg31 : memref<!tpu.dma_semaphore, #tpu.memory_space<semaphore_mem>>)
    %add3A_16 = arith.constant 40 : i32
    %add3A_17 = arith.addi %mul3A_2, %add3A_16 : i32
    %dma_start3A_18 = tpu.memref_slice %arg3[%add3A_17] : memref<160000xi32, #tpu.memory_space<hbm>> -> memref<40xi32, #tpu.memory_space<hbm>>
    %dma_start3A_19 = tpu.memref_slice %arg3[%add3A_17] : memref<160000xi32, #tpu.memory_space<hbm>> -> memref<40xi32, #tpu.memory_space<hbm>>
    tpu.enqueue_dma source(%dma_start3A_19 : memref<40xi32, #tpu.memory_space<hbm>>) target(%arg7 : memref<40xi32, #tpu.memory_space<vmem>>) target_semaphore(%arg24 : memref<!tpu.dma_semaphore, #tpu.memory_space<semaphore_mem>>)
    %dma_start3A_20 = arith.constant 0 : i32
    %dma_start3A_21 = tpu.memref_slice %arg2[%add3A_17, %dma_start3A_20] : memref<160000x128xf32, #tpu.memory_space<hbm>> -> memref<40x128xf32, #tpu.memory_space<hbm>>
    %dma_start3A_22 = arith.constant 0 : i32
    %dma_start3A_23 = tpu.memref_slice %arg2[%add3A_17, %dma_start3A_22] : memref<160000x128xf32, #tpu.memory_space<hbm>> -> memref<40x128xf32, #tpu.memory_space<hbm>>
    tpu.enqueue_dma source(%dma_start3A_23 : memref<40x128xf32, #tpu.memory_space<hbm>>) target(%arg15 : memref<40x128xf32, #tpu.memory_space<vmem>>) target_semaphore(%arg32 : memref<!tpu.dma_semaphore, #tpu.memory_space<semaphore_mem>>)
    %add3A_24 = arith.constant 80 : i32
    %add3A_25 = arith.addi %mul3A_2, %add3A_24 : i32
    %dma_start3A_26 = tpu.memref_slice %arg3[%add3A_25] : memref<160000xi32, #tpu.memory_space<hbm>> -> memref<40xi32, #tpu.memory_space<hbm>>
    %dma_start3A_27 = tpu.memref_slice %arg3[%add3A_25] : memref<160000xi32, #tpu.memory_space<hbm>> -> memref<40xi32, #tpu.memory_space<hbm>>
    tpu.enqueue_dma source(%dma_start3A_27 : memref<40xi32, #tpu.memory_space<hbm>>) target(%arg8 : memref<40xi32, #tpu.memory_space<vmem>>) target_semaphore(%arg25 : memref<!tpu.dma_semaphore, #tpu.memory_space<semaphore_mem>>)
    %dma_start3A_28 = arith.constant 0 : i32
    %dma_start3A_29 = tpu.memref_slice %arg2[%add3A_25, %dma_start3A_28] : memref<160000x128xf32, #tpu.memory_space<hbm>> -> memref<40x128xf32, #tpu.memory_space<hbm>>
    %dma_start3A_30 = arith.constant 0 : i32
    %dma_start3A_31 = tpu.memref_slice %arg2[%add3A_25, %dma_start3A_30] : memref<160000x128xf32, #tpu.memory_space<hbm>> -> memref<40x128xf32, #tpu.memory_space<hbm>>
    tpu.enqueue_dma source(%dma_start3A_31 : memref<40x128xf32, #tpu.memory_space<hbm>>) target(%arg16 : memref<40x128xf32, #tpu.memory_space<vmem>>) target_semaphore(%arg33 : memref<!tpu.dma_semaphore, #tpu.memory_space<semaphore_mem>>)
    %add3A_32 = arith.constant 120 : i32
    %add3A_33 = arith.addi %mul3A_2, %add3A_32 : i32
    %dma_start3A_34 = tpu.memref_slice %arg3[%add3A_33] : memref<160000xi32, #tpu.memory_space<hbm>> -> memref<40xi32, #tpu.memory_space<hbm>>
    %dma_start3A_35 = tpu.memref_slice %arg3[%add3A_33] : memref<160000xi32, #tpu.memory_space<hbm>> -> memref<40xi32, #tpu.memory_space<hbm>>
    tpu.enqueue_dma source(%dma_start3A_35 : memref<40xi32, #tpu.memory_space<hbm>>) target(%arg9 : memref<40xi32, #tpu.memory_space<vmem>>) target_semaphore(%arg26 : memref<!tpu.dma_semaphore, #tpu.memory_space<semaphore_mem>>)
    %dma_start3A_36 = arith.constant 0 : i32
    %dma_start3A_37 = tpu.memref_slice %arg2[%add3A_33, %dma_start3A_36] : memref<160000x128xf32, #tpu.memory_space<hbm>> -> memref<40x128xf32, #tpu.memory_space<hbm>>
    %dma_start3A_38 = arith.constant 0 : i32
    %dma_start3A_39 = tpu.memref_slice %arg2[%add3A_33, %dma_start3A_38] : memref<160000x128xf32, #tpu.memory_space<hbm>> -> memref<40x128xf32, #tpu.memory_space<hbm>>
    tpu.enqueue_dma source(%dma_start3A_39 : memref<40x128xf32, #tpu.memory_space<hbm>>) target(%arg17 : memref<40x128xf32, #tpu.memory_space<vmem>>) target_semaphore(%arg34 : memref<!tpu.dma_semaphore, #tpu.memory_space<semaphore_mem>>)
    %add3A_40 = arith.constant 160 : i32
    %add3A_41 = arith.addi %mul3A_2, %add3A_40 : i32
    %dma_start3A_42 = tpu.memref_slice %arg3[%add3A_41] : memref<160000xi32, #tpu.memory_space<hbm>> -> memref<40xi32, #tpu.memory_space<hbm>>
    %dma_start3A_43 = tpu.memref_slice %arg3[%add3A_41] : memref<160000xi32, #tpu.memory_space<hbm>> -> memref<40xi32, #tpu.memory_space<hbm>>
    tpu.enqueue_dma source(%dma_start3A_43 : memref<40xi32, #tpu.memory_space<hbm>>) target(%arg10 : memref<40xi32, #tpu.memory_space<vmem>>) target_semaphore(%arg27 : memref<!tpu.dma_semaphore, #tpu.memory_space<semaphore_mem>>)
    %dma_start3A_44 = arith.constant 0 : i32
    %dma_start3A_45 = tpu.memref_slice %arg2[%add3A_41, %dma_start3A_44] : memref<160000x128xf32, #tpu.memory_space<hbm>> -> memref<40x128xf32, #tpu.memory_space<hbm>>
    %dma_start3A_46 = arith.constant 0 : i32
    %dma_start3A_47 = tpu.memref_slice %arg2[%add3A_41, %dma_start3A_46] : memref<160000x128xf32, #tpu.memory_space<hbm>> -> memref<40x128xf32, #tpu.memory_space<hbm>>
    tpu.enqueue_dma source(%dma_start3A_47 : memref<40x128xf32, #tpu.memory_space<hbm>>) target(%arg18 : memref<40x128xf32, #tpu.memory_space<vmem>>) target_semaphore(%arg35 : memref<!tpu.dma_semaphore, #tpu.memory_space<semaphore_mem>>)
    %add3A_48 = arith.constant 200 : i32
    %add3A_49 = arith.addi %mul3A_2, %add3A_48 : i32
    %dma_start3A_50 = tpu.memref_slice %arg3[%add3A_49] : memref<160000xi32, #tpu.memory_space<hbm>> -> memref<40xi32, #tpu.memory_space<hbm>>
    %dma_start3A_51 = tpu.memref_slice %arg3[%add3A_49] : memref<160000xi32, #tpu.memory_space<hbm>> -> memref<40xi32, #tpu.memory_space<hbm>>
    tpu.enqueue_dma source(%dma_start3A_51 : memref<40xi32, #tpu.memory_space<hbm>>) target(%arg11 : memref<40xi32, #tpu.memory_space<vmem>>) target_semaphore(%arg28 : memref<!tpu.dma_semaphore, #tpu.memory_space<semaphore_mem>>)
    %dma_start3A_52 = arith.constant 0 : i32
    %dma_start3A_53 = tpu.memref_slice %arg2[%add3A_49, %dma_start3A_52] : memref<160000x128xf32, #tpu.memory_space<hbm>> -> memref<40x128xf32, #tpu.memory_space<hbm>>
    %dma_start3A_54 = arith.constant 0 : i32
    %dma_start3A_55 = tpu.memref_slice %arg2[%add3A_49, %dma_start3A_54] : memref<160000x128xf32, #tpu.memory_space<hbm>> -> memref<40x128xf32, #tpu.memory_space<hbm>>
    tpu.enqueue_dma source(%dma_start3A_55 : memref<40x128xf32, #tpu.memory_space<hbm>>) target(%arg19 : memref<40x128xf32, #tpu.memory_space<vmem>>) target_semaphore(%arg36 : memref<!tpu.dma_semaphore, #tpu.memory_space<semaphore_mem>>)
    %add3A_56 = arith.constant 240 : i32
    %add3A_57 = arith.addi %mul3A_2, %add3A_56 : i32
    %dma_start3A_58 = tpu.memref_slice %arg3[%add3A_57] : memref<160000xi32, #tpu.memory_space<hbm>> -> memref<40xi32, #tpu.memory_space<hbm>>
    %dma_start3A_59 = tpu.memref_slice %arg3[%add3A_57] : memref<160000xi32, #tpu.memory_space<hbm>> -> memref<40xi32, #tpu.memory_space<hbm>>
    tpu.enqueue_dma source(%dma_start3A_59 : memref<40xi32, #tpu.memory_space<hbm>>) target(%arg12 : memref<40xi32, #tpu.memory_space<vmem>>) target_semaphore(%arg29 : memref<!tpu.dma_semaphore, #tpu.memory_space<semaphore_mem>>)
    %dma_start3A_60 = arith.constant 0 : i32
    %dma_start3A_61 = tpu.memref_slice %arg2[%add3A_57, %dma_start3A_60] : memref<160000x128xf32, #tpu.memory_space<hbm>> -> memref<40x128xf32, #tpu.memory_space<hbm>>
    %dma_start3A_62 = arith.constant 0 : i32
    %dma_start3A_63 = tpu.memref_slice %arg2[%add3A_57, %dma_start3A_62] : memref<160000x128xf32, #tpu.memory_space<hbm>> -> memref<40x128xf32, #tpu.memory_space<hbm>>
    tpu.enqueue_dma source(%dma_start3A_63 : memref<40x128xf32, #tpu.memory_space<hbm>>) target(%arg20 : memref<40x128xf32, #tpu.memory_space<vmem>>) target_semaphore(%arg37 : memref<!tpu.dma_semaphore, #tpu.memory_space<semaphore_mem>>)
    %add3A_64 = arith.constant 280 : i32
    %add3A_65 = arith.addi %mul3A_2, %add3A_64 : i32
    %dma_start3A_66 = tpu.memref_slice %arg3[%add3A_65] : memref<160000xi32, #tpu.memory_space<hbm>> -> memref<40xi32, #tpu.memory_space<hbm>>
    %dma_start3A_67 = tpu.memref_slice %arg3[%add3A_65] : memref<160000xi32, #tpu.memory_space<hbm>> -> memref<40xi32, #tpu.memory_space<hbm>>
    tpu.enqueue_dma source(%dma_start3A_67 : memref<40xi32, #tpu.memory_space<hbm>>) target(%arg13 : memref<40xi32, #tpu.memory_space<vmem>>) target_semaphore(%arg30 : memref<!tpu.dma_semaphore, #tpu.memory_space<semaphore_mem>>)
    %dma_start3A_68 = arith.constant 0 : i32
    %dma_start3A_69 = tpu.memref_slice %arg2[%add3A_65, %dma_start3A_68] : memref<160000x128xf32, #tpu.memory_space<hbm>> -> memref<40x128xf32, #tpu.memory_space<hbm>>
    %dma_start3A_70 = arith.constant 0 : i32
    %dma_start3A_71 = tpu.memref_slice %arg2[%add3A_65, %dma_start3A_70] : memref<160000x128xf32, #tpu.memory_space<hbm>> -> memref<40x128xf32, #tpu.memory_space<hbm>>
    tpu.enqueue_dma source(%dma_start3A_71 : memref<40x128xf32, #tpu.memory_space<hbm>>) target(%arg21 : memref<40x128xf32, #tpu.memory_space<vmem>>) target_semaphore(%arg38 : memref<!tpu.dma_semaphore, #tpu.memory_space<semaphore_mem>>)
    %scan3A = arith.constant 0 : i32
    %scan3A_72 = arith.constant 15 : i32
    %scan3A_73 = arith.addi %scan3A, %scan3A_72 : i32
    %scan3A_74 = arith.constant 1 : i32
    scf.for %scan3A_126 = %scan3A to %scan3A_73 step %scan3A_74  : i32 {
      %mul3A_127 = arith.constant 8 : i32
      %mul3A_128 = arith.muli %scan3A_126, %mul3A_127 : i32
      %add3A_129 = arith.constant 0 : i32
      %add3A_130 = arith.addi %add3A_129, %mul3A_128 : i32
      %add3A_131 = arith.constant 0 : i32
      %add3A_132 = arith.addi %add3A_130, %add3A_131 : i32
      %mul3A_133 = arith.constant 40 : i32
      %mul3A_134 = arith.muli %add3A_132, %mul3A_133 : i32
      %add3A_135 = arith.addi %mul3A_2, %mul3A_134 : i32
      %dma_wait3A_136 = tpu.memref_slice %arg3[%add3A_135] : memref<160000xi32, #tpu.memory_space<hbm>> -> memref<40xi32, #tpu.memory_space<hbm>>
      %dma_wait3A_137 = tpu.memref_slice %arg3[%add3A_135] : memref<160000xi32, #tpu.memory_space<hbm>> -> memref<40xi32, #tpu.memory_space<hbm>>
      tpu.wait_dma2 semaphore(%arg23 : memref<!tpu.dma_semaphore, #tpu.memory_space<semaphore_mem>>) src(%dma_wait3A_137 : memref<40xi32, #tpu.memory_space<hbm>>) dst(%arg6 : memref<40xi32, #tpu.memory_space<vmem>>)
      %dma_wait3A_138 = arith.constant 0 : i32
      %dma_wait3A_139 = tpu.memref_slice %arg2[%add3A_135, %dma_wait3A_138] : memref<160000x128xf32, #tpu.memory_space<hbm>> -> memref<40x128xf32, #tpu.memory_space<hbm>>
      %dma_wait3A_140 = arith.constant 0 : i32
      %dma_wait3A_141 = tpu.memref_slice %arg2[%add3A_135, %dma_wait3A_140] : memref<160000x128xf32, #tpu.memory_space<hbm>> -> memref<40x128xf32, #tpu.memory_space<hbm>>
      tpu.wait_dma2 semaphore(%arg31 : memref<!tpu.dma_semaphore, #tpu.memory_space<semaphore_mem>>) src(%dma_wait3A_141 : memref<40x128xf32, #tpu.memory_space<hbm>>) dst(%arg14 : memref<40x128xf32, #tpu.memory_space<vmem>>)
      "tpu.region"() ({
        %run_scoped3A = tpu.sem_alloc : memref<!tpu.dma_semaphore, #tpu.memory_space<semaphore_mem>>
        %dma_start3A_291 = arith.constant 0 : i32
        %dma_start3A_292 = arith.constant 0 : i32
        %dma_start3A_293 = tpu.memref_slice %arg22[%dma_start3A_291, %dma_start3A_292] : memref<10000x128xf32, #tpu.memory_space<vmem_shared>> -> memref<10000x128xf32, #tpu.memory_space<vmem_shared>>
        tpu.enqueue_indirect_dma source(%arg14 : memref<40x128xf32, #tpu.memory_space<vmem>>) target(%dma_start3A_293 : memref<10000x128xf32, #tpu.memory_space<vmem_shared>>) offsets(%arg6 : memref<40xi32, #tpu.memory_space<vmem>>) semaphore(%run_scoped3A : memref<!tpu.dma_semaphore, #tpu.memory_space<semaphore_mem>>) {add = true}
        %dma_wait3A_294 = arith.constant 0 : i32
        %dma_wait3A_295 = arith.constant 0 : i32
        %dma_wait3A_296 = tpu.memref_slice %arg22[%dma_wait3A_294, %dma_wait3A_295] : memref<10000x128xf32, #tpu.memory_space<vmem_shared>> -> memref<10000x128xf32, #tpu.memory_space<vmem_shared>>
        tpu.wait_indirect_dma semaphore(%run_scoped3A : memref<!tpu.dma_semaphore, #tpu.memory_space<semaphore_mem>>) src(%arg14 : memref<40x128xf32, #tpu.memory_space<vmem>>) dst(%dma_wait3A_296 : memref<10000x128xf32, #tpu.memory_space<vmem_shared>>)
        tpu.yield
      }) : () -> ()
      %add3A_142 = arith.constant 0 : i32
      %add3A_143 = arith.addi %add3A_130, %add3A_142 : i32
      %add3A_144 = arith.constant 8 : i32
      %add3A_145 = arith.addi %add3A_143, %add3A_144 : i32
      %lt3A_146 = arith.constant 125 : i32
      %lt3A_147 = arith.cmpi slt, %add3A_145, %lt3A_146 : i32
      %convert_element_type3A_148 = arith.extui %lt3A_147 : i1 to i32
      %cond3A_149 = arith.constant 0 : i32
      %cond3A_150 = arith.cmpi ne, %convert_element_type3A_148, %cond3A_149 : i32
      scf.if %cond3A_150 {
        %add3A_291 = arith.constant 0 : i32
        %add3A_292 = arith.addi %add3A_130, %add3A_291 : i32
        %add3A_293 = arith.constant 8 : i32
        %add3A_294 = arith.addi %add3A_292, %add3A_293 : i32
        %mul3A_295 = arith.constant 40 : i32
        %mul3A_296 = arith.muli %add3A_294, %mul3A_295 : i32
        %add3A_297 = arith.addi %mul3A_2, %mul3A_296 : i32
        %dma_start3A_298 = tpu.memref_slice %arg3[%add3A_297] : memref<160000xi32, #tpu.memory_space<hbm>> -> memref<40xi32, #tpu.memory_space<hbm>>
        %dma_start3A_299 = tpu.memref_slice %arg3[%add3A_297] : memref<160000xi32, #tpu.memory_space<hbm>> -> memref<40xi32, #tpu.memory_space<hbm>>
        tpu.enqueue_dma source(%dma_start3A_299 : memref<40xi32, #tpu.memory_space<hbm>>) target(%arg6 : memref<40xi32, #tpu.memory_space<vmem>>) target_semaphore(%arg23 : memref<!tpu.dma_semaphore, #tpu.memory_space<semaphore_mem>>)
        %dma_start3A_300 = arith.constant 0 : i32
        %dma_start3A_301 = tpu.memref_slice %arg2[%add3A_297, %dma_start3A_300] : memref<160000x128xf32, #tpu.memory_space<hbm>> -> memref<40x128xf32, #tpu.memory_space<hbm>>
        %dma_start3A_302 = arith.constant 0 : i32
        %dma_start3A_303 = tpu.memref_slice %arg2[%add3A_297, %dma_start3A_302] : memref<160000x128xf32, #tpu.memory_space<hbm>> -> memref<40x128xf32, #tpu.memory_space<hbm>>
        tpu.enqueue_dma source(%dma_start3A_303 : memref<40x128xf32, #tpu.memory_space<hbm>>) target(%arg14 : memref<40x128xf32, #tpu.memory_space<vmem>>) target_semaphore(%arg31 : memref<!tpu.dma_semaphore, #tpu.memory_space<semaphore_mem>>)
      } else {
      }
      %add3A_151 = arith.constant 1 : i32
      %add3A_152 = arith.addi %add3A_130, %add3A_151 : i32
      %mul3A_153 = arith.constant 40 : i32
      %mul3A_154 = arith.muli %add3A_152, %mul3A_153 : i32
      %add3A_155 = arith.addi %mul3A_2, %mul3A_154 : i32
      %dma_wait3A_156 = tpu.memref_slice %arg3[%add3A_155] : memref<160000xi32, #tpu.memory_space<hbm>> -> memref<40xi32, #tpu.memory_space<hbm>>
      %dma_wait3A_157 = tpu.memref_slice %arg3[%add3A_155] : memref<160000xi32, #tpu.memory_space<hbm>> -> memref<40xi32, #tpu.memory_space<hbm>>
      tpu.wait_dma2 semaphore(%arg24 : memref<!tpu.dma_semaphore, #tpu.memory_space<semaphore_mem>>) src(%dma_wait3A_157 : memref<40xi32, #tpu.memory_space<hbm>>) dst(%arg7 : memref<40xi32, #tpu.memory_space<vmem>>)
      %dma_wait3A_158 = arith.constant 0 : i32
      %dma_wait3A_159 = tpu.memref_slice %arg2[%add3A_155, %dma_wait3A_158] : memref<160000x128xf32, #tpu.memory_space<hbm>> -> memref<40x128xf32, #tpu.memory_space<hbm>>
      %dma_wait3A_160 = arith.constant 0 : i32
      %dma_wait3A_161 = tpu.memref_slice %arg2[%add3A_155, %dma_wait3A_160] : memref<160000x128xf32, #tpu.memory_space<hbm>> -> memref<40x128xf32, #tpu.memory_space<hbm>>
      tpu.wait_dma2 semaphore(%arg32 : memref<!tpu.dma_semaphore, #tpu.memory_space<semaphore_mem>>) src(%dma_wait3A_161 : memref<40x128xf32, #tpu.memory_space<hbm>>) dst(%arg15 : memref<40x128xf32, #tpu.memory_space<vmem>>)
      "tpu.region"() ({
        %run_scoped3A = tpu.sem_alloc : memref<!tpu.dma_semaphore, #tpu.memory_space<semaphore_mem>>
        %dma_start3A_291 = arith.constant 0 : i32
        %dma_start3A_292 = arith.constant 0 : i32
        %dma_start3A_293 = tpu.memref_slice %arg22[%dma_start3A_291, %dma_start3A_292] : memref<10000x128xf32, #tpu.memory_space<vmem_shared>> -> memref<10000x128xf32, #tpu.memory_space<vmem_shared>>
        tpu.enqueue_indirect_dma source(%arg15 : memref<40x128xf32, #tpu.memory_space<vmem>>) target(%dma_start3A_293 : memref<10000x128xf32, #tpu.memory_space<vmem_shared>>) offsets(%arg7 : memref<40xi32, #tpu.memory_space<vmem>>) semaphore(%run_scoped3A : memref<!tpu.dma_semaphore, #tpu.memory_space<semaphore_mem>>) {add = true}
        %dma_wait3A_294 = arith.constant 0 : i32
        %dma_wait3A_295 = arith.constant 0 : i32
        %dma_wait3A_296 = tpu.memref_slice %arg22[%dma_wait3A_294, %dma_wait3A_295] : memref<10000x128xf32, #tpu.memory_space<vmem_shared>> -> memref<10000x128xf32, #tpu.memory_space<vmem_shared>>
        tpu.wait_indirect_dma semaphore(%run_scoped3A : memref<!tpu.dma_semaphore, #tpu.memory_space<semaphore_mem>>) src(%arg15 : memref<40x128xf32, #tpu.memory_space<vmem>>) dst(%dma_wait3A_296 : memref<10000x128xf32, #tpu.memory_space<vmem_shared>>)
        tpu.yield
      }) : () -> ()
      %add3A_162 = arith.constant 1 : i32
      %add3A_163 = arith.addi %add3A_130, %add3A_162 : i32
      %add3A_164 = arith.constant 8 : i32
      %add3A_165 = arith.addi %add3A_163, %add3A_164 : i32
      %lt3A_166 = arith.constant 125 : i32
      %lt3A_167 = arith.cmpi slt, %add3A_165, %lt3A_166 : i32
      %convert_element_type3A_168 = arith.extui %lt3A_167 : i1 to i32
      %cond3A_169 = arith.constant 0 : i32
      %cond3A_170 = arith.cmpi ne, %convert_element_type3A_168, %cond3A_169 : i32
      scf.if %cond3A_170 {
        %add3A_291 = arith.constant 1 : i32
        %add3A_292 = arith.addi %add3A_130, %add3A_291 : i32
        %add3A_293 = arith.constant 8 : i32
        %add3A_294 = arith.addi %add3A_292, %add3A_293 : i32
        %mul3A_295 = arith.constant 40 : i32
        %mul3A_296 = arith.muli %add3A_294, %mul3A_295 : i32
        %add3A_297 = arith.addi %mul3A_2, %mul3A_296 : i32
        %dma_start3A_298 = tpu.memref_slice %arg3[%add3A_297] : memref<160000xi32, #tpu.memory_space<hbm>> -> memref<40xi32, #tpu.memory_space<hbm>>
        %dma_start3A_299 = tpu.memref_slice %arg3[%add3A_297] : memref<160000xi32, #tpu.memory_space<hbm>> -> memref<40xi32, #tpu.memory_space<hbm>>
        tpu.enqueue_dma source(%dma_start3A_299 : memref<40xi32, #tpu.memory_space<hbm>>) target(%arg7 : memref<40xi32, #tpu.memory_space<vmem>>) target_semaphore(%arg24 : memref<!tpu.dma_semaphore, #tpu.memory_space<semaphore_mem>>)
        %dma_start3A_300 = arith.constant 0 : i32
        %dma_start3A_301 = tpu.memref_slice %arg2[%add3A_297, %dma_start3A_300] : memref<160000x128xf32, #tpu.memory_space<hbm>> -> memref<40x128xf32, #tpu.memory_space<hbm>>
        %dma_start3A_302 = arith.constant 0 : i32
        %dma_start3A_303 = tpu.memref_slice %arg2[%add3A_297, %dma_start3A_302] : memref<160000x128xf32, #tpu.memory_space<hbm>> -> memref<40x128xf32, #tpu.memory_space<hbm>>
        tpu.enqueue_dma source(%dma_start3A_303 : memref<40x128xf32, #tpu.memory_space<hbm>>) target(%arg15 : memref<40x128xf32, #tpu.memory_space<vmem>>) target_semaphore(%arg32 : memref<!tpu.dma_semaphore, #tpu.memory_space<semaphore_mem>>)
      } else {
      }
      %add3A_171 = arith.constant 2 : i32
      %add3A_172 = arith.addi %add3A_130, %add3A_171 : i32
      %mul3A_173 = arith.constant 40 : i32
      %mul3A_174 = arith.muli %add3A_172, %mul3A_173 : i32
      %add3A_175 = arith.addi %mul3A_2, %mul3A_174 : i32
      %dma_wait3A_176 = tpu.memref_slice %arg3[%add3A_175] : memref<160000xi32, #tpu.memory_space<hbm>> -> memref<40xi32, #tpu.memory_space<hbm>>
      %dma_wait3A_177 = tpu.memref_slice %arg3[%add3A_175] : memref<160000xi32, #tpu.memory_space<hbm>> -> memref<40xi32, #tpu.memory_space<hbm>>
      tpu.wait_dma2 semaphore(%arg25 : memref<!tpu.dma_semaphore, #tpu.memory_space<semaphore_mem>>) src(%dma_wait3A_177 : memref<40xi32, #tpu.memory_space<hbm>>) dst(%arg8 : memref<40xi32, #tpu.memory_space<vmem>>)
      %dma_wait3A_178 = arith.constant 0 : i32
      %dma_wait3A_179 = tpu.memref_slice %arg2[%add3A_175, %dma_wait3A_178] : memref<160000x128xf32, #tpu.memory_space<hbm>> -> memref<40x128xf32, #tpu.memory_space<hbm>>
      %dma_wait3A_180 = arith.constant 0 : i32
      %dma_wait3A_181 = tpu.memref_slice %arg2[%add3A_175, %dma_wait3A_180] : memref<160000x128xf32, #tpu.memory_space<hbm>> -> memref<40x128xf32, #tpu.memory_space<hbm>>
      tpu.wait_dma2 semaphore(%arg33 : memref<!tpu.dma_semaphore, #tpu.memory_space<semaphore_mem>>) src(%dma_wait3A_181 : memref<40x128xf32, #tpu.memory_space<hbm>>) dst(%arg16 : memref<40x128xf32, #tpu.memory_space<vmem>>)
      "tpu.region"() ({
        %run_scoped3A = tpu.sem_alloc : memref<!tpu.dma_semaphore, #tpu.memory_space<semaphore_mem>>
        %dma_start3A_291 = arith.constant 0 : i32
        %dma_start3A_292 = arith.constant 0 : i32
        %dma_start3A_293 = tpu.memref_slice %arg22[%dma_start3A_291, %dma_start3A_292] : memref<10000x128xf32, #tpu.memory_space<vmem_shared>> -> memref<10000x128xf32, #tpu.memory_space<vmem_shared>>
        tpu.enqueue_indirect_dma source(%arg16 : memref<40x128xf32, #tpu.memory_space<vmem>>) target(%dma_start3A_293 : memref<10000x128xf32, #tpu.memory_space<vmem_shared>>) offsets(%arg8 : memref<40xi32, #tpu.memory_space<vmem>>) semaphore(%run_scoped3A : memref<!tpu.dma_semaphore, #tpu.memory_space<semaphore_mem>>) {add = true}
        %dma_wait3A_294 = arith.constant 0 : i32
        %dma_wait3A_295 = arith.constant 0 : i32
        %dma_wait3A_296 = tpu.memref_slice %arg22[%dma_wait3A_294, %dma_wait3A_295] : memref<10000x128xf32, #tpu.memory_space<vmem_shared>> -> memref<10000x128xf32, #tpu.memory_space<vmem_shared>>
        tpu.wait_indirect_dma semaphore(%run_scoped3A : memref<!tpu.dma_semaphore, #tpu.memory_space<semaphore_mem>>) src(%arg16 : memref<40x128xf32, #tpu.memory_space<vmem>>) dst(%dma_wait3A_296 : memref<10000x128xf32, #tpu.memory_space<vmem_shared>>)
        tpu.yield
      }) : () -> ()
      %add3A_182 = arith.constant 2 : i32
      %add3A_183 = arith.addi %add3A_130, %add3A_182 : i32
      %add3A_184 = arith.constant 8 : i32
      %add3A_185 = arith.addi %add3A_183, %add3A_184 : i32
      %lt3A_186 = arith.constant 125 : i32
      %lt3A_187 = arith.cmpi slt, %add3A_185, %lt3A_186 : i32
      %convert_element_type3A_188 = arith.extui %lt3A_187 : i1 to i32
      %cond3A_189 = arith.constant 0 : i32
      %cond3A_190 = arith.cmpi ne, %convert_element_type3A_188, %cond3A_189 : i32
      scf.if %cond3A_190 {
        %add3A_291 = arith.constant 2 : i32
        %add3A_292 = arith.addi %add3A_130, %add3A_291 : i32
        %add3A_293 = arith.constant 8 : i32
        %add3A_294 = arith.addi %add3A_292, %add3A_293 : i32
        %mul3A_295 = arith.constant 40 : i32
        %mul3A_296 = arith.muli %add3A_294, %mul3A_295 : i32
        %add3A_297 = arith.addi %mul3A_2, %mul3A_296 : i32
        %dma_start3A_298 = tpu.memref_slice %arg3[%add3A_297] : memref<160000xi32, #tpu.memory_space<hbm>> -> memref<40xi32, #tpu.memory_space<hbm>>
        %dma_start3A_299 = tpu.memref_slice %arg3[%add3A_297] : memref<160000xi32, #tpu.memory_space<hbm>> -> memref<40xi32, #tpu.memory_space<hbm>>
        tpu.enqueue_dma source(%dma_start3A_299 : memref<40xi32, #tpu.memory_space<hbm>>) target(%arg8 : memref<40xi32, #tpu.memory_space<vmem>>) target_semaphore(%arg25 : memref<!tpu.dma_semaphore, #tpu.memory_space<semaphore_mem>>)
        %dma_start3A_300 = arith.constant 0 : i32
        %dma_start3A_301 = tpu.memref_slice %arg2[%add3A_297, %dma_start3A_300] : memref<160000x128xf32, #tpu.memory_space<hbm>> -> memref<40x128xf32, #tpu.memory_space<hbm>>
        %dma_start3A_302 = arith.constant 0 : i32
        %dma_start3A_303 = tpu.memref_slice %arg2[%add3A_297, %dma_start3A_302] : memref<160000x128xf32, #tpu.memory_space<hbm>> -> memref<40x128xf32, #tpu.memory_space<hbm>>
        tpu.enqueue_dma source(%dma_start3A_303 : memref<40x128xf32, #tpu.memory_space<hbm>>) target(%arg16 : memref<40x128xf32, #tpu.memory_space<vmem>>) target_semaphore(%arg33 : memref<!tpu.dma_semaphore, #tpu.memory_space<semaphore_mem>>)
      } else {
      }
      %add3A_191 = arith.constant 3 : i32
      %add3A_192 = arith.addi %add3A_130, %add3A_191 : i32
      %mul3A_193 = arith.constant 40 : i32
      %mul3A_194 = arith.muli %add3A_192, %mul3A_193 : i32
      %add3A_195 = arith.addi %mul3A_2, %mul3A_194 : i32
      %dma_wait3A_196 = tpu.memref_slice %arg3[%add3A_195] : memref<160000xi32, #tpu.memory_space<hbm>> -> memref<40xi32, #tpu.memory_space<hbm>>
      %dma_wait3A_197 = tpu.memref_slice %arg3[%add3A_195] : memref<160000xi32, #tpu.memory_space<hbm>> -> memref<40xi32, #tpu.memory_space<hbm>>
      tpu.wait_dma2 semaphore(%arg26 : memref<!tpu.dma_semaphore, #tpu.memory_space<semaphore_mem>>) src(%dma_wait3A_197 : memref<40xi32, #tpu.memory_space<hbm>>) dst(%arg9 : memref<40xi32, #tpu.memory_space<vmem>>)
      %dma_wait3A_198 = arith.constant 0 : i32
      %dma_wait3A_199 = tpu.memref_slice %arg2[%add3A_195, %dma_wait3A_198] : memref<160000x128xf32, #tpu.memory_space<hbm>> -> memref<40x128xf32, #tpu.memory_space<hbm>>
      %dma_wait3A_200 = arith.constant 0 : i32
      %dma_wait3A_201 = tpu.memref_slice %arg2[%add3A_195, %dma_wait3A_200] : memref<160000x128xf32, #tpu.memory_space<hbm>> -> memref<40x128xf32, #tpu.memory_space<hbm>>
      tpu.wait_dma2 semaphore(%arg34 : memref<!tpu.dma_semaphore, #tpu.memory_space<semaphore_mem>>) src(%dma_wait3A_201 : memref<40x128xf32, #tpu.memory_space<hbm>>) dst(%arg17 : memref<40x128xf32, #tpu.memory_space<vmem>>)
      "tpu.region"() ({
        %run_scoped3A = tpu.sem_alloc : memref<!tpu.dma_semaphore, #tpu.memory_space<semaphore_mem>>
        %dma_start3A_291 = arith.constant 0 : i32
        %dma_start3A_292 = arith.constant 0 : i32
        %dma_start3A_293 = tpu.memref_slice %arg22[%dma_start3A_291, %dma_start3A_292] : memref<10000x128xf32, #tpu.memory_space<vmem_shared>> -> memref<10000x128xf32, #tpu.memory_space<vmem_shared>>
        tpu.enqueue_indirect_dma source(%arg17 : memref<40x128xf32, #tpu.memory_space<vmem>>) target(%dma_start3A_293 : memref<10000x128xf32, #tpu.memory_space<vmem_shared>>) offsets(%arg9 : memref<40xi32, #tpu.memory_space<vmem>>) semaphore(%run_scoped3A : memref<!tpu.dma_semaphore, #tpu.memory_space<semaphore_mem>>) {add = true}
        %dma_wait3A_294 = arith.constant 0 : i32
        %dma_wait3A_295 = arith.constant 0 : i32
        %dma_wait3A_296 = tpu.memref_slice %arg22[%dma_wait3A_294, %dma_wait3A_295] : memref<10000x128xf32, #tpu.memory_space<vmem_shared>> -> memref<10000x128xf32, #tpu.memory_space<vmem_shared>>
        tpu.wait_indirect_dma semaphore(%run_scoped3A : memref<!tpu.dma_semaphore, #tpu.memory_space<semaphore_mem>>) src(%arg17 : memref<40x128xf32, #tpu.memory_space<vmem>>) dst(%dma_wait3A_296 : memref<10000x128xf32, #tpu.memory_space<vmem_shared>>)
        tpu.yield
      }) : () -> ()
      %add3A_202 = arith.constant 3 : i32
      %add3A_203 = arith.addi %add3A_130, %add3A_202 : i32
      %add3A_204 = arith.constant 8 : i32
      %add3A_205 = arith.addi %add3A_203, %add3A_204 : i32
      %lt3A_206 = arith.constant 125 : i32
      %lt3A_207 = arith.cmpi slt, %add3A_205, %lt3A_206 : i32
      %convert_element_type3A_208 = arith.extui %lt3A_207 : i1 to i32
      %cond3A_209 = arith.constant 0 : i32
      %cond3A_210 = arith.cmpi ne, %convert_element_type3A_208, %cond3A_209 : i32
      scf.if %cond3A_210 {
        %add3A_291 = arith.constant 3 : i32
        %add3A_292 = arith.addi %add3A_130, %add3A_291 : i32
        %add3A_293 = arith.constant 8 : i32
        %add3A_294 = arith.addi %add3A_292, %add3A_293 : i32
        %mul3A_295 = arith.constant 40 : i32
        %mul3A_296 = arith.muli %add3A_294, %mul3A_295 : i32
        %add3A_297 = arith.addi %mul3A_2, %mul3A_296 : i32
        %dma_start3A_298 = tpu.memref_slice %arg3[%add3A_297] : memref<160000xi32, #tpu.memory_space<hbm>> -> memref<40xi32, #tpu.memory_space<hbm>>
        %dma_start3A_299 = tpu.memref_slice %arg3[%add3A_297] : memref<160000xi32, #tpu.memory_space<hbm>> -> memref<40xi32, #tpu.memory_space<hbm>>
        tpu.enqueue_dma source(%dma_start3A_299 : memref<40xi32, #tpu.memory_space<hbm>>) target(%arg9 : memref<40xi32, #tpu.memory_space<vmem>>) target_semaphore(%arg26 : memref<!tpu.dma_semaphore, #tpu.memory_space<semaphore_mem>>)
        %dma_start3A_300 = arith.constant 0 : i32
        %dma_start3A_301 = tpu.memref_slice %arg2[%add3A_297, %dma_start3A_300] : memref<160000x128xf32, #tpu.memory_space<hbm>> -> memref<40x128xf32, #tpu.memory_space<hbm>>
        %dma_start3A_302 = arith.constant 0 : i32
        %dma_start3A_303 = tpu.memref_slice %arg2[%add3A_297, %dma_start3A_302] : memref<160000x128xf32, #tpu.memory_space<hbm>> -> memref<40x128xf32, #tpu.memory_space<hbm>>
        tpu.enqueue_dma source(%dma_start3A_303 : memref<40x128xf32, #tpu.memory_space<hbm>>) target(%arg17 : memref<40x128xf32, #tpu.memory_space<vmem>>) target_semaphore(%arg34 : memref<!tpu.dma_semaphore, #tpu.memory_space<semaphore_mem>>)
      } else {
      }
      %add3A_211 = arith.constant 4 : i32
      %add3A_212 = arith.addi %add3A_130, %add3A_211 : i32
      %mul3A_213 = arith.constant 40 : i32
      %mul3A_214 = arith.muli %add3A_212, %mul3A_213 : i32
      %add3A_215 = arith.addi %mul3A_2, %mul3A_214 : i32
      %dma_wait3A_216 = tpu.memref_slice %arg3[%add3A_215] : memref<160000xi32, #tpu.memory_space<hbm>> -> memref<40xi32, #tpu.memory_space<hbm>>
      %dma_wait3A_217 = tpu.memref_slice %arg3[%add3A_215] : memref<160000xi32, #tpu.memory_space<hbm>> -> memref<40xi32, #tpu.memory_space<hbm>>
      tpu.wait_dma2 semaphore(%arg27 : memref<!tpu.dma_semaphore, #tpu.memory_space<semaphore_mem>>) src(%dma_wait3A_217 : memref<40xi32, #tpu.memory_space<hbm>>) dst(%arg10 : memref<40xi32, #tpu.memory_space<vmem>>)
      %dma_wait3A_218 = arith.constant 0 : i32
      %dma_wait3A_219 = tpu.memref_slice %arg2[%add3A_215, %dma_wait3A_218] : memref<160000x128xf32, #tpu.memory_space<hbm>> -> memref<40x128xf32, #tpu.memory_space<hbm>>
      %dma_wait3A_220 = arith.constant 0 : i32
      %dma_wait3A_221 = tpu.memref_slice %arg2[%add3A_215, %dma_wait3A_220] : memref<160000x128xf32, #tpu.memory_space<hbm>> -> memref<40x128xf32, #tpu.memory_space<hbm>>
      tpu.wait_dma2 semaphore(%arg35 : memref<!tpu.dma_semaphore, #tpu.memory_space<semaphore_mem>>) src(%dma_wait3A_221 : memref<40x128xf32, #tpu.memory_space<hbm>>) dst(%arg18 : memref<40x128xf32, #tpu.memory_space<vmem>>)
      "tpu.region"() ({
        %run_scoped3A = tpu.sem_alloc : memref<!tpu.dma_semaphore, #tpu.memory_space<semaphore_mem>>
        %dma_start3A_291 = arith.constant 0 : i32
        %dma_start3A_292 = arith.constant 0 : i32
        %dma_start3A_293 = tpu.memref_slice %arg22[%dma_start3A_291, %dma_start3A_292] : memref<10000x128xf32, #tpu.memory_space<vmem_shared>> -> memref<10000x128xf32, #tpu.memory_space<vmem_shared>>
        tpu.enqueue_indirect_dma source(%arg18 : memref<40x128xf32, #tpu.memory_space<vmem>>) target(%dma_start3A_293 : memref<10000x128xf32, #tpu.memory_space<vmem_shared>>) offsets(%arg10 : memref<40xi32, #tpu.memory_space<vmem>>) semaphore(%run_scoped3A : memref<!tpu.dma_semaphore, #tpu.memory_space<semaphore_mem>>) {add = true}
        %dma_wait3A_294 = arith.constant 0 : i32
        %dma_wait3A_295 = arith.constant 0 : i32
        %dma_wait3A_296 = tpu.memref_slice %arg22[%dma_wait3A_294, %dma_wait3A_295] : memref<10000x128xf32, #tpu.memory_space<vmem_shared>> -> memref<10000x128xf32, #tpu.memory_space<vmem_shared>>
        tpu.wait_indirect_dma semaphore(%run_scoped3A : memref<!tpu.dma_semaphore, #tpu.memory_space<semaphore_mem>>) src(%arg18 : memref<40x128xf32, #tpu.memory_space<vmem>>) dst(%dma_wait3A_296 : memref<10000x128xf32, #tpu.memory_space<vmem_shared>>)
        tpu.yield
      }) : () -> ()
      %add3A_222 = arith.constant 4 : i32
      %add3A_223 = arith.addi %add3A_130, %add3A_222 : i32
      %add3A_224 = arith.constant 8 : i32
      %add3A_225 = arith.addi %add3A_223, %add3A_224 : i32
      %lt3A_226 = arith.constant 125 : i32
      %lt3A_227 = arith.cmpi slt, %add3A_225, %lt3A_226 : i32
      %convert_element_type3A_228 = arith.extui %lt3A_227 : i1 to i32
      %cond3A_229 = arith.constant 0 : i32
      %cond3A_230 = arith.cmpi ne, %convert_element_type3A_228, %cond3A_229 : i32
      scf.if %cond3A_230 {
        %add3A_291 = arith.constant 4 : i32
        %add3A_292 = arith.addi %add3A_130, %add3A_291 : i32
        %add3A_293 = arith.constant 8 : i32
        %add3A_294 = arith.addi %add3A_292, %add3A_293 : i32
        %mul3A_295 = arith.constant 40 : i32
        %mul3A_296 = arith.muli %add3A_294, %mul3A_295 : i32
        %add3A_297 = arith.addi %mul3A_2, %mul3A_296 : i32
        %dma_start3A_298 = tpu.memref_slice %arg3[%add3A_297] : memref<160000xi32, #tpu.memory_space<hbm>> -> memref<40xi32, #tpu.memory_space<hbm>>
        %dma_start3A_299 = tpu.memref_slice %arg3[%add3A_297] : memref<160000xi32, #tpu.memory_space<hbm>> -> memref<40xi32, #tpu.memory_space<hbm>>
        tpu.enqueue_dma source(%dma_start3A_299 : memref<40xi32, #tpu.memory_space<hbm>>) target(%arg10 : memref<40xi32, #tpu.memory_space<vmem>>) target_semaphore(%arg27 : memref<!tpu.dma_semaphore, #tpu.memory_space<semaphore_mem>>)
        %dma_start3A_300 = arith.constant 0 : i32
        %dma_start3A_301 = tpu.memref_slice %arg2[%add3A_297, %dma_start3A_300] : memref<160000x128xf32, #tpu.memory_space<hbm>> -> memref<40x128xf32, #tpu.memory_space<hbm>>
        %dma_start3A_302 = arith.constant 0 : i32
        %dma_start3A_303 = tpu.memref_slice %arg2[%add3A_297, %dma_start3A_302] : memref<160000x128xf32, #tpu.memory_space<hbm>> -> memref<40x128xf32, #tpu.memory_space<hbm>>
        tpu.enqueue_dma source(%dma_start3A_303 : memref<40x128xf32, #tpu.memory_space<hbm>>) target(%arg18 : memref<40x128xf32, #tpu.memory_space<vmem>>) target_semaphore(%arg35 : memref<!tpu.dma_semaphore, #tpu.memory_space<semaphore_mem>>)
      } else {
      }
      %add3A_231 = arith.constant 5 : i32
      %add3A_232 = arith.addi %add3A_130, %add3A_231 : i32
      %mul3A_233 = arith.constant 40 : i32
      %mul3A_234 = arith.muli %add3A_232, %mul3A_233 : i32
      %add3A_235 = arith.addi %mul3A_2, %mul3A_234 : i32
      %dma_wait3A_236 = tpu.memref_slice %arg3[%add3A_235] : memref<160000xi32, #tpu.memory_space<hbm>> -> memref<40xi32, #tpu.memory_space<hbm>>
      %dma_wait3A_237 = tpu.memref_slice %arg3[%add3A_235] : memref<160000xi32, #tpu.memory_space<hbm>> -> memref<40xi32, #tpu.memory_space<hbm>>
      tpu.wait_dma2 semaphore(%arg28 : memref<!tpu.dma_semaphore, #tpu.memory_space<semaphore_mem>>) src(%dma_wait3A_237 : memref<40xi32, #tpu.memory_space<hbm>>) dst(%arg11 : memref<40xi32, #tpu.memory_space<vmem>>)
      %dma_wait3A_238 = arith.constant 0 : i32
      %dma_wait3A_239 = tpu.memref_slice %arg2[%add3A_235, %dma_wait3A_238] : memref<160000x128xf32, #tpu.memory_space<hbm>> -> memref<40x128xf32, #tpu.memory_space<hbm>>
      %dma_wait3A_240 = arith.constant 0 : i32
      %dma_wait3A_241 = tpu.memref_slice %arg2[%add3A_235, %dma_wait3A_240] : memref<160000x128xf32, #tpu.memory_space<hbm>> -> memref<40x128xf32, #tpu.memory_space<hbm>>
      tpu.wait_dma2 semaphore(%arg36 : memref<!tpu.dma_semaphore, #tpu.memory_space<semaphore_mem>>) src(%dma_wait3A_241 : memref<40x128xf32, #tpu.memory_space<hbm>>) dst(%arg19 : memref<40x128xf32, #tpu.memory_space<vmem>>)
      "tpu.region"() ({
        %run_scoped3A = tpu.sem_alloc : memref<!tpu.dma_semaphore, #tpu.memory_space<semaphore_mem>>
        %dma_start3A_291 = arith.constant 0 : i32
        %dma_start3A_292 = arith.constant 0 : i32
        %dma_start3A_293 = tpu.memref_slice %arg22[%dma_start3A_291, %dma_start3A_292] : memref<10000x128xf32, #tpu.memory_space<vmem_shared>> -> memref<10000x128xf32, #tpu.memory_space<vmem_shared>>
        tpu.enqueue_indirect_dma source(%arg19 : memref<40x128xf32, #tpu.memory_space<vmem>>) target(%dma_start3A_293 : memref<10000x128xf32, #tpu.memory_space<vmem_shared>>) offsets(%arg11 : memref<40xi32, #tpu.memory_space<vmem>>) semaphore(%run_scoped3A : memref<!tpu.dma_semaphore, #tpu.memory_space<semaphore_mem>>) {add = true}
        %dma_wait3A_294 = arith.constant 0 : i32
        %dma_wait3A_295 = arith.constant 0 : i32
        %dma_wait3A_296 = tpu.memref_slice %arg22[%dma_wait3A_294, %dma_wait3A_295] : memref<10000x128xf32, #tpu.memory_space<vmem_shared>> -> memref<10000x128xf32, #tpu.memory_space<vmem_shared>>
        tpu.wait_indirect_dma semaphore(%run_scoped3A : memref<!tpu.dma_semaphore, #tpu.memory_space<semaphore_mem>>) src(%arg19 : memref<40x128xf32, #tpu.memory_space<vmem>>) dst(%dma_wait3A_296 : memref<10000x128xf32, #tpu.memory_space<vmem_shared>>)
        tpu.yield
      }) : () -> ()
      %add3A_242 = arith.constant 5 : i32
      %add3A_243 = arith.addi %add3A_130, %add3A_242 : i32
      %add3A_244 = arith.constant 8 : i32
      %add3A_245 = arith.addi %add3A_243, %add3A_244 : i32
      %lt3A_246 = arith.constant 125 : i32
      %lt3A_247 = arith.cmpi slt, %add3A_245, %lt3A_246 : i32
      %convert_element_type3A_248 = arith.extui %lt3A_247 : i1 to i32
      %cond3A_249 = arith.constant 0 : i32
      %cond3A_250 = arith.cmpi ne, %convert_element_type3A_248, %cond3A_249 : i32
      scf.if %cond3A_250 {
        %add3A_291 = arith.constant 5 : i32
        %add3A_292 = arith.addi %add3A_130, %add3A_291 : i32
        %add3A_293 = arith.constant 8 : i32
        %add3A_294 = arith.addi %add3A_292, %add3A_293 : i32
        %mul3A_295 = arith.constant 40 : i32
        %mul3A_296 = arith.muli %add3A_294, %mul3A_295 : i32
        %add3A_297 = arith.addi %mul3A_2, %mul3A_296 : i32
        %dma_start3A_298 = tpu.memref_slice %arg3[%add3A_297] : memref<160000xi32, #tpu.memory_space<hbm>> -> memref<40xi32, #tpu.memory_space<hbm>>
        %dma_start3A_299 = tpu.memref_slice %arg3[%add3A_297] : memref<160000xi32, #tpu.memory_space<hbm>> -> memref<40xi32, #tpu.memory_space<hbm>>
        tpu.enqueue_dma source(%dma_start3A_299 : memref<40xi32, #tpu.memory_space<hbm>>) target(%arg11 : memref<40xi32, #tpu.memory_space<vmem>>) target_semaphore(%arg28 : memref<!tpu.dma_semaphore, #tpu.memory_space<semaphore_mem>>)
        %dma_start3A_300 = arith.constant 0 : i32
        %dma_start3A_301 = tpu.memref_slice %arg2[%add3A_297, %dma_start3A_300] : memref<160000x128xf32, #tpu.memory_space<hbm>> -> memref<40x128xf32, #tpu.memory_space<hbm>>
        %dma_start3A_302 = arith.constant 0 : i32
        %dma_start3A_303 = tpu.memref_slice %arg2[%add3A_297, %dma_start3A_302] : memref<160000x128xf32, #tpu.memory_space<hbm>> -> memref<40x128xf32, #tpu.memory_space<hbm>>
        tpu.enqueue_dma source(%dma_start3A_303 : memref<40x128xf32, #tpu.memory_space<hbm>>) target(%arg19 : memref<40x128xf32, #tpu.memory_space<vmem>>) target_semaphore(%arg36 : memref<!tpu.dma_semaphore, #tpu.memory_space<semaphore_mem>>)
      } else {
      }
      %add3A_251 = arith.constant 6 : i32
      %add3A_252 = arith.addi %add3A_130, %add3A_251 : i32
      %mul3A_253 = arith.constant 40 : i32
      %mul3A_254 = arith.muli %add3A_252, %mul3A_253 : i32
      %add3A_255 = arith.addi %mul3A_2, %mul3A_254 : i32
      %dma_wait3A_256 = tpu.memref_slice %arg3[%add3A_255] : memref<160000xi32, #tpu.memory_space<hbm>> -> memref<40xi32, #tpu.memory_space<hbm>>
      %dma_wait3A_257 = tpu.memref_slice %arg3[%add3A_255] : memref<160000xi32, #tpu.memory_space<hbm>> -> memref<40xi32, #tpu.memory_space<hbm>>
      tpu.wait_dma2 semaphore(%arg29 : memref<!tpu.dma_semaphore, #tpu.memory_space<semaphore_mem>>) src(%dma_wait3A_257 : memref<40xi32, #tpu.memory_space<hbm>>) dst(%arg12 : memref<40xi32, #tpu.memory_space<vmem>>)
      %dma_wait3A_258 = arith.constant 0 : i32
      %dma_wait3A_259 = tpu.memref_slice %arg2[%add3A_255, %dma_wait3A_258] : memref<160000x128xf32, #tpu.memory_space<hbm>> -> memref<40x128xf32, #tpu.memory_space<hbm>>
      %dma_wait3A_260 = arith.constant 0 : i32
      %dma_wait3A_261 = tpu.memref_slice %arg2[%add3A_255, %dma_wait3A_260] : memref<160000x128xf32, #tpu.memory_space<hbm>> -> memref<40x128xf32, #tpu.memory_space<hbm>>
      tpu.wait_dma2 semaphore(%arg37 : memref<!tpu.dma_semaphore, #tpu.memory_space<semaphore_mem>>) src(%dma_wait3A_261 : memref<40x128xf32, #tpu.memory_space<hbm>>) dst(%arg20 : memref<40x128xf32, #tpu.memory_space<vmem>>)
      "tpu.region"() ({
        %run_scoped3A = tpu.sem_alloc : memref<!tpu.dma_semaphore, #tpu.memory_space<semaphore_mem>>
        %dma_start3A_291 = arith.constant 0 : i32
        %dma_start3A_292 = arith.constant 0 : i32
        %dma_start3A_293 = tpu.memref_slice %arg22[%dma_start3A_291, %dma_start3A_292] : memref<10000x128xf32, #tpu.memory_space<vmem_shared>> -> memref<10000x128xf32, #tpu.memory_space<vmem_shared>>
        tpu.enqueue_indirect_dma source(%arg20 : memref<40x128xf32, #tpu.memory_space<vmem>>) target(%dma_start3A_293 : memref<10000x128xf32, #tpu.memory_space<vmem_shared>>) offsets(%arg12 : memref<40xi32, #tpu.memory_space<vmem>>) semaphore(%run_scoped3A : memref<!tpu.dma_semaphore, #tpu.memory_space<semaphore_mem>>) {add = true}
        %dma_wait3A_294 = arith.constant 0 : i32
        %dma_wait3A_295 = arith.constant 0 : i32
        %dma_wait3A_296 = tpu.memref_slice %arg22[%dma_wait3A_294, %dma_wait3A_295] : memref<10000x128xf32, #tpu.memory_space<vmem_shared>> -> memref<10000x128xf32, #tpu.memory_space<vmem_shared>>
        tpu.wait_indirect_dma semaphore(%run_scoped3A : memref<!tpu.dma_semaphore, #tpu.memory_space<semaphore_mem>>) src(%arg20 : memref<40x128xf32, #tpu.memory_space<vmem>>) dst(%dma_wait3A_296 : memref<10000x128xf32, #tpu.memory_space<vmem_shared>>)
        tpu.yield
      }) : () -> ()
      %add3A_262 = arith.constant 6 : i32
      %add3A_263 = arith.addi %add3A_130, %add3A_262 : i32
      %add3A_264 = arith.constant 8 : i32
      %add3A_265 = arith.addi %add3A_263, %add3A_264 : i32
      %lt3A_266 = arith.constant 125 : i32
      %lt3A_267 = arith.cmpi slt, %add3A_265, %lt3A_266 : i32
      %convert_element_type3A_268 = arith.extui %lt3A_267 : i1 to i32
      %cond3A_269 = arith.constant 0 : i32
      %cond3A_270 = arith.cmpi ne, %convert_element_type3A_268, %cond3A_269 : i32
      scf.if %cond3A_270 {
        %add3A_291 = arith.constant 6 : i32
        %add3A_292 = arith.addi %add3A_130, %add3A_291 : i32
        %add3A_293 = arith.constant 8 : i32
        %add3A_294 = arith.addi %add3A_292, %add3A_293 : i32
        %mul3A_295 = arith.constant 40 : i32
        %mul3A_296 = arith.muli %add3A_294, %mul3A_295 : i32
        %add3A_297 = arith.addi %mul3A_2, %mul3A_296 : i32
        %dma_start3A_298 = tpu.memref_slice %arg3[%add3A_297] : memref<160000xi32, #tpu.memory_space<hbm>> -> memref<40xi32, #tpu.memory_space<hbm>>
        %dma_start3A_299 = tpu.memref_slice %arg3[%add3A_297] : memref<160000xi32, #tpu.memory_space<hbm>> -> memref<40xi32, #tpu.memory_space<hbm>>
        tpu.enqueue_dma source(%dma_start3A_299 : memref<40xi32, #tpu.memory_space<hbm>>) target(%arg12 : memref<40xi32, #tpu.memory_space<vmem>>) target_semaphore(%arg29 : memref<!tpu.dma_semaphore, #tpu.memory_space<semaphore_mem>>)
        %dma_start3A_300 = arith.constant 0 : i32
        %dma_start3A_301 = tpu.memref_slice %arg2[%add3A_297, %dma_start3A_300] : memref<160000x128xf32, #tpu.memory_space<hbm>> -> memref<40x128xf32, #tpu.memory_space<hbm>>
        %dma_start3A_302 = arith.constant 0 : i32
        %dma_start3A_303 = tpu.memref_slice %arg2[%add3A_297, %dma_start3A_302] : memref<160000x128xf32, #tpu.memory_space<hbm>> -> memref<40x128xf32, #tpu.memory_space<hbm>>
        tpu.enqueue_dma source(%dma_start3A_303 : memref<40x128xf32, #tpu.memory_space<hbm>>) target(%arg20 : memref<40x128xf32, #tpu.memory_space<vmem>>) target_semaphore(%arg37 : memref<!tpu.dma_semaphore, #tpu.memory_space<semaphore_mem>>)
      } else {
      }
      %add3A_271 = arith.constant 7 : i32
      %add3A_272 = arith.addi %add3A_130, %add3A_271 : i32
      %mul3A_273 = arith.constant 40 : i32
      %mul3A_274 = arith.muli %add3A_272, %mul3A_273 : i32
      %add3A_275 = arith.addi %mul3A_2, %mul3A_274 : i32
      %dma_wait3A_276 = tpu.memref_slice %arg3[%add3A_275] : memref<160000xi32, #tpu.memory_space<hbm>> -> memref<40xi32, #tpu.memory_space<hbm>>
      %dma_wait3A_277 = tpu.memref_slice %arg3[%add3A_275] : memref<160000xi32, #tpu.memory_space<hbm>> -> memref<40xi32, #tpu.memory_space<hbm>>
      tpu.wait_dma2 semaphore(%arg30 : memref<!tpu.dma_semaphore, #tpu.memory_space<semaphore_mem>>) src(%dma_wait3A_277 : memref<40xi32, #tpu.memory_space<hbm>>) dst(%arg13 : memref<40xi32, #tpu.memory_space<vmem>>)
      %dma_wait3A_278 = arith.constant 0 : i32
      %dma_wait3A_279 = tpu.memref_slice %arg2[%add3A_275, %dma_wait3A_278] : memref<160000x128xf32, #tpu.memory_space<hbm>> -> memref<40x128xf32, #tpu.memory_space<hbm>>
      %dma_wait3A_280 = arith.constant 0 : i32
      %dma_wait3A_281 = tpu.memref_slice %arg2[%add3A_275, %dma_wait3A_280] : memref<160000x128xf32, #tpu.memory_space<hbm>> -> memref<40x128xf32, #tpu.memory_space<hbm>>
      tpu.wait_dma2 semaphore(%arg38 : memref<!tpu.dma_semaphore, #tpu.memory_space<semaphore_mem>>) src(%dma_wait3A_281 : memref<40x128xf32, #tpu.memory_space<hbm>>) dst(%arg21 : memref<40x128xf32, #tpu.memory_space<vmem>>)
      "tpu.region"() ({
        %run_scoped3A = tpu.sem_alloc : memref<!tpu.dma_semaphore, #tpu.memory_space<semaphore_mem>>
        %dma_start3A_291 = arith.constant 0 : i32
        %dma_start3A_292 = arith.constant 0 : i32
        %dma_start3A_293 = tpu.memref_slice %arg22[%dma_start3A_291, %dma_start3A_292] : memref<10000x128xf32, #tpu.memory_space<vmem_shared>> -> memref<10000x128xf32, #tpu.memory_space<vmem_shared>>
        tpu.enqueue_indirect_dma source(%arg21 : memref<40x128xf32, #tpu.memory_space<vmem>>) target(%dma_start3A_293 : memref<10000x128xf32, #tpu.memory_space<vmem_shared>>) offsets(%arg13 : memref<40xi32, #tpu.memory_space<vmem>>) semaphore(%run_scoped3A : memref<!tpu.dma_semaphore, #tpu.memory_space<semaphore_mem>>) {add = true}
        %dma_wait3A_294 = arith.constant 0 : i32
        %dma_wait3A_295 = arith.constant 0 : i32
        %dma_wait3A_296 = tpu.memref_slice %arg22[%dma_wait3A_294, %dma_wait3A_295] : memref<10000x128xf32, #tpu.memory_space<vmem_shared>> -> memref<10000x128xf32, #tpu.memory_space<vmem_shared>>
        tpu.wait_indirect_dma semaphore(%run_scoped3A : memref<!tpu.dma_semaphore, #tpu.memory_space<semaphore_mem>>) src(%arg21 : memref<40x128xf32, #tpu.memory_space<vmem>>) dst(%dma_wait3A_296 : memref<10000x128xf32, #tpu.memory_space<vmem_shared>>)
        tpu.yield
      }) : () -> ()
      %add3A_282 = arith.constant 7 : i32
      %add3A_283 = arith.addi %add3A_130, %add3A_282 : i32
      %add3A_284 = arith.constant 8 : i32
      %add3A_285 = arith.addi %add3A_283, %add3A_284 : i32
      %lt3A_286 = arith.constant 125 : i32
      %lt3A_287 = arith.cmpi slt, %add3A_285, %lt3A_286 : i32
      %convert_element_type3A_288 = arith.extui %lt3A_287 : i1 to i32
      %cond3A_289 = arith.constant 0 : i32
      %cond3A_290 = arith.cmpi ne, %convert_element_type3A_288, %cond3A_289 : i32
      scf.if %cond3A_290 {
        %add3A_291 = arith.constant 7 : i32
        %add3A_292 = arith.addi %add3A_130, %add3A_291 : i32
        %add3A_293 = arith.constant 8 : i32
        %add3A_294 = arith.addi %add3A_292, %add3A_293 : i32
        %mul3A_295 = arith.constant 40 : i32
        %mul3A_296 = arith.muli %add3A_294, %mul3A_295 : i32
        %add3A_297 = arith.addi %mul3A_2, %mul3A_296 : i32
        %dma_start3A_298 = tpu.memref_slice %arg3[%add3A_297] : memref<160000xi32, #tpu.memory_space<hbm>> -> memref<40xi32, #tpu.memory_space<hbm>>
        %dma_start3A_299 = tpu.memref_slice %arg3[%add3A_297] : memref<160000xi32, #tpu.memory_space<hbm>> -> memref<40xi32, #tpu.memory_space<hbm>>
        tpu.enqueue_dma source(%dma_start3A_299 : memref<40xi32, #tpu.memory_space<hbm>>) target(%arg13 : memref<40xi32, #tpu.memory_space<vmem>>) target_semaphore(%arg30 : memref<!tpu.dma_semaphore, #tpu.memory_space<semaphore_mem>>)
        %dma_start3A_300 = arith.constant 0 : i32
        %dma_start3A_301 = tpu.memref_slice %arg2[%add3A_297, %dma_start3A_300] : memref<160000x128xf32, #tpu.memory_space<hbm>> -> memref<40x128xf32, #tpu.memory_space<hbm>>
        %dma_start3A_302 = arith.constant 0 : i32
        %dma_start3A_303 = tpu.memref_slice %arg2[%add3A_297, %dma_start3A_302] : memref<160000x128xf32, #tpu.memory_space<hbm>> -> memref<40x128xf32, #tpu.memory_space<hbm>>
        tpu.enqueue_dma source(%dma_start3A_303 : memref<40x128xf32, #tpu.memory_space<hbm>>) target(%arg21 : memref<40x128xf32, #tpu.memory_space<vmem>>) target_semaphore(%arg38 : memref<!tpu.dma_semaphore, #tpu.memory_space<semaphore_mem>>)
      } else {
      }
    }
    %scan3A_75 = arith.constant 15 : i32
    %add3A_76 = arith.constant 4800 : i32
    %add3A_77 = arith.addi %mul3A_2, %add3A_76 : i32
    %dma_wait3A = tpu.memref_slice %arg3[%add3A_77] : memref<160000xi32, #tpu.memory_space<hbm>> -> memref<40xi32, #tpu.memory_space<hbm>>
    %dma_wait3A_78 = tpu.memref_slice %arg3[%add3A_77] : memref<160000xi32, #tpu.memory_space<hbm>> -> memref<40xi32, #tpu.memory_space<hbm>>
    tpu.wait_dma2 semaphore(%arg23 : memref<!tpu.dma_semaphore, #tpu.memory_space<semaphore_mem>>) src(%dma_wait3A_78 : memref<40xi32, #tpu.memory_space<hbm>>) dst(%arg6 : memref<40xi32, #tpu.memory_space<vmem>>)
    %dma_wait3A_79 = arith.constant 0 : i32
    %dma_wait3A_80 = tpu.memref_slice %arg2[%add3A_77, %dma_wait3A_79] : memref<160000x128xf32, #tpu.memory_space<hbm>> -> memref<40x128xf32, #tpu.memory_space<hbm>>
    %dma_wait3A_81 = arith.constant 0 : i32
    %dma_wait3A_82 = tpu.memref_slice %arg2[%add3A_77, %dma_wait3A_81] : memref<160000x128xf32, #tpu.memory_space<hbm>> -> memref<40x128xf32, #tpu.memory_space<hbm>>
    tpu.wait_dma2 semaphore(%arg31 : memref<!tpu.dma_semaphore, #tpu.memory_space<semaphore_mem>>) src(%dma_wait3A_82 : memref<40x128xf32, #tpu.memory_space<hbm>>) dst(%arg14 : memref<40x128xf32, #tpu.memory_space<vmem>>)
    "tpu.region"() ({
      %run_scoped3A = tpu.sem_alloc : memref<!tpu.dma_semaphore, #tpu.memory_space<semaphore_mem>>
      %dma_start3A_126 = arith.constant 0 : i32
      %dma_start3A_127 = arith.constant 0 : i32
      %dma_start3A_128 = tpu.memref_slice %arg22[%dma_start3A_126, %dma_start3A_127] : memref<10000x128xf32, #tpu.memory_space<vmem_shared>> -> memref<10000x128xf32, #tpu.memory_space<vmem_shared>>
      tpu.enqueue_indirect_dma source(%arg14 : memref<40x128xf32, #tpu.memory_space<vmem>>) target(%dma_start3A_128 : memref<10000x128xf32, #tpu.memory_space<vmem_shared>>) offsets(%arg6 : memref<40xi32, #tpu.memory_space<vmem>>) semaphore(%run_scoped3A : memref<!tpu.dma_semaphore, #tpu.memory_space<semaphore_mem>>) {add = true}
      %dma_wait3A_129 = arith.constant 0 : i32
      %dma_wait3A_130 = arith.constant 0 : i32
      %dma_wait3A_131 = tpu.memref_slice %arg22[%dma_wait3A_129, %dma_wait3A_130] : memref<10000x128xf32, #tpu.memory_space<vmem_shared>> -> memref<10000x128xf32, #tpu.memory_space<vmem_shared>>
      tpu.wait_indirect_dma semaphore(%run_scoped3A : memref<!tpu.dma_semaphore, #tpu.memory_space<semaphore_mem>>) src(%arg14 : memref<40x128xf32, #tpu.memory_space<vmem>>) dst(%dma_wait3A_131 : memref<10000x128xf32, #tpu.memory_space<vmem_shared>>)
      tpu.yield
    }) : () -> ()
    %add3A_83 = arith.constant 4840 : i32
    %add3A_84 = arith.addi %mul3A_2, %add3A_83 : i32
    %dma_wait3A_85 = tpu.memref_slice %arg3[%add3A_84] : memref<160000xi32, #tpu.memory_space<hbm>> -> memref<40xi32, #tpu.memory_space<hbm>>
    %dma_wait3A_86 = tpu.memref_slice %arg3[%add3A_84] : memref<160000xi32, #tpu.memory_space<hbm>> -> memref<40xi32, #tpu.memory_space<hbm>>
    tpu.wait_dma2 semaphore(%arg24 : memref<!tpu.dma_semaphore, #tpu.memory_space<semaphore_mem>>) src(%dma_wait3A_86 : memref<40xi32, #tpu.memory_space<hbm>>) dst(%arg7 : memref<40xi32, #tpu.memory_space<vmem>>)
    %dma_wait3A_87 = arith.constant 0 : i32
    %dma_wait3A_88 = tpu.memref_slice %arg2[%add3A_84, %dma_wait3A_87] : memref<160000x128xf32, #tpu.memory_space<hbm>> -> memref<40x128xf32, #tpu.memory_space<hbm>>
    %dma_wait3A_89 = arith.constant 0 : i32
    %dma_wait3A_90 = tpu.memref_slice %arg2[%add3A_84, %dma_wait3A_89] : memref<160000x128xf32, #tpu.memory_space<hbm>> -> memref<40x128xf32, #tpu.memory_space<hbm>>
    tpu.wait_dma2 semaphore(%arg32 : memref<!tpu.dma_semaphore, #tpu.memory_space<semaphore_mem>>) src(%dma_wait3A_90 : memref<40x128xf32, #tpu.memory_space<hbm>>) dst(%arg15 : memref<40x128xf32, #tpu.memory_space<vmem>>)
    "tpu.region"() ({
      %run_scoped3A = tpu.sem_alloc : memref<!tpu.dma_semaphore, #tpu.memory_space<semaphore_mem>>
      %dma_start3A_126 = arith.constant 0 : i32
      %dma_start3A_127 = arith.constant 0 : i32
      %dma_start3A_128 = tpu.memref_slice %arg22[%dma_start3A_126, %dma_start3A_127] : memref<10000x128xf32, #tpu.memory_space<vmem_shared>> -> memref<10000x128xf32, #tpu.memory_space<vmem_shared>>
      tpu.enqueue_indirect_dma source(%arg15 : memref<40x128xf32, #tpu.memory_space<vmem>>) target(%dma_start3A_128 : memref<10000x128xf32, #tpu.memory_space<vmem_shared>>) offsets(%arg7 : memref<40xi32, #tpu.memory_space<vmem>>) semaphore(%run_scoped3A : memref<!tpu.dma_semaphore, #tpu.memory_space<semaphore_mem>>) {add = true}
      %dma_wait3A_129 = arith.constant 0 : i32
      %dma_wait3A_130 = arith.constant 0 : i32
      %dma_wait3A_131 = tpu.memref_slice %arg22[%dma_wait3A_129, %dma_wait3A_130] : memref<10000x128xf32, #tpu.memory_space<vmem_shared>> -> memref<10000x128xf32, #tpu.memory_space<vmem_shared>>
      tpu.wait_indirect_dma semaphore(%run_scoped3A : memref<!tpu.dma_semaphore, #tpu.memory_space<semaphore_mem>>) src(%arg15 : memref<40x128xf32, #tpu.memory_space<vmem>>) dst(%dma_wait3A_131 : memref<10000x128xf32, #tpu.memory_space<vmem_shared>>)
      tpu.yield
    }) : () -> ()
    %add3A_91 = arith.constant 4880 : i32
    %add3A_92 = arith.addi %mul3A_2, %add3A_91 : i32
    %dma_wait3A_93 = tpu.memref_slice %arg3[%add3A_92] : memref<160000xi32, #tpu.memory_space<hbm>> -> memref<40xi32, #tpu.memory_space<hbm>>
    %dma_wait3A_94 = tpu.memref_slice %arg3[%add3A_92] : memref<160000xi32, #tpu.memory_space<hbm>> -> memref<40xi32, #tpu.memory_space<hbm>>
    tpu.wait_dma2 semaphore(%arg25 : memref<!tpu.dma_semaphore, #tpu.memory_space<semaphore_mem>>) src(%dma_wait3A_94 : memref<40xi32, #tpu.memory_space<hbm>>) dst(%arg8 : memref<40xi32, #tpu.memory_space<vmem>>)
    %dma_wait3A_95 = arith.constant 0 : i32
    %dma_wait3A_96 = tpu.memref_slice %arg2[%add3A_92, %dma_wait3A_95] : memref<160000x128xf32, #tpu.memory_space<hbm>> -> memref<40x128xf32, #tpu.memory_space<hbm>>
    %dma_wait3A_97 = arith.constant 0 : i32
    %dma_wait3A_98 = tpu.memref_slice %arg2[%add3A_92, %dma_wait3A_97] : memref<160000x128xf32, #tpu.memory_space<hbm>> -> memref<40x128xf32, #tpu.memory_space<hbm>>
    tpu.wait_dma2 semaphore(%arg33 : memref<!tpu.dma_semaphore, #tpu.memory_space<semaphore_mem>>) src(%dma_wait3A_98 : memref<40x128xf32, #tpu.memory_space<hbm>>) dst(%arg16 : memref<40x128xf32, #tpu.memory_space<vmem>>)
    "tpu.region"() ({
      %run_scoped3A = tpu.sem_alloc : memref<!tpu.dma_semaphore, #tpu.memory_space<semaphore_mem>>
      %dma_start3A_126 = arith.constant 0 : i32
      %dma_start3A_127 = arith.constant 0 : i32
      %dma_start3A_128 = tpu.memref_slice %arg22[%dma_start3A_126, %dma_start3A_127] : memref<10000x128xf32, #tpu.memory_space<vmem_shared>> -> memref<10000x128xf32, #tpu.memory_space<vmem_shared>>
      tpu.enqueue_indirect_dma source(%arg16 : memref<40x128xf32, #tpu.memory_space<vmem>>) target(%dma_start3A_128 : memref<10000x128xf32, #tpu.memory_space<vmem_shared>>) offsets(%arg8 : memref<40xi32, #tpu.memory_space<vmem>>) semaphore(%run_scoped3A : memref<!tpu.dma_semaphore, #tpu.memory_space<semaphore_mem>>) {add = true}
      %dma_wait3A_129 = arith.constant 0 : i32
      %dma_wait3A_130 = arith.constant 0 : i32
      %dma_wait3A_131 = tpu.memref_slice %arg22[%dma_wait3A_129, %dma_wait3A_130] : memref<10000x128xf32, #tpu.memory_space<vmem_shared>> -> memref<10000x128xf32, #tpu.memory_space<vmem_shared>>
      tpu.wait_indirect_dma semaphore(%run_scoped3A : memref<!tpu.dma_semaphore, #tpu.memory_space<semaphore_mem>>) src(%arg16 : memref<40x128xf32, #tpu.memory_space<vmem>>) dst(%dma_wait3A_131 : memref<10000x128xf32, #tpu.memory_space<vmem_shared>>)
      tpu.yield
    }) : () -> ()
    %add3A_99 = arith.constant 4920 : i32
    %add3A_100 = arith.addi %mul3A_2, %add3A_99 : i32
    %dma_wait3A_101 = tpu.memref_slice %arg3[%add3A_100] : memref<160000xi32, #tpu.memory_space<hbm>> -> memref<40xi32, #tpu.memory_space<hbm>>
    %dma_wait3A_102 = tpu.memref_slice %arg3[%add3A_100] : memref<160000xi32, #tpu.memory_space<hbm>> -> memref<40xi32, #tpu.memory_space<hbm>>
    tpu.wait_dma2 semaphore(%arg26 : memref<!tpu.dma_semaphore, #tpu.memory_space<semaphore_mem>>) src(%dma_wait3A_102 : memref<40xi32, #tpu.memory_space<hbm>>) dst(%arg9 : memref<40xi32, #tpu.memory_space<vmem>>)
    %dma_wait3A_103 = arith.constant 0 : i32
    %dma_wait3A_104 = tpu.memref_slice %arg2[%add3A_100, %dma_wait3A_103] : memref<160000x128xf32, #tpu.memory_space<hbm>> -> memref<40x128xf32, #tpu.memory_space<hbm>>
    %dma_wait3A_105 = arith.constant 0 : i32
    %dma_wait3A_106 = tpu.memref_slice %arg2[%add3A_100, %dma_wait3A_105] : memref<160000x128xf32, #tpu.memory_space<hbm>> -> memref<40x128xf32, #tpu.memory_space<hbm>>
    tpu.wait_dma2 semaphore(%arg34 : memref<!tpu.dma_semaphore, #tpu.memory_space<semaphore_mem>>) src(%dma_wait3A_106 : memref<40x128xf32, #tpu.memory_space<hbm>>) dst(%arg17 : memref<40x128xf32, #tpu.memory_space<vmem>>)
    "tpu.region"() ({
      %run_scoped3A = tpu.sem_alloc : memref<!tpu.dma_semaphore, #tpu.memory_space<semaphore_mem>>
      %dma_start3A_126 = arith.constant 0 : i32
      %dma_start3A_127 = arith.constant 0 : i32
      %dma_start3A_128 = tpu.memref_slice %arg22[%dma_start3A_126, %dma_start3A_127] : memref<10000x128xf32, #tpu.memory_space<vmem_shared>> -> memref<10000x128xf32, #tpu.memory_space<vmem_shared>>
      tpu.enqueue_indirect_dma source(%arg17 : memref<40x128xf32, #tpu.memory_space<vmem>>) target(%dma_start3A_128 : memref<10000x128xf32, #tpu.memory_space<vmem_shared>>) offsets(%arg9 : memref<40xi32, #tpu.memory_space<vmem>>) semaphore(%run_scoped3A : memref<!tpu.dma_semaphore, #tpu.memory_space<semaphore_mem>>) {add = true}
      %dma_wait3A_129 = arith.constant 0 : i32
      %dma_wait3A_130 = arith.constant 0 : i32
      %dma_wait3A_131 = tpu.memref_slice %arg22[%dma_wait3A_129, %dma_wait3A_130] : memref<10000x128xf32, #tpu.memory_space<vmem_shared>> -> memref<10000x128xf32, #tpu.memory_space<vmem_shared>>
      tpu.wait_indirect_dma semaphore(%run_scoped3A : memref<!tpu.dma_semaphore, #tpu.memory_space<semaphore_mem>>) src(%arg17 : memref<40x128xf32, #tpu.memory_space<vmem>>) dst(%dma_wait3A_131 : memref<10000x128xf32, #tpu.memory_space<vmem_shared>>)
      tpu.yield
    }) : () -> ()
    %add3A_107 = arith.constant 4960 : i32
    %add3A_108 = arith.addi %mul3A_2, %add3A_107 : i32
    %dma_wait3A_109 = tpu.memref_slice %arg3[%add3A_108] : memref<160000xi32, #tpu.memory_space<hbm>> -> memref<40xi32, #tpu.memory_space<hbm>>
    %dma_wait3A_110 = tpu.memref_slice %arg3[%add3A_108] : memref<160000xi32, #tpu.memory_space<hbm>> -> memref<40xi32, #tpu.memory_space<hbm>>
    tpu.wait_dma2 semaphore(%arg27 : memref<!tpu.dma_semaphore, #tpu.memory_space<semaphore_mem>>) src(%dma_wait3A_110 : memref<40xi32, #tpu.memory_space<hbm>>) dst(%arg10 : memref<40xi32, #tpu.memory_space<vmem>>)
    %dma_wait3A_111 = arith.constant 0 : i32
    %dma_wait3A_112 = tpu.memref_slice %arg2[%add3A_108, %dma_wait3A_111] : memref<160000x128xf32, #tpu.memory_space<hbm>> -> memref<40x128xf32, #tpu.memory_space<hbm>>
    %dma_wait3A_113 = arith.constant 0 : i32
    %dma_wait3A_114 = tpu.memref_slice %arg2[%add3A_108, %dma_wait3A_113] : memref<160000x128xf32, #tpu.memory_space<hbm>> -> memref<40x128xf32, #tpu.memory_space<hbm>>
    tpu.wait_dma2 semaphore(%arg35 : memref<!tpu.dma_semaphore, #tpu.memory_space<semaphore_mem>>) src(%dma_wait3A_114 : memref<40x128xf32, #tpu.memory_space<hbm>>) dst(%arg18 : memref<40x128xf32, #tpu.memory_space<vmem>>)
    "tpu.region"() ({
      %run_scoped3A = tpu.sem_alloc : memref<!tpu.dma_semaphore, #tpu.memory_space<semaphore_mem>>
      %dma_start3A_126 = arith.constant 0 : i32
      %dma_start3A_127 = arith.constant 0 : i32
      %dma_start3A_128 = tpu.memref_slice %arg22[%dma_start3A_126, %dma_start3A_127] : memref<10000x128xf32, #tpu.memory_space<vmem_shared>> -> memref<10000x128xf32, #tpu.memory_space<vmem_shared>>
      tpu.enqueue_indirect_dma source(%arg18 : memref<40x128xf32, #tpu.memory_space<vmem>>) target(%dma_start3A_128 : memref<10000x128xf32, #tpu.memory_space<vmem_shared>>) offsets(%arg10 : memref<40xi32, #tpu.memory_space<vmem>>) semaphore(%run_scoped3A : memref<!tpu.dma_semaphore, #tpu.memory_space<semaphore_mem>>) {add = true}
      %dma_wait3A_129 = arith.constant 0 : i32
      %dma_wait3A_130 = arith.constant 0 : i32
      %dma_wait3A_131 = tpu.memref_slice %arg22[%dma_wait3A_129, %dma_wait3A_130] : memref<10000x128xf32, #tpu.memory_space<vmem_shared>> -> memref<10000x128xf32, #tpu.memory_space<vmem_shared>>
      tpu.wait_indirect_dma semaphore(%run_scoped3A : memref<!tpu.dma_semaphore, #tpu.memory_space<semaphore_mem>>) src(%arg18 : memref<40x128xf32, #tpu.memory_space<vmem>>) dst(%dma_wait3A_131 : memref<10000x128xf32, #tpu.memory_space<vmem_shared>>)
      tpu.yield
    }) : () -> ()
    %barrier3A_115 = arith.constant 0 : index
    tpu.barrier barrier_id(%barrier3A_115)
    %lt3A_116 = arith.constant 15 : i32
    %lt3A_117 = arith.cmpi slt, %arg1, %lt3A_116 : i32
    %convert_element_type3A_118 = arith.extui %lt3A_117 : i1 to i32
    %cond3A_119 = arith.constant 0 : i32
    %cond3A_120 = arith.cmpi ne, %convert_element_type3A_118, %cond3A_119 : i32
    scf.if %cond3A_120 {
      %mul3A_126 = arith.constant 632 : i32
      %mul3A_127 = arith.muli %arg1, %mul3A_126 : i32
      %mul3A_128 = arith.constant 632 : i32
      %mul3A_129 = arith.muli %arg1, %mul3A_128 : i32
      "tpu.region"() ({
        %run_scoped3A = tpu.sem_alloc : memref<!tpu.dma_semaphore, #tpu.memory_space<semaphore_mem>>
        %dma_start3A_130 = arith.constant 0 : i32
        %dma_start3A_131 = arith.constant 0 : i32
        %dma_start3A_132 = tpu.memref_slice %arg5[%arg0, %dma_start3A_130, %dma_start3A_131] : memref<2x10000x128xf32, #tpu.memory_space<hbm>> -> memref<1x10000x128xf32, #tpu.memory_space<hbm>>
        %dma_start3A_133 = tpu.memref_squeeze %dma_start3A_132 : memref<1x10000x128xf32, #tpu.memory_space<hbm>> -> memref<10000x128xf32, #tpu.memory_space<hbm>>
        %dma_start3A_134 = arith.constant 0 : i32
        %dma_start3A_135 = tpu.memref_slice %dma_start3A_133[%mul3A_129, %dma_start3A_134] : memref<10000x128xf32, #tpu.memory_space<hbm>> -> memref<632x128xf32, #tpu.memory_space<hbm>>
        %dma_start3A_136 = arith.constant 0 : i32
        %dma_start3A_137 = tpu.memref_slice %arg22[%mul3A_127, %dma_start3A_136] : memref<10000x128xf32, #tpu.memory_space<vmem_shared>> -> memref<632x128xf32, #tpu.memory_space<vmem_shared>>
        tpu.enqueue_dma source(%dma_start3A_137 : memref<632x128xf32, #tpu.memory_space<vmem_shared>>) target(%dma_start3A_135 : memref<632x128xf32, #tpu.memory_space<hbm>>) target_semaphore(%run_scoped3A : memref<!tpu.dma_semaphore, #tpu.memory_space<semaphore_mem>>)
        %dma_wait3A_138 = arith.constant 0 : i32
        %dma_wait3A_139 = arith.constant 0 : i32
        %dma_wait3A_140 = tpu.memref_slice %arg5[%arg0, %dma_wait3A_138, %dma_wait3A_139] : memref<2x10000x128xf32, #tpu.memory_space<hbm>> -> memref<1x10000x128xf32, #tpu.memory_space<hbm>>
        %dma_wait3A_141 = tpu.memref_squeeze %dma_wait3A_140 : memref<1x10000x128xf32, #tpu.memory_space<hbm>> -> memref<10000x128xf32, #tpu.memory_space<hbm>>
        %dma_wait3A_142 = arith.constant 0 : i32
        %dma_wait3A_143 = tpu.memref_slice %dma_wait3A_141[%mul3A_129, %dma_wait3A_142] : memref<10000x128xf32, #tpu.memory_space<hbm>> -> memref<632x128xf32, #tpu.memory_space<hbm>>
        %dma_wait3A_144 = arith.constant 0 : i32
        %dma_wait3A_145 = tpu.memref_slice %arg22[%mul3A_127, %dma_wait3A_144] : memref<10000x128xf32, #tpu.memory_space<vmem_shared>> -> memref<632x128xf32, #tpu.memory_space<vmem_shared>>
        tpu.wait_dma2 semaphore(%run_scoped3A : memref<!tpu.dma_semaphore, #tpu.memory_space<semaphore_mem>>) src(%dma_wait3A_145 : memref<632x128xf32, #tpu.memory_space<vmem_shared>>) dst(%dma_wait3A_143 : memref<632x128xf32, #tpu.memory_space<hbm>>)
        tpu.yield
      }) : () -> ()
    } else {
    }
    %eq3A_121 = arith.constant 15 : i32
    %eq3A_122 = arith.cmpi eq, %arg1, %eq3A_121 : i32
    %convert_element_type3A_123 = arith.extui %eq3A_122 : i1 to i32
    %cond3A_124 = arith.constant 0 : i32
    %cond3A_125 = arith.cmpi ne, %convert_element_type3A_123, %cond3A_124 : i32
    scf.if %cond3A_125 {
      %mul3A_126 = arith.constant 632 : i32
      %mul3A_127 = arith.muli %arg1, %mul3A_126 : i32
      %mul3A_128 = arith.constant 632 : i32
      %mul3A_129 = arith.muli %arg1, %mul3A_128 : i32
      "tpu.region"() ({
        %run_scoped3A = tpu.sem_alloc : memref<!tpu.dma_semaphore, #tpu.memory_space<semaphore_mem>>
        %dma_start3A_130 = arith.constant 0 : i32
        %dma_start3A_131 = arith.constant 0 : i32
        %dma_start3A_132 = tpu.memref_slice %arg5[%arg0, %dma_start3A_130, %dma_start3A_131] : memref<2x10000x128xf32, #tpu.memory_space<hbm>> -> memref<1x10000x128xf32, #tpu.memory_space<hbm>>
        %dma_start3A_133 = tpu.memref_squeeze %dma_start3A_132 : memref<1x10000x128xf32, #tpu.memory_space<hbm>> -> memref<10000x128xf32, #tpu.memory_space<hbm>>
        %dma_start3A_134 = arith.constant 0 : i32
        %dma_start3A_135 = tpu.memref_slice %dma_start3A_133[%mul3A_129, %dma_start3A_134] : memref<10000x128xf32, #tpu.memory_space<hbm>> -> memref<520x128xf32, #tpu.memory_space<hbm>>
        %dma_start3A_136 = arith.constant 0 : i32
        %dma_start3A_137 = tpu.memref_slice %arg22[%mul3A_127, %dma_start3A_136] : memref<10000x128xf32, #tpu.memory_space<vmem_shared>> -> memref<520x128xf32, #tpu.memory_space<vmem_shared>>
        tpu.enqueue_dma source(%dma_start3A_137 : memref<520x128xf32, #tpu.memory_space<vmem_shared>>) target(%dma_start3A_135 : memref<520x128xf32, #tpu.memory_space<hbm>>) target_semaphore(%run_scoped3A : memref<!tpu.dma_semaphore, #tpu.memory_space<semaphore_mem>>)
        %dma_wait3A_138 = arith.constant 0 : i32
        %dma_wait3A_139 = arith.constant 0 : i32
        %dma_wait3A_140 = tpu.memref_slice %arg5[%arg0, %dma_wait3A_138, %dma_wait3A_139] : memref<2x10000x128xf32, #tpu.memory_space<hbm>> -> memref<1x10000x128xf32, #tpu.memory_space<hbm>>
        %dma_wait3A_141 = tpu.memref_squeeze %dma_wait3A_140 : memref<1x10000x128xf32, #tpu.memory_space<hbm>> -> memref<10000x128xf32, #tpu.memory_space<hbm>>
        %dma_wait3A_142 = arith.constant 0 : i32
        %dma_wait3A_143 = tpu.memref_slice %dma_wait3A_141[%mul3A_129, %dma_wait3A_142] : memref<10000x128xf32, #tpu.memory_space<hbm>> -> memref<520x128xf32, #tpu.memory_space<hbm>>
        %dma_wait3A_144 = arith.constant 0 : i32
        %dma_wait3A_145 = tpu.memref_slice %arg22[%mul3A_127, %dma_wait3A_144] : memref<10000x128xf32, #tpu.memory_space<vmem_shared>> -> memref<520x128xf32, #tpu.memory_space<vmem_shared>>
        tpu.wait_dma2 semaphore(%run_scoped3A : memref<!tpu.dma_semaphore, #tpu.memory_space<semaphore_mem>>) src(%dma_wait3A_145 : memref<520x128xf32, #tpu.memory_space<vmem_shared>>) dst(%dma_wait3A_143 : memref<520x128xf32, #tpu.memory_space<hbm>>)
        tpu.yield
      }) : () -> ()
    } else {
    }
    return
  }
}

#map = affine_map<(d0, d1) -> (0, 0)>
#map1 = affine_map<(d0, d1) -> (0)>
module attributes {stable_mosaic.version = 14 : i64} {
  func.func @k(%arg0: i32, %arg1: i32, %arg2: memref<10000x128xf32, #tpu.memory_space<hbm>>, %arg3: memref<10000x128xf32, #tpu.memory_space<hbm>>, %arg4: memref<160000xi32, #tpu.memory_space<hbm>>, %arg5: memref<160000xi32, #tpu.memory_space<hbm>>, %arg6: memref<160000x128xf32, #tpu.memory_space<hbm>>, %arg7: memref<160000x128xf32, #tpu.memory_space<hbm>>, %arg8: memref<10000xi32, #tpu.memory_space<vmem>>, %arg9: memref<80x128xf32, #tpu.memory_space<vmem>>, %arg10: memref<80x128xf32, #tpu.memory_space<vmem>>, %arg11: memref<80x128xf32, #tpu.memory_space<vmem>>, %arg12: memref<80x128xf32, #tpu.memory_space<vmem>>, %arg13: memref<10000x128xf32, #tpu.memory_space<vmem_shared>>, %arg14: memref<!tpu.dma_semaphore, #tpu.memory_space<semaphore_mem>>, %arg15: memref<!tpu.dma_semaphore, #tpu.memory_space<semaphore_mem>>, %arg16: memref<!tpu.dma_semaphore, #tpu.memory_space<semaphore_mem>>, %arg17: memref<!tpu.dma_semaphore, #tpu.memory_space<semaphore_mem>>, %arg18: memref<!tpu.dma_semaphore, #tpu.memory_space<semaphore_mem>>, %arg19: memref<!tpu.dma_semaphore, #tpu.memory_space<semaphore_mem>>, %arg20: memref<!tpu.dma_semaphore, #tpu.memory_space<semaphore_mem>>, %arg21: memref<!tpu.dma_semaphore, #tpu.memory_space<semaphore_mem>>) attributes {dimension_semantics = [#tpu.dimension_semantics<core_parallel>, #tpu.dimension_semantics<subcore_parallel>], iteration_bounds = array<i64: 2, 16>, scalar_prefetch = 0 : i64, scratch_operands = 14 : i64, tpu.core_type = #tpu.core_type<sc_vector_subcore>, window_params = [{transform_indices = #map}, {transform_indices = #map}, {transform_indices = #map1}, {transform_indices = #map1}, {transform_indices = #map}, {transform_indices = #map}]} {
    %mul3A = arith.constant 10000 : i32
    %mul3A_0 = arith.muli %arg1, %mul3A : i32
    %eq3A = arith.constant 0 : i32
    %eq3A_1 = arith.cmpi eq, %arg0, %eq3A : i32
    %convert_element_type3A = arith.extui %eq3A_1 : i1 to i32
    %cond3A = arith.constant 0 : i32
    %cond3A_2 = arith.cmpi ne, %convert_element_type3A, %cond3A : i32
    scf.if %cond3A_2 {
      %lt3A = arith.constant 15 : i32
      %lt3A_18 = arith.cmpi slt, %arg1, %lt3A : i32
      %convert_element_type3A_19 = arith.extui %lt3A_18 : i1 to i32
      %cond3A_20 = arith.constant 0 : i32
      %cond3A_21 = arith.cmpi ne, %convert_element_type3A_19, %cond3A_20 : i32
      scf.if %cond3A_21 {
        %mul3A_27 = arith.constant 632 : i32
        %mul3A_28 = arith.muli %arg1, %mul3A_27 : i32
        %mul3A_29 = arith.constant 632 : i32
        %mul3A_30 = arith.muli %arg1, %mul3A_29 : i32
        "tpu.region"() ({
          %run_scoped3A = tpu.sem_alloc : memref<!tpu.dma_semaphore, #tpu.memory_space<semaphore_mem>>
          %dma_start3A = arith.constant 0 : i32
          %dma_start3A_31 = tpu.memref_slice %arg13[%mul3A_30, %dma_start3A] : memref<10000x128xf32, #tpu.memory_space<vmem_shared>> -> memref<632x128xf32, #tpu.memory_space<vmem_shared>>
          %dma_start3A_32 = arith.constant 0 : i32
          %dma_start3A_33 = tpu.memref_slice %arg2[%mul3A_28, %dma_start3A_32] : memref<10000x128xf32, #tpu.memory_space<hbm>> -> memref<632x128xf32, #tpu.memory_space<hbm>>
          tpu.enqueue_dma source(%dma_start3A_33 : memref<632x128xf32, #tpu.memory_space<hbm>>) target(%dma_start3A_31 : memref<632x128xf32, #tpu.memory_space<vmem_shared>>) target_semaphore(%run_scoped3A : memref<!tpu.dma_semaphore, #tpu.memory_space<semaphore_mem>>)
          %dma_wait3A = arith.constant 0 : i32
          %dma_wait3A_34 = tpu.memref_slice %arg13[%mul3A_30, %dma_wait3A] : memref<10000x128xf32, #tpu.memory_space<vmem_shared>> -> memref<632x128xf32, #tpu.memory_space<vmem_shared>>
          %dma_wait3A_35 = arith.constant 0 : i32
          %dma_wait3A_36 = tpu.memref_slice %arg2[%mul3A_28, %dma_wait3A_35] : memref<10000x128xf32, #tpu.memory_space<hbm>> -> memref<632x128xf32, #tpu.memory_space<hbm>>
          tpu.wait_dma2 semaphore(%run_scoped3A : memref<!tpu.dma_semaphore, #tpu.memory_space<semaphore_mem>>) src(%dma_wait3A_36 : memref<632x128xf32, #tpu.memory_space<hbm>>) dst(%dma_wait3A_34 : memref<632x128xf32, #tpu.memory_space<vmem_shared>>)
          tpu.yield
        }) : () -> ()
      } else {
      }
      %eq3A_22 = arith.constant 15 : i32
      %eq3A_23 = arith.cmpi eq, %arg1, %eq3A_22 : i32
      %convert_element_type3A_24 = arith.extui %eq3A_23 : i1 to i32
      %cond3A_25 = arith.constant 0 : i32
      %cond3A_26 = arith.cmpi ne, %convert_element_type3A_24, %cond3A_25 : i32
      scf.if %cond3A_26 {
        %mul3A_27 = arith.constant 632 : i32
        %mul3A_28 = arith.muli %arg1, %mul3A_27 : i32
        %mul3A_29 = arith.constant 632 : i32
        %mul3A_30 = arith.muli %arg1, %mul3A_29 : i32
        "tpu.region"() ({
          %run_scoped3A = tpu.sem_alloc : memref<!tpu.dma_semaphore, #tpu.memory_space<semaphore_mem>>
          %dma_start3A = arith.constant 0 : i32
          %dma_start3A_31 = tpu.memref_slice %arg13[%mul3A_30, %dma_start3A] : memref<10000x128xf32, #tpu.memory_space<vmem_shared>> -> memref<520x128xf32, #tpu.memory_space<vmem_shared>>
          %dma_start3A_32 = arith.constant 0 : i32
          %dma_start3A_33 = tpu.memref_slice %arg2[%mul3A_28, %dma_start3A_32] : memref<10000x128xf32, #tpu.memory_space<hbm>> -> memref<520x128xf32, #tpu.memory_space<hbm>>
          tpu.enqueue_dma source(%dma_start3A_33 : memref<520x128xf32, #tpu.memory_space<hbm>>) target(%dma_start3A_31 : memref<520x128xf32, #tpu.memory_space<vmem_shared>>) target_semaphore(%run_scoped3A : memref<!tpu.dma_semaphore, #tpu.memory_space<semaphore_mem>>)
          %dma_wait3A = arith.constant 0 : i32
          %dma_wait3A_34 = tpu.memref_slice %arg13[%mul3A_30, %dma_wait3A] : memref<10000x128xf32, #tpu.memory_space<vmem_shared>> -> memref<520x128xf32, #tpu.memory_space<vmem_shared>>
          %dma_wait3A_35 = arith.constant 0 : i32
          %dma_wait3A_36 = tpu.memref_slice %arg2[%mul3A_28, %dma_wait3A_35] : memref<10000x128xf32, #tpu.memory_space<hbm>> -> memref<520x128xf32, #tpu.memory_space<hbm>>
          tpu.wait_dma2 semaphore(%run_scoped3A : memref<!tpu.dma_semaphore, #tpu.memory_space<semaphore_mem>>) src(%dma_wait3A_36 : memref<520x128xf32, #tpu.memory_space<hbm>>) dst(%dma_wait3A_34 : memref<520x128xf32, #tpu.memory_space<vmem_shared>>)
          tpu.yield
        }) : () -> ()
      } else {
      }
    } else {
    }
    %eq3A_3 = arith.constant 1 : i32
    %eq3A_4 = arith.cmpi eq, %arg0, %eq3A_3 : i32
    %convert_element_type3A_5 = arith.extui %eq3A_4 : i1 to i32
    %cond3A_6 = arith.constant 0 : i32
    %cond3A_7 = arith.cmpi ne, %convert_element_type3A_5, %cond3A_6 : i32
    scf.if %cond3A_7 {
      %lt3A = arith.constant 15 : i32
      %lt3A_18 = arith.cmpi slt, %arg1, %lt3A : i32
      %convert_element_type3A_19 = arith.extui %lt3A_18 : i1 to i32
      %cond3A_20 = arith.constant 0 : i32
      %cond3A_21 = arith.cmpi ne, %convert_element_type3A_19, %cond3A_20 : i32
      scf.if %cond3A_21 {
        %mul3A_27 = arith.constant 632 : i32
        %mul3A_28 = arith.muli %arg1, %mul3A_27 : i32
        %mul3A_29 = arith.constant 632 : i32
        %mul3A_30 = arith.muli %arg1, %mul3A_29 : i32
        "tpu.region"() ({
          %run_scoped3A = tpu.sem_alloc : memref<!tpu.dma_semaphore, #tpu.memory_space<semaphore_mem>>
          %dma_start3A = arith.constant 0 : i32
          %dma_start3A_31 = tpu.memref_slice %arg13[%mul3A_30, %dma_start3A] : memref<10000x128xf32, #tpu.memory_space<vmem_shared>> -> memref<632x128xf32, #tpu.memory_space<vmem_shared>>
          %dma_start3A_32 = arith.constant 0 : i32
          %dma_start3A_33 = tpu.memref_slice %arg3[%mul3A_28, %dma_start3A_32] : memref<10000x128xf32, #tpu.memory_space<hbm>> -> memref<632x128xf32, #tpu.memory_space<hbm>>
          tpu.enqueue_dma source(%dma_start3A_33 : memref<632x128xf32, #tpu.memory_space<hbm>>) target(%dma_start3A_31 : memref<632x128xf32, #tpu.memory_space<vmem_shared>>) target_semaphore(%run_scoped3A : memref<!tpu.dma_semaphore, #tpu.memory_space<semaphore_mem>>)
          %dma_wait3A = arith.constant 0 : i32
          %dma_wait3A_34 = tpu.memref_slice %arg13[%mul3A_30, %dma_wait3A] : memref<10000x128xf32, #tpu.memory_space<vmem_shared>> -> memref<632x128xf32, #tpu.memory_space<vmem_shared>>
          %dma_wait3A_35 = arith.constant 0 : i32
          %dma_wait3A_36 = tpu.memref_slice %arg3[%mul3A_28, %dma_wait3A_35] : memref<10000x128xf32, #tpu.memory_space<hbm>> -> memref<632x128xf32, #tpu.memory_space<hbm>>
          tpu.wait_dma2 semaphore(%run_scoped3A : memref<!tpu.dma_semaphore, #tpu.memory_space<semaphore_mem>>) src(%dma_wait3A_36 : memref<632x128xf32, #tpu.memory_space<hbm>>) dst(%dma_wait3A_34 : memref<632x128xf32, #tpu.memory_space<vmem_shared>>)
          tpu.yield
        }) : () -> ()
      } else {
      }
      %eq3A_22 = arith.constant 15 : i32
      %eq3A_23 = arith.cmpi eq, %arg1, %eq3A_22 : i32
      %convert_element_type3A_24 = arith.extui %eq3A_23 : i1 to i32
      %cond3A_25 = arith.constant 0 : i32
      %cond3A_26 = arith.cmpi ne, %convert_element_type3A_24, %cond3A_25 : i32
      scf.if %cond3A_26 {
        %mul3A_27 = arith.constant 632 : i32
        %mul3A_28 = arith.muli %arg1, %mul3A_27 : i32
        %mul3A_29 = arith.constant 632 : i32
        %mul3A_30 = arith.muli %arg1, %mul3A_29 : i32
        "tpu.region"() ({
          %run_scoped3A = tpu.sem_alloc : memref<!tpu.dma_semaphore, #tpu.memory_space<semaphore_mem>>
          %dma_start3A = arith.constant 0 : i32
          %dma_start3A_31 = tpu.memref_slice %arg13[%mul3A_30, %dma_start3A] : memref<10000x128xf32, #tpu.memory_space<vmem_shared>> -> memref<520x128xf32, #tpu.memory_space<vmem_shared>>
          %dma_start3A_32 = arith.constant 0 : i32
          %dma_start3A_33 = tpu.memref_slice %arg3[%mul3A_28, %dma_start3A_32] : memref<10000x128xf32, #tpu.memory_space<hbm>> -> memref<520x128xf32, #tpu.memory_space<hbm>>
          tpu.enqueue_dma source(%dma_start3A_33 : memref<520x128xf32, #tpu.memory_space<hbm>>) target(%dma_start3A_31 : memref<520x128xf32, #tpu.memory_space<vmem_shared>>) target_semaphore(%run_scoped3A : memref<!tpu.dma_semaphore, #tpu.memory_space<semaphore_mem>>)
          %dma_wait3A = arith.constant 0 : i32
          %dma_wait3A_34 = tpu.memref_slice %arg13[%mul3A_30, %dma_wait3A] : memref<10000x128xf32, #tpu.memory_space<vmem_shared>> -> memref<520x128xf32, #tpu.memory_space<vmem_shared>>
          %dma_wait3A_35 = arith.constant 0 : i32
          %dma_wait3A_36 = tpu.memref_slice %arg3[%mul3A_28, %dma_wait3A_35] : memref<10000x128xf32, #tpu.memory_space<hbm>> -> memref<520x128xf32, #tpu.memory_space<hbm>>
          tpu.wait_dma2 semaphore(%run_scoped3A : memref<!tpu.dma_semaphore, #tpu.memory_space<semaphore_mem>>) src(%dma_wait3A_36 : memref<520x128xf32, #tpu.memory_space<hbm>>) dst(%dma_wait3A_34 : memref<520x128xf32, #tpu.memory_space<vmem_shared>>)
          tpu.yield
        }) : () -> ()
      } else {
      }
    } else {
    }
    %barrier3A = arith.constant 0 : index
    tpu.barrier barrier_id(%barrier3A)
    %eq3A_8 = arith.constant 0 : i32
    %eq3A_9 = arith.cmpi eq, %arg0, %eq3A_8 : i32
    %convert_element_type3A_10 = arith.extui %eq3A_9 : i1 to i32
    %cond3A_11 = arith.constant 0 : i32
    %cond3A_12 = arith.cmpi ne, %convert_element_type3A_10, %cond3A_11 : i32
    scf.if %cond3A_12 {
      "tpu.region"() ({
        %run_scoped3A = tpu.sem_alloc : memref<!tpu.dma_semaphore, #tpu.memory_space<semaphore_mem>>
        %dma_start3A_56 = tpu.memref_slice %arg4[%mul3A_0] : memref<160000xi32, #tpu.memory_space<hbm>> -> memref<10000xi32, #tpu.memory_space<hbm>>
        %dma_start3A_57 = tpu.memref_slice %arg4[%mul3A_0] : memref<160000xi32, #tpu.memory_space<hbm>> -> memref<10000xi32, #tpu.memory_space<hbm>>
        tpu.enqueue_dma source(%dma_start3A_57 : memref<10000xi32, #tpu.memory_space<hbm>>) target(%arg8 : memref<10000xi32, #tpu.memory_space<vmem>>) target_semaphore(%run_scoped3A : memref<!tpu.dma_semaphore, #tpu.memory_space<semaphore_mem>>)
        %dma_wait3A_58 = tpu.memref_slice %arg4[%mul3A_0] : memref<160000xi32, #tpu.memory_space<hbm>> -> memref<10000xi32, #tpu.memory_space<hbm>>
        %dma_wait3A_59 = tpu.memref_slice %arg4[%mul3A_0] : memref<160000xi32, #tpu.memory_space<hbm>> -> memref<10000xi32, #tpu.memory_space<hbm>>
        tpu.wait_dma2 semaphore(%run_scoped3A : memref<!tpu.dma_semaphore, #tpu.memory_space<semaphore_mem>>) src(%dma_wait3A_59 : memref<10000xi32, #tpu.memory_space<hbm>>) dst(%arg8 : memref<10000xi32, #tpu.memory_space<vmem>>)
        tpu.yield
      }) : () -> ()
      %dma_start3A = arith.constant 0 : i32
      %dma_start3A_18 = tpu.memref_slice %arg8[%dma_start3A] : memref<10000xi32, #tpu.memory_space<vmem>> -> memref<80xi32, #tpu.memory_space<vmem>>
      %dma_start3A_19 = arith.constant 0 : i32
      %dma_start3A_20 = arith.constant 0 : i32
      %dma_start3A_21 = tpu.memref_slice %arg13[%dma_start3A_19, %dma_start3A_20] : memref<10000x128xf32, #tpu.memory_space<vmem_shared>> -> memref<10000x128xf32, #tpu.memory_space<vmem_shared>>
      tpu.enqueue_indirect_dma source(%dma_start3A_21 : memref<10000x128xf32, #tpu.memory_space<vmem_shared>>) target(%arg9 : memref<80x128xf32, #tpu.memory_space<vmem>>) offsets(%dma_start3A_18 : memref<80xi32, #tpu.memory_space<vmem>>) semaphore(%arg14 : memref<!tpu.dma_semaphore, #tpu.memory_space<semaphore_mem>>)
      %dma_start3A_22 = arith.constant 80 : i32
      %dma_start3A_23 = tpu.memref_slice %arg8[%dma_start3A_22] : memref<10000xi32, #tpu.memory_space<vmem>> -> memref<80xi32, #tpu.memory_space<vmem>>
      %dma_start3A_24 = arith.constant 0 : i32
      %dma_start3A_25 = arith.constant 0 : i32
      %dma_start3A_26 = tpu.memref_slice %arg13[%dma_start3A_24, %dma_start3A_25] : memref<10000x128xf32, #tpu.memory_space<vmem_shared>> -> memref<10000x128xf32, #tpu.memory_space<vmem_shared>>
      tpu.enqueue_indirect_dma source(%dma_start3A_26 : memref<10000x128xf32, #tpu.memory_space<vmem_shared>>) target(%arg10 : memref<80x128xf32, #tpu.memory_space<vmem>>) offsets(%dma_start3A_23 : memref<80xi32, #tpu.memory_space<vmem>>) semaphore(%arg15 : memref<!tpu.dma_semaphore, #tpu.memory_space<semaphore_mem>>)
      %dma_start3A_27 = arith.constant 160 : i32
      %dma_start3A_28 = tpu.memref_slice %arg8[%dma_start3A_27] : memref<10000xi32, #tpu.memory_space<vmem>> -> memref<80xi32, #tpu.memory_space<vmem>>
      %dma_start3A_29 = arith.constant 0 : i32
      %dma_start3A_30 = arith.constant 0 : i32
      %dma_start3A_31 = tpu.memref_slice %arg13[%dma_start3A_29, %dma_start3A_30] : memref<10000x128xf32, #tpu.memory_space<vmem_shared>> -> memref<10000x128xf32, #tpu.memory_space<vmem_shared>>
      tpu.enqueue_indirect_dma source(%dma_start3A_31 : memref<10000x128xf32, #tpu.memory_space<vmem_shared>>) target(%arg11 : memref<80x128xf32, #tpu.memory_space<vmem>>) offsets(%dma_start3A_28 : memref<80xi32, #tpu.memory_space<vmem>>) semaphore(%arg16 : memref<!tpu.dma_semaphore, #tpu.memory_space<semaphore_mem>>)
      %dma_start3A_32 = arith.constant 240 : i32
      %dma_start3A_33 = tpu.memref_slice %arg8[%dma_start3A_32] : memref<10000xi32, #tpu.memory_space<vmem>> -> memref<80xi32, #tpu.memory_space<vmem>>
      %dma_start3A_34 = arith.constant 0 : i32
      %dma_start3A_35 = arith.constant 0 : i32
      %dma_start3A_36 = tpu.memref_slice %arg13[%dma_start3A_34, %dma_start3A_35] : memref<10000x128xf32, #tpu.memory_space<vmem_shared>> -> memref<10000x128xf32, #tpu.memory_space<vmem_shared>>
      tpu.enqueue_indirect_dma source(%dma_start3A_36 : memref<10000x128xf32, #tpu.memory_space<vmem_shared>>) target(%arg12 : memref<80x128xf32, #tpu.memory_space<vmem>>) offsets(%dma_start3A_33 : memref<80xi32, #tpu.memory_space<vmem>>) semaphore(%arg17 : memref<!tpu.dma_semaphore, #tpu.memory_space<semaphore_mem>>)
      %scan3A = arith.constant 0 : i32
      %scan3A_37 = arith.constant 31 : i32
      %scan3A_38 = arith.addi %scan3A, %scan3A_37 : i32
      %scan3A_39 = arith.constant 1 : i32
      scf.for %scan3A_56 = %scan3A to %scan3A_38 step %scan3A_39  : i32 {
        %mul3A_57 = arith.constant 4 : i32
        %mul3A_58 = arith.muli %scan3A_56, %mul3A_57 : i32
        %add3A_59 = arith.constant 0 : i32
        %add3A_60 = arith.addi %add3A_59, %mul3A_58 : i32
        %add3A_61 = arith.constant 0 : i32
        %add3A_62 = arith.addi %add3A_60, %add3A_61 : i32
        %mul3A_63 = arith.constant 80 : i32
        %mul3A_64 = arith.muli %add3A_62, %mul3A_63 : i32
        %dma_wait3A_65 = tpu.memref_slice %arg8[%mul3A_64] : memref<10000xi32, #tpu.memory_space<vmem>> -> memref<80xi32, #tpu.memory_space<vmem>>
        %dma_wait3A_66 = arith.constant 0 : i32
        %dma_wait3A_67 = arith.constant 0 : i32
        %dma_wait3A_68 = tpu.memref_slice %arg13[%dma_wait3A_66, %dma_wait3A_67] : memref<10000x128xf32, #tpu.memory_space<vmem_shared>> -> memref<10000x128xf32, #tpu.memory_space<vmem_shared>>
        tpu.wait_indirect_dma semaphore(%arg14 : memref<!tpu.dma_semaphore, #tpu.memory_space<semaphore_mem>>) src(%dma_wait3A_68 : memref<10000x128xf32, #tpu.memory_space<vmem_shared>>) dst(%arg9 : memref<80x128xf32, #tpu.memory_space<vmem>>)
        %add3A_69 = arith.constant 0 : i32
        %add3A_70 = arith.addi %add3A_60, %add3A_69 : i32
        %mul3A_71 = arith.constant 80 : i32
        %mul3A_72 = arith.muli %add3A_70, %mul3A_71 : i32
        %add3A_73 = arith.addi %mul3A_0, %mul3A_72 : i32
        %dma_start3A_74 = arith.constant 0 : i32
        %dma_start3A_75 = tpu.memref_slice %arg6[%add3A_73, %dma_start3A_74] : memref<160000x128xf32, #tpu.memory_space<hbm>> -> memref<80x128xf32, #tpu.memory_space<hbm>>
        %dma_start3A_76 = arith.constant 0 : i32
        %dma_start3A_77 = tpu.memref_slice %arg6[%add3A_73, %dma_start3A_76] : memref<160000x128xf32, #tpu.memory_space<hbm>> -> memref<80x128xf32, #tpu.memory_space<hbm>>
        tpu.enqueue_dma source(%arg9 : memref<80x128xf32, #tpu.memory_space<vmem>>) target(%dma_start3A_77 : memref<80x128xf32, #tpu.memory_space<hbm>>) target_semaphore(%arg18 : memref<!tpu.dma_semaphore, #tpu.memory_space<semaphore_mem>>)
        %add3A_78 = arith.constant 1 : i32
        %add3A_79 = arith.addi %add3A_60, %add3A_78 : i32
        %mul3A_80 = arith.constant 80 : i32
        %mul3A_81 = arith.muli %add3A_79, %mul3A_80 : i32
        %dma_wait3A_82 = tpu.memref_slice %arg8[%mul3A_81] : memref<10000xi32, #tpu.memory_space<vmem>> -> memref<80xi32, #tpu.memory_space<vmem>>
        %dma_wait3A_83 = arith.constant 0 : i32
        %dma_wait3A_84 = arith.constant 0 : i32
        %dma_wait3A_85 = tpu.memref_slice %arg13[%dma_wait3A_83, %dma_wait3A_84] : memref<10000x128xf32, #tpu.memory_space<vmem_shared>> -> memref<10000x128xf32, #tpu.memory_space<vmem_shared>>
        tpu.wait_indirect_dma semaphore(%arg15 : memref<!tpu.dma_semaphore, #tpu.memory_space<semaphore_mem>>) src(%dma_wait3A_85 : memref<10000x128xf32, #tpu.memory_space<vmem_shared>>) dst(%arg10 : memref<80x128xf32, #tpu.memory_space<vmem>>)
        %add3A_86 = arith.constant 1 : i32
        %add3A_87 = arith.addi %add3A_60, %add3A_86 : i32
        %mul3A_88 = arith.constant 80 : i32
        %mul3A_89 = arith.muli %add3A_87, %mul3A_88 : i32
        %add3A_90 = arith.addi %mul3A_0, %mul3A_89 : i32
        %dma_start3A_91 = arith.constant 0 : i32
        %dma_start3A_92 = tpu.memref_slice %arg6[%add3A_90, %dma_start3A_91] : memref<160000x128xf32, #tpu.memory_space<hbm>> -> memref<80x128xf32, #tpu.memory_space<hbm>>
        %dma_start3A_93 = arith.constant 0 : i32
        %dma_start3A_94 = tpu.memref_slice %arg6[%add3A_90, %dma_start3A_93] : memref<160000x128xf32, #tpu.memory_space<hbm>> -> memref<80x128xf32, #tpu.memory_space<hbm>>
        tpu.enqueue_dma source(%arg10 : memref<80x128xf32, #tpu.memory_space<vmem>>) target(%dma_start3A_94 : memref<80x128xf32, #tpu.memory_space<hbm>>) target_semaphore(%arg19 : memref<!tpu.dma_semaphore, #tpu.memory_space<semaphore_mem>>)
        %add3A_95 = arith.constant 2 : i32
        %add3A_96 = arith.addi %add3A_60, %add3A_95 : i32
        %mul3A_97 = arith.constant 80 : i32
        %mul3A_98 = arith.muli %add3A_96, %mul3A_97 : i32
        %dma_wait3A_99 = tpu.memref_slice %arg8[%mul3A_98] : memref<10000xi32, #tpu.memory_space<vmem>> -> memref<80xi32, #tpu.memory_space<vmem>>
        %dma_wait3A_100 = arith.constant 0 : i32
        %dma_wait3A_101 = arith.constant 0 : i32
        %dma_wait3A_102 = tpu.memref_slice %arg13[%dma_wait3A_100, %dma_wait3A_101] : memref<10000x128xf32, #tpu.memory_space<vmem_shared>> -> memref<10000x128xf32, #tpu.memory_space<vmem_shared>>
        tpu.wait_indirect_dma semaphore(%arg16 : memref<!tpu.dma_semaphore, #tpu.memory_space<semaphore_mem>>) src(%dma_wait3A_102 : memref<10000x128xf32, #tpu.memory_space<vmem_shared>>) dst(%arg11 : memref<80x128xf32, #tpu.memory_space<vmem>>)
        %add3A_103 = arith.constant 2 : i32
        %add3A_104 = arith.addi %add3A_60, %add3A_103 : i32
        %mul3A_105 = arith.constant 80 : i32
        %mul3A_106 = arith.muli %add3A_104, %mul3A_105 : i32
        %add3A_107 = arith.addi %mul3A_0, %mul3A_106 : i32
        %dma_start3A_108 = arith.constant 0 : i32
        %dma_start3A_109 = tpu.memref_slice %arg6[%add3A_107, %dma_start3A_108] : memref<160000x128xf32, #tpu.memory_space<hbm>> -> memref<80x128xf32, #tpu.memory_space<hbm>>
        %dma_start3A_110 = arith.constant 0 : i32
        %dma_start3A_111 = tpu.memref_slice %arg6[%add3A_107, %dma_start3A_110] : memref<160000x128xf32, #tpu.memory_space<hbm>> -> memref<80x128xf32, #tpu.memory_space<hbm>>
        tpu.enqueue_dma source(%arg11 : memref<80x128xf32, #tpu.memory_space<vmem>>) target(%dma_start3A_111 : memref<80x128xf32, #tpu.memory_space<hbm>>) target_semaphore(%arg20 : memref<!tpu.dma_semaphore, #tpu.memory_space<semaphore_mem>>)
        %add3A_112 = arith.constant 3 : i32
        %add3A_113 = arith.addi %add3A_60, %add3A_112 : i32
        %mul3A_114 = arith.constant 80 : i32
        %mul3A_115 = arith.muli %add3A_113, %mul3A_114 : i32
        %dma_wait3A_116 = tpu.memref_slice %arg8[%mul3A_115] : memref<10000xi32, #tpu.memory_space<vmem>> -> memref<80xi32, #tpu.memory_space<vmem>>
        %dma_wait3A_117 = arith.constant 0 : i32
        %dma_wait3A_118 = arith.constant 0 : i32
        %dma_wait3A_119 = tpu.memref_slice %arg13[%dma_wait3A_117, %dma_wait3A_118] : memref<10000x128xf32, #tpu.memory_space<vmem_shared>> -> memref<10000x128xf32, #tpu.memory_space<vmem_shared>>
        tpu.wait_indirect_dma semaphore(%arg17 : memref<!tpu.dma_semaphore, #tpu.memory_space<semaphore_mem>>) src(%dma_wait3A_119 : memref<10000x128xf32, #tpu.memory_space<vmem_shared>>) dst(%arg12 : memref<80x128xf32, #tpu.memory_space<vmem>>)
        %add3A_120 = arith.constant 3 : i32
        %add3A_121 = arith.addi %add3A_60, %add3A_120 : i32
        %mul3A_122 = arith.constant 80 : i32
        %mul3A_123 = arith.muli %add3A_121, %mul3A_122 : i32
        %add3A_124 = arith.addi %mul3A_0, %mul3A_123 : i32
        %dma_start3A_125 = arith.constant 0 : i32
        %dma_start3A_126 = tpu.memref_slice %arg6[%add3A_124, %dma_start3A_125] : memref<160000x128xf32, #tpu.memory_space<hbm>> -> memref<80x128xf32, #tpu.memory_space<hbm>>
        %dma_start3A_127 = arith.constant 0 : i32
        %dma_start3A_128 = tpu.memref_slice %arg6[%add3A_124, %dma_start3A_127] : memref<160000x128xf32, #tpu.memory_space<hbm>> -> memref<80x128xf32, #tpu.memory_space<hbm>>
        tpu.enqueue_dma source(%arg12 : memref<80x128xf32, #tpu.memory_space<vmem>>) target(%dma_start3A_128 : memref<80x128xf32, #tpu.memory_space<hbm>>) target_semaphore(%arg21 : memref<!tpu.dma_semaphore, #tpu.memory_space<semaphore_mem>>)
        %add3A_129 = arith.constant 0 : i32
        %add3A_130 = arith.addi %add3A_60, %add3A_129 : i32
        %mul3A_131 = arith.constant 80 : i32
        %mul3A_132 = arith.muli %add3A_130, %mul3A_131 : i32
        %add3A_133 = arith.addi %mul3A_0, %mul3A_132 : i32
        %dma_wait3A_134 = arith.constant 0 : i32
        %dma_wait3A_135 = tpu.memref_slice %arg6[%add3A_133, %dma_wait3A_134] : memref<160000x128xf32, #tpu.memory_space<hbm>> -> memref<80x128xf32, #tpu.memory_space<hbm>>
        %dma_wait3A_136 = arith.constant 0 : i32
        %dma_wait3A_137 = tpu.memref_slice %arg6[%add3A_133, %dma_wait3A_136] : memref<160000x128xf32, #tpu.memory_space<hbm>> -> memref<80x128xf32, #tpu.memory_space<hbm>>
        tpu.wait_dma2 semaphore(%arg18 : memref<!tpu.dma_semaphore, #tpu.memory_space<semaphore_mem>>) src(%arg9 : memref<80x128xf32, #tpu.memory_space<vmem>>) dst(%dma_wait3A_137 : memref<80x128xf32, #tpu.memory_space<hbm>>)
        %add3A_138 = arith.constant 0 : i32
        %add3A_139 = arith.addi %add3A_60, %add3A_138 : i32
        %add3A_140 = arith.constant 4 : i32
        %add3A_141 = arith.addi %add3A_139, %add3A_140 : i32
        %lt3A = arith.constant 125 : i32
        %lt3A_142 = arith.cmpi slt, %add3A_141, %lt3A : i32
        %convert_element_type3A_143 = arith.extui %lt3A_142 : i1 to i32
        %cond3A_144 = arith.constant 0 : i32
        %cond3A_145 = arith.cmpi ne, %convert_element_type3A_143, %cond3A_144 : i32
        scf.if %cond3A_145 {
          %add3A_200 = arith.constant 0 : i32
          %add3A_201 = arith.addi %add3A_60, %add3A_200 : i32
          %add3A_202 = arith.constant 4 : i32
          %add3A_203 = arith.addi %add3A_201, %add3A_202 : i32
          %mul3A_204 = arith.constant 80 : i32
          %mul3A_205 = arith.muli %add3A_203, %mul3A_204 : i32
          %dma_start3A_206 = tpu.memref_slice %arg8[%mul3A_205] : memref<10000xi32, #tpu.memory_space<vmem>> -> memref<80xi32, #tpu.memory_space<vmem>>
          %dma_start3A_207 = arith.constant 0 : i32
          %dma_start3A_208 = arith.constant 0 : i32
          %dma_start3A_209 = tpu.memref_slice %arg13[%dma_start3A_207, %dma_start3A_208] : memref<10000x128xf32, #tpu.memory_space<vmem_shared>> -> memref<10000x128xf32, #tpu.memory_space<vmem_shared>>
          tpu.enqueue_indirect_dma source(%dma_start3A_209 : memref<10000x128xf32, #tpu.memory_space<vmem_shared>>) target(%arg9 : memref<80x128xf32, #tpu.memory_space<vmem>>) offsets(%dma_start3A_206 : memref<80xi32, #tpu.memory_space<vmem>>) semaphore(%arg14 : memref<!tpu.dma_semaphore, #tpu.memory_space<semaphore_mem>>)
        } else {
        }
        %add3A_146 = arith.constant 1 : i32
        %add3A_147 = arith.addi %add3A_60, %add3A_146 : i32
        %mul3A_148 = arith.constant 80 : i32
        %mul3A_149 = arith.muli %add3A_147, %mul3A_148 : i32
        %add3A_150 = arith.addi %mul3A_0, %mul3A_149 : i32
        %dma_wait3A_151 = arith.constant 0 : i32
        %dma_wait3A_152 = tpu.memref_slice %arg6[%add3A_150, %dma_wait3A_151] : memref<160000x128xf32, #tpu.memory_space<hbm>> -> memref<80x128xf32, #tpu.memory_space<hbm>>
        %dma_wait3A_153 = arith.constant 0 : i32
        %dma_wait3A_154 = tpu.memref_slice %arg6[%add3A_150, %dma_wait3A_153] : memref<160000x128xf32, #tpu.memory_space<hbm>> -> memref<80x128xf32, #tpu.memory_space<hbm>>
        tpu.wait_dma2 semaphore(%arg19 : memref<!tpu.dma_semaphore, #tpu.memory_space<semaphore_mem>>) src(%arg10 : memref<80x128xf32, #tpu.memory_space<vmem>>) dst(%dma_wait3A_154 : memref<80x128xf32, #tpu.memory_space<hbm>>)
        %add3A_155 = arith.constant 1 : i32
        %add3A_156 = arith.addi %add3A_60, %add3A_155 : i32
        %add3A_157 = arith.constant 4 : i32
        %add3A_158 = arith.addi %add3A_156, %add3A_157 : i32
        %lt3A_159 = arith.constant 125 : i32
        %lt3A_160 = arith.cmpi slt, %add3A_158, %lt3A_159 : i32
        %convert_element_type3A_161 = arith.extui %lt3A_160 : i1 to i32
        %cond3A_162 = arith.constant 0 : i32
        %cond3A_163 = arith.cmpi ne, %convert_element_type3A_161, %cond3A_162 : i32
        scf.if %cond3A_163 {
          %add3A_200 = arith.constant 1 : i32
          %add3A_201 = arith.addi %add3A_60, %add3A_200 : i32
          %add3A_202 = arith.constant 4 : i32
          %add3A_203 = arith.addi %add3A_201, %add3A_202 : i32
          %mul3A_204 = arith.constant 80 : i32
          %mul3A_205 = arith.muli %add3A_203, %mul3A_204 : i32
          %dma_start3A_206 = tpu.memref_slice %arg8[%mul3A_205] : memref<10000xi32, #tpu.memory_space<vmem>> -> memref<80xi32, #tpu.memory_space<vmem>>
          %dma_start3A_207 = arith.constant 0 : i32
          %dma_start3A_208 = arith.constant 0 : i32
          %dma_start3A_209 = tpu.memref_slice %arg13[%dma_start3A_207, %dma_start3A_208] : memref<10000x128xf32, #tpu.memory_space<vmem_shared>> -> memref<10000x128xf32, #tpu.memory_space<vmem_shared>>
          tpu.enqueue_indirect_dma source(%dma_start3A_209 : memref<10000x128xf32, #tpu.memory_space<vmem_shared>>) target(%arg10 : memref<80x128xf32, #tpu.memory_space<vmem>>) offsets(%dma_start3A_206 : memref<80xi32, #tpu.memory_space<vmem>>) semaphore(%arg15 : memref<!tpu.dma_semaphore, #tpu.memory_space<semaphore_mem>>)
        } else {
        }
        %add3A_164 = arith.constant 2 : i32
        %add3A_165 = arith.addi %add3A_60, %add3A_164 : i32
        %mul3A_166 = arith.constant 80 : i32
        %mul3A_167 = arith.muli %add3A_165, %mul3A_166 : i32
        %add3A_168 = arith.addi %mul3A_0, %mul3A_167 : i32
        %dma_wait3A_169 = arith.constant 0 : i32
        %dma_wait3A_170 = tpu.memref_slice %arg6[%add3A_168, %dma_wait3A_169] : memref<160000x128xf32, #tpu.memory_space<hbm>> -> memref<80x128xf32, #tpu.memory_space<hbm>>
        %dma_wait3A_171 = arith.constant 0 : i32
        %dma_wait3A_172 = tpu.memref_slice %arg6[%add3A_168, %dma_wait3A_171] : memref<160000x128xf32, #tpu.memory_space<hbm>> -> memref<80x128xf32, #tpu.memory_space<hbm>>
        tpu.wait_dma2 semaphore(%arg20 : memref<!tpu.dma_semaphore, #tpu.memory_space<semaphore_mem>>) src(%arg11 : memref<80x128xf32, #tpu.memory_space<vmem>>) dst(%dma_wait3A_172 : memref<80x128xf32, #tpu.memory_space<hbm>>)
        %add3A_173 = arith.constant 2 : i32
        %add3A_174 = arith.addi %add3A_60, %add3A_173 : i32
        %add3A_175 = arith.constant 4 : i32
        %add3A_176 = arith.addi %add3A_174, %add3A_175 : i32
        %lt3A_177 = arith.constant 125 : i32
        %lt3A_178 = arith.cmpi slt, %add3A_176, %lt3A_177 : i32
        %convert_element_type3A_179 = arith.extui %lt3A_178 : i1 to i32
        %cond3A_180 = arith.constant 0 : i32
        %cond3A_181 = arith.cmpi ne, %convert_element_type3A_179, %cond3A_180 : i32
        scf.if %cond3A_181 {
          %add3A_200 = arith.constant 2 : i32
          %add3A_201 = arith.addi %add3A_60, %add3A_200 : i32
          %add3A_202 = arith.constant 4 : i32
          %add3A_203 = arith.addi %add3A_201, %add3A_202 : i32
          %mul3A_204 = arith.constant 80 : i32
          %mul3A_205 = arith.muli %add3A_203, %mul3A_204 : i32
          %dma_start3A_206 = tpu.memref_slice %arg8[%mul3A_205] : memref<10000xi32, #tpu.memory_space<vmem>> -> memref<80xi32, #tpu.memory_space<vmem>>
          %dma_start3A_207 = arith.constant 0 : i32
          %dma_start3A_208 = arith.constant 0 : i32
          %dma_start3A_209 = tpu.memref_slice %arg13[%dma_start3A_207, %dma_start3A_208] : memref<10000x128xf32, #tpu.memory_space<vmem_shared>> -> memref<10000x128xf32, #tpu.memory_space<vmem_shared>>
          tpu.enqueue_indirect_dma source(%dma_start3A_209 : memref<10000x128xf32, #tpu.memory_space<vmem_shared>>) target(%arg11 : memref<80x128xf32, #tpu.memory_space<vmem>>) offsets(%dma_start3A_206 : memref<80xi32, #tpu.memory_space<vmem>>) semaphore(%arg16 : memref<!tpu.dma_semaphore, #tpu.memory_space<semaphore_mem>>)
        } else {
        }
        %add3A_182 = arith.constant 3 : i32
        %add3A_183 = arith.addi %add3A_60, %add3A_182 : i32
        %mul3A_184 = arith.constant 80 : i32
        %mul3A_185 = arith.muli %add3A_183, %mul3A_184 : i32
        %add3A_186 = arith.addi %mul3A_0, %mul3A_185 : i32
        %dma_wait3A_187 = arith.constant 0 : i32
        %dma_wait3A_188 = tpu.memref_slice %arg6[%add3A_186, %dma_wait3A_187] : memref<160000x128xf32, #tpu.memory_space<hbm>> -> memref<80x128xf32, #tpu.memory_space<hbm>>
        %dma_wait3A_189 = arith.constant 0 : i32
        %dma_wait3A_190 = tpu.memref_slice %arg6[%add3A_186, %dma_wait3A_189] : memref<160000x128xf32, #tpu.memory_space<hbm>> -> memref<80x128xf32, #tpu.memory_space<hbm>>
        tpu.wait_dma2 semaphore(%arg21 : memref<!tpu.dma_semaphore, #tpu.memory_space<semaphore_mem>>) src(%arg12 : memref<80x128xf32, #tpu.memory_space<vmem>>) dst(%dma_wait3A_190 : memref<80x128xf32, #tpu.memory_space<hbm>>)
        %add3A_191 = arith.constant 3 : i32
        %add3A_192 = arith.addi %add3A_60, %add3A_191 : i32
        %add3A_193 = arith.constant 4 : i32
        %add3A_194 = arith.addi %add3A_192, %add3A_193 : i32
        %lt3A_195 = arith.constant 125 : i32
        %lt3A_196 = arith.cmpi slt, %add3A_194, %lt3A_195 : i32
        %convert_element_type3A_197 = arith.extui %lt3A_196 : i1 to i32
        %cond3A_198 = arith.constant 0 : i32
        %cond3A_199 = arith.cmpi ne, %convert_element_type3A_197, %cond3A_198 : i32
        scf.if %cond3A_199 {
          %add3A_200 = arith.constant 3 : i32
          %add3A_201 = arith.addi %add3A_60, %add3A_200 : i32
          %add3A_202 = arith.constant 4 : i32
          %add3A_203 = arith.addi %add3A_201, %add3A_202 : i32
          %mul3A_204 = arith.constant 80 : i32
          %mul3A_205 = arith.muli %add3A_203, %mul3A_204 : i32
          %dma_start3A_206 = tpu.memref_slice %arg8[%mul3A_205] : memref<10000xi32, #tpu.memory_space<vmem>> -> memref<80xi32, #tpu.memory_space<vmem>>
          %dma_start3A_207 = arith.constant 0 : i32
          %dma_start3A_208 = arith.constant 0 : i32
          %dma_start3A_209 = tpu.memref_slice %arg13[%dma_start3A_207, %dma_start3A_208] : memref<10000x128xf32, #tpu.memory_space<vmem_shared>> -> memref<10000x128xf32, #tpu.memory_space<vmem_shared>>
          tpu.enqueue_indirect_dma source(%dma_start3A_209 : memref<10000x128xf32, #tpu.memory_space<vmem_shared>>) target(%arg12 : memref<80x128xf32, #tpu.memory_space<vmem>>) offsets(%dma_start3A_206 : memref<80xi32, #tpu.memory_space<vmem>>) semaphore(%arg17 : memref<!tpu.dma_semaphore, #tpu.memory_space<semaphore_mem>>)
        } else {
        }
      }
      %scan3A_40 = arith.constant 31 : i32
      %dma_wait3A = arith.constant 9920 : i32
      %dma_wait3A_41 = tpu.memref_slice %arg8[%dma_wait3A] : memref<10000xi32, #tpu.memory_space<vmem>> -> memref<80xi32, #tpu.memory_space<vmem>>
      %dma_wait3A_42 = arith.constant 0 : i32
      %dma_wait3A_43 = arith.constant 0 : i32
      %dma_wait3A_44 = tpu.memref_slice %arg13[%dma_wait3A_42, %dma_wait3A_43] : memref<10000x128xf32, #tpu.memory_space<vmem_shared>> -> memref<10000x128xf32, #tpu.memory_space<vmem_shared>>
      tpu.wait_indirect_dma semaphore(%arg14 : memref<!tpu.dma_semaphore, #tpu.memory_space<semaphore_mem>>) src(%dma_wait3A_44 : memref<10000x128xf32, #tpu.memory_space<vmem_shared>>) dst(%arg9 : memref<80x128xf32, #tpu.memory_space<vmem>>)
      %add3A = arith.constant 9920 : i32
      %add3A_45 = arith.addi %mul3A_0, %add3A : i32
      %dma_start3A_46 = arith.constant 0 : i32
      %dma_start3A_47 = tpu.memref_slice %arg6[%add3A_45, %dma_start3A_46] : memref<160000x128xf32, #tpu.memory_space<hbm>> -> memref<80x128xf32, #tpu.memory_space<hbm>>
      %dma_start3A_48 = arith.constant 0 : i32
      %dma_start3A_49 = tpu.memref_slice %arg6[%add3A_45, %dma_start3A_48] : memref<160000x128xf32, #tpu.memory_space<hbm>> -> memref<80x128xf32, #tpu.memory_space<hbm>>
      tpu.enqueue_dma source(%arg9 : memref<80x128xf32, #tpu.memory_space<vmem>>) target(%dma_start3A_49 : memref<80x128xf32, #tpu.memory_space<hbm>>) target_semaphore(%arg18 : memref<!tpu.dma_semaphore, #tpu.memory_space<semaphore_mem>>)
      %add3A_50 = arith.constant 9920 : i32
      %add3A_51 = arith.addi %mul3A_0, %add3A_50 : i32
      %dma_wait3A_52 = arith.constant 0 : i32
      %dma_wait3A_53 = tpu.memref_slice %arg6[%add3A_51, %dma_wait3A_52] : memref<160000x128xf32, #tpu.memory_space<hbm>> -> memref<80x128xf32, #tpu.memory_space<hbm>>
      %dma_wait3A_54 = arith.constant 0 : i32
      %dma_wait3A_55 = tpu.memref_slice %arg6[%add3A_51, %dma_wait3A_54] : memref<160000x128xf32, #tpu.memory_space<hbm>> -> memref<80x128xf32, #tpu.memory_space<hbm>>
      tpu.wait_dma2 semaphore(%arg18 : memref<!tpu.dma_semaphore, #tpu.memory_space<semaphore_mem>>) src(%arg9 : memref<80x128xf32, #tpu.memory_space<vmem>>) dst(%dma_wait3A_55 : memref<80x128xf32, #tpu.memory_space<hbm>>)
    } else {
    }
    %eq3A_13 = arith.constant 1 : i32
    %eq3A_14 = arith.cmpi eq, %arg0, %eq3A_13 : i32
    %convert_element_type3A_15 = arith.extui %eq3A_14 : i1 to i32
    %cond3A_16 = arith.constant 0 : i32
    %cond3A_17 = arith.cmpi ne, %convert_element_type3A_15, %cond3A_16 : i32
    scf.if %cond3A_17 {
      "tpu.region"() ({
        %run_scoped3A = tpu.sem_alloc : memref<!tpu.dma_semaphore, #tpu.memory_space<semaphore_mem>>
        %dma_start3A_56 = tpu.memref_slice %arg5[%mul3A_0] : memref<160000xi32, #tpu.memory_space<hbm>> -> memref<10000xi32, #tpu.memory_space<hbm>>
        %dma_start3A_57 = tpu.memref_slice %arg5[%mul3A_0] : memref<160000xi32, #tpu.memory_space<hbm>> -> memref<10000xi32, #tpu.memory_space<hbm>>
        tpu.enqueue_dma source(%dma_start3A_57 : memref<10000xi32, #tpu.memory_space<hbm>>) target(%arg8 : memref<10000xi32, #tpu.memory_space<vmem>>) target_semaphore(%run_scoped3A : memref<!tpu.dma_semaphore, #tpu.memory_space<semaphore_mem>>)
        %dma_wait3A_58 = tpu.memref_slice %arg5[%mul3A_0] : memref<160000xi32, #tpu.memory_space<hbm>> -> memref<10000xi32, #tpu.memory_space<hbm>>
        %dma_wait3A_59 = tpu.memref_slice %arg5[%mul3A_0] : memref<160000xi32, #tpu.memory_space<hbm>> -> memref<10000xi32, #tpu.memory_space<hbm>>
        tpu.wait_dma2 semaphore(%run_scoped3A : memref<!tpu.dma_semaphore, #tpu.memory_space<semaphore_mem>>) src(%dma_wait3A_59 : memref<10000xi32, #tpu.memory_space<hbm>>) dst(%arg8 : memref<10000xi32, #tpu.memory_space<vmem>>)
        tpu.yield
      }) : () -> ()
      %dma_start3A = arith.constant 0 : i32
      %dma_start3A_18 = tpu.memref_slice %arg8[%dma_start3A] : memref<10000xi32, #tpu.memory_space<vmem>> -> memref<80xi32, #tpu.memory_space<vmem>>
      %dma_start3A_19 = arith.constant 0 : i32
      %dma_start3A_20 = arith.constant 0 : i32
      %dma_start3A_21 = tpu.memref_slice %arg13[%dma_start3A_19, %dma_start3A_20] : memref<10000x128xf32, #tpu.memory_space<vmem_shared>> -> memref<10000x128xf32, #tpu.memory_space<vmem_shared>>
      tpu.enqueue_indirect_dma source(%dma_start3A_21 : memref<10000x128xf32, #tpu.memory_space<vmem_shared>>) target(%arg9 : memref<80x128xf32, #tpu.memory_space<vmem>>) offsets(%dma_start3A_18 : memref<80xi32, #tpu.memory_space<vmem>>) semaphore(%arg14 : memref<!tpu.dma_semaphore, #tpu.memory_space<semaphore_mem>>)
      %dma_start3A_22 = arith.constant 80 : i32
      %dma_start3A_23 = tpu.memref_slice %arg8[%dma_start3A_22] : memref<10000xi32, #tpu.memory_space<vmem>> -> memref<80xi32, #tpu.memory_space<vmem>>
      %dma_start3A_24 = arith.constant 0 : i32
      %dma_start3A_25 = arith.constant 0 : i32
      %dma_start3A_26 = tpu.memref_slice %arg13[%dma_start3A_24, %dma_start3A_25] : memref<10000x128xf32, #tpu.memory_space<vmem_shared>> -> memref<10000x128xf32, #tpu.memory_space<vmem_shared>>
      tpu.enqueue_indirect_dma source(%dma_start3A_26 : memref<10000x128xf32, #tpu.memory_space<vmem_shared>>) target(%arg10 : memref<80x128xf32, #tpu.memory_space<vmem>>) offsets(%dma_start3A_23 : memref<80xi32, #tpu.memory_space<vmem>>) semaphore(%arg15 : memref<!tpu.dma_semaphore, #tpu.memory_space<semaphore_mem>>)
      %dma_start3A_27 = arith.constant 160 : i32
      %dma_start3A_28 = tpu.memref_slice %arg8[%dma_start3A_27] : memref<10000xi32, #tpu.memory_space<vmem>> -> memref<80xi32, #tpu.memory_space<vmem>>
      %dma_start3A_29 = arith.constant 0 : i32
      %dma_start3A_30 = arith.constant 0 : i32
      %dma_start3A_31 = tpu.memref_slice %arg13[%dma_start3A_29, %dma_start3A_30] : memref<10000x128xf32, #tpu.memory_space<vmem_shared>> -> memref<10000x128xf32, #tpu.memory_space<vmem_shared>>
      tpu.enqueue_indirect_dma source(%dma_start3A_31 : memref<10000x128xf32, #tpu.memory_space<vmem_shared>>) target(%arg11 : memref<80x128xf32, #tpu.memory_space<vmem>>) offsets(%dma_start3A_28 : memref<80xi32, #tpu.memory_space<vmem>>) semaphore(%arg16 : memref<!tpu.dma_semaphore, #tpu.memory_space<semaphore_mem>>)
      %dma_start3A_32 = arith.constant 240 : i32
      %dma_start3A_33 = tpu.memref_slice %arg8[%dma_start3A_32] : memref<10000xi32, #tpu.memory_space<vmem>> -> memref<80xi32, #tpu.memory_space<vmem>>
      %dma_start3A_34 = arith.constant 0 : i32
      %dma_start3A_35 = arith.constant 0 : i32
      %dma_start3A_36 = tpu.memref_slice %arg13[%dma_start3A_34, %dma_start3A_35] : memref<10000x128xf32, #tpu.memory_space<vmem_shared>> -> memref<10000x128xf32, #tpu.memory_space<vmem_shared>>
      tpu.enqueue_indirect_dma source(%dma_start3A_36 : memref<10000x128xf32, #tpu.memory_space<vmem_shared>>) target(%arg12 : memref<80x128xf32, #tpu.memory_space<vmem>>) offsets(%dma_start3A_33 : memref<80xi32, #tpu.memory_space<vmem>>) semaphore(%arg17 : memref<!tpu.dma_semaphore, #tpu.memory_space<semaphore_mem>>)
      %scan3A = arith.constant 0 : i32
      %scan3A_37 = arith.constant 31 : i32
      %scan3A_38 = arith.addi %scan3A, %scan3A_37 : i32
      %scan3A_39 = arith.constant 1 : i32
      scf.for %scan3A_56 = %scan3A to %scan3A_38 step %scan3A_39  : i32 {
        %mul3A_57 = arith.constant 4 : i32
        %mul3A_58 = arith.muli %scan3A_56, %mul3A_57 : i32
        %add3A_59 = arith.constant 0 : i32
        %add3A_60 = arith.addi %add3A_59, %mul3A_58 : i32
        %add3A_61 = arith.constant 0 : i32
        %add3A_62 = arith.addi %add3A_60, %add3A_61 : i32
        %mul3A_63 = arith.constant 80 : i32
        %mul3A_64 = arith.muli %add3A_62, %mul3A_63 : i32
        %dma_wait3A_65 = tpu.memref_slice %arg8[%mul3A_64] : memref<10000xi32, #tpu.memory_space<vmem>> -> memref<80xi32, #tpu.memory_space<vmem>>
        %dma_wait3A_66 = arith.constant 0 : i32
        %dma_wait3A_67 = arith.constant 0 : i32
        %dma_wait3A_68 = tpu.memref_slice %arg13[%dma_wait3A_66, %dma_wait3A_67] : memref<10000x128xf32, #tpu.memory_space<vmem_shared>> -> memref<10000x128xf32, #tpu.memory_space<vmem_shared>>
        tpu.wait_indirect_dma semaphore(%arg14 : memref<!tpu.dma_semaphore, #tpu.memory_space<semaphore_mem>>) src(%dma_wait3A_68 : memref<10000x128xf32, #tpu.memory_space<vmem_shared>>) dst(%arg9 : memref<80x128xf32, #tpu.memory_space<vmem>>)
        %add3A_69 = arith.constant 0 : i32
        %add3A_70 = arith.addi %add3A_60, %add3A_69 : i32
        %mul3A_71 = arith.constant 80 : i32
        %mul3A_72 = arith.muli %add3A_70, %mul3A_71 : i32
        %add3A_73 = arith.addi %mul3A_0, %mul3A_72 : i32
        %dma_start3A_74 = arith.constant 0 : i32
        %dma_start3A_75 = tpu.memref_slice %arg7[%add3A_73, %dma_start3A_74] : memref<160000x128xf32, #tpu.memory_space<hbm>> -> memref<80x128xf32, #tpu.memory_space<hbm>>
        %dma_start3A_76 = arith.constant 0 : i32
        %dma_start3A_77 = tpu.memref_slice %arg7[%add3A_73, %dma_start3A_76] : memref<160000x128xf32, #tpu.memory_space<hbm>> -> memref<80x128xf32, #tpu.memory_space<hbm>>
        tpu.enqueue_dma source(%arg9 : memref<80x128xf32, #tpu.memory_space<vmem>>) target(%dma_start3A_77 : memref<80x128xf32, #tpu.memory_space<hbm>>) target_semaphore(%arg18 : memref<!tpu.dma_semaphore, #tpu.memory_space<semaphore_mem>>)
        %add3A_78 = arith.constant 1 : i32
        %add3A_79 = arith.addi %add3A_60, %add3A_78 : i32
        %mul3A_80 = arith.constant 80 : i32
        %mul3A_81 = arith.muli %add3A_79, %mul3A_80 : i32
        %dma_wait3A_82 = tpu.memref_slice %arg8[%mul3A_81] : memref<10000xi32, #tpu.memory_space<vmem>> -> memref<80xi32, #tpu.memory_space<vmem>>
        %dma_wait3A_83 = arith.constant 0 : i32
        %dma_wait3A_84 = arith.constant 0 : i32
        %dma_wait3A_85 = tpu.memref_slice %arg13[%dma_wait3A_83, %dma_wait3A_84] : memref<10000x128xf32, #tpu.memory_space<vmem_shared>> -> memref<10000x128xf32, #tpu.memory_space<vmem_shared>>
        tpu.wait_indirect_dma semaphore(%arg15 : memref<!tpu.dma_semaphore, #tpu.memory_space<semaphore_mem>>) src(%dma_wait3A_85 : memref<10000x128xf32, #tpu.memory_space<vmem_shared>>) dst(%arg10 : memref<80x128xf32, #tpu.memory_space<vmem>>)
        %add3A_86 = arith.constant 1 : i32
        %add3A_87 = arith.addi %add3A_60, %add3A_86 : i32
        %mul3A_88 = arith.constant 80 : i32
        %mul3A_89 = arith.muli %add3A_87, %mul3A_88 : i32
        %add3A_90 = arith.addi %mul3A_0, %mul3A_89 : i32
        %dma_start3A_91 = arith.constant 0 : i32
        %dma_start3A_92 = tpu.memref_slice %arg7[%add3A_90, %dma_start3A_91] : memref<160000x128xf32, #tpu.memory_space<hbm>> -> memref<80x128xf32, #tpu.memory_space<hbm>>
        %dma_start3A_93 = arith.constant 0 : i32
        %dma_start3A_94 = tpu.memref_slice %arg7[%add3A_90, %dma_start3A_93] : memref<160000x128xf32, #tpu.memory_space<hbm>> -> memref<80x128xf32, #tpu.memory_space<hbm>>
        tpu.enqueue_dma source(%arg10 : memref<80x128xf32, #tpu.memory_space<vmem>>) target(%dma_start3A_94 : memref<80x128xf32, #tpu.memory_space<hbm>>) target_semaphore(%arg19 : memref<!tpu.dma_semaphore, #tpu.memory_space<semaphore_mem>>)
        %add3A_95 = arith.constant 2 : i32
        %add3A_96 = arith.addi %add3A_60, %add3A_95 : i32
        %mul3A_97 = arith.constant 80 : i32
        %mul3A_98 = arith.muli %add3A_96, %mul3A_97 : i32
        %dma_wait3A_99 = tpu.memref_slice %arg8[%mul3A_98] : memref<10000xi32, #tpu.memory_space<vmem>> -> memref<80xi32, #tpu.memory_space<vmem>>
        %dma_wait3A_100 = arith.constant 0 : i32
        %dma_wait3A_101 = arith.constant 0 : i32
        %dma_wait3A_102 = tpu.memref_slice %arg13[%dma_wait3A_100, %dma_wait3A_101] : memref<10000x128xf32, #tpu.memory_space<vmem_shared>> -> memref<10000x128xf32, #tpu.memory_space<vmem_shared>>
        tpu.wait_indirect_dma semaphore(%arg16 : memref<!tpu.dma_semaphore, #tpu.memory_space<semaphore_mem>>) src(%dma_wait3A_102 : memref<10000x128xf32, #tpu.memory_space<vmem_shared>>) dst(%arg11 : memref<80x128xf32, #tpu.memory_space<vmem>>)
        %add3A_103 = arith.constant 2 : i32
        %add3A_104 = arith.addi %add3A_60, %add3A_103 : i32
        %mul3A_105 = arith.constant 80 : i32
        %mul3A_106 = arith.muli %add3A_104, %mul3A_105 : i32
        %add3A_107 = arith.addi %mul3A_0, %mul3A_106 : i32
        %dma_start3A_108 = arith.constant 0 : i32
        %dma_start3A_109 = tpu.memref_slice %arg7[%add3A_107, %dma_start3A_108] : memref<160000x128xf32, #tpu.memory_space<hbm>> -> memref<80x128xf32, #tpu.memory_space<hbm>>
        %dma_start3A_110 = arith.constant 0 : i32
        %dma_start3A_111 = tpu.memref_slice %arg7[%add3A_107, %dma_start3A_110] : memref<160000x128xf32, #tpu.memory_space<hbm>> -> memref<80x128xf32, #tpu.memory_space<hbm>>
        tpu.enqueue_dma source(%arg11 : memref<80x128xf32, #tpu.memory_space<vmem>>) target(%dma_start3A_111 : memref<80x128xf32, #tpu.memory_space<hbm>>) target_semaphore(%arg20 : memref<!tpu.dma_semaphore, #tpu.memory_space<semaphore_mem>>)
        %add3A_112 = arith.constant 3 : i32
        %add3A_113 = arith.addi %add3A_60, %add3A_112 : i32
        %mul3A_114 = arith.constant 80 : i32
        %mul3A_115 = arith.muli %add3A_113, %mul3A_114 : i32
        %dma_wait3A_116 = tpu.memref_slice %arg8[%mul3A_115] : memref<10000xi32, #tpu.memory_space<vmem>> -> memref<80xi32, #tpu.memory_space<vmem>>
        %dma_wait3A_117 = arith.constant 0 : i32
        %dma_wait3A_118 = arith.constant 0 : i32
        %dma_wait3A_119 = tpu.memref_slice %arg13[%dma_wait3A_117, %dma_wait3A_118] : memref<10000x128xf32, #tpu.memory_space<vmem_shared>> -> memref<10000x128xf32, #tpu.memory_space<vmem_shared>>
        tpu.wait_indirect_dma semaphore(%arg17 : memref<!tpu.dma_semaphore, #tpu.memory_space<semaphore_mem>>) src(%dma_wait3A_119 : memref<10000x128xf32, #tpu.memory_space<vmem_shared>>) dst(%arg12 : memref<80x128xf32, #tpu.memory_space<vmem>>)
        %add3A_120 = arith.constant 3 : i32
        %add3A_121 = arith.addi %add3A_60, %add3A_120 : i32
        %mul3A_122 = arith.constant 80 : i32
        %mul3A_123 = arith.muli %add3A_121, %mul3A_122 : i32
        %add3A_124 = arith.addi %mul3A_0, %mul3A_123 : i32
        %dma_start3A_125 = arith.constant 0 : i32
        %dma_start3A_126 = tpu.memref_slice %arg7[%add3A_124, %dma_start3A_125] : memref<160000x128xf32, #tpu.memory_space<hbm>> -> memref<80x128xf32, #tpu.memory_space<hbm>>
        %dma_start3A_127 = arith.constant 0 : i32
        %dma_start3A_128 = tpu.memref_slice %arg7[%add3A_124, %dma_start3A_127] : memref<160000x128xf32, #tpu.memory_space<hbm>> -> memref<80x128xf32, #tpu.memory_space<hbm>>
        tpu.enqueue_dma source(%arg12 : memref<80x128xf32, #tpu.memory_space<vmem>>) target(%dma_start3A_128 : memref<80x128xf32, #tpu.memory_space<hbm>>) target_semaphore(%arg21 : memref<!tpu.dma_semaphore, #tpu.memory_space<semaphore_mem>>)
        %add3A_129 = arith.constant 0 : i32
        %add3A_130 = arith.addi %add3A_60, %add3A_129 : i32
        %mul3A_131 = arith.constant 80 : i32
        %mul3A_132 = arith.muli %add3A_130, %mul3A_131 : i32
        %add3A_133 = arith.addi %mul3A_0, %mul3A_132 : i32
        %dma_wait3A_134 = arith.constant 0 : i32
        %dma_wait3A_135 = tpu.memref_slice %arg7[%add3A_133, %dma_wait3A_134] : memref<160000x128xf32, #tpu.memory_space<hbm>> -> memref<80x128xf32, #tpu.memory_space<hbm>>
        %dma_wait3A_136 = arith.constant 0 : i32
        %dma_wait3A_137 = tpu.memref_slice %arg7[%add3A_133, %dma_wait3A_136] : memref<160000x128xf32, #tpu.memory_space<hbm>> -> memref<80x128xf32, #tpu.memory_space<hbm>>
        tpu.wait_dma2 semaphore(%arg18 : memref<!tpu.dma_semaphore, #tpu.memory_space<semaphore_mem>>) src(%arg9 : memref<80x128xf32, #tpu.memory_space<vmem>>) dst(%dma_wait3A_137 : memref<80x128xf32, #tpu.memory_space<hbm>>)
        %add3A_138 = arith.constant 0 : i32
        %add3A_139 = arith.addi %add3A_60, %add3A_138 : i32
        %add3A_140 = arith.constant 4 : i32
        %add3A_141 = arith.addi %add3A_139, %add3A_140 : i32
        %lt3A = arith.constant 125 : i32
        %lt3A_142 = arith.cmpi slt, %add3A_141, %lt3A : i32
        %convert_element_type3A_143 = arith.extui %lt3A_142 : i1 to i32
        %cond3A_144 = arith.constant 0 : i32
        %cond3A_145 = arith.cmpi ne, %convert_element_type3A_143, %cond3A_144 : i32
        scf.if %cond3A_145 {
          %add3A_200 = arith.constant 0 : i32
          %add3A_201 = arith.addi %add3A_60, %add3A_200 : i32
          %add3A_202 = arith.constant 4 : i32
          %add3A_203 = arith.addi %add3A_201, %add3A_202 : i32
          %mul3A_204 = arith.constant 80 : i32
          %mul3A_205 = arith.muli %add3A_203, %mul3A_204 : i32
          %dma_start3A_206 = tpu.memref_slice %arg8[%mul3A_205] : memref<10000xi32, #tpu.memory_space<vmem>> -> memref<80xi32, #tpu.memory_space<vmem>>
          %dma_start3A_207 = arith.constant 0 : i32
          %dma_start3A_208 = arith.constant 0 : i32
          %dma_start3A_209 = tpu.memref_slice %arg13[%dma_start3A_207, %dma_start3A_208] : memref<10000x128xf32, #tpu.memory_space<vmem_shared>> -> memref<10000x128xf32, #tpu.memory_space<vmem_shared>>
          tpu.enqueue_indirect_dma source(%dma_start3A_209 : memref<10000x128xf32, #tpu.memory_space<vmem_shared>>) target(%arg9 : memref<80x128xf32, #tpu.memory_space<vmem>>) offsets(%dma_start3A_206 : memref<80xi32, #tpu.memory_space<vmem>>) semaphore(%arg14 : memref<!tpu.dma_semaphore, #tpu.memory_space<semaphore_mem>>)
        } else {
        }
        %add3A_146 = arith.constant 1 : i32
        %add3A_147 = arith.addi %add3A_60, %add3A_146 : i32
        %mul3A_148 = arith.constant 80 : i32
        %mul3A_149 = arith.muli %add3A_147, %mul3A_148 : i32
        %add3A_150 = arith.addi %mul3A_0, %mul3A_149 : i32
        %dma_wait3A_151 = arith.constant 0 : i32
        %dma_wait3A_152 = tpu.memref_slice %arg7[%add3A_150, %dma_wait3A_151] : memref<160000x128xf32, #tpu.memory_space<hbm>> -> memref<80x128xf32, #tpu.memory_space<hbm>>
        %dma_wait3A_153 = arith.constant 0 : i32
        %dma_wait3A_154 = tpu.memref_slice %arg7[%add3A_150, %dma_wait3A_153] : memref<160000x128xf32, #tpu.memory_space<hbm>> -> memref<80x128xf32, #tpu.memory_space<hbm>>
        tpu.wait_dma2 semaphore(%arg19 : memref<!tpu.dma_semaphore, #tpu.memory_space<semaphore_mem>>) src(%arg10 : memref<80x128xf32, #tpu.memory_space<vmem>>) dst(%dma_wait3A_154 : memref<80x128xf32, #tpu.memory_space<hbm>>)
        %add3A_155 = arith.constant 1 : i32
        %add3A_156 = arith.addi %add3A_60, %add3A_155 : i32
        %add3A_157 = arith.constant 4 : i32
        %add3A_158 = arith.addi %add3A_156, %add3A_157 : i32
        %lt3A_159 = arith.constant 125 : i32
        %lt3A_160 = arith.cmpi slt, %add3A_158, %lt3A_159 : i32
        %convert_element_type3A_161 = arith.extui %lt3A_160 : i1 to i32
        %cond3A_162 = arith.constant 0 : i32
        %cond3A_163 = arith.cmpi ne, %convert_element_type3A_161, %cond3A_162 : i32
        scf.if %cond3A_163 {
          %add3A_200 = arith.constant 1 : i32
          %add3A_201 = arith.addi %add3A_60, %add3A_200 : i32
          %add3A_202 = arith.constant 4 : i32
          %add3A_203 = arith.addi %add3A_201, %add3A_202 : i32
          %mul3A_204 = arith.constant 80 : i32
          %mul3A_205 = arith.muli %add3A_203, %mul3A_204 : i32
          %dma_start3A_206 = tpu.memref_slice %arg8[%mul3A_205] : memref<10000xi32, #tpu.memory_space<vmem>> -> memref<80xi32, #tpu.memory_space<vmem>>
          %dma_start3A_207 = arith.constant 0 : i32
          %dma_start3A_208 = arith.constant 0 : i32
          %dma_start3A_209 = tpu.memref_slice %arg13[%dma_start3A_207, %dma_start3A_208] : memref<10000x128xf32, #tpu.memory_space<vmem_shared>> -> memref<10000x128xf32, #tpu.memory_space<vmem_shared>>
          tpu.enqueue_indirect_dma source(%dma_start3A_209 : memref<10000x128xf32, #tpu.memory_space<vmem_shared>>) target(%arg10 : memref<80x128xf32, #tpu.memory_space<vmem>>) offsets(%dma_start3A_206 : memref<80xi32, #tpu.memory_space<vmem>>) semaphore(%arg15 : memref<!tpu.dma_semaphore, #tpu.memory_space<semaphore_mem>>)
        } else {
        }
        %add3A_164 = arith.constant 2 : i32
        %add3A_165 = arith.addi %add3A_60, %add3A_164 : i32
        %mul3A_166 = arith.constant 80 : i32
        %mul3A_167 = arith.muli %add3A_165, %mul3A_166 : i32
        %add3A_168 = arith.addi %mul3A_0, %mul3A_167 : i32
        %dma_wait3A_169 = arith.constant 0 : i32
        %dma_wait3A_170 = tpu.memref_slice %arg7[%add3A_168, %dma_wait3A_169] : memref<160000x128xf32, #tpu.memory_space<hbm>> -> memref<80x128xf32, #tpu.memory_space<hbm>>
        %dma_wait3A_171 = arith.constant 0 : i32
        %dma_wait3A_172 = tpu.memref_slice %arg7[%add3A_168, %dma_wait3A_171] : memref<160000x128xf32, #tpu.memory_space<hbm>> -> memref<80x128xf32, #tpu.memory_space<hbm>>
        tpu.wait_dma2 semaphore(%arg20 : memref<!tpu.dma_semaphore, #tpu.memory_space<semaphore_mem>>) src(%arg11 : memref<80x128xf32, #tpu.memory_space<vmem>>) dst(%dma_wait3A_172 : memref<80x128xf32, #tpu.memory_space<hbm>>)
        %add3A_173 = arith.constant 2 : i32
        %add3A_174 = arith.addi %add3A_60, %add3A_173 : i32
        %add3A_175 = arith.constant 4 : i32
        %add3A_176 = arith.addi %add3A_174, %add3A_175 : i32
        %lt3A_177 = arith.constant 125 : i32
        %lt3A_178 = arith.cmpi slt, %add3A_176, %lt3A_177 : i32
        %convert_element_type3A_179 = arith.extui %lt3A_178 : i1 to i32
        %cond3A_180 = arith.constant 0 : i32
        %cond3A_181 = arith.cmpi ne, %convert_element_type3A_179, %cond3A_180 : i32
        scf.if %cond3A_181 {
          %add3A_200 = arith.constant 2 : i32
          %add3A_201 = arith.addi %add3A_60, %add3A_200 : i32
          %add3A_202 = arith.constant 4 : i32
          %add3A_203 = arith.addi %add3A_201, %add3A_202 : i32
          %mul3A_204 = arith.constant 80 : i32
          %mul3A_205 = arith.muli %add3A_203, %mul3A_204 : i32
          %dma_start3A_206 = tpu.memref_slice %arg8[%mul3A_205] : memref<10000xi32, #tpu.memory_space<vmem>> -> memref<80xi32, #tpu.memory_space<vmem>>
          %dma_start3A_207 = arith.constant 0 : i32
          %dma_start3A_208 = arith.constant 0 : i32
          %dma_start3A_209 = tpu.memref_slice %arg13[%dma_start3A_207, %dma_start3A_208] : memref<10000x128xf32, #tpu.memory_space<vmem_shared>> -> memref<10000x128xf32, #tpu.memory_space<vmem_shared>>
          tpu.enqueue_indirect_dma source(%dma_start3A_209 : memref<10000x128xf32, #tpu.memory_space<vmem_shared>>) target(%arg11 : memref<80x128xf32, #tpu.memory_space<vmem>>) offsets(%dma_start3A_206 : memref<80xi32, #tpu.memory_space<vmem>>) semaphore(%arg16 : memref<!tpu.dma_semaphore, #tpu.memory_space<semaphore_mem>>)
        } else {
        }
        %add3A_182 = arith.constant 3 : i32
        %add3A_183 = arith.addi %add3A_60, %add3A_182 : i32
        %mul3A_184 = arith.constant 80 : i32
        %mul3A_185 = arith.muli %add3A_183, %mul3A_184 : i32
        %add3A_186 = arith.addi %mul3A_0, %mul3A_185 : i32
        %dma_wait3A_187 = arith.constant 0 : i32
        %dma_wait3A_188 = tpu.memref_slice %arg7[%add3A_186, %dma_wait3A_187] : memref<160000x128xf32, #tpu.memory_space<hbm>> -> memref<80x128xf32, #tpu.memory_space<hbm>>
        %dma_wait3A_189 = arith.constant 0 : i32
        %dma_wait3A_190 = tpu.memref_slice %arg7[%add3A_186, %dma_wait3A_189] : memref<160000x128xf32, #tpu.memory_space<hbm>> -> memref<80x128xf32, #tpu.memory_space<hbm>>
        tpu.wait_dma2 semaphore(%arg21 : memref<!tpu.dma_semaphore, #tpu.memory_space<semaphore_mem>>) src(%arg12 : memref<80x128xf32, #tpu.memory_space<vmem>>) dst(%dma_wait3A_190 : memref<80x128xf32, #tpu.memory_space<hbm>>)
        %add3A_191 = arith.constant 3 : i32
        %add3A_192 = arith.addi %add3A_60, %add3A_191 : i32
        %add3A_193 = arith.constant 4 : i32
        %add3A_194 = arith.addi %add3A_192, %add3A_193 : i32
        %lt3A_195 = arith.constant 125 : i32
        %lt3A_196 = arith.cmpi slt, %add3A_194, %lt3A_195 : i32
        %convert_element_type3A_197 = arith.extui %lt3A_196 : i1 to i32
        %cond3A_198 = arith.constant 0 : i32
        %cond3A_199 = arith.cmpi ne, %convert_element_type3A_197, %cond3A_198 : i32
        scf.if %cond3A_199 {
          %add3A_200 = arith.constant 3 : i32
          %add3A_201 = arith.addi %add3A_60, %add3A_200 : i32
          %add3A_202 = arith.constant 4 : i32
          %add3A_203 = arith.addi %add3A_201, %add3A_202 : i32
          %mul3A_204 = arith.constant 80 : i32
          %mul3A_205 = arith.muli %add3A_203, %mul3A_204 : i32
          %dma_start3A_206 = tpu.memref_slice %arg8[%mul3A_205] : memref<10000xi32, #tpu.memory_space<vmem>> -> memref<80xi32, #tpu.memory_space<vmem>>
          %dma_start3A_207 = arith.constant 0 : i32
          %dma_start3A_208 = arith.constant 0 : i32
          %dma_start3A_209 = tpu.memref_slice %arg13[%dma_start3A_207, %dma_start3A_208] : memref<10000x128xf32, #tpu.memory_space<vmem_shared>> -> memref<10000x128xf32, #tpu.memory_space<vmem_shared>>
          tpu.enqueue_indirect_dma source(%dma_start3A_209 : memref<10000x128xf32, #tpu.memory_space<vmem_shared>>) target(%arg12 : memref<80x128xf32, #tpu.memory_space<vmem>>) offsets(%dma_start3A_206 : memref<80xi32, #tpu.memory_space<vmem>>) semaphore(%arg17 : memref<!tpu.dma_semaphore, #tpu.memory_space<semaphore_mem>>)
        } else {
        }
      }
      %scan3A_40 = arith.constant 31 : i32
      %dma_wait3A = arith.constant 9920 : i32
      %dma_wait3A_41 = tpu.memref_slice %arg8[%dma_wait3A] : memref<10000xi32, #tpu.memory_space<vmem>> -> memref<80xi32, #tpu.memory_space<vmem>>
      %dma_wait3A_42 = arith.constant 0 : i32
      %dma_wait3A_43 = arith.constant 0 : i32
      %dma_wait3A_44 = tpu.memref_slice %arg13[%dma_wait3A_42, %dma_wait3A_43] : memref<10000x128xf32, #tpu.memory_space<vmem_shared>> -> memref<10000x128xf32, #tpu.memory_space<vmem_shared>>
      tpu.wait_indirect_dma semaphore(%arg14 : memref<!tpu.dma_semaphore, #tpu.memory_space<semaphore_mem>>) src(%dma_wait3A_44 : memref<10000x128xf32, #tpu.memory_space<vmem_shared>>) dst(%arg9 : memref<80x128xf32, #tpu.memory_space<vmem>>)
      %add3A = arith.constant 9920 : i32
      %add3A_45 = arith.addi %mul3A_0, %add3A : i32
      %dma_start3A_46 = arith.constant 0 : i32
      %dma_start3A_47 = tpu.memref_slice %arg7[%add3A_45, %dma_start3A_46] : memref<160000x128xf32, #tpu.memory_space<hbm>> -> memref<80x128xf32, #tpu.memory_space<hbm>>
      %dma_start3A_48 = arith.constant 0 : i32
      %dma_start3A_49 = tpu.memref_slice %arg7[%add3A_45, %dma_start3A_48] : memref<160000x128xf32, #tpu.memory_space<hbm>> -> memref<80x128xf32, #tpu.memory_space<hbm>>
      tpu.enqueue_dma source(%arg9 : memref<80x128xf32, #tpu.memory_space<vmem>>) target(%dma_start3A_49 : memref<80x128xf32, #tpu.memory_space<hbm>>) target_semaphore(%arg18 : memref<!tpu.dma_semaphore, #tpu.memory_space<semaphore_mem>>)
      %add3A_50 = arith.constant 9920 : i32
      %add3A_51 = arith.addi %mul3A_0, %add3A_50 : i32
      %dma_wait3A_52 = arith.constant 0 : i32
      %dma_wait3A_53 = tpu.memref_slice %arg7[%add3A_51, %dma_wait3A_52] : memref<160000x128xf32, #tpu.memory_space<hbm>> -> memref<80x128xf32, #tpu.memory_space<hbm>>
      %dma_wait3A_54 = arith.constant 0 : i32
      %dma_wait3A_55 = tpu.memref_slice %arg7[%add3A_51, %dma_wait3A_54] : memref<160000x128xf32, #tpu.memory_space<hbm>> -> memref<80x128xf32, #tpu.memory_space<hbm>>
      tpu.wait_dma2 semaphore(%arg18 : memref<!tpu.dma_semaphore, #tpu.memory_space<semaphore_mem>>) src(%arg9 : memref<80x128xf32, #tpu.memory_space<vmem>>) dst(%dma_wait3A_55 : memref<80x128xf32, #tpu.memory_space<hbm>>)
    } else {
    }
    return
  }
}

#map = affine_map<(d0, d1) -> (0, 0)>
#map1 = affine_map<(d0, d1) -> (0)>
module attributes {stable_mosaic.version = 14 : i64} {
  func.func @k(%arg0: i32, %arg1: i32, %arg2: memref<10000x128xf32, #tpu.memory_space<hbm>>, %arg3: memref<10000x128xf32, #tpu.memory_space<hbm>>, %arg4: memref<160000xi32, #tpu.memory_space<hbm>>, %arg5: memref<160000xi32, #tpu.memory_space<hbm>>, %arg6: memref<160000x128xf32, #tpu.memory_space<hbm>>, %arg7: memref<160000x128xf32, #tpu.memory_space<hbm>>, %arg8: memref<10000xi32, #tpu.memory_space<vmem>>, %arg9: memref<80x128xf32, #tpu.memory_space<vmem>>, %arg10: memref<80x128xf32, #tpu.memory_space<vmem>>, %arg11: memref<80x128xf32, #tpu.memory_space<vmem>>, %arg12: memref<80x128xf32, #tpu.memory_space<vmem>>, %arg13: memref<10000x128xf32, #tpu.memory_space<vmem_shared>>, %arg14: memref<!tpu.dma_semaphore, #tpu.memory_space<semaphore_mem>>, %arg15: memref<!tpu.dma_semaphore, #tpu.memory_space<semaphore_mem>>, %arg16: memref<!tpu.dma_semaphore, #tpu.memory_space<semaphore_mem>>, %arg17: memref<!tpu.dma_semaphore, #tpu.memory_space<semaphore_mem>>, %arg18: memref<!tpu.dma_semaphore, #tpu.memory_space<semaphore_mem>>, %arg19: memref<!tpu.dma_semaphore, #tpu.memory_space<semaphore_mem>>, %arg20: memref<!tpu.dma_semaphore, #tpu.memory_space<semaphore_mem>>, %arg21: memref<!tpu.dma_semaphore, #tpu.memory_space<semaphore_mem>>) attributes {dimension_semantics = [#tpu.dimension_semantics<core_parallel>, #tpu.dimension_semantics<subcore_parallel>], iteration_bounds = array<i64: 2, 16>, scalar_prefetch = 0 : i64, scratch_operands = 14 : i64, tpu.core_type = #tpu.core_type<sc_vector_subcore>, window_params = [{transform_indices = #map}, {transform_indices = #map}, {transform_indices = #map1}, {transform_indices = #map1}, {transform_indices = #map}, {transform_indices = #map}]} {
    %mul3A = arith.constant 10000 : i32
    %mul3A_0 = arith.muli %arg1, %mul3A : i32
    %eq3A = arith.constant 0 : i32
    %eq3A_1 = arith.cmpi eq, %arg0, %eq3A : i32
    %convert_element_type3A = arith.extui %eq3A_1 : i1 to i32
    %cond3A = arith.constant 0 : i32
    %cond3A_2 = arith.cmpi ne, %convert_element_type3A, %cond3A : i32
    scf.if %cond3A_2 {
      %lt3A = arith.constant 15 : i32
      %lt3A_18 = arith.cmpi slt, %arg1, %lt3A : i32
      %convert_element_type3A_19 = arith.extui %lt3A_18 : i1 to i32
      %cond3A_20 = arith.constant 0 : i32
      %cond3A_21 = arith.cmpi ne, %convert_element_type3A_19, %cond3A_20 : i32
      scf.if %cond3A_21 {
        %mul3A_27 = arith.constant 632 : i32
        %mul3A_28 = arith.muli %arg1, %mul3A_27 : i32
        %mul3A_29 = arith.constant 632 : i32
        %mul3A_30 = arith.muli %arg1, %mul3A_29 : i32
        "tpu.region"() ({
          %run_scoped3A = tpu.sem_alloc : memref<!tpu.dma_semaphore, #tpu.memory_space<semaphore_mem>>
          %dma_start3A = arith.constant 0 : i32
          %dma_start3A_31 = tpu.memref_slice %arg13[%mul3A_30, %dma_start3A] : memref<10000x128xf32, #tpu.memory_space<vmem_shared>> -> memref<632x128xf32, #tpu.memory_space<vmem_shared>>
          %dma_start3A_32 = arith.constant 0 : i32
          %dma_start3A_33 = tpu.memref_slice %arg2[%mul3A_28, %dma_start3A_32] : memref<10000x128xf32, #tpu.memory_space<hbm>> -> memref<632x128xf32, #tpu.memory_space<hbm>>
          tpu.enqueue_dma source(%dma_start3A_33 : memref<632x128xf32, #tpu.memory_space<hbm>>) target(%dma_start3A_31 : memref<632x128xf32, #tpu.memory_space<vmem_shared>>) target_semaphore(%run_scoped3A : memref<!tpu.dma_semaphore, #tpu.memory_space<semaphore_mem>>)
          %dma_wait3A = arith.constant 0 : i32
          %dma_wait3A_34 = tpu.memref_slice %arg13[%mul3A_30, %dma_wait3A] : memref<10000x128xf32, #tpu.memory_space<vmem_shared>> -> memref<632x128xf32, #tpu.memory_space<vmem_shared>>
          %dma_wait3A_35 = arith.constant 0 : i32
          %dma_wait3A_36 = tpu.memref_slice %arg2[%mul3A_28, %dma_wait3A_35] : memref<10000x128xf32, #tpu.memory_space<hbm>> -> memref<632x128xf32, #tpu.memory_space<hbm>>
          tpu.wait_dma2 semaphore(%run_scoped3A : memref<!tpu.dma_semaphore, #tpu.memory_space<semaphore_mem>>) src(%dma_wait3A_36 : memref<632x128xf32, #tpu.memory_space<hbm>>) dst(%dma_wait3A_34 : memref<632x128xf32, #tpu.memory_space<vmem_shared>>)
          tpu.yield
        }) : () -> ()
      } else {
      }
      %eq3A_22 = arith.constant 15 : i32
      %eq3A_23 = arith.cmpi eq, %arg1, %eq3A_22 : i32
      %convert_element_type3A_24 = arith.extui %eq3A_23 : i1 to i32
      %cond3A_25 = arith.constant 0 : i32
      %cond3A_26 = arith.cmpi ne, %convert_element_type3A_24, %cond3A_25 : i32
      scf.if %cond3A_26 {
        %mul3A_27 = arith.constant 632 : i32
        %mul3A_28 = arith.muli %arg1, %mul3A_27 : i32
        %mul3A_29 = arith.constant 632 : i32
        %mul3A_30 = arith.muli %arg1, %mul3A_29 : i32
        "tpu.region"() ({
          %run_scoped3A = tpu.sem_alloc : memref<!tpu.dma_semaphore, #tpu.memory_space<semaphore_mem>>
          %dma_start3A = arith.constant 0 : i32
          %dma_start3A_31 = tpu.memref_slice %arg13[%mul3A_30, %dma_start3A] : memref<10000x128xf32, #tpu.memory_space<vmem_shared>> -> memref<520x128xf32, #tpu.memory_space<vmem_shared>>
          %dma_start3A_32 = arith.constant 0 : i32
          %dma_start3A_33 = tpu.memref_slice %arg2[%mul3A_28, %dma_start3A_32] : memref<10000x128xf32, #tpu.memory_space<hbm>> -> memref<520x128xf32, #tpu.memory_space<hbm>>
          tpu.enqueue_dma source(%dma_start3A_33 : memref<520x128xf32, #tpu.memory_space<hbm>>) target(%dma_start3A_31 : memref<520x128xf32, #tpu.memory_space<vmem_shared>>) target_semaphore(%run_scoped3A : memref<!tpu.dma_semaphore, #tpu.memory_space<semaphore_mem>>)
          %dma_wait3A = arith.constant 0 : i32
          %dma_wait3A_34 = tpu.memref_slice %arg13[%mul3A_30, %dma_wait3A] : memref<10000x128xf32, #tpu.memory_space<vmem_shared>> -> memref<520x128xf32, #tpu.memory_space<vmem_shared>>
          %dma_wait3A_35 = arith.constant 0 : i32
          %dma_wait3A_36 = tpu.memref_slice %arg2[%mul3A_28, %dma_wait3A_35] : memref<10000x128xf32, #tpu.memory_space<hbm>> -> memref<520x128xf32, #tpu.memory_space<hbm>>
          tpu.wait_dma2 semaphore(%run_scoped3A : memref<!tpu.dma_semaphore, #tpu.memory_space<semaphore_mem>>) src(%dma_wait3A_36 : memref<520x128xf32, #tpu.memory_space<hbm>>) dst(%dma_wait3A_34 : memref<520x128xf32, #tpu.memory_space<vmem_shared>>)
          tpu.yield
        }) : () -> ()
      } else {
      }
    } else {
    }
    %eq3A_3 = arith.constant 1 : i32
    %eq3A_4 = arith.cmpi eq, %arg0, %eq3A_3 : i32
    %convert_element_type3A_5 = arith.extui %eq3A_4 : i1 to i32
    %cond3A_6 = arith.constant 0 : i32
    %cond3A_7 = arith.cmpi ne, %convert_element_type3A_5, %cond3A_6 : i32
    scf.if %cond3A_7 {
      %lt3A = arith.constant 15 : i32
      %lt3A_18 = arith.cmpi slt, %arg1, %lt3A : i32
      %convert_element_type3A_19 = arith.extui %lt3A_18 : i1 to i32
      %cond3A_20 = arith.constant 0 : i32
      %cond3A_21 = arith.cmpi ne, %convert_element_type3A_19, %cond3A_20 : i32
      scf.if %cond3A_21 {
        %mul3A_27 = arith.constant 632 : i32
        %mul3A_28 = arith.muli %arg1, %mul3A_27 : i32
        %mul3A_29 = arith.constant 632 : i32
        %mul3A_30 = arith.muli %arg1, %mul3A_29 : i32
        "tpu.region"() ({
          %run_scoped3A = tpu.sem_alloc : memref<!tpu.dma_semaphore, #tpu.memory_space<semaphore_mem>>
          %dma_start3A = arith.constant 0 : i32
          %dma_start3A_31 = tpu.memref_slice %arg13[%mul3A_30, %dma_start3A] : memref<10000x128xf32, #tpu.memory_space<vmem_shared>> -> memref<632x128xf32, #tpu.memory_space<vmem_shared>>
          %dma_start3A_32 = arith.constant 0 : i32
          %dma_start3A_33 = tpu.memref_slice %arg3[%mul3A_28, %dma_start3A_32] : memref<10000x128xf32, #tpu.memory_space<hbm>> -> memref<632x128xf32, #tpu.memory_space<hbm>>
          tpu.enqueue_dma source(%dma_start3A_33 : memref<632x128xf32, #tpu.memory_space<hbm>>) target(%dma_start3A_31 : memref<632x128xf32, #tpu.memory_space<vmem_shared>>) target_semaphore(%run_scoped3A : memref<!tpu.dma_semaphore, #tpu.memory_space<semaphore_mem>>)
          %dma_wait3A = arith.constant 0 : i32
          %dma_wait3A_34 = tpu.memref_slice %arg13[%mul3A_30, %dma_wait3A] : memref<10000x128xf32, #tpu.memory_space<vmem_shared>> -> memref<632x128xf32, #tpu.memory_space<vmem_shared>>
          %dma_wait3A_35 = arith.constant 0 : i32
          %dma_wait3A_36 = tpu.memref_slice %arg3[%mul3A_28, %dma_wait3A_35] : memref<10000x128xf32, #tpu.memory_space<hbm>> -> memref<632x128xf32, #tpu.memory_space<hbm>>
          tpu.wait_dma2 semaphore(%run_scoped3A : memref<!tpu.dma_semaphore, #tpu.memory_space<semaphore_mem>>) src(%dma_wait3A_36 : memref<632x128xf32, #tpu.memory_space<hbm>>) dst(%dma_wait3A_34 : memref<632x128xf32, #tpu.memory_space<vmem_shared>>)
          tpu.yield
        }) : () -> ()
      } else {
      }
      %eq3A_22 = arith.constant 15 : i32
      %eq3A_23 = arith.cmpi eq, %arg1, %eq3A_22 : i32
      %convert_element_type3A_24 = arith.extui %eq3A_23 : i1 to i32
      %cond3A_25 = arith.constant 0 : i32
      %cond3A_26 = arith.cmpi ne, %convert_element_type3A_24, %cond3A_25 : i32
      scf.if %cond3A_26 {
        %mul3A_27 = arith.constant 632 : i32
        %mul3A_28 = arith.muli %arg1, %mul3A_27 : i32
        %mul3A_29 = arith.constant 632 : i32
        %mul3A_30 = arith.muli %arg1, %mul3A_29 : i32
        "tpu.region"() ({
          %run_scoped3A = tpu.sem_alloc : memref<!tpu.dma_semaphore, #tpu.memory_space<semaphore_mem>>
          %dma_start3A = arith.constant 0 : i32
          %dma_start3A_31 = tpu.memref_slice %arg13[%mul3A_30, %dma_start3A] : memref<10000x128xf32, #tpu.memory_space<vmem_shared>> -> memref<520x128xf32, #tpu.memory_space<vmem_shared>>
          %dma_start3A_32 = arith.constant 0 : i32
          %dma_start3A_33 = tpu.memref_slice %arg3[%mul3A_28, %dma_start3A_32] : memref<10000x128xf32, #tpu.memory_space<hbm>> -> memref<520x128xf32, #tpu.memory_space<hbm>>
          tpu.enqueue_dma source(%dma_start3A_33 : memref<520x128xf32, #tpu.memory_space<hbm>>) target(%dma_start3A_31 : memref<520x128xf32, #tpu.memory_space<vmem_shared>>) target_semaphore(%run_scoped3A : memref<!tpu.dma_semaphore, #tpu.memory_space<semaphore_mem>>)
          %dma_wait3A = arith.constant 0 : i32
          %dma_wait3A_34 = tpu.memref_slice %arg13[%mul3A_30, %dma_wait3A] : memref<10000x128xf32, #tpu.memory_space<vmem_shared>> -> memref<520x128xf32, #tpu.memory_space<vmem_shared>>
          %dma_wait3A_35 = arith.constant 0 : i32
          %dma_wait3A_36 = tpu.memref_slice %arg3[%mul3A_28, %dma_wait3A_35] : memref<10000x128xf32, #tpu.memory_space<hbm>> -> memref<520x128xf32, #tpu.memory_space<hbm>>
          tpu.wait_dma2 semaphore(%run_scoped3A : memref<!tpu.dma_semaphore, #tpu.memory_space<semaphore_mem>>) src(%dma_wait3A_36 : memref<520x128xf32, #tpu.memory_space<hbm>>) dst(%dma_wait3A_34 : memref<520x128xf32, #tpu.memory_space<vmem_shared>>)
          tpu.yield
        }) : () -> ()
      } else {
      }
    } else {
    }
    %barrier3A = arith.constant 0 : index
    tpu.barrier barrier_id(%barrier3A)
    %eq3A_8 = arith.constant 0 : i32
    %eq3A_9 = arith.cmpi eq, %arg0, %eq3A_8 : i32
    %convert_element_type3A_10 = arith.extui %eq3A_9 : i1 to i32
    %cond3A_11 = arith.constant 0 : i32
    %cond3A_12 = arith.cmpi ne, %convert_element_type3A_10, %cond3A_11 : i32
    scf.if %cond3A_12 {
      "tpu.region"() ({
        %run_scoped3A = tpu.sem_alloc : memref<!tpu.dma_semaphore, #tpu.memory_space<semaphore_mem>>
        %dma_start3A_56 = tpu.memref_slice %arg4[%mul3A_0] : memref<160000xi32, #tpu.memory_space<hbm>> -> memref<10000xi32, #tpu.memory_space<hbm>>
        %dma_start3A_57 = tpu.memref_slice %arg4[%mul3A_0] : memref<160000xi32, #tpu.memory_space<hbm>> -> memref<10000xi32, #tpu.memory_space<hbm>>
        tpu.enqueue_dma source(%dma_start3A_57 : memref<10000xi32, #tpu.memory_space<hbm>>) target(%arg8 : memref<10000xi32, #tpu.memory_space<vmem>>) target_semaphore(%run_scoped3A : memref<!tpu.dma_semaphore, #tpu.memory_space<semaphore_mem>>)
        %dma_wait3A_58 = tpu.memref_slice %arg4[%mul3A_0] : memref<160000xi32, #tpu.memory_space<hbm>> -> memref<10000xi32, #tpu.memory_space<hbm>>
        %dma_wait3A_59 = tpu.memref_slice %arg4[%mul3A_0] : memref<160000xi32, #tpu.memory_space<hbm>> -> memref<10000xi32, #tpu.memory_space<hbm>>
        tpu.wait_dma2 semaphore(%run_scoped3A : memref<!tpu.dma_semaphore, #tpu.memory_space<semaphore_mem>>) src(%dma_wait3A_59 : memref<10000xi32, #tpu.memory_space<hbm>>) dst(%arg8 : memref<10000xi32, #tpu.memory_space<vmem>>)
        tpu.yield
      }) : () -> ()
      %dma_start3A = arith.constant 0 : i32
      %dma_start3A_18 = tpu.memref_slice %arg8[%dma_start3A] : memref<10000xi32, #tpu.memory_space<vmem>> -> memref<80xi32, #tpu.memory_space<vmem>>
      %dma_start3A_19 = arith.constant 0 : i32
      %dma_start3A_20 = arith.constant 0 : i32
      %dma_start3A_21 = tpu.memref_slice %arg13[%dma_start3A_19, %dma_start3A_20] : memref<10000x128xf32, #tpu.memory_space<vmem_shared>> -> memref<10000x128xf32, #tpu.memory_space<vmem_shared>>
      tpu.enqueue_indirect_dma source(%dma_start3A_21 : memref<10000x128xf32, #tpu.memory_space<vmem_shared>>) target(%arg9 : memref<80x128xf32, #tpu.memory_space<vmem>>) offsets(%dma_start3A_18 : memref<80xi32, #tpu.memory_space<vmem>>) semaphore(%arg14 : memref<!tpu.dma_semaphore, #tpu.memory_space<semaphore_mem>>)
      %dma_start3A_22 = arith.constant 80 : i32
      %dma_start3A_23 = tpu.memref_slice %arg8[%dma_start3A_22] : memref<10000xi32, #tpu.memory_space<vmem>> -> memref<80xi32, #tpu.memory_space<vmem>>
      %dma_start3A_24 = arith.constant 0 : i32
      %dma_start3A_25 = arith.constant 0 : i32
      %dma_start3A_26 = tpu.memref_slice %arg13[%dma_start3A_24, %dma_start3A_25] : memref<10000x128xf32, #tpu.memory_space<vmem_shared>> -> memref<10000x128xf32, #tpu.memory_space<vmem_shared>>
      tpu.enqueue_indirect_dma source(%dma_start3A_26 : memref<10000x128xf32, #tpu.memory_space<vmem_shared>>) target(%arg10 : memref<80x128xf32, #tpu.memory_space<vmem>>) offsets(%dma_start3A_23 : memref<80xi32, #tpu.memory_space<vmem>>) semaphore(%arg15 : memref<!tpu.dma_semaphore, #tpu.memory_space<semaphore_mem>>)
      %dma_start3A_27 = arith.constant 160 : i32
      %dma_start3A_28 = tpu.memref_slice %arg8[%dma_start3A_27] : memref<10000xi32, #tpu.memory_space<vmem>> -> memref<80xi32, #tpu.memory_space<vmem>>
      %dma_start3A_29 = arith.constant 0 : i32
      %dma_start3A_30 = arith.constant 0 : i32
      %dma_start3A_31 = tpu.memref_slice %arg13[%dma_start3A_29, %dma_start3A_30] : memref<10000x128xf32, #tpu.memory_space<vmem_shared>> -> memref<10000x128xf32, #tpu.memory_space<vmem_shared>>
      tpu.enqueue_indirect_dma source(%dma_start3A_31 : memref<10000x128xf32, #tpu.memory_space<vmem_shared>>) target(%arg11 : memref<80x128xf32, #tpu.memory_space<vmem>>) offsets(%dma_start3A_28 : memref<80xi32, #tpu.memory_space<vmem>>) semaphore(%arg16 : memref<!tpu.dma_semaphore, #tpu.memory_space<semaphore_mem>>)
      %dma_start3A_32 = arith.constant 240 : i32
      %dma_start3A_33 = tpu.memref_slice %arg8[%dma_start3A_32] : memref<10000xi32, #tpu.memory_space<vmem>> -> memref<80xi32, #tpu.memory_space<vmem>>
      %dma_start3A_34 = arith.constant 0 : i32
      %dma_start3A_35 = arith.constant 0 : i32
      %dma_start3A_36 = tpu.memref_slice %arg13[%dma_start3A_34, %dma_start3A_35] : memref<10000x128xf32, #tpu.memory_space<vmem_shared>> -> memref<10000x128xf32, #tpu.memory_space<vmem_shared>>
      tpu.enqueue_indirect_dma source(%dma_start3A_36 : memref<10000x128xf32, #tpu.memory_space<vmem_shared>>) target(%arg12 : memref<80x128xf32, #tpu.memory_space<vmem>>) offsets(%dma_start3A_33 : memref<80xi32, #tpu.memory_space<vmem>>) semaphore(%arg17 : memref<!tpu.dma_semaphore, #tpu.memory_space<semaphore_mem>>)
      %scan3A = arith.constant 0 : i32
      %scan3A_37 = arith.constant 31 : i32
      %scan3A_38 = arith.addi %scan3A, %scan3A_37 : i32
      %scan3A_39 = arith.constant 1 : i32
      scf.for %scan3A_56 = %scan3A to %scan3A_38 step %scan3A_39  : i32 {
        %mul3A_57 = arith.constant 4 : i32
        %mul3A_58 = arith.muli %scan3A_56, %mul3A_57 : i32
        %add3A_59 = arith.constant 0 : i32
        %add3A_60 = arith.addi %add3A_59, %mul3A_58 : i32
        %add3A_61 = arith.constant 0 : i32
        %add3A_62 = arith.addi %add3A_60, %add3A_61 : i32
        %mul3A_63 = arith.constant 80 : i32
        %mul3A_64 = arith.muli %add3A_62, %mul3A_63 : i32
        %dma_wait3A_65 = tpu.memref_slice %arg8[%mul3A_64] : memref<10000xi32, #tpu.memory_space<vmem>> -> memref<80xi32, #tpu.memory_space<vmem>>
        %dma_wait3A_66 = arith.constant 0 : i32
        %dma_wait3A_67 = arith.constant 0 : i32
        %dma_wait3A_68 = tpu.memref_slice %arg13[%dma_wait3A_66, %dma_wait3A_67] : memref<10000x128xf32, #tpu.memory_space<vmem_shared>> -> memref<10000x128xf32, #tpu.memory_space<vmem_shared>>
        tpu.wait_indirect_dma semaphore(%arg14 : memref<!tpu.dma_semaphore, #tpu.memory_space<semaphore_mem>>) src(%dma_wait3A_68 : memref<10000x128xf32, #tpu.memory_space<vmem_shared>>) dst(%arg9 : memref<80x128xf32, #tpu.memory_space<vmem>>)
        %add3A_69 = arith.constant 0 : i32
        %add3A_70 = arith.addi %add3A_60, %add3A_69 : i32
        %mul3A_71 = arith.constant 80 : i32
        %mul3A_72 = arith.muli %add3A_70, %mul3A_71 : i32
        %add3A_73 = arith.addi %mul3A_0, %mul3A_72 : i32
        %dma_start3A_74 = arith.constant 0 : i32
        %dma_start3A_75 = tpu.memref_slice %arg6[%add3A_73, %dma_start3A_74] : memref<160000x128xf32, #tpu.memory_space<hbm>> -> memref<80x128xf32, #tpu.memory_space<hbm>>
        %dma_start3A_76 = arith.constant 0 : i32
        %dma_start3A_77 = tpu.memref_slice %arg6[%add3A_73, %dma_start3A_76] : memref<160000x128xf32, #tpu.memory_space<hbm>> -> memref<80x128xf32, #tpu.memory_space<hbm>>
        tpu.enqueue_dma source(%arg9 : memref<80x128xf32, #tpu.memory_space<vmem>>) target(%dma_start3A_77 : memref<80x128xf32, #tpu.memory_space<hbm>>) target_semaphore(%arg18 : memref<!tpu.dma_semaphore, #tpu.memory_space<semaphore_mem>>)
        %add3A_78 = arith.constant 1 : i32
        %add3A_79 = arith.addi %add3A_60, %add3A_78 : i32
        %mul3A_80 = arith.constant 80 : i32
        %mul3A_81 = arith.muli %add3A_79, %mul3A_80 : i32
        %dma_wait3A_82 = tpu.memref_slice %arg8[%mul3A_81] : memref<10000xi32, #tpu.memory_space<vmem>> -> memref<80xi32, #tpu.memory_space<vmem>>
        %dma_wait3A_83 = arith.constant 0 : i32
        %dma_wait3A_84 = arith.constant 0 : i32
        %dma_wait3A_85 = tpu.memref_slice %arg13[%dma_wait3A_83, %dma_wait3A_84] : memref<10000x128xf32, #tpu.memory_space<vmem_shared>> -> memref<10000x128xf32, #tpu.memory_space<vmem_shared>>
        tpu.wait_indirect_dma semaphore(%arg15 : memref<!tpu.dma_semaphore, #tpu.memory_space<semaphore_mem>>) src(%dma_wait3A_85 : memref<10000x128xf32, #tpu.memory_space<vmem_shared>>) dst(%arg10 : memref<80x128xf32, #tpu.memory_space<vmem>>)
        %add3A_86 = arith.constant 1 : i32
        %add3A_87 = arith.addi %add3A_60, %add3A_86 : i32
        %mul3A_88 = arith.constant 80 : i32
        %mul3A_89 = arith.muli %add3A_87, %mul3A_88 : i32
        %add3A_90 = arith.addi %mul3A_0, %mul3A_89 : i32
        %dma_start3A_91 = arith.constant 0 : i32
        %dma_start3A_92 = tpu.memref_slice %arg6[%add3A_90, %dma_start3A_91] : memref<160000x128xf32, #tpu.memory_space<hbm>> -> memref<80x128xf32, #tpu.memory_space<hbm>>
        %dma_start3A_93 = arith.constant 0 : i32
        %dma_start3A_94 = tpu.memref_slice %arg6[%add3A_90, %dma_start3A_93] : memref<160000x128xf32, #tpu.memory_space<hbm>> -> memref<80x128xf32, #tpu.memory_space<hbm>>
        tpu.enqueue_dma source(%arg10 : memref<80x128xf32, #tpu.memory_space<vmem>>) target(%dma_start3A_94 : memref<80x128xf32, #tpu.memory_space<hbm>>) target_semaphore(%arg19 : memref<!tpu.dma_semaphore, #tpu.memory_space<semaphore_mem>>)
        %add3A_95 = arith.constant 2 : i32
        %add3A_96 = arith.addi %add3A_60, %add3A_95 : i32
        %mul3A_97 = arith.constant 80 : i32
        %mul3A_98 = arith.muli %add3A_96, %mul3A_97 : i32
        %dma_wait3A_99 = tpu.memref_slice %arg8[%mul3A_98] : memref<10000xi32, #tpu.memory_space<vmem>> -> memref<80xi32, #tpu.memory_space<vmem>>
        %dma_wait3A_100 = arith.constant 0 : i32
        %dma_wait3A_101 = arith.constant 0 : i32
        %dma_wait3A_102 = tpu.memref_slice %arg13[%dma_wait3A_100, %dma_wait3A_101] : memref<10000x128xf32, #tpu.memory_space<vmem_shared>> -> memref<10000x128xf32, #tpu.memory_space<vmem_shared>>
        tpu.wait_indirect_dma semaphore(%arg16 : memref<!tpu.dma_semaphore, #tpu.memory_space<semaphore_mem>>) src(%dma_wait3A_102 : memref<10000x128xf32, #tpu.memory_space<vmem_shared>>) dst(%arg11 : memref<80x128xf32, #tpu.memory_space<vmem>>)
        %add3A_103 = arith.constant 2 : i32
        %add3A_104 = arith.addi %add3A_60, %add3A_103 : i32
        %mul3A_105 = arith.constant 80 : i32
        %mul3A_106 = arith.muli %add3A_104, %mul3A_105 : i32
        %add3A_107 = arith.addi %mul3A_0, %mul3A_106 : i32
        %dma_start3A_108 = arith.constant 0 : i32
        %dma_start3A_109 = tpu.memref_slice %arg6[%add3A_107, %dma_start3A_108] : memref<160000x128xf32, #tpu.memory_space<hbm>> -> memref<80x128xf32, #tpu.memory_space<hbm>>
        %dma_start3A_110 = arith.constant 0 : i32
        %dma_start3A_111 = tpu.memref_slice %arg6[%add3A_107, %dma_start3A_110] : memref<160000x128xf32, #tpu.memory_space<hbm>> -> memref<80x128xf32, #tpu.memory_space<hbm>>
        tpu.enqueue_dma source(%arg11 : memref<80x128xf32, #tpu.memory_space<vmem>>) target(%dma_start3A_111 : memref<80x128xf32, #tpu.memory_space<hbm>>) target_semaphore(%arg20 : memref<!tpu.dma_semaphore, #tpu.memory_space<semaphore_mem>>)
        %add3A_112 = arith.constant 3 : i32
        %add3A_113 = arith.addi %add3A_60, %add3A_112 : i32
        %mul3A_114 = arith.constant 80 : i32
        %mul3A_115 = arith.muli %add3A_113, %mul3A_114 : i32
        %dma_wait3A_116 = tpu.memref_slice %arg8[%mul3A_115] : memref<10000xi32, #tpu.memory_space<vmem>> -> memref<80xi32, #tpu.memory_space<vmem>>
        %dma_wait3A_117 = arith.constant 0 : i32
        %dma_wait3A_118 = arith.constant 0 : i32
        %dma_wait3A_119 = tpu.memref_slice %arg13[%dma_wait3A_117, %dma_wait3A_118] : memref<10000x128xf32, #tpu.memory_space<vmem_shared>> -> memref<10000x128xf32, #tpu.memory_space<vmem_shared>>
        tpu.wait_indirect_dma semaphore(%arg17 : memref<!tpu.dma_semaphore, #tpu.memory_space<semaphore_mem>>) src(%dma_wait3A_119 : memref<10000x128xf32, #tpu.memory_space<vmem_shared>>) dst(%arg12 : memref<80x128xf32, #tpu.memory_space<vmem>>)
        %add3A_120 = arith.constant 3 : i32
        %add3A_121 = arith.addi %add3A_60, %add3A_120 : i32
        %mul3A_122 = arith.constant 80 : i32
        %mul3A_123 = arith.muli %add3A_121, %mul3A_122 : i32
        %add3A_124 = arith.addi %mul3A_0, %mul3A_123 : i32
        %dma_start3A_125 = arith.constant 0 : i32
        %dma_start3A_126 = tpu.memref_slice %arg6[%add3A_124, %dma_start3A_125] : memref<160000x128xf32, #tpu.memory_space<hbm>> -> memref<80x128xf32, #tpu.memory_space<hbm>>
        %dma_start3A_127 = arith.constant 0 : i32
        %dma_start3A_128 = tpu.memref_slice %arg6[%add3A_124, %dma_start3A_127] : memref<160000x128xf32, #tpu.memory_space<hbm>> -> memref<80x128xf32, #tpu.memory_space<hbm>>
        tpu.enqueue_dma source(%arg12 : memref<80x128xf32, #tpu.memory_space<vmem>>) target(%dma_start3A_128 : memref<80x128xf32, #tpu.memory_space<hbm>>) target_semaphore(%arg21 : memref<!tpu.dma_semaphore, #tpu.memory_space<semaphore_mem>>)
        %add3A_129 = arith.constant 0 : i32
        %add3A_130 = arith.addi %add3A_60, %add3A_129 : i32
        %mul3A_131 = arith.constant 80 : i32
        %mul3A_132 = arith.muli %add3A_130, %mul3A_131 : i32
        %add3A_133 = arith.addi %mul3A_0, %mul3A_132 : i32
        %dma_wait3A_134 = arith.constant 0 : i32
        %dma_wait3A_135 = tpu.memref_slice %arg6[%add3A_133, %dma_wait3A_134] : memref<160000x128xf32, #tpu.memory_space<hbm>> -> memref<80x128xf32, #tpu.memory_space<hbm>>
        %dma_wait3A_136 = arith.constant 0 : i32
        %dma_wait3A_137 = tpu.memref_slice %arg6[%add3A_133, %dma_wait3A_136] : memref<160000x128xf32, #tpu.memory_space<hbm>> -> memref<80x128xf32, #tpu.memory_space<hbm>>
        tpu.wait_dma2 semaphore(%arg18 : memref<!tpu.dma_semaphore, #tpu.memory_space<semaphore_mem>>) src(%arg9 : memref<80x128xf32, #tpu.memory_space<vmem>>) dst(%dma_wait3A_137 : memref<80x128xf32, #tpu.memory_space<hbm>>)
        %add3A_138 = arith.constant 0 : i32
        %add3A_139 = arith.addi %add3A_60, %add3A_138 : i32
        %add3A_140 = arith.constant 4 : i32
        %add3A_141 = arith.addi %add3A_139, %add3A_140 : i32
        %lt3A = arith.constant 125 : i32
        %lt3A_142 = arith.cmpi slt, %add3A_141, %lt3A : i32
        %convert_element_type3A_143 = arith.extui %lt3A_142 : i1 to i32
        %cond3A_144 = arith.constant 0 : i32
        %cond3A_145 = arith.cmpi ne, %convert_element_type3A_143, %cond3A_144 : i32
        scf.if %cond3A_145 {
          %add3A_200 = arith.constant 0 : i32
          %add3A_201 = arith.addi %add3A_60, %add3A_200 : i32
          %add3A_202 = arith.constant 4 : i32
          %add3A_203 = arith.addi %add3A_201, %add3A_202 : i32
          %mul3A_204 = arith.constant 80 : i32
          %mul3A_205 = arith.muli %add3A_203, %mul3A_204 : i32
          %dma_start3A_206 = tpu.memref_slice %arg8[%mul3A_205] : memref<10000xi32, #tpu.memory_space<vmem>> -> memref<80xi32, #tpu.memory_space<vmem>>
          %dma_start3A_207 = arith.constant 0 : i32
          %dma_start3A_208 = arith.constant 0 : i32
          %dma_start3A_209 = tpu.memref_slice %arg13[%dma_start3A_207, %dma_start3A_208] : memref<10000x128xf32, #tpu.memory_space<vmem_shared>> -> memref<10000x128xf32, #tpu.memory_space<vmem_shared>>
          tpu.enqueue_indirect_dma source(%dma_start3A_209 : memref<10000x128xf32, #tpu.memory_space<vmem_shared>>) target(%arg9 : memref<80x128xf32, #tpu.memory_space<vmem>>) offsets(%dma_start3A_206 : memref<80xi32, #tpu.memory_space<vmem>>) semaphore(%arg14 : memref<!tpu.dma_semaphore, #tpu.memory_space<semaphore_mem>>)
        } else {
        }
        %add3A_146 = arith.constant 1 : i32
        %add3A_147 = arith.addi %add3A_60, %add3A_146 : i32
        %mul3A_148 = arith.constant 80 : i32
        %mul3A_149 = arith.muli %add3A_147, %mul3A_148 : i32
        %add3A_150 = arith.addi %mul3A_0, %mul3A_149 : i32
        %dma_wait3A_151 = arith.constant 0 : i32
        %dma_wait3A_152 = tpu.memref_slice %arg6[%add3A_150, %dma_wait3A_151] : memref<160000x128xf32, #tpu.memory_space<hbm>> -> memref<80x128xf32, #tpu.memory_space<hbm>>
        %dma_wait3A_153 = arith.constant 0 : i32
        %dma_wait3A_154 = tpu.memref_slice %arg6[%add3A_150, %dma_wait3A_153] : memref<160000x128xf32, #tpu.memory_space<hbm>> -> memref<80x128xf32, #tpu.memory_space<hbm>>
        tpu.wait_dma2 semaphore(%arg19 : memref<!tpu.dma_semaphore, #tpu.memory_space<semaphore_mem>>) src(%arg10 : memref<80x128xf32, #tpu.memory_space<vmem>>) dst(%dma_wait3A_154 : memref<80x128xf32, #tpu.memory_space<hbm>>)
        %add3A_155 = arith.constant 1 : i32
        %add3A_156 = arith.addi %add3A_60, %add3A_155 : i32
        %add3A_157 = arith.constant 4 : i32
        %add3A_158 = arith.addi %add3A_156, %add3A_157 : i32
        %lt3A_159 = arith.constant 125 : i32
        %lt3A_160 = arith.cmpi slt, %add3A_158, %lt3A_159 : i32
        %convert_element_type3A_161 = arith.extui %lt3A_160 : i1 to i32
        %cond3A_162 = arith.constant 0 : i32
        %cond3A_163 = arith.cmpi ne, %convert_element_type3A_161, %cond3A_162 : i32
        scf.if %cond3A_163 {
          %add3A_200 = arith.constant 1 : i32
          %add3A_201 = arith.addi %add3A_60, %add3A_200 : i32
          %add3A_202 = arith.constant 4 : i32
          %add3A_203 = arith.addi %add3A_201, %add3A_202 : i32
          %mul3A_204 = arith.constant 80 : i32
          %mul3A_205 = arith.muli %add3A_203, %mul3A_204 : i32
          %dma_start3A_206 = tpu.memref_slice %arg8[%mul3A_205] : memref<10000xi32, #tpu.memory_space<vmem>> -> memref<80xi32, #tpu.memory_space<vmem>>
          %dma_start3A_207 = arith.constant 0 : i32
          %dma_start3A_208 = arith.constant 0 : i32
          %dma_start3A_209 = tpu.memref_slice %arg13[%dma_start3A_207, %dma_start3A_208] : memref<10000x128xf32, #tpu.memory_space<vmem_shared>> -> memref<10000x128xf32, #tpu.memory_space<vmem_shared>>
          tpu.enqueue_indirect_dma source(%dma_start3A_209 : memref<10000x128xf32, #tpu.memory_space<vmem_shared>>) target(%arg10 : memref<80x128xf32, #tpu.memory_space<vmem>>) offsets(%dma_start3A_206 : memref<80xi32, #tpu.memory_space<vmem>>) semaphore(%arg15 : memref<!tpu.dma_semaphore, #tpu.memory_space<semaphore_mem>>)
        } else {
        }
        %add3A_164 = arith.constant 2 : i32
        %add3A_165 = arith.addi %add3A_60, %add3A_164 : i32
        %mul3A_166 = arith.constant 80 : i32
        %mul3A_167 = arith.muli %add3A_165, %mul3A_166 : i32
        %add3A_168 = arith.addi %mul3A_0, %mul3A_167 : i32
        %dma_wait3A_169 = arith.constant 0 : i32
        %dma_wait3A_170 = tpu.memref_slice %arg6[%add3A_168, %dma_wait3A_169] : memref<160000x128xf32, #tpu.memory_space<hbm>> -> memref<80x128xf32, #tpu.memory_space<hbm>>
        %dma_wait3A_171 = arith.constant 0 : i32
        %dma_wait3A_172 = tpu.memref_slice %arg6[%add3A_168, %dma_wait3A_171] : memref<160000x128xf32, #tpu.memory_space<hbm>> -> memref<80x128xf32, #tpu.memory_space<hbm>>
        tpu.wait_dma2 semaphore(%arg20 : memref<!tpu.dma_semaphore, #tpu.memory_space<semaphore_mem>>) src(%arg11 : memref<80x128xf32, #tpu.memory_space<vmem>>) dst(%dma_wait3A_172 : memref<80x128xf32, #tpu.memory_space<hbm>>)
        %add3A_173 = arith.constant 2 : i32
        %add3A_174 = arith.addi %add3A_60, %add3A_173 : i32
        %add3A_175 = arith.constant 4 : i32
        %add3A_176 = arith.addi %add3A_174, %add3A_175 : i32
        %lt3A_177 = arith.constant 125 : i32
        %lt3A_178 = arith.cmpi slt, %add3A_176, %lt3A_177 : i32
        %convert_element_type3A_179 = arith.extui %lt3A_178 : i1 to i32
        %cond3A_180 = arith.constant 0 : i32
        %cond3A_181 = arith.cmpi ne, %convert_element_type3A_179, %cond3A_180 : i32
        scf.if %cond3A_181 {
          %add3A_200 = arith.constant 2 : i32
          %add3A_201 = arith.addi %add3A_60, %add3A_200 : i32
          %add3A_202 = arith.constant 4 : i32
          %add3A_203 = arith.addi %add3A_201, %add3A_202 : i32
          %mul3A_204 = arith.constant 80 : i32
          %mul3A_205 = arith.muli %add3A_203, %mul3A_204 : i32
          %dma_start3A_206 = tpu.memref_slice %arg8[%mul3A_205] : memref<10000xi32, #tpu.memory_space<vmem>> -> memref<80xi32, #tpu.memory_space<vmem>>
          %dma_start3A_207 = arith.constant 0 : i32
          %dma_start3A_208 = arith.constant 0 : i32
          %dma_start3A_209 = tpu.memref_slice %arg13[%dma_start3A_207, %dma_start3A_208] : memref<10000x128xf32, #tpu.memory_space<vmem_shared>> -> memref<10000x128xf32, #tpu.memory_space<vmem_shared>>
          tpu.enqueue_indirect_dma source(%dma_start3A_209 : memref<10000x128xf32, #tpu.memory_space<vmem_shared>>) target(%arg11 : memref<80x128xf32, #tpu.memory_space<vmem>>) offsets(%dma_start3A_206 : memref<80xi32, #tpu.memory_space<vmem>>) semaphore(%arg16 : memref<!tpu.dma_semaphore, #tpu.memory_space<semaphore_mem>>)
        } else {
        }
        %add3A_182 = arith.constant 3 : i32
        %add3A_183 = arith.addi %add3A_60, %add3A_182 : i32
        %mul3A_184 = arith.constant 80 : i32
        %mul3A_185 = arith.muli %add3A_183, %mul3A_184 : i32
        %add3A_186 = arith.addi %mul3A_0, %mul3A_185 : i32
        %dma_wait3A_187 = arith.constant 0 : i32
        %dma_wait3A_188 = tpu.memref_slice %arg6[%add3A_186, %dma_wait3A_187] : memref<160000x128xf32, #tpu.memory_space<hbm>> -> memref<80x128xf32, #tpu.memory_space<hbm>>
        %dma_wait3A_189 = arith.constant 0 : i32
        %dma_wait3A_190 = tpu.memref_slice %arg6[%add3A_186, %dma_wait3A_189] : memref<160000x128xf32, #tpu.memory_space<hbm>> -> memref<80x128xf32, #tpu.memory_space<hbm>>
        tpu.wait_dma2 semaphore(%arg21 : memref<!tpu.dma_semaphore, #tpu.memory_space<semaphore_mem>>) src(%arg12 : memref<80x128xf32, #tpu.memory_space<vmem>>) dst(%dma_wait3A_190 : memref<80x128xf32, #tpu.memory_space<hbm>>)
        %add3A_191 = arith.constant 3 : i32
        %add3A_192 = arith.addi %add3A_60, %add3A_191 : i32
        %add3A_193 = arith.constant 4 : i32
        %add3A_194 = arith.addi %add3A_192, %add3A_193 : i32
        %lt3A_195 = arith.constant 125 : i32
        %lt3A_196 = arith.cmpi slt, %add3A_194, %lt3A_195 : i32
        %convert_element_type3A_197 = arith.extui %lt3A_196 : i1 to i32
        %cond3A_198 = arith.constant 0 : i32
        %cond3A_199 = arith.cmpi ne, %convert_element_type3A_197, %cond3A_198 : i32
        scf.if %cond3A_199 {
          %add3A_200 = arith.constant 3 : i32
          %add3A_201 = arith.addi %add3A_60, %add3A_200 : i32
          %add3A_202 = arith.constant 4 : i32
          %add3A_203 = arith.addi %add3A_201, %add3A_202 : i32
          %mul3A_204 = arith.constant 80 : i32
          %mul3A_205 = arith.muli %add3A_203, %mul3A_204 : i32
          %dma_start3A_206 = tpu.memref_slice %arg8[%mul3A_205] : memref<10000xi32, #tpu.memory_space<vmem>> -> memref<80xi32, #tpu.memory_space<vmem>>
          %dma_start3A_207 = arith.constant 0 : i32
          %dma_start3A_208 = arith.constant 0 : i32
          %dma_start3A_209 = tpu.memref_slice %arg13[%dma_start3A_207, %dma_start3A_208] : memref<10000x128xf32, #tpu.memory_space<vmem_shared>> -> memref<10000x128xf32, #tpu.memory_space<vmem_shared>>
          tpu.enqueue_indirect_dma source(%dma_start3A_209 : memref<10000x128xf32, #tpu.memory_space<vmem_shared>>) target(%arg12 : memref<80x128xf32, #tpu.memory_space<vmem>>) offsets(%dma_start3A_206 : memref<80xi32, #tpu.memory_space<vmem>>) semaphore(%arg17 : memref<!tpu.dma_semaphore, #tpu.memory_space<semaphore_mem>>)
        } else {
        }
      }
      %scan3A_40 = arith.constant 31 : i32
      %dma_wait3A = arith.constant 9920 : i32
      %dma_wait3A_41 = tpu.memref_slice %arg8[%dma_wait3A] : memref<10000xi32, #tpu.memory_space<vmem>> -> memref<80xi32, #tpu.memory_space<vmem>>
      %dma_wait3A_42 = arith.constant 0 : i32
      %dma_wait3A_43 = arith.constant 0 : i32
      %dma_wait3A_44 = tpu.memref_slice %arg13[%dma_wait3A_42, %dma_wait3A_43] : memref<10000x128xf32, #tpu.memory_space<vmem_shared>> -> memref<10000x128xf32, #tpu.memory_space<vmem_shared>>
      tpu.wait_indirect_dma semaphore(%arg14 : memref<!tpu.dma_semaphore, #tpu.memory_space<semaphore_mem>>) src(%dma_wait3A_44 : memref<10000x128xf32, #tpu.memory_space<vmem_shared>>) dst(%arg9 : memref<80x128xf32, #tpu.memory_space<vmem>>)
      %add3A = arith.constant 9920 : i32
      %add3A_45 = arith.addi %mul3A_0, %add3A : i32
      %dma_start3A_46 = arith.constant 0 : i32
      %dma_start3A_47 = tpu.memref_slice %arg6[%add3A_45, %dma_start3A_46] : memref<160000x128xf32, #tpu.memory_space<hbm>> -> memref<80x128xf32, #tpu.memory_space<hbm>>
      %dma_start3A_48 = arith.constant 0 : i32
      %dma_start3A_49 = tpu.memref_slice %arg6[%add3A_45, %dma_start3A_48] : memref<160000x128xf32, #tpu.memory_space<hbm>> -> memref<80x128xf32, #tpu.memory_space<hbm>>
      tpu.enqueue_dma source(%arg9 : memref<80x128xf32, #tpu.memory_space<vmem>>) target(%dma_start3A_49 : memref<80x128xf32, #tpu.memory_space<hbm>>) target_semaphore(%arg18 : memref<!tpu.dma_semaphore, #tpu.memory_space<semaphore_mem>>)
      %add3A_50 = arith.constant 9920 : i32
      %add3A_51 = arith.addi %mul3A_0, %add3A_50 : i32
      %dma_wait3A_52 = arith.constant 0 : i32
      %dma_wait3A_53 = tpu.memref_slice %arg6[%add3A_51, %dma_wait3A_52] : memref<160000x128xf32, #tpu.memory_space<hbm>> -> memref<80x128xf32, #tpu.memory_space<hbm>>
      %dma_wait3A_54 = arith.constant 0 : i32
      %dma_wait3A_55 = tpu.memref_slice %arg6[%add3A_51, %dma_wait3A_54] : memref<160000x128xf32, #tpu.memory_space<hbm>> -> memref<80x128xf32, #tpu.memory_space<hbm>>
      tpu.wait_dma2 semaphore(%arg18 : memref<!tpu.dma_semaphore, #tpu.memory_space<semaphore_mem>>) src(%arg9 : memref<80x128xf32, #tpu.memory_space<vmem>>) dst(%dma_wait3A_55 : memref<80x128xf32, #tpu.memory_space<hbm>>)
    } else {
    }
    %eq3A_13 = arith.constant 1 : i32
    %eq3A_14 = arith.cmpi eq, %arg0, %eq3A_13 : i32
    %convert_element_type3A_15 = arith.extui %eq3A_14 : i1 to i32
    %cond3A_16 = arith.constant 0 : i32
    %cond3A_17 = arith.cmpi ne, %convert_element_type3A_15, %cond3A_16 : i32
    scf.if %cond3A_17 {
      "tpu.region"() ({
        %run_scoped3A = tpu.sem_alloc : memref<!tpu.dma_semaphore, #tpu.memory_space<semaphore_mem>>
        %dma_start3A_56 = tpu.memref_slice %arg5[%mul3A_0] : memref<160000xi32, #tpu.memory_space<hbm>> -> memref<10000xi32, #tpu.memory_space<hbm>>
        %dma_start3A_57 = tpu.memref_slice %arg5[%mul3A_0] : memref<160000xi32, #tpu.memory_space<hbm>> -> memref<10000xi32, #tpu.memory_space<hbm>>
        tpu.enqueue_dma source(%dma_start3A_57 : memref<10000xi32, #tpu.memory_space<hbm>>) target(%arg8 : memref<10000xi32, #tpu.memory_space<vmem>>) target_semaphore(%run_scoped3A : memref<!tpu.dma_semaphore, #tpu.memory_space<semaphore_mem>>)
        %dma_wait3A_58 = tpu.memref_slice %arg5[%mul3A_0] : memref<160000xi32, #tpu.memory_space<hbm>> -> memref<10000xi32, #tpu.memory_space<hbm>>
        %dma_wait3A_59 = tpu.memref_slice %arg5[%mul3A_0] : memref<160000xi32, #tpu.memory_space<hbm>> -> memref<10000xi32, #tpu.memory_space<hbm>>
        tpu.wait_dma2 semaphore(%run_scoped3A : memref<!tpu.dma_semaphore, #tpu.memory_space<semaphore_mem>>) src(%dma_wait3A_59 : memref<10000xi32, #tpu.memory_space<hbm>>) dst(%arg8 : memref<10000xi32, #tpu.memory_space<vmem>>)
        tpu.yield
      }) : () -> ()
      %dma_start3A = arith.constant 0 : i32
      %dma_start3A_18 = tpu.memref_slice %arg8[%dma_start3A] : memref<10000xi32, #tpu.memory_space<vmem>> -> memref<80xi32, #tpu.memory_space<vmem>>
      %dma_start3A_19 = arith.constant 0 : i32
      %dma_start3A_20 = arith.constant 0 : i32
      %dma_start3A_21 = tpu.memref_slice %arg13[%dma_start3A_19, %dma_start3A_20] : memref<10000x128xf32, #tpu.memory_space<vmem_shared>> -> memref<10000x128xf32, #tpu.memory_space<vmem_shared>>
      tpu.enqueue_indirect_dma source(%dma_start3A_21 : memref<10000x128xf32, #tpu.memory_space<vmem_shared>>) target(%arg9 : memref<80x128xf32, #tpu.memory_space<vmem>>) offsets(%dma_start3A_18 : memref<80xi32, #tpu.memory_space<vmem>>) semaphore(%arg14 : memref<!tpu.dma_semaphore, #tpu.memory_space<semaphore_mem>>)
      %dma_start3A_22 = arith.constant 80 : i32
      %dma_start3A_23 = tpu.memref_slice %arg8[%dma_start3A_22] : memref<10000xi32, #tpu.memory_space<vmem>> -> memref<80xi32, #tpu.memory_space<vmem>>
      %dma_start3A_24 = arith.constant 0 : i32
      %dma_start3A_25 = arith.constant 0 : i32
      %dma_start3A_26 = tpu.memref_slice %arg13[%dma_start3A_24, %dma_start3A_25] : memref<10000x128xf32, #tpu.memory_space<vmem_shared>> -> memref<10000x128xf32, #tpu.memory_space<vmem_shared>>
      tpu.enqueue_indirect_dma source(%dma_start3A_26 : memref<10000x128xf32, #tpu.memory_space<vmem_shared>>) target(%arg10 : memref<80x128xf32, #tpu.memory_space<vmem>>) offsets(%dma_start3A_23 : memref<80xi32, #tpu.memory_space<vmem>>) semaphore(%arg15 : memref<!tpu.dma_semaphore, #tpu.memory_space<semaphore_mem>>)
      %dma_start3A_27 = arith.constant 160 : i32
      %dma_start3A_28 = tpu.memref_slice %arg8[%dma_start3A_27] : memref<10000xi32, #tpu.memory_space<vmem>> -> memref<80xi32, #tpu.memory_space<vmem>>
      %dma_start3A_29 = arith.constant 0 : i32
      %dma_start3A_30 = arith.constant 0 : i32
      %dma_start3A_31 = tpu.memref_slice %arg13[%dma_start3A_29, %dma_start3A_30] : memref<10000x128xf32, #tpu.memory_space<vmem_shared>> -> memref<10000x128xf32, #tpu.memory_space<vmem_shared>>
      tpu.enqueue_indirect_dma source(%dma_start3A_31 : memref<10000x128xf32, #tpu.memory_space<vmem_shared>>) target(%arg11 : memref<80x128xf32, #tpu.memory_space<vmem>>) offsets(%dma_start3A_28 : memref<80xi32, #tpu.memory_space<vmem>>) semaphore(%arg16 : memref<!tpu.dma_semaphore, #tpu.memory_space<semaphore_mem>>)
      %dma_start3A_32 = arith.constant 240 : i32
      %dma_start3A_33 = tpu.memref_slice %arg8[%dma_start3A_32] : memref<10000xi32, #tpu.memory_space<vmem>> -> memref<80xi32, #tpu.memory_space<vmem>>
      %dma_start3A_34 = arith.constant 0 : i32
      %dma_start3A_35 = arith.constant 0 : i32
      %dma_start3A_36 = tpu.memref_slice %arg13[%dma_start3A_34, %dma_start3A_35] : memref<10000x128xf32, #tpu.memory_space<vmem_shared>> -> memref<10000x128xf32, #tpu.memory_space<vmem_shared>>
      tpu.enqueue_indirect_dma source(%dma_start3A_36 : memref<10000x128xf32, #tpu.memory_space<vmem_shared>>) target(%arg12 : memref<80x128xf32, #tpu.memory_space<vmem>>) offsets(%dma_start3A_33 : memref<80xi32, #tpu.memory_space<vmem>>) semaphore(%arg17 : memref<!tpu.dma_semaphore, #tpu.memory_space<semaphore_mem>>)
      %scan3A = arith.constant 0 : i32
      %scan3A_37 = arith.constant 31 : i32
      %scan3A_38 = arith.addi %scan3A, %scan3A_37 : i32
      %scan3A_39 = arith.constant 1 : i32
      scf.for %scan3A_56 = %scan3A to %scan3A_38 step %scan3A_39  : i32 {
        %mul3A_57 = arith.constant 4 : i32
        %mul3A_58 = arith.muli %scan3A_56, %mul3A_57 : i32
        %add3A_59 = arith.constant 0 : i32
        %add3A_60 = arith.addi %add3A_59, %mul3A_58 : i32
        %add3A_61 = arith.constant 0 : i32
        %add3A_62 = arith.addi %add3A_60, %add3A_61 : i32
        %mul3A_63 = arith.constant 80 : i32
        %mul3A_64 = arith.muli %add3A_62, %mul3A_63 : i32
        %dma_wait3A_65 = tpu.memref_slice %arg8[%mul3A_64] : memref<10000xi32, #tpu.memory_space<vmem>> -> memref<80xi32, #tpu.memory_space<vmem>>
        %dma_wait3A_66 = arith.constant 0 : i32
        %dma_wait3A_67 = arith.constant 0 : i32
        %dma_wait3A_68 = tpu.memref_slice %arg13[%dma_wait3A_66, %dma_wait3A_67] : memref<10000x128xf32, #tpu.memory_space<vmem_shared>> -> memref<10000x128xf32, #tpu.memory_space<vmem_shared>>
        tpu.wait_indirect_dma semaphore(%arg14 : memref<!tpu.dma_semaphore, #tpu.memory_space<semaphore_mem>>) src(%dma_wait3A_68 : memref<10000x128xf32, #tpu.memory_space<vmem_shared>>) dst(%arg9 : memref<80x128xf32, #tpu.memory_space<vmem>>)
        %add3A_69 = arith.constant 0 : i32
        %add3A_70 = arith.addi %add3A_60, %add3A_69 : i32
        %mul3A_71 = arith.constant 80 : i32
        %mul3A_72 = arith.muli %add3A_70, %mul3A_71 : i32
        %add3A_73 = arith.addi %mul3A_0, %mul3A_72 : i32
        %dma_start3A_74 = arith.constant 0 : i32
        %dma_start3A_75 = tpu.memref_slice %arg7[%add3A_73, %dma_start3A_74] : memref<160000x128xf32, #tpu.memory_space<hbm>> -> memref<80x128xf32, #tpu.memory_space<hbm>>
        %dma_start3A_76 = arith.constant 0 : i32
        %dma_start3A_77 = tpu.memref_slice %arg7[%add3A_73, %dma_start3A_76] : memref<160000x128xf32, #tpu.memory_space<hbm>> -> memref<80x128xf32, #tpu.memory_space<hbm>>
        tpu.enqueue_dma source(%arg9 : memref<80x128xf32, #tpu.memory_space<vmem>>) target(%dma_start3A_77 : memref<80x128xf32, #tpu.memory_space<hbm>>) target_semaphore(%arg18 : memref<!tpu.dma_semaphore, #tpu.memory_space<semaphore_mem>>)
        %add3A_78 = arith.constant 1 : i32
        %add3A_79 = arith.addi %add3A_60, %add3A_78 : i32
        %mul3A_80 = arith.constant 80 : i32
        %mul3A_81 = arith.muli %add3A_79, %mul3A_80 : i32
        %dma_wait3A_82 = tpu.memref_slice %arg8[%mul3A_81] : memref<10000xi32, #tpu.memory_space<vmem>> -> memref<80xi32, #tpu.memory_space<vmem>>
        %dma_wait3A_83 = arith.constant 0 : i32
        %dma_wait3A_84 = arith.constant 0 : i32
        %dma_wait3A_85 = tpu.memref_slice %arg13[%dma_wait3A_83, %dma_wait3A_84] : memref<10000x128xf32, #tpu.memory_space<vmem_shared>> -> memref<10000x128xf32, #tpu.memory_space<vmem_shared>>
        tpu.wait_indirect_dma semaphore(%arg15 : memref<!tpu.dma_semaphore, #tpu.memory_space<semaphore_mem>>) src(%dma_wait3A_85 : memref<10000x128xf32, #tpu.memory_space<vmem_shared>>) dst(%arg10 : memref<80x128xf32, #tpu.memory_space<vmem>>)
        %add3A_86 = arith.constant 1 : i32
        %add3A_87 = arith.addi %add3A_60, %add3A_86 : i32
        %mul3A_88 = arith.constant 80 : i32
        %mul3A_89 = arith.muli %add3A_87, %mul3A_88 : i32
        %add3A_90 = arith.addi %mul3A_0, %mul3A_89 : i32
        %dma_start3A_91 = arith.constant 0 : i32
        %dma_start3A_92 = tpu.memref_slice %arg7[%add3A_90, %dma_start3A_91] : memref<160000x128xf32, #tpu.memory_space<hbm>> -> memref<80x128xf32, #tpu.memory_space<hbm>>
        %dma_start3A_93 = arith.constant 0 : i32
        %dma_start3A_94 = tpu.memref_slice %arg7[%add3A_90, %dma_start3A_93] : memref<160000x128xf32, #tpu.memory_space<hbm>> -> memref<80x128xf32, #tpu.memory_space<hbm>>
        tpu.enqueue_dma source(%arg10 : memref<80x128xf32, #tpu.memory_space<vmem>>) target(%dma_start3A_94 : memref<80x128xf32, #tpu.memory_space<hbm>>) target_semaphore(%arg19 : memref<!tpu.dma_semaphore, #tpu.memory_space<semaphore_mem>>)
        %add3A_95 = arith.constant 2 : i32
        %add3A_96 = arith.addi %add3A_60, %add3A_95 : i32
        %mul3A_97 = arith.constant 80 : i32
        %mul3A_98 = arith.muli %add3A_96, %mul3A_97 : i32
        %dma_wait3A_99 = tpu.memref_slice %arg8[%mul3A_98] : memref<10000xi32, #tpu.memory_space<vmem>> -> memref<80xi32, #tpu.memory_space<vmem>>
        %dma_wait3A_100 = arith.constant 0 : i32
        %dma_wait3A_101 = arith.constant 0 : i32
        %dma_wait3A_102 = tpu.memref_slice %arg13[%dma_wait3A_100, %dma_wait3A_101] : memref<10000x128xf32, #tpu.memory_space<vmem_shared>> -> memref<10000x128xf32, #tpu.memory_space<vmem_shared>>
        tpu.wait_indirect_dma semaphore(%arg16 : memref<!tpu.dma_semaphore, #tpu.memory_space<semaphore_mem>>) src(%dma_wait3A_102 : memref<10000x128xf32, #tpu.memory_space<vmem_shared>>) dst(%arg11 : memref<80x128xf32, #tpu.memory_space<vmem>>)
        %add3A_103 = arith.constant 2 : i32
        %add3A_104 = arith.addi %add3A_60, %add3A_103 : i32
        %mul3A_105 = arith.constant 80 : i32
        %mul3A_106 = arith.muli %add3A_104, %mul3A_105 : i32
        %add3A_107 = arith.addi %mul3A_0, %mul3A_106 : i32
        %dma_start3A_108 = arith.constant 0 : i32
        %dma_start3A_109 = tpu.memref_slice %arg7[%add3A_107, %dma_start3A_108] : memref<160000x128xf32, #tpu.memory_space<hbm>> -> memref<80x128xf32, #tpu.memory_space<hbm>>
        %dma_start3A_110 = arith.constant 0 : i32
        %dma_start3A_111 = tpu.memref_slice %arg7[%add3A_107, %dma_start3A_110] : memref<160000x128xf32, #tpu.memory_space<hbm>> -> memref<80x128xf32, #tpu.memory_space<hbm>>
        tpu.enqueue_dma source(%arg11 : memref<80x128xf32, #tpu.memory_space<vmem>>) target(%dma_start3A_111 : memref<80x128xf32, #tpu.memory_space<hbm>>) target_semaphore(%arg20 : memref<!tpu.dma_semaphore, #tpu.memory_space<semaphore_mem>>)
        %add3A_112 = arith.constant 3 : i32
        %add3A_113 = arith.addi %add3A_60, %add3A_112 : i32
        %mul3A_114 = arith.constant 80 : i32
        %mul3A_115 = arith.muli %add3A_113, %mul3A_114 : i32
        %dma_wait3A_116 = tpu.memref_slice %arg8[%mul3A_115] : memref<10000xi32, #tpu.memory_space<vmem>> -> memref<80xi32, #tpu.memory_space<vmem>>
        %dma_wait3A_117 = arith.constant 0 : i32
        %dma_wait3A_118 = arith.constant 0 : i32
        %dma_wait3A_119 = tpu.memref_slice %arg13[%dma_wait3A_117, %dma_wait3A_118] : memref<10000x128xf32, #tpu.memory_space<vmem_shared>> -> memref<10000x128xf32, #tpu.memory_space<vmem_shared>>
        tpu.wait_indirect_dma semaphore(%arg17 : memref<!tpu.dma_semaphore, #tpu.memory_space<semaphore_mem>>) src(%dma_wait3A_119 : memref<10000x128xf32, #tpu.memory_space<vmem_shared>>) dst(%arg12 : memref<80x128xf32, #tpu.memory_space<vmem>>)
        %add3A_120 = arith.constant 3 : i32
        %add3A_121 = arith.addi %add3A_60, %add3A_120 : i32
        %mul3A_122 = arith.constant 80 : i32
        %mul3A_123 = arith.muli %add3A_121, %mul3A_122 : i32
        %add3A_124 = arith.addi %mul3A_0, %mul3A_123 : i32
        %dma_start3A_125 = arith.constant 0 : i32
        %dma_start3A_126 = tpu.memref_slice %arg7[%add3A_124, %dma_start3A_125] : memref<160000x128xf32, #tpu.memory_space<hbm>> -> memref<80x128xf32, #tpu.memory_space<hbm>>
        %dma_start3A_127 = arith.constant 0 : i32
        %dma_start3A_128 = tpu.memref_slice %arg7[%add3A_124, %dma_start3A_127] : memref<160000x128xf32, #tpu.memory_space<hbm>> -> memref<80x128xf32, #tpu.memory_space<hbm>>
        tpu.enqueue_dma source(%arg12 : memref<80x128xf32, #tpu.memory_space<vmem>>) target(%dma_start3A_128 : memref<80x128xf32, #tpu.memory_space<hbm>>) target_semaphore(%arg21 : memref<!tpu.dma_semaphore, #tpu.memory_space<semaphore_mem>>)
        %add3A_129 = arith.constant 0 : i32
        %add3A_130 = arith.addi %add3A_60, %add3A_129 : i32
        %mul3A_131 = arith.constant 80 : i32
        %mul3A_132 = arith.muli %add3A_130, %mul3A_131 : i32
        %add3A_133 = arith.addi %mul3A_0, %mul3A_132 : i32
        %dma_wait3A_134 = arith.constant 0 : i32
        %dma_wait3A_135 = tpu.memref_slice %arg7[%add3A_133, %dma_wait3A_134] : memref<160000x128xf32, #tpu.memory_space<hbm>> -> memref<80x128xf32, #tpu.memory_space<hbm>>
        %dma_wait3A_136 = arith.constant 0 : i32
        %dma_wait3A_137 = tpu.memref_slice %arg7[%add3A_133, %dma_wait3A_136] : memref<160000x128xf32, #tpu.memory_space<hbm>> -> memref<80x128xf32, #tpu.memory_space<hbm>>
        tpu.wait_dma2 semaphore(%arg18 : memref<!tpu.dma_semaphore, #tpu.memory_space<semaphore_mem>>) src(%arg9 : memref<80x128xf32, #tpu.memory_space<vmem>>) dst(%dma_wait3A_137 : memref<80x128xf32, #tpu.memory_space<hbm>>)
        %add3A_138 = arith.constant 0 : i32
        %add3A_139 = arith.addi %add3A_60, %add3A_138 : i32
        %add3A_140 = arith.constant 4 : i32
        %add3A_141 = arith.addi %add3A_139, %add3A_140 : i32
        %lt3A = arith.constant 125 : i32
        %lt3A_142 = arith.cmpi slt, %add3A_141, %lt3A : i32
        %convert_element_type3A_143 = arith.extui %lt3A_142 : i1 to i32
        %cond3A_144 = arith.constant 0 : i32
        %cond3A_145 = arith.cmpi ne, %convert_element_type3A_143, %cond3A_144 : i32
        scf.if %cond3A_145 {
          %add3A_200 = arith.constant 0 : i32
          %add3A_201 = arith.addi %add3A_60, %add3A_200 : i32
          %add3A_202 = arith.constant 4 : i32
          %add3A_203 = arith.addi %add3A_201, %add3A_202 : i32
          %mul3A_204 = arith.constant 80 : i32
          %mul3A_205 = arith.muli %add3A_203, %mul3A_204 : i32
          %dma_start3A_206 = tpu.memref_slice %arg8[%mul3A_205] : memref<10000xi32, #tpu.memory_space<vmem>> -> memref<80xi32, #tpu.memory_space<vmem>>
          %dma_start3A_207 = arith.constant 0 : i32
          %dma_start3A_208 = arith.constant 0 : i32
          %dma_start3A_209 = tpu.memref_slice %arg13[%dma_start3A_207, %dma_start3A_208] : memref<10000x128xf32, #tpu.memory_space<vmem_shared>> -> memref<10000x128xf32, #tpu.memory_space<vmem_shared>>
          tpu.enqueue_indirect_dma source(%dma_start3A_209 : memref<10000x128xf32, #tpu.memory_space<vmem_shared>>) target(%arg9 : memref<80x128xf32, #tpu.memory_space<vmem>>) offsets(%dma_start3A_206 : memref<80xi32, #tpu.memory_space<vmem>>) semaphore(%arg14 : memref<!tpu.dma_semaphore, #tpu.memory_space<semaphore_mem>>)
        } else {
        }
        %add3A_146 = arith.constant 1 : i32
        %add3A_147 = arith.addi %add3A_60, %add3A_146 : i32
        %mul3A_148 = arith.constant 80 : i32
        %mul3A_149 = arith.muli %add3A_147, %mul3A_148 : i32
        %add3A_150 = arith.addi %mul3A_0, %mul3A_149 : i32
        %dma_wait3A_151 = arith.constant 0 : i32
        %dma_wait3A_152 = tpu.memref_slice %arg7[%add3A_150, %dma_wait3A_151] : memref<160000x128xf32, #tpu.memory_space<hbm>> -> memref<80x128xf32, #tpu.memory_space<hbm>>
        %dma_wait3A_153 = arith.constant 0 : i32
        %dma_wait3A_154 = tpu.memref_slice %arg7[%add3A_150, %dma_wait3A_153] : memref<160000x128xf32, #tpu.memory_space<hbm>> -> memref<80x128xf32, #tpu.memory_space<hbm>>
        tpu.wait_dma2 semaphore(%arg19 : memref<!tpu.dma_semaphore, #tpu.memory_space<semaphore_mem>>) src(%arg10 : memref<80x128xf32, #tpu.memory_space<vmem>>) dst(%dma_wait3A_154 : memref<80x128xf32, #tpu.memory_space<hbm>>)
        %add3A_155 = arith.constant 1 : i32
        %add3A_156 = arith.addi %add3A_60, %add3A_155 : i32
        %add3A_157 = arith.constant 4 : i32
        %add3A_158 = arith.addi %add3A_156, %add3A_157 : i32
        %lt3A_159 = arith.constant 125 : i32
        %lt3A_160 = arith.cmpi slt, %add3A_158, %lt3A_159 : i32
        %convert_element_type3A_161 = arith.extui %lt3A_160 : i1 to i32
        %cond3A_162 = arith.constant 0 : i32
        %cond3A_163 = arith.cmpi ne, %convert_element_type3A_161, %cond3A_162 : i32
        scf.if %cond3A_163 {
          %add3A_200 = arith.constant 1 : i32
          %add3A_201 = arith.addi %add3A_60, %add3A_200 : i32
          %add3A_202 = arith.constant 4 : i32
          %add3A_203 = arith.addi %add3A_201, %add3A_202 : i32
          %mul3A_204 = arith.constant 80 : i32
          %mul3A_205 = arith.muli %add3A_203, %mul3A_204 : i32
          %dma_start3A_206 = tpu.memref_slice %arg8[%mul3A_205] : memref<10000xi32, #tpu.memory_space<vmem>> -> memref<80xi32, #tpu.memory_space<vmem>>
          %dma_start3A_207 = arith.constant 0 : i32
          %dma_start3A_208 = arith.constant 0 : i32
          %dma_start3A_209 = tpu.memref_slice %arg13[%dma_start3A_207, %dma_start3A_208] : memref<10000x128xf32, #tpu.memory_space<vmem_shared>> -> memref<10000x128xf32, #tpu.memory_space<vmem_shared>>
          tpu.enqueue_indirect_dma source(%dma_start3A_209 : memref<10000x128xf32, #tpu.memory_space<vmem_shared>>) target(%arg10 : memref<80x128xf32, #tpu.memory_space<vmem>>) offsets(%dma_start3A_206 : memref<80xi32, #tpu.memory_space<vmem>>) semaphore(%arg15 : memref<!tpu.dma_semaphore, #tpu.memory_space<semaphore_mem>>)
        } else {
        }
        %add3A_164 = arith.constant 2 : i32
        %add3A_165 = arith.addi %add3A_60, %add3A_164 : i32
        %mul3A_166 = arith.constant 80 : i32
        %mul3A_167 = arith.muli %add3A_165, %mul3A_166 : i32
        %add3A_168 = arith.addi %mul3A_0, %mul3A_167 : i32
        %dma_wait3A_169 = arith.constant 0 : i32
        %dma_wait3A_170 = tpu.memref_slice %arg7[%add3A_168, %dma_wait3A_169] : memref<160000x128xf32, #tpu.memory_space<hbm>> -> memref<80x128xf32, #tpu.memory_space<hbm>>
        %dma_wait3A_171 = arith.constant 0 : i32
        %dma_wait3A_172 = tpu.memref_slice %arg7[%add3A_168, %dma_wait3A_171] : memref<160000x128xf32, #tpu.memory_space<hbm>> -> memref<80x128xf32, #tpu.memory_space<hbm>>
        tpu.wait_dma2 semaphore(%arg20 : memref<!tpu.dma_semaphore, #tpu.memory_space<semaphore_mem>>) src(%arg11 : memref<80x128xf32, #tpu.memory_space<vmem>>) dst(%dma_wait3A_172 : memref<80x128xf32, #tpu.memory_space<hbm>>)
        %add3A_173 = arith.constant 2 : i32
        %add3A_174 = arith.addi %add3A_60, %add3A_173 : i32
        %add3A_175 = arith.constant 4 : i32
        %add3A_176 = arith.addi %add3A_174, %add3A_175 : i32
        %lt3A_177 = arith.constant 125 : i32
        %lt3A_178 = arith.cmpi slt, %add3A_176, %lt3A_177 : i32
        %convert_element_type3A_179 = arith.extui %lt3A_178 : i1 to i32
        %cond3A_180 = arith.constant 0 : i32
        %cond3A_181 = arith.cmpi ne, %convert_element_type3A_179, %cond3A_180 : i32
        scf.if %cond3A_181 {
          %add3A_200 = arith.constant 2 : i32
          %add3A_201 = arith.addi %add3A_60, %add3A_200 : i32
          %add3A_202 = arith.constant 4 : i32
          %add3A_203 = arith.addi %add3A_201, %add3A_202 : i32
          %mul3A_204 = arith.constant 80 : i32
          %mul3A_205 = arith.muli %add3A_203, %mul3A_204 : i32
          %dma_start3A_206 = tpu.memref_slice %arg8[%mul3A_205] : memref<10000xi32, #tpu.memory_space<vmem>> -> memref<80xi32, #tpu.memory_space<vmem>>
          %dma_start3A_207 = arith.constant 0 : i32
          %dma_start3A_208 = arith.constant 0 : i32
          %dma_start3A_209 = tpu.memref_slice %arg13[%dma_start3A_207, %dma_start3A_208] : memref<10000x128xf32, #tpu.memory_space<vmem_shared>> -> memref<10000x128xf32, #tpu.memory_space<vmem_shared>>
          tpu.enqueue_indirect_dma source(%dma_start3A_209 : memref<10000x128xf32, #tpu.memory_space<vmem_shared>>) target(%arg11 : memref<80x128xf32, #tpu.memory_space<vmem>>) offsets(%dma_start3A_206 : memref<80xi32, #tpu.memory_space<vmem>>) semaphore(%arg16 : memref<!tpu.dma_semaphore, #tpu.memory_space<semaphore_mem>>)
        } else {
        }
        %add3A_182 = arith.constant 3 : i32
        %add3A_183 = arith.addi %add3A_60, %add3A_182 : i32
        %mul3A_184 = arith.constant 80 : i32
        %mul3A_185 = arith.muli %add3A_183, %mul3A_184 : i32
        %add3A_186 = arith.addi %mul3A_0, %mul3A_185 : i32
        %dma_wait3A_187 = arith.constant 0 : i32
        %dma_wait3A_188 = tpu.memref_slice %arg7[%add3A_186, %dma_wait3A_187] : memref<160000x128xf32, #tpu.memory_space<hbm>> -> memref<80x128xf32, #tpu.memory_space<hbm>>
        %dma_wait3A_189 = arith.constant 0 : i32
        %dma_wait3A_190 = tpu.memref_slice %arg7[%add3A_186, %dma_wait3A_189] : memref<160000x128xf32, #tpu.memory_space<hbm>> -> memref<80x128xf32, #tpu.memory_space<hbm>>
        tpu.wait_dma2 semaphore(%arg21 : memref<!tpu.dma_semaphore, #tpu.memory_space<semaphore_mem>>) src(%arg12 : memref<80x128xf32, #tpu.memory_space<vmem>>) dst(%dma_wait3A_190 : memref<80x128xf32, #tpu.memory_space<hbm>>)
        %add3A_191 = arith.constant 3 : i32
        %add3A_192 = arith.addi %add3A_60, %add3A_191 : i32
        %add3A_193 = arith.constant 4 : i32
        %add3A_194 = arith.addi %add3A_192, %add3A_193 : i32
        %lt3A_195 = arith.constant 125 : i32
        %lt3A_196 = arith.cmpi slt, %add3A_194, %lt3A_195 : i32
        %convert_element_type3A_197 = arith.extui %lt3A_196 : i1 to i32
        %cond3A_198 = arith.constant 0 : i32
        %cond3A_199 = arith.cmpi ne, %convert_element_type3A_197, %cond3A_198 : i32
        scf.if %cond3A_199 {
          %add3A_200 = arith.constant 3 : i32
          %add3A_201 = arith.addi %add3A_60, %add3A_200 : i32
          %add3A_202 = arith.constant 4 : i32
          %add3A_203 = arith.addi %add3A_201, %add3A_202 : i32
          %mul3A_204 = arith.constant 80 : i32
          %mul3A_205 = arith.muli %add3A_203, %mul3A_204 : i32
          %dma_start3A_206 = tpu.memref_slice %arg8[%mul3A_205] : memref<10000xi32, #tpu.memory_space<vmem>> -> memref<80xi32, #tpu.memory_space<vmem>>
          %dma_start3A_207 = arith.constant 0 : i32
          %dma_start3A_208 = arith.constant 0 : i32
          %dma_start3A_209 = tpu.memref_slice %arg13[%dma_start3A_207, %dma_start3A_208] : memref<10000x128xf32, #tpu.memory_space<vmem_shared>> -> memref<10000x128xf32, #tpu.memory_space<vmem_shared>>
          tpu.enqueue_indirect_dma source(%dma_start3A_209 : memref<10000x128xf32, #tpu.memory_space<vmem_shared>>) target(%arg12 : memref<80x128xf32, #tpu.memory_space<vmem>>) offsets(%dma_start3A_206 : memref<80xi32, #tpu.memory_space<vmem>>) semaphore(%arg17 : memref<!tpu.dma_semaphore, #tpu.memory_space<semaphore_mem>>)
        } else {
        }
      }
      %scan3A_40 = arith.constant 31 : i32
      %dma_wait3A = arith.constant 9920 : i32
      %dma_wait3A_41 = tpu.memref_slice %arg8[%dma_wait3A] : memref<10000xi32, #tpu.memory_space<vmem>> -> memref<80xi32, #tpu.memory_space<vmem>>
      %dma_wait3A_42 = arith.constant 0 : i32
      %dma_wait3A_43 = arith.constant 0 : i32
      %dma_wait3A_44 = tpu.memref_slice %arg13[%dma_wait3A_42, %dma_wait3A_43] : memref<10000x128xf32, #tpu.memory_space<vmem_shared>> -> memref<10000x128xf32, #tpu.memory_space<vmem_shared>>
      tpu.wait_indirect_dma semaphore(%arg14 : memref<!tpu.dma_semaphore, #tpu.memory_space<semaphore_mem>>) src(%dma_wait3A_44 : memref<10000x128xf32, #tpu.memory_space<vmem_shared>>) dst(%arg9 : memref<80x128xf32, #tpu.memory_space<vmem>>)
      %add3A = arith.constant 9920 : i32
      %add3A_45 = arith.addi %mul3A_0, %add3A : i32
      %dma_start3A_46 = arith.constant 0 : i32
      %dma_start3A_47 = tpu.memref_slice %arg7[%add3A_45, %dma_start3A_46] : memref<160000x128xf32, #tpu.memory_space<hbm>> -> memref<80x128xf32, #tpu.memory_space<hbm>>
      %dma_start3A_48 = arith.constant 0 : i32
      %dma_start3A_49 = tpu.memref_slice %arg7[%add3A_45, %dma_start3A_48] : memref<160000x128xf32, #tpu.memory_space<hbm>> -> memref<80x128xf32, #tpu.memory_space<hbm>>
      tpu.enqueue_dma source(%arg9 : memref<80x128xf32, #tpu.memory_space<vmem>>) target(%dma_start3A_49 : memref<80x128xf32, #tpu.memory_space<hbm>>) target_semaphore(%arg18 : memref<!tpu.dma_semaphore, #tpu.memory_space<semaphore_mem>>)
      %add3A_50 = arith.constant 9920 : i32
      %add3A_51 = arith.addi %mul3A_0, %add3A_50 : i32
      %dma_wait3A_52 = arith.constant 0 : i32
      %dma_wait3A_53 = tpu.memref_slice %arg7[%add3A_51, %dma_wait3A_52] : memref<160000x128xf32, #tpu.memory_space<hbm>> -> memref<80x128xf32, #tpu.memory_space<hbm>>
      %dma_wait3A_54 = arith.constant 0 : i32
      %dma_wait3A_55 = tpu.memref_slice %arg7[%add3A_51, %dma_wait3A_54] : memref<160000x128xf32, #tpu.memory_space<hbm>> -> memref<80x128xf32, #tpu.memory_space<hbm>>
      tpu.wait_dma2 semaphore(%arg18 : memref<!tpu.dma_semaphore, #tpu.memory_space<semaphore_mem>>) src(%arg9 : memref<80x128xf32, #tpu.memory_space<vmem>>) dst(%dma_wait3A_55 : memref<80x128xf32, #tpu.memory_space<hbm>>)
    } else {
    }
    return
  }
}

#map = affine_map<(d0, d1) -> (0, 0)>
#map1 = affine_map<(d0, d1) -> (0)>
#map2 = affine_map<(d0, d1) -> (0, 0, 0)>
module attributes {stable_mosaic.version = 14 : i64} {
  func.func @k(%arg0: i32, %arg1: i32, %arg2: memref<160000x128xf32, #tpu.memory_space<hbm>>, %arg3: memref<160000xi32, #tpu.memory_space<hbm>>, %arg4: memref<10000x128xf32, #tpu.memory_space<hbm>>, %arg5: memref<2x10000x128xf32, #tpu.memory_space<hbm>>, %arg6: memref<40xi32, #tpu.memory_space<vmem>>, %arg7: memref<40xi32, #tpu.memory_space<vmem>>, %arg8: memref<40xi32, #tpu.memory_space<vmem>>, %arg9: memref<40xi32, #tpu.memory_space<vmem>>, %arg10: memref<40xi32, #tpu.memory_space<vmem>>, %arg11: memref<40xi32, #tpu.memory_space<vmem>>, %arg12: memref<40xi32, #tpu.memory_space<vmem>>, %arg13: memref<40xi32, #tpu.memory_space<vmem>>, %arg14: memref<40x128xf32, #tpu.memory_space<vmem>>, %arg15: memref<40x128xf32, #tpu.memory_space<vmem>>, %arg16: memref<40x128xf32, #tpu.memory_space<vmem>>, %arg17: memref<40x128xf32, #tpu.memory_space<vmem>>, %arg18: memref<40x128xf32, #tpu.memory_space<vmem>>, %arg19: memref<40x128xf32, #tpu.memory_space<vmem>>, %arg20: memref<40x128xf32, #tpu.memory_space<vmem>>, %arg21: memref<40x128xf32, #tpu.memory_space<vmem>>, %arg22: memref<10000x128xf32, #tpu.memory_space<vmem_shared>>, %arg23: memref<!tpu.dma_semaphore, #tpu.memory_space<semaphore_mem>>, %arg24: memref<!tpu.dma_semaphore, #tpu.memory_space<semaphore_mem>>, %arg25: memref<!tpu.dma_semaphore, #tpu.memory_space<semaphore_mem>>, %arg26: memref<!tpu.dma_semaphore, #tpu.memory_space<semaphore_mem>>, %arg27: memref<!tpu.dma_semaphore, #tpu.memory_space<semaphore_mem>>, %arg28: memref<!tpu.dma_semaphore, #tpu.memory_space<semaphore_mem>>, %arg29: memref<!tpu.dma_semaphore, #tpu.memory_space<semaphore_mem>>, %arg30: memref<!tpu.dma_semaphore, #tpu.memory_space<semaphore_mem>>, %arg31: memref<!tpu.dma_semaphore, #tpu.memory_space<semaphore_mem>>, %arg32: memref<!tpu.dma_semaphore, #tpu.memory_space<semaphore_mem>>, %arg33: memref<!tpu.dma_semaphore, #tpu.memory_space<semaphore_mem>>, %arg34: memref<!tpu.dma_semaphore, #tpu.memory_space<semaphore_mem>>, %arg35: memref<!tpu.dma_semaphore, #tpu.memory_space<semaphore_mem>>, %arg36: memref<!tpu.dma_semaphore, #tpu.memory_space<semaphore_mem>>, %arg37: memref<!tpu.dma_semaphore, #tpu.memory_space<semaphore_mem>>, %arg38: memref<!tpu.dma_semaphore, #tpu.memory_space<semaphore_mem>>) attributes {dimension_semantics = [#tpu.dimension_semantics<core_parallel>, #tpu.dimension_semantics<subcore_parallel>], iteration_bounds = array<i64: 2, 16>, scalar_prefetch = 0 : i64, scratch_operands = 33 : i64, tpu.core_type = #tpu.core_type<sc_vector_subcore>, window_params = [{transform_indices = #map}, {transform_indices = #map1}, {transform_indices = #map}, {transform_indices = #map2}]} {
    %mul3A = arith.constant 2 : i32
    %mul3A_0 = arith.muli %arg1, %mul3A : i32
    %add3A = arith.addi %mul3A_0, %arg0 : i32
    %mul3A_1 = arith.constant 5000 : i32
    %mul3A_2 = arith.muli %add3A, %mul3A_1 : i32
    %lt3A = arith.constant 15 : i32
    %lt3A_3 = arith.cmpi slt, %arg1, %lt3A : i32
    %convert_element_type3A = arith.extui %lt3A_3 : i1 to i32
    %cond3A = arith.constant 0 : i32
    %cond3A_4 = arith.cmpi ne, %convert_element_type3A, %cond3A : i32
    scf.if %cond3A_4 {
      %mul3A_126 = arith.constant 632 : i32
      %mul3A_127 = arith.muli %arg1, %mul3A_126 : i32
      %mul3A_128 = arith.constant 632 : i32
      %mul3A_129 = arith.muli %arg1, %mul3A_128 : i32
      "tpu.region"() ({
        %run_scoped3A = tpu.sem_alloc : memref<!tpu.dma_semaphore, #tpu.memory_space<semaphore_mem>>
        %dma_start3A_130 = arith.constant 0 : i32
        %dma_start3A_131 = tpu.memref_slice %arg22[%mul3A_129, %dma_start3A_130] : memref<10000x128xf32, #tpu.memory_space<vmem_shared>> -> memref<632x128xf32, #tpu.memory_space<vmem_shared>>
        %dma_start3A_132 = arith.constant 0 : i32
        %dma_start3A_133 = tpu.memref_slice %arg4[%mul3A_127, %dma_start3A_132] : memref<10000x128xf32, #tpu.memory_space<hbm>> -> memref<632x128xf32, #tpu.memory_space<hbm>>
        tpu.enqueue_dma source(%dma_start3A_133 : memref<632x128xf32, #tpu.memory_space<hbm>>) target(%dma_start3A_131 : memref<632x128xf32, #tpu.memory_space<vmem_shared>>) target_semaphore(%run_scoped3A : memref<!tpu.dma_semaphore, #tpu.memory_space<semaphore_mem>>)
        %dma_wait3A_134 = arith.constant 0 : i32
        %dma_wait3A_135 = tpu.memref_slice %arg22[%mul3A_129, %dma_wait3A_134] : memref<10000x128xf32, #tpu.memory_space<vmem_shared>> -> memref<632x128xf32, #tpu.memory_space<vmem_shared>>
        %dma_wait3A_136 = arith.constant 0 : i32
        %dma_wait3A_137 = tpu.memref_slice %arg4[%mul3A_127, %dma_wait3A_136] : memref<10000x128xf32, #tpu.memory_space<hbm>> -> memref<632x128xf32, #tpu.memory_space<hbm>>
        tpu.wait_dma2 semaphore(%run_scoped3A : memref<!tpu.dma_semaphore, #tpu.memory_space<semaphore_mem>>) src(%dma_wait3A_137 : memref<632x128xf32, #tpu.memory_space<hbm>>) dst(%dma_wait3A_135 : memref<632x128xf32, #tpu.memory_space<vmem_shared>>)
        tpu.yield
      }) : () -> ()
    } else {
    }
    %eq3A = arith.constant 15 : i32
    %eq3A_5 = arith.cmpi eq, %arg1, %eq3A : i32
    %convert_element_type3A_6 = arith.extui %eq3A_5 : i1 to i32
    %cond3A_7 = arith.constant 0 : i32
    %cond3A_8 = arith.cmpi ne, %convert_element_type3A_6, %cond3A_7 : i32
    scf.if %cond3A_8 {
      %mul3A_126 = arith.constant 632 : i32
      %mul3A_127 = arith.muli %arg1, %mul3A_126 : i32
      %mul3A_128 = arith.constant 632 : i32
      %mul3A_129 = arith.muli %arg1, %mul3A_128 : i32
      "tpu.region"() ({
        %run_scoped3A = tpu.sem_alloc : memref<!tpu.dma_semaphore, #tpu.memory_space<semaphore_mem>>
        %dma_start3A_130 = arith.constant 0 : i32
        %dma_start3A_131 = tpu.memref_slice %arg22[%mul3A_129, %dma_start3A_130] : memref<10000x128xf32, #tpu.memory_space<vmem_shared>> -> memref<520x128xf32, #tpu.memory_space<vmem_shared>>
        %dma_start3A_132 = arith.constant 0 : i32
        %dma_start3A_133 = tpu.memref_slice %arg4[%mul3A_127, %dma_start3A_132] : memref<10000x128xf32, #tpu.memory_space<hbm>> -> memref<520x128xf32, #tpu.memory_space<hbm>>
        tpu.enqueue_dma source(%dma_start3A_133 : memref<520x128xf32, #tpu.memory_space<hbm>>) target(%dma_start3A_131 : memref<520x128xf32, #tpu.memory_space<vmem_shared>>) target_semaphore(%run_scoped3A : memref<!tpu.dma_semaphore, #tpu.memory_space<semaphore_mem>>)
        %dma_wait3A_134 = arith.constant 0 : i32
        %dma_wait3A_135 = tpu.memref_slice %arg22[%mul3A_129, %dma_wait3A_134] : memref<10000x128xf32, #tpu.memory_space<vmem_shared>> -> memref<520x128xf32, #tpu.memory_space<vmem_shared>>
        %dma_wait3A_136 = arith.constant 0 : i32
        %dma_wait3A_137 = tpu.memref_slice %arg4[%mul3A_127, %dma_wait3A_136] : memref<10000x128xf32, #tpu.memory_space<hbm>> -> memref<520x128xf32, #tpu.memory_space<hbm>>
        tpu.wait_dma2 semaphore(%run_scoped3A : memref<!tpu.dma_semaphore, #tpu.memory_space<semaphore_mem>>) src(%dma_wait3A_137 : memref<520x128xf32, #tpu.memory_space<hbm>>) dst(%dma_wait3A_135 : memref<520x128xf32, #tpu.memory_space<vmem_shared>>)
        tpu.yield
      }) : () -> ()
    } else {
    }
    %barrier3A = arith.constant 0 : index
    tpu.barrier barrier_id(%barrier3A)
    %add3A_9 = arith.constant 0 : i32
    %add3A_10 = arith.addi %mul3A_2, %add3A_9 : i32
    %dma_start3A = tpu.memref_slice %arg3[%add3A_10] : memref<160000xi32, #tpu.memory_space<hbm>> -> memref<40xi32, #tpu.memory_space<hbm>>
    %dma_start3A_11 = tpu.memref_slice %arg3[%add3A_10] : memref<160000xi32, #tpu.memory_space<hbm>> -> memref<40xi32, #tpu.memory_space<hbm>>
    tpu.enqueue_dma source(%dma_start3A_11 : memref<40xi32, #tpu.memory_space<hbm>>) target(%arg6 : memref<40xi32, #tpu.memory_space<vmem>>) target_semaphore(%arg23 : memref<!tpu.dma_semaphore, #tpu.memory_space<semaphore_mem>>)
    %dma_start3A_12 = arith.constant 0 : i32
    %dma_start3A_13 = tpu.memref_slice %arg2[%add3A_10, %dma_start3A_12] : memref<160000x128xf32, #tpu.memory_space<hbm>> -> memref<40x128xf32, #tpu.memory_space<hbm>>
    %dma_start3A_14 = arith.constant 0 : i32
    %dma_start3A_15 = tpu.memref_slice %arg2[%add3A_10, %dma_start3A_14] : memref<160000x128xf32, #tpu.memory_space<hbm>> -> memref<40x128xf32, #tpu.memory_space<hbm>>
    tpu.enqueue_dma source(%dma_start3A_15 : memref<40x128xf32, #tpu.memory_space<hbm>>) target(%arg14 : memref<40x128xf32, #tpu.memory_space<vmem>>) target_semaphore(%arg31 : memref<!tpu.dma_semaphore, #tpu.memory_space<semaphore_mem>>)
    %add3A_16 = arith.constant 40 : i32
    %add3A_17 = arith.addi %mul3A_2, %add3A_16 : i32
    %dma_start3A_18 = tpu.memref_slice %arg3[%add3A_17] : memref<160000xi32, #tpu.memory_space<hbm>> -> memref<40xi32, #tpu.memory_space<hbm>>
    %dma_start3A_19 = tpu.memref_slice %arg3[%add3A_17] : memref<160000xi32, #tpu.memory_space<hbm>> -> memref<40xi32, #tpu.memory_space<hbm>>
    tpu.enqueue_dma source(%dma_start3A_19 : memref<40xi32, #tpu.memory_space<hbm>>) target(%arg7 : memref<40xi32, #tpu.memory_space<vmem>>) target_semaphore(%arg24 : memref<!tpu.dma_semaphore, #tpu.memory_space<semaphore_mem>>)
    %dma_start3A_20 = arith.constant 0 : i32
    %dma_start3A_21 = tpu.memref_slice %arg2[%add3A_17, %dma_start3A_20] : memref<160000x128xf32, #tpu.memory_space<hbm>> -> memref<40x128xf32, #tpu.memory_space<hbm>>
    %dma_start3A_22 = arith.constant 0 : i32
    %dma_start3A_23 = tpu.memref_slice %arg2[%add3A_17, %dma_start3A_22] : memref<160000x128xf32, #tpu.memory_space<hbm>> -> memref<40x128xf32, #tpu.memory_space<hbm>>
    tpu.enqueue_dma source(%dma_start3A_23 : memref<40x128xf32, #tpu.memory_space<hbm>>) target(%arg15 : memref<40x128xf32, #tpu.memory_space<vmem>>) target_semaphore(%arg32 : memref<!tpu.dma_semaphore, #tpu.memory_space<semaphore_mem>>)
    %add3A_24 = arith.constant 80 : i32
    %add3A_25 = arith.addi %mul3A_2, %add3A_24 : i32
    %dma_start3A_26 = tpu.memref_slice %arg3[%add3A_25] : memref<160000xi32, #tpu.memory_space<hbm>> -> memref<40xi32, #tpu.memory_space<hbm>>
    %dma_start3A_27 = tpu.memref_slice %arg3[%add3A_25] : memref<160000xi32, #tpu.memory_space<hbm>> -> memref<40xi32, #tpu.memory_space<hbm>>
    tpu.enqueue_dma source(%dma_start3A_27 : memref<40xi32, #tpu.memory_space<hbm>>) target(%arg8 : memref<40xi32, #tpu.memory_space<vmem>>) target_semaphore(%arg25 : memref<!tpu.dma_semaphore, #tpu.memory_space<semaphore_mem>>)
    %dma_start3A_28 = arith.constant 0 : i32
    %dma_start3A_29 = tpu.memref_slice %arg2[%add3A_25, %dma_start3A_28] : memref<160000x128xf32, #tpu.memory_space<hbm>> -> memref<40x128xf32, #tpu.memory_space<hbm>>
    %dma_start3A_30 = arith.constant 0 : i32
    %dma_start3A_31 = tpu.memref_slice %arg2[%add3A_25, %dma_start3A_30] : memref<160000x128xf32, #tpu.memory_space<hbm>> -> memref<40x128xf32, #tpu.memory_space<hbm>>
    tpu.enqueue_dma source(%dma_start3A_31 : memref<40x128xf32, #tpu.memory_space<hbm>>) target(%arg16 : memref<40x128xf32, #tpu.memory_space<vmem>>) target_semaphore(%arg33 : memref<!tpu.dma_semaphore, #tpu.memory_space<semaphore_mem>>)
    %add3A_32 = arith.constant 120 : i32
    %add3A_33 = arith.addi %mul3A_2, %add3A_32 : i32
    %dma_start3A_34 = tpu.memref_slice %arg3[%add3A_33] : memref<160000xi32, #tpu.memory_space<hbm>> -> memref<40xi32, #tpu.memory_space<hbm>>
    %dma_start3A_35 = tpu.memref_slice %arg3[%add3A_33] : memref<160000xi32, #tpu.memory_space<hbm>> -> memref<40xi32, #tpu.memory_space<hbm>>
    tpu.enqueue_dma source(%dma_start3A_35 : memref<40xi32, #tpu.memory_space<hbm>>) target(%arg9 : memref<40xi32, #tpu.memory_space<vmem>>) target_semaphore(%arg26 : memref<!tpu.dma_semaphore, #tpu.memory_space<semaphore_mem>>)
    %dma_start3A_36 = arith.constant 0 : i32
    %dma_start3A_37 = tpu.memref_slice %arg2[%add3A_33, %dma_start3A_36] : memref<160000x128xf32, #tpu.memory_space<hbm>> -> memref<40x128xf32, #tpu.memory_space<hbm>>
    %dma_start3A_38 = arith.constant 0 : i32
    %dma_start3A_39 = tpu.memref_slice %arg2[%add3A_33, %dma_start3A_38] : memref<160000x128xf32, #tpu.memory_space<hbm>> -> memref<40x128xf32, #tpu.memory_space<hbm>>
    tpu.enqueue_dma source(%dma_start3A_39 : memref<40x128xf32, #tpu.memory_space<hbm>>) target(%arg17 : memref<40x128xf32, #tpu.memory_space<vmem>>) target_semaphore(%arg34 : memref<!tpu.dma_semaphore, #tpu.memory_space<semaphore_mem>>)
    %add3A_40 = arith.constant 160 : i32
    %add3A_41 = arith.addi %mul3A_2, %add3A_40 : i32
    %dma_start3A_42 = tpu.memref_slice %arg3[%add3A_41] : memref<160000xi32, #tpu.memory_space<hbm>> -> memref<40xi32, #tpu.memory_space<hbm>>
    %dma_start3A_43 = tpu.memref_slice %arg3[%add3A_41] : memref<160000xi32, #tpu.memory_space<hbm>> -> memref<40xi32, #tpu.memory_space<hbm>>
    tpu.enqueue_dma source(%dma_start3A_43 : memref<40xi32, #tpu.memory_space<hbm>>) target(%arg10 : memref<40xi32, #tpu.memory_space<vmem>>) target_semaphore(%arg27 : memref<!tpu.dma_semaphore, #tpu.memory_space<semaphore_mem>>)
    %dma_start3A_44 = arith.constant 0 : i32
    %dma_start3A_45 = tpu.memref_slice %arg2[%add3A_41, %dma_start3A_44] : memref<160000x128xf32, #tpu.memory_space<hbm>> -> memref<40x128xf32, #tpu.memory_space<hbm>>
    %dma_start3A_46 = arith.constant 0 : i32
    %dma_start3A_47 = tpu.memref_slice %arg2[%add3A_41, %dma_start3A_46] : memref<160000x128xf32, #tpu.memory_space<hbm>> -> memref<40x128xf32, #tpu.memory_space<hbm>>
    tpu.enqueue_dma source(%dma_start3A_47 : memref<40x128xf32, #tpu.memory_space<hbm>>) target(%arg18 : memref<40x128xf32, #tpu.memory_space<vmem>>) target_semaphore(%arg35 : memref<!tpu.dma_semaphore, #tpu.memory_space<semaphore_mem>>)
    %add3A_48 = arith.constant 200 : i32
    %add3A_49 = arith.addi %mul3A_2, %add3A_48 : i32
    %dma_start3A_50 = tpu.memref_slice %arg3[%add3A_49] : memref<160000xi32, #tpu.memory_space<hbm>> -> memref<40xi32, #tpu.memory_space<hbm>>
    %dma_start3A_51 = tpu.memref_slice %arg3[%add3A_49] : memref<160000xi32, #tpu.memory_space<hbm>> -> memref<40xi32, #tpu.memory_space<hbm>>
    tpu.enqueue_dma source(%dma_start3A_51 : memref<40xi32, #tpu.memory_space<hbm>>) target(%arg11 : memref<40xi32, #tpu.memory_space<vmem>>) target_semaphore(%arg28 : memref<!tpu.dma_semaphore, #tpu.memory_space<semaphore_mem>>)
    %dma_start3A_52 = arith.constant 0 : i32
    %dma_start3A_53 = tpu.memref_slice %arg2[%add3A_49, %dma_start3A_52] : memref<160000x128xf32, #tpu.memory_space<hbm>> -> memref<40x128xf32, #tpu.memory_space<hbm>>
    %dma_start3A_54 = arith.constant 0 : i32
    %dma_start3A_55 = tpu.memref_slice %arg2[%add3A_49, %dma_start3A_54] : memref<160000x128xf32, #tpu.memory_space<hbm>> -> memref<40x128xf32, #tpu.memory_space<hbm>>
    tpu.enqueue_dma source(%dma_start3A_55 : memref<40x128xf32, #tpu.memory_space<hbm>>) target(%arg19 : memref<40x128xf32, #tpu.memory_space<vmem>>) target_semaphore(%arg36 : memref<!tpu.dma_semaphore, #tpu.memory_space<semaphore_mem>>)
    %add3A_56 = arith.constant 240 : i32
    %add3A_57 = arith.addi %mul3A_2, %add3A_56 : i32
    %dma_start3A_58 = tpu.memref_slice %arg3[%add3A_57] : memref<160000xi32, #tpu.memory_space<hbm>> -> memref<40xi32, #tpu.memory_space<hbm>>
    %dma_start3A_59 = tpu.memref_slice %arg3[%add3A_57] : memref<160000xi32, #tpu.memory_space<hbm>> -> memref<40xi32, #tpu.memory_space<hbm>>
    tpu.enqueue_dma source(%dma_start3A_59 : memref<40xi32, #tpu.memory_space<hbm>>) target(%arg12 : memref<40xi32, #tpu.memory_space<vmem>>) target_semaphore(%arg29 : memref<!tpu.dma_semaphore, #tpu.memory_space<semaphore_mem>>)
    %dma_start3A_60 = arith.constant 0 : i32
    %dma_start3A_61 = tpu.memref_slice %arg2[%add3A_57, %dma_start3A_60] : memref<160000x128xf32, #tpu.memory_space<hbm>> -> memref<40x128xf32, #tpu.memory_space<hbm>>
    %dma_start3A_62 = arith.constant 0 : i32
    %dma_start3A_63 = tpu.memref_slice %arg2[%add3A_57, %dma_start3A_62] : memref<160000x128xf32, #tpu.memory_space<hbm>> -> memref<40x128xf32, #tpu.memory_space<hbm>>
    tpu.enqueue_dma source(%dma_start3A_63 : memref<40x128xf32, #tpu.memory_space<hbm>>) target(%arg20 : memref<40x128xf32, #tpu.memory_space<vmem>>) target_semaphore(%arg37 : memref<!tpu.dma_semaphore, #tpu.memory_space<semaphore_mem>>)
    %add3A_64 = arith.constant 280 : i32
    %add3A_65 = arith.addi %mul3A_2, %add3A_64 : i32
    %dma_start3A_66 = tpu.memref_slice %arg3[%add3A_65] : memref<160000xi32, #tpu.memory_space<hbm>> -> memref<40xi32, #tpu.memory_space<hbm>>
    %dma_start3A_67 = tpu.memref_slice %arg3[%add3A_65] : memref<160000xi32, #tpu.memory_space<hbm>> -> memref<40xi32, #tpu.memory_space<hbm>>
    tpu.enqueue_dma source(%dma_start3A_67 : memref<40xi32, #tpu.memory_space<hbm>>) target(%arg13 : memref<40xi32, #tpu.memory_space<vmem>>) target_semaphore(%arg30 : memref<!tpu.dma_semaphore, #tpu.memory_space<semaphore_mem>>)
    %dma_start3A_68 = arith.constant 0 : i32
    %dma_start3A_69 = tpu.memref_slice %arg2[%add3A_65, %dma_start3A_68] : memref<160000x128xf32, #tpu.memory_space<hbm>> -> memref<40x128xf32, #tpu.memory_space<hbm>>
    %dma_start3A_70 = arith.constant 0 : i32
    %dma_start3A_71 = tpu.memref_slice %arg2[%add3A_65, %dma_start3A_70] : memref<160000x128xf32, #tpu.memory_space<hbm>> -> memref<40x128xf32, #tpu.memory_space<hbm>>
    tpu.enqueue_dma source(%dma_start3A_71 : memref<40x128xf32, #tpu.memory_space<hbm>>) target(%arg21 : memref<40x128xf32, #tpu.memory_space<vmem>>) target_semaphore(%arg38 : memref<!tpu.dma_semaphore, #tpu.memory_space<semaphore_mem>>)
    %scan3A = arith.constant 0 : i32
    %scan3A_72 = arith.constant 15 : i32
    %scan3A_73 = arith.addi %scan3A, %scan3A_72 : i32
    %scan3A_74 = arith.constant 1 : i32
    scf.for %scan3A_126 = %scan3A to %scan3A_73 step %scan3A_74  : i32 {
      %mul3A_127 = arith.constant 8 : i32
      %mul3A_128 = arith.muli %scan3A_126, %mul3A_127 : i32
      %add3A_129 = arith.constant 0 : i32
      %add3A_130 = arith.addi %add3A_129, %mul3A_128 : i32
      %add3A_131 = arith.constant 0 : i32
      %add3A_132 = arith.addi %add3A_130, %add3A_131 : i32
      %mul3A_133 = arith.constant 40 : i32
      %mul3A_134 = arith.muli %add3A_132, %mul3A_133 : i32
      %add3A_135 = arith.addi %mul3A_2, %mul3A_134 : i32
      %dma_wait3A_136 = tpu.memref_slice %arg3[%add3A_135] : memref<160000xi32, #tpu.memory_space<hbm>> -> memref<40xi32, #tpu.memory_space<hbm>>
      %dma_wait3A_137 = tpu.memref_slice %arg3[%add3A_135] : memref<160000xi32, #tpu.memory_space<hbm>> -> memref<40xi32, #tpu.memory_space<hbm>>
      tpu.wait_dma2 semaphore(%arg23 : memref<!tpu.dma_semaphore, #tpu.memory_space<semaphore_mem>>) src(%dma_wait3A_137 : memref<40xi32, #tpu.memory_space<hbm>>) dst(%arg6 : memref<40xi32, #tpu.memory_space<vmem>>)
      %dma_wait3A_138 = arith.constant 0 : i32
      %dma_wait3A_139 = tpu.memref_slice %arg2[%add3A_135, %dma_wait3A_138] : memref<160000x128xf32, #tpu.memory_space<hbm>> -> memref<40x128xf32, #tpu.memory_space<hbm>>
      %dma_wait3A_140 = arith.constant 0 : i32
      %dma_wait3A_141 = tpu.memref_slice %arg2[%add3A_135, %dma_wait3A_140] : memref<160000x128xf32, #tpu.memory_space<hbm>> -> memref<40x128xf32, #tpu.memory_space<hbm>>
      tpu.wait_dma2 semaphore(%arg31 : memref<!tpu.dma_semaphore, #tpu.memory_space<semaphore_mem>>) src(%dma_wait3A_141 : memref<40x128xf32, #tpu.memory_space<hbm>>) dst(%arg14 : memref<40x128xf32, #tpu.memory_space<vmem>>)
      "tpu.region"() ({
        %run_scoped3A = tpu.sem_alloc : memref<!tpu.dma_semaphore, #tpu.memory_space<semaphore_mem>>
        %dma_start3A_291 = arith.constant 0 : i32
        %dma_start3A_292 = arith.constant 0 : i32
        %dma_start3A_293 = tpu.memref_slice %arg22[%dma_start3A_291, %dma_start3A_292] : memref<10000x128xf32, #tpu.memory_space<vmem_shared>> -> memref<10000x128xf32, #tpu.memory_space<vmem_shared>>
        tpu.enqueue_indirect_dma source(%arg14 : memref<40x128xf32, #tpu.memory_space<vmem>>) target(%dma_start3A_293 : memref<10000x128xf32, #tpu.memory_space<vmem_shared>>) offsets(%arg6 : memref<40xi32, #tpu.memory_space<vmem>>) semaphore(%run_scoped3A : memref<!tpu.dma_semaphore, #tpu.memory_space<semaphore_mem>>) {add = true}
        %dma_wait3A_294 = arith.constant 0 : i32
        %dma_wait3A_295 = arith.constant 0 : i32
        %dma_wait3A_296 = tpu.memref_slice %arg22[%dma_wait3A_294, %dma_wait3A_295] : memref<10000x128xf32, #tpu.memory_space<vmem_shared>> -> memref<10000x128xf32, #tpu.memory_space<vmem_shared>>
        tpu.wait_indirect_dma semaphore(%run_scoped3A : memref<!tpu.dma_semaphore, #tpu.memory_space<semaphore_mem>>) src(%arg14 : memref<40x128xf32, #tpu.memory_space<vmem>>) dst(%dma_wait3A_296 : memref<10000x128xf32, #tpu.memory_space<vmem_shared>>)
        tpu.yield
      }) : () -> ()
      %add3A_142 = arith.constant 0 : i32
      %add3A_143 = arith.addi %add3A_130, %add3A_142 : i32
      %add3A_144 = arith.constant 8 : i32
      %add3A_145 = arith.addi %add3A_143, %add3A_144 : i32
      %lt3A_146 = arith.constant 125 : i32
      %lt3A_147 = arith.cmpi slt, %add3A_145, %lt3A_146 : i32
      %convert_element_type3A_148 = arith.extui %lt3A_147 : i1 to i32
      %cond3A_149 = arith.constant 0 : i32
      %cond3A_150 = arith.cmpi ne, %convert_element_type3A_148, %cond3A_149 : i32
      scf.if %cond3A_150 {
        %add3A_291 = arith.constant 0 : i32
        %add3A_292 = arith.addi %add3A_130, %add3A_291 : i32
        %add3A_293 = arith.constant 8 : i32
        %add3A_294 = arith.addi %add3A_292, %add3A_293 : i32
        %mul3A_295 = arith.constant 40 : i32
        %mul3A_296 = arith.muli %add3A_294, %mul3A_295 : i32
        %add3A_297 = arith.addi %mul3A_2, %mul3A_296 : i32
        %dma_start3A_298 = tpu.memref_slice %arg3[%add3A_297] : memref<160000xi32, #tpu.memory_space<hbm>> -> memref<40xi32, #tpu.memory_space<hbm>>
        %dma_start3A_299 = tpu.memref_slice %arg3[%add3A_297] : memref<160000xi32, #tpu.memory_space<hbm>> -> memref<40xi32, #tpu.memory_space<hbm>>
        tpu.enqueue_dma source(%dma_start3A_299 : memref<40xi32, #tpu.memory_space<hbm>>) target(%arg6 : memref<40xi32, #tpu.memory_space<vmem>>) target_semaphore(%arg23 : memref<!tpu.dma_semaphore, #tpu.memory_space<semaphore_mem>>)
        %dma_start3A_300 = arith.constant 0 : i32
        %dma_start3A_301 = tpu.memref_slice %arg2[%add3A_297, %dma_start3A_300] : memref<160000x128xf32, #tpu.memory_space<hbm>> -> memref<40x128xf32, #tpu.memory_space<hbm>>
        %dma_start3A_302 = arith.constant 0 : i32
        %dma_start3A_303 = tpu.memref_slice %arg2[%add3A_297, %dma_start3A_302] : memref<160000x128xf32, #tpu.memory_space<hbm>> -> memref<40x128xf32, #tpu.memory_space<hbm>>
        tpu.enqueue_dma source(%dma_start3A_303 : memref<40x128xf32, #tpu.memory_space<hbm>>) target(%arg14 : memref<40x128xf32, #tpu.memory_space<vmem>>) target_semaphore(%arg31 : memref<!tpu.dma_semaphore, #tpu.memory_space<semaphore_mem>>)
      } else {
      }
      %add3A_151 = arith.constant 1 : i32
      %add3A_152 = arith.addi %add3A_130, %add3A_151 : i32
      %mul3A_153 = arith.constant 40 : i32
      %mul3A_154 = arith.muli %add3A_152, %mul3A_153 : i32
      %add3A_155 = arith.addi %mul3A_2, %mul3A_154 : i32
      %dma_wait3A_156 = tpu.memref_slice %arg3[%add3A_155] : memref<160000xi32, #tpu.memory_space<hbm>> -> memref<40xi32, #tpu.memory_space<hbm>>
      %dma_wait3A_157 = tpu.memref_slice %arg3[%add3A_155] : memref<160000xi32, #tpu.memory_space<hbm>> -> memref<40xi32, #tpu.memory_space<hbm>>
      tpu.wait_dma2 semaphore(%arg24 : memref<!tpu.dma_semaphore, #tpu.memory_space<semaphore_mem>>) src(%dma_wait3A_157 : memref<40xi32, #tpu.memory_space<hbm>>) dst(%arg7 : memref<40xi32, #tpu.memory_space<vmem>>)
      %dma_wait3A_158 = arith.constant 0 : i32
      %dma_wait3A_159 = tpu.memref_slice %arg2[%add3A_155, %dma_wait3A_158] : memref<160000x128xf32, #tpu.memory_space<hbm>> -> memref<40x128xf32, #tpu.memory_space<hbm>>
      %dma_wait3A_160 = arith.constant 0 : i32
      %dma_wait3A_161 = tpu.memref_slice %arg2[%add3A_155, %dma_wait3A_160] : memref<160000x128xf32, #tpu.memory_space<hbm>> -> memref<40x128xf32, #tpu.memory_space<hbm>>
      tpu.wait_dma2 semaphore(%arg32 : memref<!tpu.dma_semaphore, #tpu.memory_space<semaphore_mem>>) src(%dma_wait3A_161 : memref<40x128xf32, #tpu.memory_space<hbm>>) dst(%arg15 : memref<40x128xf32, #tpu.memory_space<vmem>>)
      "tpu.region"() ({
        %run_scoped3A = tpu.sem_alloc : memref<!tpu.dma_semaphore, #tpu.memory_space<semaphore_mem>>
        %dma_start3A_291 = arith.constant 0 : i32
        %dma_start3A_292 = arith.constant 0 : i32
        %dma_start3A_293 = tpu.memref_slice %arg22[%dma_start3A_291, %dma_start3A_292] : memref<10000x128xf32, #tpu.memory_space<vmem_shared>> -> memref<10000x128xf32, #tpu.memory_space<vmem_shared>>
        tpu.enqueue_indirect_dma source(%arg15 : memref<40x128xf32, #tpu.memory_space<vmem>>) target(%dma_start3A_293 : memref<10000x128xf32, #tpu.memory_space<vmem_shared>>) offsets(%arg7 : memref<40xi32, #tpu.memory_space<vmem>>) semaphore(%run_scoped3A : memref<!tpu.dma_semaphore, #tpu.memory_space<semaphore_mem>>) {add = true}
        %dma_wait3A_294 = arith.constant 0 : i32
        %dma_wait3A_295 = arith.constant 0 : i32
        %dma_wait3A_296 = tpu.memref_slice %arg22[%dma_wait3A_294, %dma_wait3A_295] : memref<10000x128xf32, #tpu.memory_space<vmem_shared>> -> memref<10000x128xf32, #tpu.memory_space<vmem_shared>>
        tpu.wait_indirect_dma semaphore(%run_scoped3A : memref<!tpu.dma_semaphore, #tpu.memory_space<semaphore_mem>>) src(%arg15 : memref<40x128xf32, #tpu.memory_space<vmem>>) dst(%dma_wait3A_296 : memref<10000x128xf32, #tpu.memory_space<vmem_shared>>)
        tpu.yield
      }) : () -> ()
      %add3A_162 = arith.constant 1 : i32
      %add3A_163 = arith.addi %add3A_130, %add3A_162 : i32
      %add3A_164 = arith.constant 8 : i32
      %add3A_165 = arith.addi %add3A_163, %add3A_164 : i32
      %lt3A_166 = arith.constant 125 : i32
      %lt3A_167 = arith.cmpi slt, %add3A_165, %lt3A_166 : i32
      %convert_element_type3A_168 = arith.extui %lt3A_167 : i1 to i32
      %cond3A_169 = arith.constant 0 : i32
      %cond3A_170 = arith.cmpi ne, %convert_element_type3A_168, %cond3A_169 : i32
      scf.if %cond3A_170 {
        %add3A_291 = arith.constant 1 : i32
        %add3A_292 = arith.addi %add3A_130, %add3A_291 : i32
        %add3A_293 = arith.constant 8 : i32
        %add3A_294 = arith.addi %add3A_292, %add3A_293 : i32
        %mul3A_295 = arith.constant 40 : i32
        %mul3A_296 = arith.muli %add3A_294, %mul3A_295 : i32
        %add3A_297 = arith.addi %mul3A_2, %mul3A_296 : i32
        %dma_start3A_298 = tpu.memref_slice %arg3[%add3A_297] : memref<160000xi32, #tpu.memory_space<hbm>> -> memref<40xi32, #tpu.memory_space<hbm>>
        %dma_start3A_299 = tpu.memref_slice %arg3[%add3A_297] : memref<160000xi32, #tpu.memory_space<hbm>> -> memref<40xi32, #tpu.memory_space<hbm>>
        tpu.enqueue_dma source(%dma_start3A_299 : memref<40xi32, #tpu.memory_space<hbm>>) target(%arg7 : memref<40xi32, #tpu.memory_space<vmem>>) target_semaphore(%arg24 : memref<!tpu.dma_semaphore, #tpu.memory_space<semaphore_mem>>)
        %dma_start3A_300 = arith.constant 0 : i32
        %dma_start3A_301 = tpu.memref_slice %arg2[%add3A_297, %dma_start3A_300] : memref<160000x128xf32, #tpu.memory_space<hbm>> -> memref<40x128xf32, #tpu.memory_space<hbm>>
        %dma_start3A_302 = arith.constant 0 : i32
        %dma_start3A_303 = tpu.memref_slice %arg2[%add3A_297, %dma_start3A_302] : memref<160000x128xf32, #tpu.memory_space<hbm>> -> memref<40x128xf32, #tpu.memory_space<hbm>>
        tpu.enqueue_dma source(%dma_start3A_303 : memref<40x128xf32, #tpu.memory_space<hbm>>) target(%arg15 : memref<40x128xf32, #tpu.memory_space<vmem>>) target_semaphore(%arg32 : memref<!tpu.dma_semaphore, #tpu.memory_space<semaphore_mem>>)
      } else {
      }
      %add3A_171 = arith.constant 2 : i32
      %add3A_172 = arith.addi %add3A_130, %add3A_171 : i32
      %mul3A_173 = arith.constant 40 : i32
      %mul3A_174 = arith.muli %add3A_172, %mul3A_173 : i32
      %add3A_175 = arith.addi %mul3A_2, %mul3A_174 : i32
      %dma_wait3A_176 = tpu.memref_slice %arg3[%add3A_175] : memref<160000xi32, #tpu.memory_space<hbm>> -> memref<40xi32, #tpu.memory_space<hbm>>
      %dma_wait3A_177 = tpu.memref_slice %arg3[%add3A_175] : memref<160000xi32, #tpu.memory_space<hbm>> -> memref<40xi32, #tpu.memory_space<hbm>>
      tpu.wait_dma2 semaphore(%arg25 : memref<!tpu.dma_semaphore, #tpu.memory_space<semaphore_mem>>) src(%dma_wait3A_177 : memref<40xi32, #tpu.memory_space<hbm>>) dst(%arg8 : memref<40xi32, #tpu.memory_space<vmem>>)
      %dma_wait3A_178 = arith.constant 0 : i32
      %dma_wait3A_179 = tpu.memref_slice %arg2[%add3A_175, %dma_wait3A_178] : memref<160000x128xf32, #tpu.memory_space<hbm>> -> memref<40x128xf32, #tpu.memory_space<hbm>>
      %dma_wait3A_180 = arith.constant 0 : i32
      %dma_wait3A_181 = tpu.memref_slice %arg2[%add3A_175, %dma_wait3A_180] : memref<160000x128xf32, #tpu.memory_space<hbm>> -> memref<40x128xf32, #tpu.memory_space<hbm>>
      tpu.wait_dma2 semaphore(%arg33 : memref<!tpu.dma_semaphore, #tpu.memory_space<semaphore_mem>>) src(%dma_wait3A_181 : memref<40x128xf32, #tpu.memory_space<hbm>>) dst(%arg16 : memref<40x128xf32, #tpu.memory_space<vmem>>)
      "tpu.region"() ({
        %run_scoped3A = tpu.sem_alloc : memref<!tpu.dma_semaphore, #tpu.memory_space<semaphore_mem>>
        %dma_start3A_291 = arith.constant 0 : i32
        %dma_start3A_292 = arith.constant 0 : i32
        %dma_start3A_293 = tpu.memref_slice %arg22[%dma_start3A_291, %dma_start3A_292] : memref<10000x128xf32, #tpu.memory_space<vmem_shared>> -> memref<10000x128xf32, #tpu.memory_space<vmem_shared>>
        tpu.enqueue_indirect_dma source(%arg16 : memref<40x128xf32, #tpu.memory_space<vmem>>) target(%dma_start3A_293 : memref<10000x128xf32, #tpu.memory_space<vmem_shared>>) offsets(%arg8 : memref<40xi32, #tpu.memory_space<vmem>>) semaphore(%run_scoped3A : memref<!tpu.dma_semaphore, #tpu.memory_space<semaphore_mem>>) {add = true}
        %dma_wait3A_294 = arith.constant 0 : i32
        %dma_wait3A_295 = arith.constant 0 : i32
        %dma_wait3A_296 = tpu.memref_slice %arg22[%dma_wait3A_294, %dma_wait3A_295] : memref<10000x128xf32, #tpu.memory_space<vmem_shared>> -> memref<10000x128xf32, #tpu.memory_space<vmem_shared>>
        tpu.wait_indirect_dma semaphore(%run_scoped3A : memref<!tpu.dma_semaphore, #tpu.memory_space<semaphore_mem>>) src(%arg16 : memref<40x128xf32, #tpu.memory_space<vmem>>) dst(%dma_wait3A_296 : memref<10000x128xf32, #tpu.memory_space<vmem_shared>>)
        tpu.yield
      }) : () -> ()
      %add3A_182 = arith.constant 2 : i32
      %add3A_183 = arith.addi %add3A_130, %add3A_182 : i32
      %add3A_184 = arith.constant 8 : i32
      %add3A_185 = arith.addi %add3A_183, %add3A_184 : i32
      %lt3A_186 = arith.constant 125 : i32
      %lt3A_187 = arith.cmpi slt, %add3A_185, %lt3A_186 : i32
      %convert_element_type3A_188 = arith.extui %lt3A_187 : i1 to i32
      %cond3A_189 = arith.constant 0 : i32
      %cond3A_190 = arith.cmpi ne, %convert_element_type3A_188, %cond3A_189 : i32
      scf.if %cond3A_190 {
        %add3A_291 = arith.constant 2 : i32
        %add3A_292 = arith.addi %add3A_130, %add3A_291 : i32
        %add3A_293 = arith.constant 8 : i32
        %add3A_294 = arith.addi %add3A_292, %add3A_293 : i32
        %mul3A_295 = arith.constant 40 : i32
        %mul3A_296 = arith.muli %add3A_294, %mul3A_295 : i32
        %add3A_297 = arith.addi %mul3A_2, %mul3A_296 : i32
        %dma_start3A_298 = tpu.memref_slice %arg3[%add3A_297] : memref<160000xi32, #tpu.memory_space<hbm>> -> memref<40xi32, #tpu.memory_space<hbm>>
        %dma_start3A_299 = tpu.memref_slice %arg3[%add3A_297] : memref<160000xi32, #tpu.memory_space<hbm>> -> memref<40xi32, #tpu.memory_space<hbm>>
        tpu.enqueue_dma source(%dma_start3A_299 : memref<40xi32, #tpu.memory_space<hbm>>) target(%arg8 : memref<40xi32, #tpu.memory_space<vmem>>) target_semaphore(%arg25 : memref<!tpu.dma_semaphore, #tpu.memory_space<semaphore_mem>>)
        %dma_start3A_300 = arith.constant 0 : i32
        %dma_start3A_301 = tpu.memref_slice %arg2[%add3A_297, %dma_start3A_300] : memref<160000x128xf32, #tpu.memory_space<hbm>> -> memref<40x128xf32, #tpu.memory_space<hbm>>
        %dma_start3A_302 = arith.constant 0 : i32
        %dma_start3A_303 = tpu.memref_slice %arg2[%add3A_297, %dma_start3A_302] : memref<160000x128xf32, #tpu.memory_space<hbm>> -> memref<40x128xf32, #tpu.memory_space<hbm>>
        tpu.enqueue_dma source(%dma_start3A_303 : memref<40x128xf32, #tpu.memory_space<hbm>>) target(%arg16 : memref<40x128xf32, #tpu.memory_space<vmem>>) target_semaphore(%arg33 : memref<!tpu.dma_semaphore, #tpu.memory_space<semaphore_mem>>)
      } else {
      }
      %add3A_191 = arith.constant 3 : i32
      %add3A_192 = arith.addi %add3A_130, %add3A_191 : i32
      %mul3A_193 = arith.constant 40 : i32
      %mul3A_194 = arith.muli %add3A_192, %mul3A_193 : i32
      %add3A_195 = arith.addi %mul3A_2, %mul3A_194 : i32
      %dma_wait3A_196 = tpu.memref_slice %arg3[%add3A_195] : memref<160000xi32, #tpu.memory_space<hbm>> -> memref<40xi32, #tpu.memory_space<hbm>>
      %dma_wait3A_197 = tpu.memref_slice %arg3[%add3A_195] : memref<160000xi32, #tpu.memory_space<hbm>> -> memref<40xi32, #tpu.memory_space<hbm>>
      tpu.wait_dma2 semaphore(%arg26 : memref<!tpu.dma_semaphore, #tpu.memory_space<semaphore_mem>>) src(%dma_wait3A_197 : memref<40xi32, #tpu.memory_space<hbm>>) dst(%arg9 : memref<40xi32, #tpu.memory_space<vmem>>)
      %dma_wait3A_198 = arith.constant 0 : i32
      %dma_wait3A_199 = tpu.memref_slice %arg2[%add3A_195, %dma_wait3A_198] : memref<160000x128xf32, #tpu.memory_space<hbm>> -> memref<40x128xf32, #tpu.memory_space<hbm>>
      %dma_wait3A_200 = arith.constant 0 : i32
      %dma_wait3A_201 = tpu.memref_slice %arg2[%add3A_195, %dma_wait3A_200] : memref<160000x128xf32, #tpu.memory_space<hbm>> -> memref<40x128xf32, #tpu.memory_space<hbm>>
      tpu.wait_dma2 semaphore(%arg34 : memref<!tpu.dma_semaphore, #tpu.memory_space<semaphore_mem>>) src(%dma_wait3A_201 : memref<40x128xf32, #tpu.memory_space<hbm>>) dst(%arg17 : memref<40x128xf32, #tpu.memory_space<vmem>>)
      "tpu.region"() ({
        %run_scoped3A = tpu.sem_alloc : memref<!tpu.dma_semaphore, #tpu.memory_space<semaphore_mem>>
        %dma_start3A_291 = arith.constant 0 : i32
        %dma_start3A_292 = arith.constant 0 : i32
        %dma_start3A_293 = tpu.memref_slice %arg22[%dma_start3A_291, %dma_start3A_292] : memref<10000x128xf32, #tpu.memory_space<vmem_shared>> -> memref<10000x128xf32, #tpu.memory_space<vmem_shared>>
        tpu.enqueue_indirect_dma source(%arg17 : memref<40x128xf32, #tpu.memory_space<vmem>>) target(%dma_start3A_293 : memref<10000x128xf32, #tpu.memory_space<vmem_shared>>) offsets(%arg9 : memref<40xi32, #tpu.memory_space<vmem>>) semaphore(%run_scoped3A : memref<!tpu.dma_semaphore, #tpu.memory_space<semaphore_mem>>) {add = true}
        %dma_wait3A_294 = arith.constant 0 : i32
        %dma_wait3A_295 = arith.constant 0 : i32
        %dma_wait3A_296 = tpu.memref_slice %arg22[%dma_wait3A_294, %dma_wait3A_295] : memref<10000x128xf32, #tpu.memory_space<vmem_shared>> -> memref<10000x128xf32, #tpu.memory_space<vmem_shared>>
        tpu.wait_indirect_dma semaphore(%run_scoped3A : memref<!tpu.dma_semaphore, #tpu.memory_space<semaphore_mem>>) src(%arg17 : memref<40x128xf32, #tpu.memory_space<vmem>>) dst(%dma_wait3A_296 : memref<10000x128xf32, #tpu.memory_space<vmem_shared>>)
        tpu.yield
      }) : () -> ()
      %add3A_202 = arith.constant 3 : i32
      %add3A_203 = arith.addi %add3A_130, %add3A_202 : i32
      %add3A_204 = arith.constant 8 : i32
      %add3A_205 = arith.addi %add3A_203, %add3A_204 : i32
      %lt3A_206 = arith.constant 125 : i32
      %lt3A_207 = arith.cmpi slt, %add3A_205, %lt3A_206 : i32
      %convert_element_type3A_208 = arith.extui %lt3A_207 : i1 to i32
      %cond3A_209 = arith.constant 0 : i32
      %cond3A_210 = arith.cmpi ne, %convert_element_type3A_208, %cond3A_209 : i32
      scf.if %cond3A_210 {
        %add3A_291 = arith.constant 3 : i32
        %add3A_292 = arith.addi %add3A_130, %add3A_291 : i32
        %add3A_293 = arith.constant 8 : i32
        %add3A_294 = arith.addi %add3A_292, %add3A_293 : i32
        %mul3A_295 = arith.constant 40 : i32
        %mul3A_296 = arith.muli %add3A_294, %mul3A_295 : i32
        %add3A_297 = arith.addi %mul3A_2, %mul3A_296 : i32
        %dma_start3A_298 = tpu.memref_slice %arg3[%add3A_297] : memref<160000xi32, #tpu.memory_space<hbm>> -> memref<40xi32, #tpu.memory_space<hbm>>
        %dma_start3A_299 = tpu.memref_slice %arg3[%add3A_297] : memref<160000xi32, #tpu.memory_space<hbm>> -> memref<40xi32, #tpu.memory_space<hbm>>
        tpu.enqueue_dma source(%dma_start3A_299 : memref<40xi32, #tpu.memory_space<hbm>>) target(%arg9 : memref<40xi32, #tpu.memory_space<vmem>>) target_semaphore(%arg26 : memref<!tpu.dma_semaphore, #tpu.memory_space<semaphore_mem>>)
        %dma_start3A_300 = arith.constant 0 : i32
        %dma_start3A_301 = tpu.memref_slice %arg2[%add3A_297, %dma_start3A_300] : memref<160000x128xf32, #tpu.memory_space<hbm>> -> memref<40x128xf32, #tpu.memory_space<hbm>>
        %dma_start3A_302 = arith.constant 0 : i32
        %dma_start3A_303 = tpu.memref_slice %arg2[%add3A_297, %dma_start3A_302] : memref<160000x128xf32, #tpu.memory_space<hbm>> -> memref<40x128xf32, #tpu.memory_space<hbm>>
        tpu.enqueue_dma source(%dma_start3A_303 : memref<40x128xf32, #tpu.memory_space<hbm>>) target(%arg17 : memref<40x128xf32, #tpu.memory_space<vmem>>) target_semaphore(%arg34 : memref<!tpu.dma_semaphore, #tpu.memory_space<semaphore_mem>>)
      } else {
      }
      %add3A_211 = arith.constant 4 : i32
      %add3A_212 = arith.addi %add3A_130, %add3A_211 : i32
      %mul3A_213 = arith.constant 40 : i32
      %mul3A_214 = arith.muli %add3A_212, %mul3A_213 : i32
      %add3A_215 = arith.addi %mul3A_2, %mul3A_214 : i32
      %dma_wait3A_216 = tpu.memref_slice %arg3[%add3A_215] : memref<160000xi32, #tpu.memory_space<hbm>> -> memref<40xi32, #tpu.memory_space<hbm>>
      %dma_wait3A_217 = tpu.memref_slice %arg3[%add3A_215] : memref<160000xi32, #tpu.memory_space<hbm>> -> memref<40xi32, #tpu.memory_space<hbm>>
      tpu.wait_dma2 semaphore(%arg27 : memref<!tpu.dma_semaphore, #tpu.memory_space<semaphore_mem>>) src(%dma_wait3A_217 : memref<40xi32, #tpu.memory_space<hbm>>) dst(%arg10 : memref<40xi32, #tpu.memory_space<vmem>>)
      %dma_wait3A_218 = arith.constant 0 : i32
      %dma_wait3A_219 = tpu.memref_slice %arg2[%add3A_215, %dma_wait3A_218] : memref<160000x128xf32, #tpu.memory_space<hbm>> -> memref<40x128xf32, #tpu.memory_space<hbm>>
      %dma_wait3A_220 = arith.constant 0 : i32
      %dma_wait3A_221 = tpu.memref_slice %arg2[%add3A_215, %dma_wait3A_220] : memref<160000x128xf32, #tpu.memory_space<hbm>> -> memref<40x128xf32, #tpu.memory_space<hbm>>
      tpu.wait_dma2 semaphore(%arg35 : memref<!tpu.dma_semaphore, #tpu.memory_space<semaphore_mem>>) src(%dma_wait3A_221 : memref<40x128xf32, #tpu.memory_space<hbm>>) dst(%arg18 : memref<40x128xf32, #tpu.memory_space<vmem>>)
      "tpu.region"() ({
        %run_scoped3A = tpu.sem_alloc : memref<!tpu.dma_semaphore, #tpu.memory_space<semaphore_mem>>
        %dma_start3A_291 = arith.constant 0 : i32
        %dma_start3A_292 = arith.constant 0 : i32
        %dma_start3A_293 = tpu.memref_slice %arg22[%dma_start3A_291, %dma_start3A_292] : memref<10000x128xf32, #tpu.memory_space<vmem_shared>> -> memref<10000x128xf32, #tpu.memory_space<vmem_shared>>
        tpu.enqueue_indirect_dma source(%arg18 : memref<40x128xf32, #tpu.memory_space<vmem>>) target(%dma_start3A_293 : memref<10000x128xf32, #tpu.memory_space<vmem_shared>>) offsets(%arg10 : memref<40xi32, #tpu.memory_space<vmem>>) semaphore(%run_scoped3A : memref<!tpu.dma_semaphore, #tpu.memory_space<semaphore_mem>>) {add = true}
        %dma_wait3A_294 = arith.constant 0 : i32
        %dma_wait3A_295 = arith.constant 0 : i32
        %dma_wait3A_296 = tpu.memref_slice %arg22[%dma_wait3A_294, %dma_wait3A_295] : memref<10000x128xf32, #tpu.memory_space<vmem_shared>> -> memref<10000x128xf32, #tpu.memory_space<vmem_shared>>
        tpu.wait_indirect_dma semaphore(%run_scoped3A : memref<!tpu.dma_semaphore, #tpu.memory_space<semaphore_mem>>) src(%arg18 : memref<40x128xf32, #tpu.memory_space<vmem>>) dst(%dma_wait3A_296 : memref<10000x128xf32, #tpu.memory_space<vmem_shared>>)
        tpu.yield
      }) : () -> ()
      %add3A_222 = arith.constant 4 : i32
      %add3A_223 = arith.addi %add3A_130, %add3A_222 : i32
      %add3A_224 = arith.constant 8 : i32
      %add3A_225 = arith.addi %add3A_223, %add3A_224 : i32
      %lt3A_226 = arith.constant 125 : i32
      %lt3A_227 = arith.cmpi slt, %add3A_225, %lt3A_226 : i32
      %convert_element_type3A_228 = arith.extui %lt3A_227 : i1 to i32
      %cond3A_229 = arith.constant 0 : i32
      %cond3A_230 = arith.cmpi ne, %convert_element_type3A_228, %cond3A_229 : i32
      scf.if %cond3A_230 {
        %add3A_291 = arith.constant 4 : i32
        %add3A_292 = arith.addi %add3A_130, %add3A_291 : i32
        %add3A_293 = arith.constant 8 : i32
        %add3A_294 = arith.addi %add3A_292, %add3A_293 : i32
        %mul3A_295 = arith.constant 40 : i32
        %mul3A_296 = arith.muli %add3A_294, %mul3A_295 : i32
        %add3A_297 = arith.addi %mul3A_2, %mul3A_296 : i32
        %dma_start3A_298 = tpu.memref_slice %arg3[%add3A_297] : memref<160000xi32, #tpu.memory_space<hbm>> -> memref<40xi32, #tpu.memory_space<hbm>>
        %dma_start3A_299 = tpu.memref_slice %arg3[%add3A_297] : memref<160000xi32, #tpu.memory_space<hbm>> -> memref<40xi32, #tpu.memory_space<hbm>>
        tpu.enqueue_dma source(%dma_start3A_299 : memref<40xi32, #tpu.memory_space<hbm>>) target(%arg10 : memref<40xi32, #tpu.memory_space<vmem>>) target_semaphore(%arg27 : memref<!tpu.dma_semaphore, #tpu.memory_space<semaphore_mem>>)
        %dma_start3A_300 = arith.constant 0 : i32
        %dma_start3A_301 = tpu.memref_slice %arg2[%add3A_297, %dma_start3A_300] : memref<160000x128xf32, #tpu.memory_space<hbm>> -> memref<40x128xf32, #tpu.memory_space<hbm>>
        %dma_start3A_302 = arith.constant 0 : i32
        %dma_start3A_303 = tpu.memref_slice %arg2[%add3A_297, %dma_start3A_302] : memref<160000x128xf32, #tpu.memory_space<hbm>> -> memref<40x128xf32, #tpu.memory_space<hbm>>
        tpu.enqueue_dma source(%dma_start3A_303 : memref<40x128xf32, #tpu.memory_space<hbm>>) target(%arg18 : memref<40x128xf32, #tpu.memory_space<vmem>>) target_semaphore(%arg35 : memref<!tpu.dma_semaphore, #tpu.memory_space<semaphore_mem>>)
      } else {
      }
      %add3A_231 = arith.constant 5 : i32
      %add3A_232 = arith.addi %add3A_130, %add3A_231 : i32
      %mul3A_233 = arith.constant 40 : i32
      %mul3A_234 = arith.muli %add3A_232, %mul3A_233 : i32
      %add3A_235 = arith.addi %mul3A_2, %mul3A_234 : i32
      %dma_wait3A_236 = tpu.memref_slice %arg3[%add3A_235] : memref<160000xi32, #tpu.memory_space<hbm>> -> memref<40xi32, #tpu.memory_space<hbm>>
      %dma_wait3A_237 = tpu.memref_slice %arg3[%add3A_235] : memref<160000xi32, #tpu.memory_space<hbm>> -> memref<40xi32, #tpu.memory_space<hbm>>
      tpu.wait_dma2 semaphore(%arg28 : memref<!tpu.dma_semaphore, #tpu.memory_space<semaphore_mem>>) src(%dma_wait3A_237 : memref<40xi32, #tpu.memory_space<hbm>>) dst(%arg11 : memref<40xi32, #tpu.memory_space<vmem>>)
      %dma_wait3A_238 = arith.constant 0 : i32
      %dma_wait3A_239 = tpu.memref_slice %arg2[%add3A_235, %dma_wait3A_238] : memref<160000x128xf32, #tpu.memory_space<hbm>> -> memref<40x128xf32, #tpu.memory_space<hbm>>
      %dma_wait3A_240 = arith.constant 0 : i32
      %dma_wait3A_241 = tpu.memref_slice %arg2[%add3A_235, %dma_wait3A_240] : memref<160000x128xf32, #tpu.memory_space<hbm>> -> memref<40x128xf32, #tpu.memory_space<hbm>>
      tpu.wait_dma2 semaphore(%arg36 : memref<!tpu.dma_semaphore, #tpu.memory_space<semaphore_mem>>) src(%dma_wait3A_241 : memref<40x128xf32, #tpu.memory_space<hbm>>) dst(%arg19 : memref<40x128xf32, #tpu.memory_space<vmem>>)
      "tpu.region"() ({
        %run_scoped3A = tpu.sem_alloc : memref<!tpu.dma_semaphore, #tpu.memory_space<semaphore_mem>>
        %dma_start3A_291 = arith.constant 0 : i32
        %dma_start3A_292 = arith.constant 0 : i32
        %dma_start3A_293 = tpu.memref_slice %arg22[%dma_start3A_291, %dma_start3A_292] : memref<10000x128xf32, #tpu.memory_space<vmem_shared>> -> memref<10000x128xf32, #tpu.memory_space<vmem_shared>>
        tpu.enqueue_indirect_dma source(%arg19 : memref<40x128xf32, #tpu.memory_space<vmem>>) target(%dma_start3A_293 : memref<10000x128xf32, #tpu.memory_space<vmem_shared>>) offsets(%arg11 : memref<40xi32, #tpu.memory_space<vmem>>) semaphore(%run_scoped3A : memref<!tpu.dma_semaphore, #tpu.memory_space<semaphore_mem>>) {add = true}
        %dma_wait3A_294 = arith.constant 0 : i32
        %dma_wait3A_295 = arith.constant 0 : i32
        %dma_wait3A_296 = tpu.memref_slice %arg22[%dma_wait3A_294, %dma_wait3A_295] : memref<10000x128xf32, #tpu.memory_space<vmem_shared>> -> memref<10000x128xf32, #tpu.memory_space<vmem_shared>>
        tpu.wait_indirect_dma semaphore(%run_scoped3A : memref<!tpu.dma_semaphore, #tpu.memory_space<semaphore_mem>>) src(%arg19 : memref<40x128xf32, #tpu.memory_space<vmem>>) dst(%dma_wait3A_296 : memref<10000x128xf32, #tpu.memory_space<vmem_shared>>)
        tpu.yield
      }) : () -> ()
      %add3A_242 = arith.constant 5 : i32
      %add3A_243 = arith.addi %add3A_130, %add3A_242 : i32
      %add3A_244 = arith.constant 8 : i32
      %add3A_245 = arith.addi %add3A_243, %add3A_244 : i32
      %lt3A_246 = arith.constant 125 : i32
      %lt3A_247 = arith.cmpi slt, %add3A_245, %lt3A_246 : i32
      %convert_element_type3A_248 = arith.extui %lt3A_247 : i1 to i32
      %cond3A_249 = arith.constant 0 : i32
      %cond3A_250 = arith.cmpi ne, %convert_element_type3A_248, %cond3A_249 : i32
      scf.if %cond3A_250 {
        %add3A_291 = arith.constant 5 : i32
        %add3A_292 = arith.addi %add3A_130, %add3A_291 : i32
        %add3A_293 = arith.constant 8 : i32
        %add3A_294 = arith.addi %add3A_292, %add3A_293 : i32
        %mul3A_295 = arith.constant 40 : i32
        %mul3A_296 = arith.muli %add3A_294, %mul3A_295 : i32
        %add3A_297 = arith.addi %mul3A_2, %mul3A_296 : i32
        %dma_start3A_298 = tpu.memref_slice %arg3[%add3A_297] : memref<160000xi32, #tpu.memory_space<hbm>> -> memref<40xi32, #tpu.memory_space<hbm>>
        %dma_start3A_299 = tpu.memref_slice %arg3[%add3A_297] : memref<160000xi32, #tpu.memory_space<hbm>> -> memref<40xi32, #tpu.memory_space<hbm>>
        tpu.enqueue_dma source(%dma_start3A_299 : memref<40xi32, #tpu.memory_space<hbm>>) target(%arg11 : memref<40xi32, #tpu.memory_space<vmem>>) target_semaphore(%arg28 : memref<!tpu.dma_semaphore, #tpu.memory_space<semaphore_mem>>)
        %dma_start3A_300 = arith.constant 0 : i32
        %dma_start3A_301 = tpu.memref_slice %arg2[%add3A_297, %dma_start3A_300] : memref<160000x128xf32, #tpu.memory_space<hbm>> -> memref<40x128xf32, #tpu.memory_space<hbm>>
        %dma_start3A_302 = arith.constant 0 : i32
        %dma_start3A_303 = tpu.memref_slice %arg2[%add3A_297, %dma_start3A_302] : memref<160000x128xf32, #tpu.memory_space<hbm>> -> memref<40x128xf32, #tpu.memory_space<hbm>>
        tpu.enqueue_dma source(%dma_start3A_303 : memref<40x128xf32, #tpu.memory_space<hbm>>) target(%arg19 : memref<40x128xf32, #tpu.memory_space<vmem>>) target_semaphore(%arg36 : memref<!tpu.dma_semaphore, #tpu.memory_space<semaphore_mem>>)
      } else {
      }
      %add3A_251 = arith.constant 6 : i32
      %add3A_252 = arith.addi %add3A_130, %add3A_251 : i32
      %mul3A_253 = arith.constant 40 : i32
      %mul3A_254 = arith.muli %add3A_252, %mul3A_253 : i32
      %add3A_255 = arith.addi %mul3A_2, %mul3A_254 : i32
      %dma_wait3A_256 = tpu.memref_slice %arg3[%add3A_255] : memref<160000xi32, #tpu.memory_space<hbm>> -> memref<40xi32, #tpu.memory_space<hbm>>
      %dma_wait3A_257 = tpu.memref_slice %arg3[%add3A_255] : memref<160000xi32, #tpu.memory_space<hbm>> -> memref<40xi32, #tpu.memory_space<hbm>>
      tpu.wait_dma2 semaphore(%arg29 : memref<!tpu.dma_semaphore, #tpu.memory_space<semaphore_mem>>) src(%dma_wait3A_257 : memref<40xi32, #tpu.memory_space<hbm>>) dst(%arg12 : memref<40xi32, #tpu.memory_space<vmem>>)
      %dma_wait3A_258 = arith.constant 0 : i32
      %dma_wait3A_259 = tpu.memref_slice %arg2[%add3A_255, %dma_wait3A_258] : memref<160000x128xf32, #tpu.memory_space<hbm>> -> memref<40x128xf32, #tpu.memory_space<hbm>>
      %dma_wait3A_260 = arith.constant 0 : i32
      %dma_wait3A_261 = tpu.memref_slice %arg2[%add3A_255, %dma_wait3A_260] : memref<160000x128xf32, #tpu.memory_space<hbm>> -> memref<40x128xf32, #tpu.memory_space<hbm>>
      tpu.wait_dma2 semaphore(%arg37 : memref<!tpu.dma_semaphore, #tpu.memory_space<semaphore_mem>>) src(%dma_wait3A_261 : memref<40x128xf32, #tpu.memory_space<hbm>>) dst(%arg20 : memref<40x128xf32, #tpu.memory_space<vmem>>)
      "tpu.region"() ({
        %run_scoped3A = tpu.sem_alloc : memref<!tpu.dma_semaphore, #tpu.memory_space<semaphore_mem>>
        %dma_start3A_291 = arith.constant 0 : i32
        %dma_start3A_292 = arith.constant 0 : i32
        %dma_start3A_293 = tpu.memref_slice %arg22[%dma_start3A_291, %dma_start3A_292] : memref<10000x128xf32, #tpu.memory_space<vmem_shared>> -> memref<10000x128xf32, #tpu.memory_space<vmem_shared>>
        tpu.enqueue_indirect_dma source(%arg20 : memref<40x128xf32, #tpu.memory_space<vmem>>) target(%dma_start3A_293 : memref<10000x128xf32, #tpu.memory_space<vmem_shared>>) offsets(%arg12 : memref<40xi32, #tpu.memory_space<vmem>>) semaphore(%run_scoped3A : memref<!tpu.dma_semaphore, #tpu.memory_space<semaphore_mem>>) {add = true}
        %dma_wait3A_294 = arith.constant 0 : i32
        %dma_wait3A_295 = arith.constant 0 : i32
        %dma_wait3A_296 = tpu.memref_slice %arg22[%dma_wait3A_294, %dma_wait3A_295] : memref<10000x128xf32, #tpu.memory_space<vmem_shared>> -> memref<10000x128xf32, #tpu.memory_space<vmem_shared>>
        tpu.wait_indirect_dma semaphore(%run_scoped3A : memref<!tpu.dma_semaphore, #tpu.memory_space<semaphore_mem>>) src(%arg20 : memref<40x128xf32, #tpu.memory_space<vmem>>) dst(%dma_wait3A_296 : memref<10000x128xf32, #tpu.memory_space<vmem_shared>>)
        tpu.yield
      }) : () -> ()
      %add3A_262 = arith.constant 6 : i32
      %add3A_263 = arith.addi %add3A_130, %add3A_262 : i32
      %add3A_264 = arith.constant 8 : i32
      %add3A_265 = arith.addi %add3A_263, %add3A_264 : i32
      %lt3A_266 = arith.constant 125 : i32
      %lt3A_267 = arith.cmpi slt, %add3A_265, %lt3A_266 : i32
      %convert_element_type3A_268 = arith.extui %lt3A_267 : i1 to i32
      %cond3A_269 = arith.constant 0 : i32
      %cond3A_270 = arith.cmpi ne, %convert_element_type3A_268, %cond3A_269 : i32
      scf.if %cond3A_270 {
        %add3A_291 = arith.constant 6 : i32
        %add3A_292 = arith.addi %add3A_130, %add3A_291 : i32
        %add3A_293 = arith.constant 8 : i32
        %add3A_294 = arith.addi %add3A_292, %add3A_293 : i32
        %mul3A_295 = arith.constant 40 : i32
        %mul3A_296 = arith.muli %add3A_294, %mul3A_295 : i32
        %add3A_297 = arith.addi %mul3A_2, %mul3A_296 : i32
        %dma_start3A_298 = tpu.memref_slice %arg3[%add3A_297] : memref<160000xi32, #tpu.memory_space<hbm>> -> memref<40xi32, #tpu.memory_space<hbm>>
        %dma_start3A_299 = tpu.memref_slice %arg3[%add3A_297] : memref<160000xi32, #tpu.memory_space<hbm>> -> memref<40xi32, #tpu.memory_space<hbm>>
        tpu.enqueue_dma source(%dma_start3A_299 : memref<40xi32, #tpu.memory_space<hbm>>) target(%arg12 : memref<40xi32, #tpu.memory_space<vmem>>) target_semaphore(%arg29 : memref<!tpu.dma_semaphore, #tpu.memory_space<semaphore_mem>>)
        %dma_start3A_300 = arith.constant 0 : i32
        %dma_start3A_301 = tpu.memref_slice %arg2[%add3A_297, %dma_start3A_300] : memref<160000x128xf32, #tpu.memory_space<hbm>> -> memref<40x128xf32, #tpu.memory_space<hbm>>
        %dma_start3A_302 = arith.constant 0 : i32
        %dma_start3A_303 = tpu.memref_slice %arg2[%add3A_297, %dma_start3A_302] : memref<160000x128xf32, #tpu.memory_space<hbm>> -> memref<40x128xf32, #tpu.memory_space<hbm>>
        tpu.enqueue_dma source(%dma_start3A_303 : memref<40x128xf32, #tpu.memory_space<hbm>>) target(%arg20 : memref<40x128xf32, #tpu.memory_space<vmem>>) target_semaphore(%arg37 : memref<!tpu.dma_semaphore, #tpu.memory_space<semaphore_mem>>)
      } else {
      }
      %add3A_271 = arith.constant 7 : i32
      %add3A_272 = arith.addi %add3A_130, %add3A_271 : i32
      %mul3A_273 = arith.constant 40 : i32
      %mul3A_274 = arith.muli %add3A_272, %mul3A_273 : i32
      %add3A_275 = arith.addi %mul3A_2, %mul3A_274 : i32
      %dma_wait3A_276 = tpu.memref_slice %arg3[%add3A_275] : memref<160000xi32, #tpu.memory_space<hbm>> -> memref<40xi32, #tpu.memory_space<hbm>>
      %dma_wait3A_277 = tpu.memref_slice %arg3[%add3A_275] : memref<160000xi32, #tpu.memory_space<hbm>> -> memref<40xi32, #tpu.memory_space<hbm>>
      tpu.wait_dma2 semaphore(%arg30 : memref<!tpu.dma_semaphore, #tpu.memory_space<semaphore_mem>>) src(%dma_wait3A_277 : memref<40xi32, #tpu.memory_space<hbm>>) dst(%arg13 : memref<40xi32, #tpu.memory_space<vmem>>)
      %dma_wait3A_278 = arith.constant 0 : i32
      %dma_wait3A_279 = tpu.memref_slice %arg2[%add3A_275, %dma_wait3A_278] : memref<160000x128xf32, #tpu.memory_space<hbm>> -> memref<40x128xf32, #tpu.memory_space<hbm>>
      %dma_wait3A_280 = arith.constant 0 : i32
      %dma_wait3A_281 = tpu.memref_slice %arg2[%add3A_275, %dma_wait3A_280] : memref<160000x128xf32, #tpu.memory_space<hbm>> -> memref<40x128xf32, #tpu.memory_space<hbm>>
      tpu.wait_dma2 semaphore(%arg38 : memref<!tpu.dma_semaphore, #tpu.memory_space<semaphore_mem>>) src(%dma_wait3A_281 : memref<40x128xf32, #tpu.memory_space<hbm>>) dst(%arg21 : memref<40x128xf32, #tpu.memory_space<vmem>>)
      "tpu.region"() ({
        %run_scoped3A = tpu.sem_alloc : memref<!tpu.dma_semaphore, #tpu.memory_space<semaphore_mem>>
        %dma_start3A_291 = arith.constant 0 : i32
        %dma_start3A_292 = arith.constant 0 : i32
        %dma_start3A_293 = tpu.memref_slice %arg22[%dma_start3A_291, %dma_start3A_292] : memref<10000x128xf32, #tpu.memory_space<vmem_shared>> -> memref<10000x128xf32, #tpu.memory_space<vmem_shared>>
        tpu.enqueue_indirect_dma source(%arg21 : memref<40x128xf32, #tpu.memory_space<vmem>>) target(%dma_start3A_293 : memref<10000x128xf32, #tpu.memory_space<vmem_shared>>) offsets(%arg13 : memref<40xi32, #tpu.memory_space<vmem>>) semaphore(%run_scoped3A : memref<!tpu.dma_semaphore, #tpu.memory_space<semaphore_mem>>) {add = true}
        %dma_wait3A_294 = arith.constant 0 : i32
        %dma_wait3A_295 = arith.constant 0 : i32
        %dma_wait3A_296 = tpu.memref_slice %arg22[%dma_wait3A_294, %dma_wait3A_295] : memref<10000x128xf32, #tpu.memory_space<vmem_shared>> -> memref<10000x128xf32, #tpu.memory_space<vmem_shared>>
        tpu.wait_indirect_dma semaphore(%run_scoped3A : memref<!tpu.dma_semaphore, #tpu.memory_space<semaphore_mem>>) src(%arg21 : memref<40x128xf32, #tpu.memory_space<vmem>>) dst(%dma_wait3A_296 : memref<10000x128xf32, #tpu.memory_space<vmem_shared>>)
        tpu.yield
      }) : () -> ()
      %add3A_282 = arith.constant 7 : i32
      %add3A_283 = arith.addi %add3A_130, %add3A_282 : i32
      %add3A_284 = arith.constant 8 : i32
      %add3A_285 = arith.addi %add3A_283, %add3A_284 : i32
      %lt3A_286 = arith.constant 125 : i32
      %lt3A_287 = arith.cmpi slt, %add3A_285, %lt3A_286 : i32
      %convert_element_type3A_288 = arith.extui %lt3A_287 : i1 to i32
      %cond3A_289 = arith.constant 0 : i32
      %cond3A_290 = arith.cmpi ne, %convert_element_type3A_288, %cond3A_289 : i32
      scf.if %cond3A_290 {
        %add3A_291 = arith.constant 7 : i32
        %add3A_292 = arith.addi %add3A_130, %add3A_291 : i32
        %add3A_293 = arith.constant 8 : i32
        %add3A_294 = arith.addi %add3A_292, %add3A_293 : i32
        %mul3A_295 = arith.constant 40 : i32
        %mul3A_296 = arith.muli %add3A_294, %mul3A_295 : i32
        %add3A_297 = arith.addi %mul3A_2, %mul3A_296 : i32
        %dma_start3A_298 = tpu.memref_slice %arg3[%add3A_297] : memref<160000xi32, #tpu.memory_space<hbm>> -> memref<40xi32, #tpu.memory_space<hbm>>
        %dma_start3A_299 = tpu.memref_slice %arg3[%add3A_297] : memref<160000xi32, #tpu.memory_space<hbm>> -> memref<40xi32, #tpu.memory_space<hbm>>
        tpu.enqueue_dma source(%dma_start3A_299 : memref<40xi32, #tpu.memory_space<hbm>>) target(%arg13 : memref<40xi32, #tpu.memory_space<vmem>>) target_semaphore(%arg30 : memref<!tpu.dma_semaphore, #tpu.memory_space<semaphore_mem>>)
        %dma_start3A_300 = arith.constant 0 : i32
        %dma_start3A_301 = tpu.memref_slice %arg2[%add3A_297, %dma_start3A_300] : memref<160000x128xf32, #tpu.memory_space<hbm>> -> memref<40x128xf32, #tpu.memory_space<hbm>>
        %dma_start3A_302 = arith.constant 0 : i32
        %dma_start3A_303 = tpu.memref_slice %arg2[%add3A_297, %dma_start3A_302] : memref<160000x128xf32, #tpu.memory_space<hbm>> -> memref<40x128xf32, #tpu.memory_space<hbm>>
        tpu.enqueue_dma source(%dma_start3A_303 : memref<40x128xf32, #tpu.memory_space<hbm>>) target(%arg21 : memref<40x128xf32, #tpu.memory_space<vmem>>) target_semaphore(%arg38 : memref<!tpu.dma_semaphore, #tpu.memory_space<semaphore_mem>>)
      } else {
      }
    }
    %scan3A_75 = arith.constant 15 : i32
    %add3A_76 = arith.constant 4800 : i32
    %add3A_77 = arith.addi %mul3A_2, %add3A_76 : i32
    %dma_wait3A = tpu.memref_slice %arg3[%add3A_77] : memref<160000xi32, #tpu.memory_space<hbm>> -> memref<40xi32, #tpu.memory_space<hbm>>
    %dma_wait3A_78 = tpu.memref_slice %arg3[%add3A_77] : memref<160000xi32, #tpu.memory_space<hbm>> -> memref<40xi32, #tpu.memory_space<hbm>>
    tpu.wait_dma2 semaphore(%arg23 : memref<!tpu.dma_semaphore, #tpu.memory_space<semaphore_mem>>) src(%dma_wait3A_78 : memref<40xi32, #tpu.memory_space<hbm>>) dst(%arg6 : memref<40xi32, #tpu.memory_space<vmem>>)
    %dma_wait3A_79 = arith.constant 0 : i32
    %dma_wait3A_80 = tpu.memref_slice %arg2[%add3A_77, %dma_wait3A_79] : memref<160000x128xf32, #tpu.memory_space<hbm>> -> memref<40x128xf32, #tpu.memory_space<hbm>>
    %dma_wait3A_81 = arith.constant 0 : i32
    %dma_wait3A_82 = tpu.memref_slice %arg2[%add3A_77, %dma_wait3A_81] : memref<160000x128xf32, #tpu.memory_space<hbm>> -> memref<40x128xf32, #tpu.memory_space<hbm>>
    tpu.wait_dma2 semaphore(%arg31 : memref<!tpu.dma_semaphore, #tpu.memory_space<semaphore_mem>>) src(%dma_wait3A_82 : memref<40x128xf32, #tpu.memory_space<hbm>>) dst(%arg14 : memref<40x128xf32, #tpu.memory_space<vmem>>)
    "tpu.region"() ({
      %run_scoped3A = tpu.sem_alloc : memref<!tpu.dma_semaphore, #tpu.memory_space<semaphore_mem>>
      %dma_start3A_126 = arith.constant 0 : i32
      %dma_start3A_127 = arith.constant 0 : i32
      %dma_start3A_128 = tpu.memref_slice %arg22[%dma_start3A_126, %dma_start3A_127] : memref<10000x128xf32, #tpu.memory_space<vmem_shared>> -> memref<10000x128xf32, #tpu.memory_space<vmem_shared>>
      tpu.enqueue_indirect_dma source(%arg14 : memref<40x128xf32, #tpu.memory_space<vmem>>) target(%dma_start3A_128 : memref<10000x128xf32, #tpu.memory_space<vmem_shared>>) offsets(%arg6 : memref<40xi32, #tpu.memory_space<vmem>>) semaphore(%run_scoped3A : memref<!tpu.dma_semaphore, #tpu.memory_space<semaphore_mem>>) {add = true}
      %dma_wait3A_129 = arith.constant 0 : i32
      %dma_wait3A_130 = arith.constant 0 : i32
      %dma_wait3A_131 = tpu.memref_slice %arg22[%dma_wait3A_129, %dma_wait3A_130] : memref<10000x128xf32, #tpu.memory_space<vmem_shared>> -> memref<10000x128xf32, #tpu.memory_space<vmem_shared>>
      tpu.wait_indirect_dma semaphore(%run_scoped3A : memref<!tpu.dma_semaphore, #tpu.memory_space<semaphore_mem>>) src(%arg14 : memref<40x128xf32, #tpu.memory_space<vmem>>) dst(%dma_wait3A_131 : memref<10000x128xf32, #tpu.memory_space<vmem_shared>>)
      tpu.yield
    }) : () -> ()
    %add3A_83 = arith.constant 4840 : i32
    %add3A_84 = arith.addi %mul3A_2, %add3A_83 : i32
    %dma_wait3A_85 = tpu.memref_slice %arg3[%add3A_84] : memref<160000xi32, #tpu.memory_space<hbm>> -> memref<40xi32, #tpu.memory_space<hbm>>
    %dma_wait3A_86 = tpu.memref_slice %arg3[%add3A_84] : memref<160000xi32, #tpu.memory_space<hbm>> -> memref<40xi32, #tpu.memory_space<hbm>>
    tpu.wait_dma2 semaphore(%arg24 : memref<!tpu.dma_semaphore, #tpu.memory_space<semaphore_mem>>) src(%dma_wait3A_86 : memref<40xi32, #tpu.memory_space<hbm>>) dst(%arg7 : memref<40xi32, #tpu.memory_space<vmem>>)
    %dma_wait3A_87 = arith.constant 0 : i32
    %dma_wait3A_88 = tpu.memref_slice %arg2[%add3A_84, %dma_wait3A_87] : memref<160000x128xf32, #tpu.memory_space<hbm>> -> memref<40x128xf32, #tpu.memory_space<hbm>>
    %dma_wait3A_89 = arith.constant 0 : i32
    %dma_wait3A_90 = tpu.memref_slice %arg2[%add3A_84, %dma_wait3A_89] : memref<160000x128xf32, #tpu.memory_space<hbm>> -> memref<40x128xf32, #tpu.memory_space<hbm>>
    tpu.wait_dma2 semaphore(%arg32 : memref<!tpu.dma_semaphore, #tpu.memory_space<semaphore_mem>>) src(%dma_wait3A_90 : memref<40x128xf32, #tpu.memory_space<hbm>>) dst(%arg15 : memref<40x128xf32, #tpu.memory_space<vmem>>)
    "tpu.region"() ({
      %run_scoped3A = tpu.sem_alloc : memref<!tpu.dma_semaphore, #tpu.memory_space<semaphore_mem>>
      %dma_start3A_126 = arith.constant 0 : i32
      %dma_start3A_127 = arith.constant 0 : i32
      %dma_start3A_128 = tpu.memref_slice %arg22[%dma_start3A_126, %dma_start3A_127] : memref<10000x128xf32, #tpu.memory_space<vmem_shared>> -> memref<10000x128xf32, #tpu.memory_space<vmem_shared>>
      tpu.enqueue_indirect_dma source(%arg15 : memref<40x128xf32, #tpu.memory_space<vmem>>) target(%dma_start3A_128 : memref<10000x128xf32, #tpu.memory_space<vmem_shared>>) offsets(%arg7 : memref<40xi32, #tpu.memory_space<vmem>>) semaphore(%run_scoped3A : memref<!tpu.dma_semaphore, #tpu.memory_space<semaphore_mem>>) {add = true}
      %dma_wait3A_129 = arith.constant 0 : i32
      %dma_wait3A_130 = arith.constant 0 : i32
      %dma_wait3A_131 = tpu.memref_slice %arg22[%dma_wait3A_129, %dma_wait3A_130] : memref<10000x128xf32, #tpu.memory_space<vmem_shared>> -> memref<10000x128xf32, #tpu.memory_space<vmem_shared>>
      tpu.wait_indirect_dma semaphore(%run_scoped3A : memref<!tpu.dma_semaphore, #tpu.memory_space<semaphore_mem>>) src(%arg15 : memref<40x128xf32, #tpu.memory_space<vmem>>) dst(%dma_wait3A_131 : memref<10000x128xf32, #tpu.memory_space<vmem_shared>>)
      tpu.yield
    }) : () -> ()
    %add3A_91 = arith.constant 4880 : i32
    %add3A_92 = arith.addi %mul3A_2, %add3A_91 : i32
    %dma_wait3A_93 = tpu.memref_slice %arg3[%add3A_92] : memref<160000xi32, #tpu.memory_space<hbm>> -> memref<40xi32, #tpu.memory_space<hbm>>
    %dma_wait3A_94 = tpu.memref_slice %arg3[%add3A_92] : memref<160000xi32, #tpu.memory_space<hbm>> -> memref<40xi32, #tpu.memory_space<hbm>>
    tpu.wait_dma2 semaphore(%arg25 : memref<!tpu.dma_semaphore, #tpu.memory_space<semaphore_mem>>) src(%dma_wait3A_94 : memref<40xi32, #tpu.memory_space<hbm>>) dst(%arg8 : memref<40xi32, #tpu.memory_space<vmem>>)
    %dma_wait3A_95 = arith.constant 0 : i32
    %dma_wait3A_96 = tpu.memref_slice %arg2[%add3A_92, %dma_wait3A_95] : memref<160000x128xf32, #tpu.memory_space<hbm>> -> memref<40x128xf32, #tpu.memory_space<hbm>>
    %dma_wait3A_97 = arith.constant 0 : i32
    %dma_wait3A_98 = tpu.memref_slice %arg2[%add3A_92, %dma_wait3A_97] : memref<160000x128xf32, #tpu.memory_space<hbm>> -> memref<40x128xf32, #tpu.memory_space<hbm>>
    tpu.wait_dma2 semaphore(%arg33 : memref<!tpu.dma_semaphore, #tpu.memory_space<semaphore_mem>>) src(%dma_wait3A_98 : memref<40x128xf32, #tpu.memory_space<hbm>>) dst(%arg16 : memref<40x128xf32, #tpu.memory_space<vmem>>)
    "tpu.region"() ({
      %run_scoped3A = tpu.sem_alloc : memref<!tpu.dma_semaphore, #tpu.memory_space<semaphore_mem>>
      %dma_start3A_126 = arith.constant 0 : i32
      %dma_start3A_127 = arith.constant 0 : i32
      %dma_start3A_128 = tpu.memref_slice %arg22[%dma_start3A_126, %dma_start3A_127] : memref<10000x128xf32, #tpu.memory_space<vmem_shared>> -> memref<10000x128xf32, #tpu.memory_space<vmem_shared>>
      tpu.enqueue_indirect_dma source(%arg16 : memref<40x128xf32, #tpu.memory_space<vmem>>) target(%dma_start3A_128 : memref<10000x128xf32, #tpu.memory_space<vmem_shared>>) offsets(%arg8 : memref<40xi32, #tpu.memory_space<vmem>>) semaphore(%run_scoped3A : memref<!tpu.dma_semaphore, #tpu.memory_space<semaphore_mem>>) {add = true}
      %dma_wait3A_129 = arith.constant 0 : i32
      %dma_wait3A_130 = arith.constant 0 : i32
      %dma_wait3A_131 = tpu.memref_slice %arg22[%dma_wait3A_129, %dma_wait3A_130] : memref<10000x128xf32, #tpu.memory_space<vmem_shared>> -> memref<10000x128xf32, #tpu.memory_space<vmem_shared>>
      tpu.wait_indirect_dma semaphore(%run_scoped3A : memref<!tpu.dma_semaphore, #tpu.memory_space<semaphore_mem>>) src(%arg16 : memref<40x128xf32, #tpu.memory_space<vmem>>) dst(%dma_wait3A_131 : memref<10000x128xf32, #tpu.memory_space<vmem_shared>>)
      tpu.yield
    }) : () -> ()
    %add3A_99 = arith.constant 4920 : i32
    %add3A_100 = arith.addi %mul3A_2, %add3A_99 : i32
    %dma_wait3A_101 = tpu.memref_slice %arg3[%add3A_100] : memref<160000xi32, #tpu.memory_space<hbm>> -> memref<40xi32, #tpu.memory_space<hbm>>
    %dma_wait3A_102 = tpu.memref_slice %arg3[%add3A_100] : memref<160000xi32, #tpu.memory_space<hbm>> -> memref<40xi32, #tpu.memory_space<hbm>>
    tpu.wait_dma2 semaphore(%arg26 : memref<!tpu.dma_semaphore, #tpu.memory_space<semaphore_mem>>) src(%dma_wait3A_102 : memref<40xi32, #tpu.memory_space<hbm>>) dst(%arg9 : memref<40xi32, #tpu.memory_space<vmem>>)
    %dma_wait3A_103 = arith.constant 0 : i32
    %dma_wait3A_104 = tpu.memref_slice %arg2[%add3A_100, %dma_wait3A_103] : memref<160000x128xf32, #tpu.memory_space<hbm>> -> memref<40x128xf32, #tpu.memory_space<hbm>>
    %dma_wait3A_105 = arith.constant 0 : i32
    %dma_wait3A_106 = tpu.memref_slice %arg2[%add3A_100, %dma_wait3A_105] : memref<160000x128xf32, #tpu.memory_space<hbm>> -> memref<40x128xf32, #tpu.memory_space<hbm>>
    tpu.wait_dma2 semaphore(%arg34 : memref<!tpu.dma_semaphore, #tpu.memory_space<semaphore_mem>>) src(%dma_wait3A_106 : memref<40x128xf32, #tpu.memory_space<hbm>>) dst(%arg17 : memref<40x128xf32, #tpu.memory_space<vmem>>)
    "tpu.region"() ({
      %run_scoped3A = tpu.sem_alloc : memref<!tpu.dma_semaphore, #tpu.memory_space<semaphore_mem>>
      %dma_start3A_126 = arith.constant 0 : i32
      %dma_start3A_127 = arith.constant 0 : i32
      %dma_start3A_128 = tpu.memref_slice %arg22[%dma_start3A_126, %dma_start3A_127] : memref<10000x128xf32, #tpu.memory_space<vmem_shared>> -> memref<10000x128xf32, #tpu.memory_space<vmem_shared>>
      tpu.enqueue_indirect_dma source(%arg17 : memref<40x128xf32, #tpu.memory_space<vmem>>) target(%dma_start3A_128 : memref<10000x128xf32, #tpu.memory_space<vmem_shared>>) offsets(%arg9 : memref<40xi32, #tpu.memory_space<vmem>>) semaphore(%run_scoped3A : memref<!tpu.dma_semaphore, #tpu.memory_space<semaphore_mem>>) {add = true}
      %dma_wait3A_129 = arith.constant 0 : i32
      %dma_wait3A_130 = arith.constant 0 : i32
      %dma_wait3A_131 = tpu.memref_slice %arg22[%dma_wait3A_129, %dma_wait3A_130] : memref<10000x128xf32, #tpu.memory_space<vmem_shared>> -> memref<10000x128xf32, #tpu.memory_space<vmem_shared>>
      tpu.wait_indirect_dma semaphore(%run_scoped3A : memref<!tpu.dma_semaphore, #tpu.memory_space<semaphore_mem>>) src(%arg17 : memref<40x128xf32, #tpu.memory_space<vmem>>) dst(%dma_wait3A_131 : memref<10000x128xf32, #tpu.memory_space<vmem_shared>>)
      tpu.yield
    }) : () -> ()
    %add3A_107 = arith.constant 4960 : i32
    %add3A_108 = arith.addi %mul3A_2, %add3A_107 : i32
    %dma_wait3A_109 = tpu.memref_slice %arg3[%add3A_108] : memref<160000xi32, #tpu.memory_space<hbm>> -> memref<40xi32, #tpu.memory_space<hbm>>
    %dma_wait3A_110 = tpu.memref_slice %arg3[%add3A_108] : memref<160000xi32, #tpu.memory_space<hbm>> -> memref<40xi32, #tpu.memory_space<hbm>>
    tpu.wait_dma2 semaphore(%arg27 : memref<!tpu.dma_semaphore, #tpu.memory_space<semaphore_mem>>) src(%dma_wait3A_110 : memref<40xi32, #tpu.memory_space<hbm>>) dst(%arg10 : memref<40xi32, #tpu.memory_space<vmem>>)
    %dma_wait3A_111 = arith.constant 0 : i32
    %dma_wait3A_112 = tpu.memref_slice %arg2[%add3A_108, %dma_wait3A_111] : memref<160000x128xf32, #tpu.memory_space<hbm>> -> memref<40x128xf32, #tpu.memory_space<hbm>>
    %dma_wait3A_113 = arith.constant 0 : i32
    %dma_wait3A_114 = tpu.memref_slice %arg2[%add3A_108, %dma_wait3A_113] : memref<160000x128xf32, #tpu.memory_space<hbm>> -> memref<40x128xf32, #tpu.memory_space<hbm>>
    tpu.wait_dma2 semaphore(%arg35 : memref<!tpu.dma_semaphore, #tpu.memory_space<semaphore_mem>>) src(%dma_wait3A_114 : memref<40x128xf32, #tpu.memory_space<hbm>>) dst(%arg18 : memref<40x128xf32, #tpu.memory_space<vmem>>)
    "tpu.region"() ({
      %run_scoped3A = tpu.sem_alloc : memref<!tpu.dma_semaphore, #tpu.memory_space<semaphore_mem>>
      %dma_start3A_126 = arith.constant 0 : i32
      %dma_start3A_127 = arith.constant 0 : i32
      %dma_start3A_128 = tpu.memref_slice %arg22[%dma_start3A_126, %dma_start3A_127] : memref<10000x128xf32, #tpu.memory_space<vmem_shared>> -> memref<10000x128xf32, #tpu.memory_space<vmem_shared>>
      tpu.enqueue_indirect_dma source(%arg18 : memref<40x128xf32, #tpu.memory_space<vmem>>) target(%dma_start3A_128 : memref<10000x128xf32, #tpu.memory_space<vmem_shared>>) offsets(%arg10 : memref<40xi32, #tpu.memory_space<vmem>>) semaphore(%run_scoped3A : memref<!tpu.dma_semaphore, #tpu.memory_space<semaphore_mem>>) {add = true}
      %dma_wait3A_129 = arith.constant 0 : i32
      %dma_wait3A_130 = arith.constant 0 : i32
      %dma_wait3A_131 = tpu.memref_slice %arg22[%dma_wait3A_129, %dma_wait3A_130] : memref<10000x128xf32, #tpu.memory_space<vmem_shared>> -> memref<10000x128xf32, #tpu.memory_space<vmem_shared>>
      tpu.wait_indirect_dma semaphore(%run_scoped3A : memref<!tpu.dma_semaphore, #tpu.memory_space<semaphore_mem>>) src(%arg18 : memref<40x128xf32, #tpu.memory_space<vmem>>) dst(%dma_wait3A_131 : memref<10000x128xf32, #tpu.memory_space<vmem_shared>>)
      tpu.yield
    }) : () -> ()
    %barrier3A_115 = arith.constant 0 : index
    tpu.barrier barrier_id(%barrier3A_115)
    %lt3A_116 = arith.constant 15 : i32
    %lt3A_117 = arith.cmpi slt, %arg1, %lt3A_116 : i32
    %convert_element_type3A_118 = arith.extui %lt3A_117 : i1 to i32
    %cond3A_119 = arith.constant 0 : i32
    %cond3A_120 = arith.cmpi ne, %convert_element_type3A_118, %cond3A_119 : i32
    scf.if %cond3A_120 {
      %mul3A_126 = arith.constant 632 : i32
      %mul3A_127 = arith.muli %arg1, %mul3A_126 : i32
      %mul3A_128 = arith.constant 632 : i32
      %mul3A_129 = arith.muli %arg1, %mul3A_128 : i32
      "tpu.region"() ({
        %run_scoped3A = tpu.sem_alloc : memref<!tpu.dma_semaphore, #tpu.memory_space<semaphore_mem>>
        %dma_start3A_130 = arith.constant 0 : i32
        %dma_start3A_131 = arith.constant 0 : i32
        %dma_start3A_132 = tpu.memref_slice %arg5[%arg0, %dma_start3A_130, %dma_start3A_131] : memref<2x10000x128xf32, #tpu.memory_space<hbm>> -> memref<1x10000x128xf32, #tpu.memory_space<hbm>>
        %dma_start3A_133 = tpu.memref_squeeze %dma_start3A_132 : memref<1x10000x128xf32, #tpu.memory_space<hbm>> -> memref<10000x128xf32, #tpu.memory_space<hbm>>
        %dma_start3A_134 = arith.constant 0 : i32
        %dma_start3A_135 = tpu.memref_slice %dma_start3A_133[%mul3A_129, %dma_start3A_134] : memref<10000x128xf32, #tpu.memory_space<hbm>> -> memref<632x128xf32, #tpu.memory_space<hbm>>
        %dma_start3A_136 = arith.constant 0 : i32
        %dma_start3A_137 = tpu.memref_slice %arg22[%mul3A_127, %dma_start3A_136] : memref<10000x128xf32, #tpu.memory_space<vmem_shared>> -> memref<632x128xf32, #tpu.memory_space<vmem_shared>>
        tpu.enqueue_dma source(%dma_start3A_137 : memref<632x128xf32, #tpu.memory_space<vmem_shared>>) target(%dma_start3A_135 : memref<632x128xf32, #tpu.memory_space<hbm>>) target_semaphore(%run_scoped3A : memref<!tpu.dma_semaphore, #tpu.memory_space<semaphore_mem>>)
        %dma_wait3A_138 = arith.constant 0 : i32
        %dma_wait3A_139 = arith.constant 0 : i32
        %dma_wait3A_140 = tpu.memref_slice %arg5[%arg0, %dma_wait3A_138, %dma_wait3A_139] : memref<2x10000x128xf32, #tpu.memory_space<hbm>> -> memref<1x10000x128xf32, #tpu.memory_space<hbm>>
        %dma_wait3A_141 = tpu.memref_squeeze %dma_wait3A_140 : memref<1x10000x128xf32, #tpu.memory_space<hbm>> -> memref<10000x128xf32, #tpu.memory_space<hbm>>
        %dma_wait3A_142 = arith.constant 0 : i32
        %dma_wait3A_143 = tpu.memref_slice %dma_wait3A_141[%mul3A_129, %dma_wait3A_142] : memref<10000x128xf32, #tpu.memory_space<hbm>> -> memref<632x128xf32, #tpu.memory_space<hbm>>
        %dma_wait3A_144 = arith.constant 0 : i32
        %dma_wait3A_145 = tpu.memref_slice %arg22[%mul3A_127, %dma_wait3A_144] : memref<10000x128xf32, #tpu.memory_space<vmem_shared>> -> memref<632x128xf32, #tpu.memory_space<vmem_shared>>
        tpu.wait_dma2 semaphore(%run_scoped3A : memref<!tpu.dma_semaphore, #tpu.memory_space<semaphore_mem>>) src(%dma_wait3A_145 : memref<632x128xf32, #tpu.memory_space<vmem_shared>>) dst(%dma_wait3A_143 : memref<632x128xf32, #tpu.memory_space<hbm>>)
        tpu.yield
      }) : () -> ()
    } else {
    }
    %eq3A_121 = arith.constant 15 : i32
    %eq3A_122 = arith.cmpi eq, %arg1, %eq3A_121 : i32
    %convert_element_type3A_123 = arith.extui %eq3A_122 : i1 to i32
    %cond3A_124 = arith.constant 0 : i32
    %cond3A_125 = arith.cmpi ne, %convert_element_type3A_123, %cond3A_124 : i32
    scf.if %cond3A_125 {
      %mul3A_126 = arith.constant 632 : i32
      %mul3A_127 = arith.muli %arg1, %mul3A_126 : i32
      %mul3A_128 = arith.constant 632 : i32
      %mul3A_129 = arith.muli %arg1, %mul3A_128 : i32
      "tpu.region"() ({
        %run_scoped3A = tpu.sem_alloc : memref<!tpu.dma_semaphore, #tpu.memory_space<semaphore_mem>>
        %dma_start3A_130 = arith.constant 0 : i32
        %dma_start3A_131 = arith.constant 0 : i32
        %dma_start3A_132 = tpu.memref_slice %arg5[%arg0, %dma_start3A_130, %dma_start3A_131] : memref<2x10000x128xf32, #tpu.memory_space<hbm>> -> memref<1x10000x128xf32, #tpu.memory_space<hbm>>
        %dma_start3A_133 = tpu.memref_squeeze %dma_start3A_132 : memref<1x10000x128xf32, #tpu.memory_space<hbm>> -> memref<10000x128xf32, #tpu.memory_space<hbm>>
        %dma_start3A_134 = arith.constant 0 : i32
        %dma_start3A_135 = tpu.memref_slice %dma_start3A_133[%mul3A_129, %dma_start3A_134] : memref<10000x128xf32, #tpu.memory_space<hbm>> -> memref<520x128xf32, #tpu.memory_space<hbm>>
        %dma_start3A_136 = arith.constant 0 : i32
        %dma_start3A_137 = tpu.memref_slice %arg22[%mul3A_127, %dma_start3A_136] : memref<10000x128xf32, #tpu.memory_space<vmem_shared>> -> memref<520x128xf32, #tpu.memory_space<vmem_shared>>
        tpu.enqueue_dma source(%dma_start3A_137 : memref<520x128xf32, #tpu.memory_space<vmem_shared>>) target(%dma_start3A_135 : memref<520x128xf32, #tpu.memory_space<hbm>>) target_semaphore(%run_scoped3A : memref<!tpu.dma_semaphore, #tpu.memory_space<semaphore_mem>>)
        %dma_wait3A_138 = arith.constant 0 : i32
        %dma_wait3A_139 = arith.constant 0 : i32
        %dma_wait3A_140 = tpu.memref_slice %arg5[%arg0, %dma_wait3A_138, %dma_wait3A_139] : memref<2x10000x128xf32, #tpu.memory_space<hbm>> -> memref<1x10000x128xf32, #tpu.memory_space<hbm>>
        %dma_wait3A_141 = tpu.memref_squeeze %dma_wait3A_140 : memref<1x10000x128xf32, #tpu.memory_space<hbm>> -> memref<10000x128xf32, #tpu.memory_space<hbm>>
        %dma_wait3A_142 = arith.constant 0 : i32
        %dma_wait3A_143 = tpu.memref_slice %dma_wait3A_141[%mul3A_129, %dma_wait3A_142] : memref<10000x128xf32, #tpu.memory_space<hbm>> -> memref<520x128xf32, #tpu.memory_space<hbm>>
        %dma_wait3A_144 = arith.constant 0 : i32
        %dma_wait3A_145 = tpu.memref_slice %arg22[%mul3A_127, %dma_wait3A_144] : memref<10000x128xf32, #tpu.memory_space<vmem_shared>> -> memref<520x128xf32, #tpu.memory_space<vmem_shared>>
        tpu.wait_dma2 semaphore(%run_scoped3A : memref<!tpu.dma_semaphore, #tpu.memory_space<semaphore_mem>>) src(%dma_wait3A_145 : memref<520x128xf32, #tpu.memory_space<vmem_shared>>) dst(%dma_wait3A_143 : memref<520x128xf32, #tpu.memory_space<hbm>>)
        tpu.yield
      }) : () -> ()
    } else {
    }
    return
  }
}

module attributes {stable_mosaic.version = 14 : i64} {
  func.func @_proj_body(%arg0: i32, %arg1: memref<2000x128xf32, #tpu.memory_space<vmem>>, %arg2: memref<128x128xf32, #tpu.memory_space<vmem>>, %arg3: memref<128x128xf32, #tpu.memory_space<vmem>>, %arg4: memref<2000x128xf32, #tpu.memory_space<vmem>>, %arg5: memref<2000x128xf32, #tpu.memory_space<vmem>>) attributes {dimension_semantics = [#tpu.dimension_semantics<arbitrary>], iteration_bounds = array<i64: 5>, scalar_prefetch = 0 : i64, scratch_operands = 0 : i64, tpu.core_type = #tpu.core_type<tc>, window_params = [{transform_indices = @transform_0, window_bounds = array<i64: 2000, 128>}, {pipeline_mode = #tpu.pipeline_mode<synchronous>, transform_indices = @transform_1, window_bounds = array<i64: 128, 128>}, {pipeline_mode = #tpu.pipeline_mode<synchronous>, transform_indices = @transform_2, window_bounds = array<i64: 128, 128>}, {transform_indices = @transform_3, window_bounds = array<i64: 2000, 128>}, {transform_indices = @transform_4, window_bounds = array<i64: 2000, 128>}]} {
    %get3A = arith.constant 0 : index
    %get3A_0 = arith.constant 0 : index
    %get3A_1 = vector.load %arg1[%get3A, %get3A_0] : memref<2000x128xf32, #tpu.memory_space<vmem>>, vector<2000x128xf32>
    %get3A_2 = arith.constant 0 : index
    %get3A_3 = arith.constant 0 : index
    %get3A_4 = vector.load %arg2[%get3A_2, %get3A_3] : memref<128x128xf32, #tpu.memory_space<vmem>>, vector<128x128xf32>
    %dot_general3A = arith.constant dense<0.000000e+00> : vector<2000x128xf32>
    %dot_general3A_5 = tpu.matmul %get3A_1, %get3A_4, %dot_general3A {dimension_numbers = #tpu.dot_dimension_numbers<[1], [0], [0], [1], [0, 0, 1, 1], [], []>, transpose_lhs_hint = false} : vector<2000x128xf32>, vector<128x128xf32>, vector<2000x128xf32> -> vector<2000x128xf32>
    %swap3A = arith.constant 0 : index
    %swap3A_6 = arith.constant 0 : index
    %swap3A_7 = vector.load %arg4[%swap3A, %swap3A_6] : memref<2000x128xf32, #tpu.memory_space<vmem>>, vector<2000x128xf32>
    tpu.vector_store %arg4[%swap3A, %swap3A_6], %dot_general3A_5 {strides = array<i32>} : memref<2000x128xf32, #tpu.memory_space<vmem>>, vector<2000x128xf32>,
    %get3A_8 = arith.constant 0 : index
    %get3A_9 = arith.constant 0 : index
    %get3A_10 = vector.load %arg3[%get3A_8, %get3A_9] : memref<128x128xf32, #tpu.memory_space<vmem>>, vector<128x128xf32>
    %dot_general3A_11 = arith.constant dense<0.000000e+00> : vector<2000x128xf32>
    %dot_general3A_12 = tpu.matmul %get3A_1, %get3A_10, %dot_general3A_11 {dimension_numbers = #tpu.dot_dimension_numbers<[1], [0], [0], [1], [0, 0, 1, 1], [], []>, transpose_lhs_hint = false} : vector<2000x128xf32>, vector<128x128xf32>, vector<2000x128xf32> -> vector<2000x128xf32>
    %swap3A_13 = arith.constant 0 : index
    %swap3A_14 = arith.constant 0 : index
    %swap3A_15 = vector.load %arg5[%swap3A_13, %swap3A_14] : memref<2000x128xf32, #tpu.memory_space<vmem>>, vector<2000x128xf32>
    tpu.vector_store %arg5[%swap3A_13, %swap3A_14], %dot_general3A_12 {strides = array<i32>} : memref<2000x128xf32, #tpu.memory_space<vmem>>, vector<2000x128xf32>,
    return
  }
  func.func @transform_0(%arg0: i32) -> (i32, i32) {
    %c0_i32 = arith.constant 0 : i32
    %c0_i32_0 = arith.constant 0 : i32
    return %arg0, %c0_i32 : i32, i32
  }
  func.func @transform_1(%arg0: i32) -> (i32, i32) {
    %c0_i32 = arith.constant 0 : i32
    %c0_i32_0 = arith.constant 0 : i32
    %c0_i32_1 = arith.constant 0 : i32
    return %c0_i32, %c0_i32_0 : i32, i32
  }
  func.func @transform_2(%arg0: i32) -> (i32, i32) {
    %c0_i32 = arith.constant 0 : i32
    %c0_i32_0 = arith.constant 0 : i32
    %c0_i32_1 = arith.constant 0 : i32
    return %c0_i32, %c0_i32_0 : i32, i32
  }
  func.func @transform_3(%arg0: i32) -> (i32, i32) {
    %c0_i32 = arith.constant 0 : i32
    %c0_i32_0 = arith.constant 0 : i32
    return %arg0, %c0_i32 : i32, i32
  }
  func.func @transform_4(%arg0: i32) -> (i32, i32) {
    %c0_i32 = arith.constant 0 : i32
    %c0_i32_0 = arith.constant 0 : i32
    return %arg0, %c0_i32 : i32, i32
  }
}

module attributes {stable_mosaic.version = 14 : i64} {
  func.func @_edge_body(%arg0: i32, %arg1: memref<2000x128xf32, #tpu.memory_space<vmem>>, %arg2: memref<2000x128xf32, #tpu.memory_space<vmem>>, %arg3: memref<2000x3xf32, #tpu.memory_space<vmem>>, %arg4: memref<1x128xf32, #tpu.memory_space<vmem>>, %arg5: memref<1x128xf32, #tpu.memory_space<vmem>>, %arg6: memref<128x128xf32, #tpu.memory_space<vmem>>, %arg7: memref<1x128xf32, #tpu.memory_space<vmem>>, %arg8: memref<2000x128xf32, #tpu.memory_space<vmem>>) attributes {dimension_semantics = [#tpu.dimension_semantics<arbitrary>], iteration_bounds = array<i64: 80>, scalar_prefetch = 0 : i64, scratch_operands = 0 : i64, tpu.core_type = #tpu.core_type<tc>, window_params = [{transform_indices = @transform_0, window_bounds = array<i64: 2000, 128>}, {transform_indices = @transform_1, window_bounds = array<i64: 2000, 128>}, {transform_indices = @transform_2, window_bounds = array<i64: 2000, 3>}, {pipeline_mode = #tpu.pipeline_mode<synchronous>, transform_indices = @transform_3, window_bounds = array<i64: 1, 128>}, {pipeline_mode = #tpu.pipeline_mode<synchronous>, transform_indices = @transform_4, window_bounds = array<i64: 1, 128>}, {pipeline_mode = #tpu.pipeline_mode<synchronous>, transform_indices = @transform_5, window_bounds = array<i64: 128, 128>}, {pipeline_mode = #tpu.pipeline_mode<synchronous>, transform_indices = @transform_6, window_bounds = array<i64: 1, 128>}, {transform_indices = @transform_7, window_bounds = array<i64: 2000, 128>}]} {
    %get3A = arith.constant 0 : index
    %get3A_0 = arith.constant 0 : index
    %get3A_1 = vector.load %arg3[%get3A, %get3A_0] : memref<2000x3xf32, #tpu.memory_space<vmem>>, vector<2000x3xf32>
    %mul3A = arith.mulf %get3A_1, %get3A_1 : vector<2000x3xf32>
    %reduce_sum3A = arith.constant dense<0.000000e+00> : vector<2000xf32>
    %reduce_sum3A_2 = vector.multi_reduction <add>, %mul3A, %reduce_sum3A [1] : vector<2000x3xf32> to vector<2000xf32>
    %broadcast_in_dim3A = vector.shape_cast %reduce_sum3A_2 : vector<2000xf32> to vector<2000x1xf32>
    %get3A_3 = arith.constant 0 : index
    %get3A_4 = arith.constant 0 : index
    %get3A_5 = vector.load %arg1[%get3A_3, %get3A_4] : memref<2000x128xf32, #tpu.memory_space<vmem>>, vector<2000x128xf32>
    %get3A_6 = arith.constant 0 : index
    %get3A_7 = arith.constant 0 : index
    %get3A_8 = vector.load %arg2[%get3A_6, %get3A_7] : memref<2000x128xf32, #tpu.memory_space<vmem>>, vector<2000x128xf32>
    %add3A = arith.addf %get3A_5, %get3A_8 : vector<2000x128xf32>
    %get3A_9 = arith.constant 0 : index
    %get3A_10 = arith.constant 0 : index
    %get3A_11 = vector.load %arg4[%get3A_9, %get3A_10] : memref<1x128xf32, #tpu.memory_space<vmem>>, vector<1x128xf32>
    %mul3A_12 = vector.broadcast %broadcast_in_dim3A : vector<2000x1xf32> to vector<2000x128xf32>
    %mul3A_13 = vector.broadcast %get3A_11 : vector<1x128xf32> to vector<2000x128xf32>
    %mul3A_14 = arith.mulf %mul3A_12, %mul3A_13 : vector<2000x128xf32>
    %add3A_15 = arith.addf %add3A, %mul3A_14 : vector<2000x128xf32>
    %get3A_16 = arith.constant 0 : index
    %get3A_17 = arith.constant 0 : index
    %get3A_18 = vector.load %arg5[%get3A_16, %get3A_17] : memref<1x128xf32, #tpu.memory_space<vmem>>, vector<1x128xf32>
    %add3A_19 = vector.broadcast %get3A_18 : vector<1x128xf32> to vector<2000x128xf32>
    %add3A_20 = arith.addf %add3A_15, %add3A_19 : vector<2000x128xf32>
    %logistic3A = arith.negf %add3A_20 : vector<2000x128xf32>
    %logistic3A_21 = math.exp %logistic3A : vector<2000x128xf32>
    %logistic3A_22 = arith.constant 1.000000e+00 : f32
    %logistic3A_23 = vector.broadcast %logistic3A_22 : f32 to vector<2000x128xf32>
    %logistic3A_24 = arith.addf %logistic3A_23, %logistic3A_21 : vector<2000x128xf32>
    %logistic3A_25 = arith.divf %logistic3A_23, %logistic3A_24 : vector<2000x128xf32>
    %mul3A_26 = arith.mulf %add3A_20, %logistic3A_25 : vector<2000x128xf32>
    %get3A_27 = arith.constant 0 : index
    %get3A_28 = arith.constant 0 : index
    %get3A_29 = vector.load %arg6[%get3A_27, %get3A_28] : memref<128x128xf32, #tpu.memory_space<vmem>>, vector<128x128xf32>
    %dot_general3A = arith.constant dense<0.000000e+00> : vector<2000x128xf32>
    %dot_general3A_30 = tpu.matmul %mul3A_26, %get3A_29, %dot_general3A {dimension_numbers = #tpu.dot_dimension_numbers<[1], [0], [0], [1], [0, 0, 1, 1], [], []>, transpose_lhs_hint = false} : vector<2000x128xf32>, vector<128x128xf32>, vector<2000x128xf32> -> vector<2000x128xf32>
    %get3A_31 = arith.constant 0 : index
    %get3A_32 = arith.constant 0 : index
    %get3A_33 = vector.load %arg7[%get3A_31, %get3A_32] : memref<1x128xf32, #tpu.memory_space<vmem>>, vector<1x128xf32>
    %add3A_34 = vector.broadcast %get3A_33 : vector<1x128xf32> to vector<2000x128xf32>
    %add3A_35 = arith.addf %dot_general3A_30, %add3A_34 : vector<2000x128xf32>
    %logistic3A_36 = arith.negf %add3A_35 : vector<2000x128xf32>
    %logistic3A_37 = math.exp %logistic3A_36 : vector<2000x128xf32>
    %logistic3A_38 = arith.constant 1.000000e+00 : f32
    %logistic3A_39 = vector.broadcast %logistic3A_38 : f32 to vector<2000x128xf32>
    %logistic3A_40 = arith.addf %logistic3A_39, %logistic3A_37 : vector<2000x128xf32>
    %logistic3A_41 = arith.divf %logistic3A_39, %logistic3A_40 : vector<2000x128xf32>
    %mul3A_42 = arith.mulf %add3A_35, %logistic3A_41 : vector<2000x128xf32>
    %swap3A = arith.constant 0 : index
    %swap3A_43 = arith.constant 0 : index
    %swap3A_44 = vector.load %arg8[%swap3A, %swap3A_43] : memref<2000x128xf32, #tpu.memory_space<vmem>>, vector<2000x128xf32>
    tpu.vector_store %arg8[%swap3A, %swap3A_43], %mul3A_42 {strides = array<i32>} : memref<2000x128xf32, #tpu.memory_space<vmem>>, vector<2000x128xf32>,
    return
  }
  func.func @transform_0(%arg0: i32) -> (i32, i32) {
    %c0_i32 = arith.constant 0 : i32
    %c0_i32_0 = arith.constant 0 : i32
    return %arg0, %c0_i32 : i32, i32
  }
  func.func @transform_1(%arg0: i32) -> (i32, i32) {
    %c0_i32 = arith.constant 0 : i32
    %c0_i32_0 = arith.constant 0 : i32
    return %arg0, %c0_i32 : i32, i32
  }
  func.func @transform_2(%arg0: i32) -> (i32, i32) {
    %c0_i32 = arith.constant 0 : i32
    %c0_i32_0 = arith.constant 0 : i32
    return %arg0, %c0_i32 : i32, i32
  }
  func.func @transform_3(%arg0: i32) -> (i32, i32) {
    %c0_i32 = arith.constant 0 : i32
    %c0_i32_0 = arith.constant 0 : i32
    %c0_i32_1 = arith.constant 0 : i32
    return %c0_i32, %c0_i32_0 : i32, i32
  }
  func.func @transform_4(%arg0: i32) -> (i32, i32) {
    %c0_i32 = arith.constant 0 : i32
    %c0_i32_0 = arith.constant 0 : i32
    %c0_i32_1 = arith.constant 0 : i32
    return %c0_i32, %c0_i32_0 : i32, i32
  }
  func.func @transform_5(%arg0: i32) -> (i32, i32) {
    %c0_i32 = arith.constant 0 : i32
    %c0_i32_0 = arith.constant 0 : i32
    %c0_i32_1 = arith.constant 0 : i32
    return %c0_i32, %c0_i32_0 : i32, i32
  }
  func.func @transform_6(%arg0: i32) -> (i32, i32) {
    %c0_i32 = arith.constant 0 : i32
    %c0_i32_0 = arith.constant 0 : i32
    %c0_i32_1 = arith.constant 0 : i32
    return %c0_i32, %c0_i32_0 : i32, i32
  }
  func.func @transform_7(%arg0: i32) -> (i32, i32) {
    %c0_i32 = arith.constant 0 : i32
    %c0_i32_0 = arith.constant 0 : i32
    return %arg0, %c0_i32 : i32, i32
  }
}

module attributes {stable_mosaic.version = 14 : i64} {
  func.func @_node_body(%arg0: i32, %arg1: memref<2000x128xf32, #tpu.memory_space<vmem>>, %arg2: memref<2x2000x128xf32, #tpu.memory_space<vmem>>, %arg3: memref<2x2000x128xf32, #tpu.memory_space<vmem>>, %arg4: memref<128x128xf32, #tpu.memory_space<vmem>>, %arg5: memref<128x128xf32, #tpu.memory_space<vmem>>, %arg6: memref<1x128xf32, #tpu.memory_space<vmem>>, %arg7: memref<128x128xf32, #tpu.memory_space<vmem>>, %arg8: memref<1x128xf32, #tpu.memory_space<vmem>>, %arg9: memref<2000x128xf32, #tpu.memory_space<vmem>>) attributes {dimension_semantics = [#tpu.dimension_semantics<arbitrary>], iteration_bounds = array<i64: 5>, scalar_prefetch = 0 : i64, scratch_operands = 0 : i64, tpu.core_type = #tpu.core_type<tc>, window_params = [{transform_indices = @transform_0, window_bounds = array<i64: 2000, 128>}, {transform_indices = @transform_1, window_bounds = array<i64: 2, 2000, 128>}, {transform_indices = @transform_2, window_bounds = array<i64: 2, 2000, 128>}, {pipeline_mode = #tpu.pipeline_mode<synchronous>, transform_indices = @transform_3, window_bounds = array<i64: 128, 128>}, {pipeline_mode = #tpu.pipeline_mode<synchronous>, transform_indices = @transform_4, window_bounds = array<i64: 128, 128>}, {pipeline_mode = #tpu.pipeline_mode<synchronous>, transform_indices = @transform_5, window_bounds = array<i64: 1, 128>}, {pipeline_mode = #tpu.pipeline_mode<synchronous>, transform_indices = @transform_6, window_bounds = array<i64: 128, 128>}, {pipeline_mode = #tpu.pipeline_mode<synchronous>, transform_indices = @transform_7, window_bounds = array<i64: 1, 128>}, {transform_indices = @transform_8, window_bounds = array<i64: 2000, 128>}]} {
    %get3A = arith.constant 0 : index
    %get3A_0 = arith.constant 0 : index
    %get3A_1 = arith.constant 0 : index
    %get3A_2 = vector.load %arg2[%get3A, %get3A_0, %get3A_1] : memref<2x2000x128xf32, #tpu.memory_space<vmem>>, vector<1x2000x128xf32>
    %get3A_3 = vector.shape_cast %get3A_2 : vector<1x2000x128xf32> to vector<2000x128xf32>
    %get3A_4 = arith.constant 1 : index
    %get3A_5 = arith.constant 0 : index
    %get3A_6 = arith.constant 0 : index
    %get3A_7 = vector.load %arg2[%get3A_4, %get3A_5, %get3A_6] : memref<2x2000x128xf32, #tpu.memory_space<vmem>>, vector<1x2000x128xf32>
    %get3A_8 = vector.shape_cast %get3A_7 : vector<1x2000x128xf32> to vector<2000x128xf32>
    %add3A = arith.addf %get3A_3, %get3A_8 : vector<2000x128xf32>
    %get3A_9 = arith.constant 0 : index
    %get3A_10 = arith.constant 0 : index
    %get3A_11 = arith.constant 0 : index
    %get3A_12 = vector.load %arg3[%get3A_9, %get3A_10, %get3A_11] : memref<2x2000x128xf32, #tpu.memory_space<vmem>>, vector<1x2000x128xf32>
    %get3A_13 = vector.shape_cast %get3A_12 : vector<1x2000x128xf32> to vector<2000x128xf32>
    %get3A_14 = arith.constant 1 : index
    %get3A_15 = arith.constant 0 : index
    %get3A_16 = arith.constant 0 : index
    %get3A_17 = vector.load %arg3[%get3A_14, %get3A_15, %get3A_16] : memref<2x2000x128xf32, #tpu.memory_space<vmem>>, vector<1x2000x128xf32>
    %get3A_18 = vector.shape_cast %get3A_17 : vector<1x2000x128xf32> to vector<2000x128xf32>
    %add3A_19 = arith.addf %get3A_13, %get3A_18 : vector<2000x128xf32>
    %add3A_20 = arith.addf %add3A, %add3A_19 : vector<2000x128xf32>
    %get3A_21 = arith.constant 0 : index
    %get3A_22 = arith.constant 0 : index
    %get3A_23 = vector.load %arg1[%get3A_21, %get3A_22] : memref<2000x128xf32, #tpu.memory_space<vmem>>, vector<2000x128xf32>
    %get3A_24 = arith.constant 0 : index
    %get3A_25 = arith.constant 0 : index
    %get3A_26 = vector.load %arg4[%get3A_24, %get3A_25] : memref<128x128xf32, #tpu.memory_space<vmem>>, vector<128x128xf32>
    %dot_general3A = arith.constant dense<0.000000e+00> : vector<2000x128xf32>
    %dot_general3A_27 = tpu.matmul %get3A_23, %get3A_26, %dot_general3A {dimension_numbers = #tpu.dot_dimension_numbers<[1], [0], [0], [1], [0, 0, 1, 1], [], []>, transpose_lhs_hint = false} : vector<2000x128xf32>, vector<128x128xf32>, vector<2000x128xf32> -> vector<2000x128xf32>
    %get3A_28 = arith.constant 0 : index
    %get3A_29 = arith.constant 0 : index
    %get3A_30 = vector.load %arg5[%get3A_28, %get3A_29] : memref<128x128xf32, #tpu.memory_space<vmem>>, vector<128x128xf32>
    %dot_general3A_31 = arith.constant dense<0.000000e+00> : vector<2000x128xf32>
    %dot_general3A_32 = tpu.matmul %add3A_20, %get3A_30, %dot_general3A_31 {dimension_numbers = #tpu.dot_dimension_numbers<[1], [0], [0], [1], [0, 0, 1, 1], [], []>, transpose_lhs_hint = false} : vector<2000x128xf32>, vector<128x128xf32>, vector<2000x128xf32> -> vector<2000x128xf32>
    %add3A_33 = arith.addf %dot_general3A_27, %dot_general3A_32 : vector<2000x128xf32>
    %get3A_34 = arith.constant 0 : index
    %get3A_35 = arith.constant 0 : index
    %get3A_36 = vector.load %arg6[%get3A_34, %get3A_35] : memref<1x128xf32, #tpu.memory_space<vmem>>, vector<1x128xf32>
    %add3A_37 = vector.broadcast %get3A_36 : vector<1x128xf32> to vector<2000x128xf32>
    %add3A_38 = arith.addf %add3A_33, %add3A_37 : vector<2000x128xf32>
    %logistic3A = arith.negf %add3A_38 : vector<2000x128xf32>
    %logistic3A_39 = math.exp %logistic3A : vector<2000x128xf32>
    %logistic3A_40 = arith.constant 1.000000e+00 : f32
    %logistic3A_41 = vector.broadcast %logistic3A_40 : f32 to vector<2000x128xf32>
    %logistic3A_42 = arith.addf %logistic3A_41, %logistic3A_39 : vector<2000x128xf32>
    %logistic3A_43 = arith.divf %logistic3A_41, %logistic3A_42 : vector<2000x128xf32>
    %mul3A = arith.mulf %add3A_38, %logistic3A_43 : vector<2000x128xf32>
    %get3A_44 = arith.constant 0 : index
    %get3A_45 = arith.constant 0 : index
    %get3A_46 = vector.load %arg7[%get3A_44, %get3A_45] : memref<128x128xf32, #tpu.memory_space<vmem>>, vector<128x128xf32>
    %dot_general3A_47 = arith.constant dense<0.000000e+00> : vector<2000x128xf32>
    %dot_general3A_48 = tpu.matmul %mul3A, %get3A_46, %dot_general3A_47 {dimension_numbers = #tpu.dot_dimension_numbers<[1], [0], [0], [1], [0, 0, 1, 1], [], []>, transpose_lhs_hint = false} : vector<2000x128xf32>, vector<128x128xf32>, vector<2000x128xf32> -> vector<2000x128xf32>
    %get3A_49 = arith.constant 0 : index
    %get3A_50 = arith.constant 0 : index
    %get3A_51 = vector.load %arg8[%get3A_49, %get3A_50] : memref<1x128xf32, #tpu.memory_space<vmem>>, vector<1x128xf32>
    %add3A_52 = vector.broadcast %get3A_51 : vector<1x128xf32> to vector<2000x128xf32>
    %add3A_53 = arith.addf %dot_general3A_48, %add3A_52 : vector<2000x128xf32>
    %swap3A = arith.constant 0 : index
    %swap3A_54 = arith.constant 0 : index
    %swap3A_55 = vector.load %arg9[%swap3A, %swap3A_54] : memref<2000x128xf32, #tpu.memory_space<vmem>>, vector<2000x128xf32>
    tpu.vector_store %arg9[%swap3A, %swap3A_54], %add3A_53 {strides = array<i32>} : memref<2000x128xf32, #tpu.memory_space<vmem>>, vector<2000x128xf32>,
    return
  }
  func.func @transform_0(%arg0: i32) -> (i32, i32) {
    %c0_i32 = arith.constant 0 : i32
    %c0_i32_0 = arith.constant 0 : i32
    return %arg0, %c0_i32 : i32, i32
  }
  func.func @transform_1(%arg0: i32) -> (i32, i32, i32) {
    %c0_i32 = arith.constant 0 : i32
    %c0_i32_0 = arith.constant 0 : i32
    %c0_i32_1 = arith.constant 0 : i32
    return %c0_i32, %arg0, %c0_i32_0 : i32, i32, i32
  }
  func.func @transform_2(%arg0: i32) -> (i32, i32, i32) {
    %c0_i32 = arith.constant 0 : i32
    %c0_i32_0 = arith.constant 0 : i32
    %c0_i32_1 = arith.constant 0 : i32
    return %c0_i32, %arg0, %c0_i32_0 : i32, i32, i32
  }
  func.func @transform_3(%arg0: i32) -> (i32, i32) {
    %c0_i32 = arith.constant 0 : i32
    %c0_i32_0 = arith.constant 0 : i32
    %c0_i32_1 = arith.constant 0 : i32
    return %c0_i32, %c0_i32_0 : i32, i32
  }
  func.func @transform_4(%arg0: i32) -> (i32, i32) {
    %c0_i32 = arith.constant 0 : i32
    %c0_i32_0 = arith.constant 0 : i32
    %c0_i32_1 = arith.constant 0 : i32
    return %c0_i32, %c0_i32_0 : i32, i32
  }
  func.func @transform_5(%arg0: i32) -> (i32, i32) {
    %c0_i32 = arith.constant 0 : i32
    %c0_i32_0 = arith.constant 0 : i32
    %c0_i32_1 = arith.constant 0 : i32
    return %c0_i32, %c0_i32_0 : i32, i32
  }
  func.func @transform_6(%arg0: i32) -> (i32, i32) {
    %c0_i32 = arith.constant 0 : i32
    %c0_i32_0 = arith.constant 0 : i32
    %c0_i32_1 = arith.constant 0 : i32
    return %c0_i32, %c0_i32_0 : i32, i32
  }
  func.func @transform_7(%arg0: i32) -> (i32, i32) {
    %c0_i32 = arith.constant 0 : i32
    %c0_i32_0 = arith.constant 0 : i32
    %c0_i32_1 = arith.constant 0 : i32
    return %c0_i32, %c0_i32_0 : i32, i32
  }
  func.func @transform_8(%arg0: i32) -> (i32, i32) {
    %c0_i32 = arith.constant 0 : i32
    %c0_i32_0 = arith.constant 0 : i32
    return %arg0, %c0_i32 : i32, i32
  }
}

</mosaic_0001>

<sc_bundles>
// kernel: kernel.10.cloned.1.call-start
scs
__scs_entry_jumppad:
0x0: {  	(pc) =	sbr.rel $0x88, $3  }
0x1: {  	(tag) =	ssettag $0x0;
	lr =	simm.s32 $0x1  }
0x2: {  	[smem:$0x3F96] =	sst lr;
	_ =	strace $0xD0000000  }
0x3: {  	_ = 	snop  }
0x4: {  	_ = 	snop  }
0x5: {  	_ = 	snop  }
0x6: {  	_ = 	snop  }
0x7: {  	_ = 	snop  }
__scs_overlays_trampoline_lowered:
0x8: {  	[smem:$0x3FA5] =	sst s0  }
0x9: {  	[smem:$0x3FA6] =	sst s1  }
0xa: {  	[smem:$0x3FA7] =	sst s2  }
0xb: {  	[smem:$0x3FA8] =	sst s3  }
0xc: {  	[smem:$0x3FA9] =	sst s4  }
0xd: {  	[smem:$0x3FAA] =	sst s5  }
0xe: {  	[smem:$0x3FAB] =	sst s6  }
0xf: {  	[smem:$0x3FAC] =	sst s7  }
0x10: {  	[smem:$0x3FAD] =	sst s8  }
0x11: {  	[smem:$0x3FAE] =	sst s9;
	s0 =	simm.s32 @!p0 $0x0  }
0x12: {  	s1 =	sld [smem:$0x3F94];
	s0 =	simm.s32 @p0 $0x1  }
0x13: {  	[smem:$0x3FAF] =	sst s0;
	s0 =	simm.s32 @!p1 $0x0  }
0x14: {  	s2 =	sld [smem:$0x3F93];
	s0 =	simm.s32 @p1 $0x1  }
0x15: {  	[smem:$0x3FB0] =	sst s0;
	s0 =	simm.s32 @!p2 $0x0  }
0x16: {  	s3 =	sld [smem:$0x3FDB];
	s0 =	simm.s32 @p2 $0x1  }
0x17: {  	s4 =	simm.s32 $0x1BF5;
	[smem:$0x3FB2] =	sst s0  }
0x18: {  	s0 =	sld [smem:$0x3F95];
	_ =	swait.ge [sflag:s4], $0x0  }
0x19: {  	s7 =	sld [smem:$0x3F96]  }
0x1a: {  	s8 =	sadd.s32 $0xFFFFE003, lr  }
0x1b: {  	s9 =	sadd.s32 $0xFFFFFEF7, lr;
	s5 =	simm.s32 $0xFFFFFFFF;
	p2 =	slt.u32 s8, $0xFFFFF086  }
0x1c: {  	p1 =	slt.u32 s9, $0xF7A;
	s5 =	simm.s32 @!p2 $0x0  }
0x1d: {  	s5 =	simm.s32 @p1 $0x1;
	p0 =	seq.s32 s7, s2  }
0x1e: {  	s7 =	smul.u32 @!p0 $0xF7A, s2;
	p2 =	seq.s32 @!p0 s5, $0x0  }
0x1f: {  	s9 =	smul.u32 $0xF7A, s1;
	s8 =	simm.s32 @!p0 $0x1BF5;
	p2 =	por !p2, p0  }
0x20: {  	[sflag:s8] =	ssyncset.s32 @!p0 $0xFFFFF086;
	s6 =	sadd.s32 @!p0 s3, s7;
	s7 =	simm.s32 @!p0 $0x108  }
0x21: {  	s3 =	sadd.s32 s3, s9;
	s6 =	sadd.s32 @!p0 $0x88, s6;
	s7 =	simm.s32 @p2 $0x1082  }
0x22: {  	[simem:s7], [sflag:s8] =	dma.local @!p0 [hbm:s6], $0xF7A  }
0x23: {  	s9 =	sor.u32 $0xD0000000, s2;
	s6 =	simm.s32 $0x108;
	_ =	swait.ge @!p0 [sflag:s8], $0x0  }
0x24: {  	s3 =	sadd.s32 $0x88, s3;
	s6 =	simm.s32 @!p1 $0x1082;
	[sflag:s4] =	ssyncset.s32 $0xFFFFF086  }
0x25: {  	[simem:s6], [sflag:s4] =	dma.local [hbm:s3], $0xF7A  }
0x26: {  	[smem:$0x3F96] =	sst s1;
	(tag) =	ssettag s2;
	_ =	strace s9  }
0x27: {  	s1 =	sld [smem:$0x3FA6]  }
0x28: {  	s2 =	sld [smem:$0x3FA7]  }
0x29: {  	s4 =	sld [smem:$0x3FA9]  }
0x2a: {  	p0 =	seq.s32 s5, $0x0;
	s5 =	sld [smem:$0x3FAA]  }
0x2b: {  	s6 =	sld [smem:$0x3FAB]  }
0x2c: {  	s7 =	sld [smem:$0x3FAC]  }
0x2d: {  	s3 =	simm.s32 $0x108;
	s8 =	sld [smem:$0x3FAD]  }
0x2e: {  	s3 =	simm.s32 @!p0 $0x1082;
	s9 =	sld [smem:$0x3FAE]  }
0x2f: {  	lr =	sadd.s32 s0, s3;
	s0 =	sld [smem:$0x3FA5]  }
0x30: {  	s3 =	sld [smem:$0x3FA8]  }
0x31: {  	[smem:$0x3FB1] =	sst s10  }
0x32: {  	s10 =	sld [smem:$0x3FAF];
	_ =	sdelay $0x3  }
0x33: {  	p0 =	seq.s32 s10, $0x1;
	s10 =	sld [smem:$0x3FB1];
	_ =	sdelay $0x3  }
0x34: {  	[smem:$0x3FB1] =	sst s10  }
0x35: {  	s10 =	sld [smem:$0x3FB0];
	_ =	sdelay $0x3  }
0x36: {  	p1 =	seq.s32 s10, $0x1;
	s10 =	sld [smem:$0x3FB1];
	_ =	sdelay $0x3  }
0x37: {  	[smem:$0x3FB1] =	sst s10  }
0x38: {  	s10 =	sld [smem:$0x3FB2]  }
0x39: {  	_ = 	snop;
	(pc) =	sbr.ind lr, $3  }
0x3a: {  	_ = 	snop  }
0x3b: {  	_ = 	snop  }
0x3c: {  	p2 =	seq.s32 s10, $0x1;
	s10 =	sld [smem:$0x3FB1]  }
0x3d: {  	_ =	shalt  }
0x3e: {  	_ =	shalt  }
0x3f: {  	_ =	shalt  }
0x40: {  	_ =	shalt  }
0x41: {  	_ =	shalt  }
0x42: {  	_ =	shalt  }
0x43: {  	_ =	shalt  }
0x44: {  	_ =	shalt  }
0x45: {  	_ =	shalt  }
0x46: {  	_ =	shalt  }
0x47: {  	_ =	shalt  }
0x48: {  	_ =	shalt  }
0x49: {  	_ =	shalt  }
0x4a: {  	_ =	shalt  }
0x4b: {  	_ =	shalt  }
0x4c: {  	_ =	shalt  }
0x4d: {  	_ =	shalt  }
0x4e: {  	_ =	shalt  }
0x4f: {  	_ =	shalt  }
0x50: {  	_ =	shalt  }
0x51: {  	_ =	shalt  }
0x52: {  	_ =	shalt  }
0x53: {  	_ =	shalt  }
0x54: {  	_ =	shalt  }
0x55: {  	_ =	shalt  }
0x56: {  	_ =	shalt  }
0x57: {  	_ =	shalt  }
0x58: {  	_ =	shalt  }
0x59: {  	_ =	shalt  }
0x5a: {  	_ =	shalt  }
0x5b: {  	_ =	shalt  }
0x5c: {  	_ =	shalt  }
0x5d: {  	_ =	shalt  }
0x5e: {  	_ =	shalt  }
0x5f: {  	_ =	shalt  }
0x60: {  	_ =	shalt  }
0x61: {  	_ =	shalt  }
0x62: {  	_ =	shalt  }
0x63: {  	_ =	shalt  }
0x64: {  	_ =	shalt  }
0x65: {  	_ =	shalt  }
0x66: {  	_ =	shalt  }
0x67: {  	_ =	shalt  }
0x68: {  	_ =	shalt  }
0x69: {  	_ =	shalt  }
0x6a: {  	_ =	shalt  }
0x6b: {  	_ =	shalt  }
0x6c: {  	_ =	shalt  }
0x6d: {  	_ =	shalt  }
0x6e: {  	_ =	shalt  }
0x6f: {  	_ =	shalt  }
0x70: {  	_ =	shalt  }
0x71: {  	_ =	shalt  }
0x72: {  	_ =	shalt  }
0x73: {  	_ =	shalt  }
0x74: {  	_ =	shalt  }
0x75: {  	_ =	shalt  }
0x76: {  	_ =	shalt  }
0x77: {  	_ =	shalt  }
0x78: {  	_ =	shalt  }
0x79: {  	_ =	shalt  }
0x7a: {  	_ =	shalt  }
0x7b: {  	_ =	shalt  }
0x7c: {  	_ =	shalt  }
0x7d: {  	_ =	shalt  }
0x7e: {  	_ =	shalt  }
0x7f: {  	_ =	shalt  }
0x80: {  	_ =	shalt  }
0x81: {  	_ =	shalt  }
0x82: {  	_ =	shalt  }
0x83: {  	_ =	shalt  }
0x84: {  	_ =	shalt  }
0x85: {  	_ =	shalt  }
0x86: {  	_ =	shalt  }
0x87: {  	_ =	shalt  }
.Lfunc_end0:
.L_simem_size_0:
called_computation_lowered:
.L_overlay_start_0:
0x88: {  	s2 =	sld [smem:$0x3FD9]  }
0x89: {  	s3 =	sld [smem:$0x3FFE];
	_ =	sdelay $0x1  }
0x8a: {  	s1 =	srdreg.scid  }
0x8b: {  	s0 =	sand.u32 $0x1, s1  }
0x8c: {  	s17 =	sshll.u32 s0, $0xA;
	s2 =	sadd.s32 s3, s2  }
0x8d: {  	s2 =	sadd.s32 s2, s17  }
0x8e: {  	[smem:$0x3FBD] =	sst s2  }
0x8f: {  	_ = 	snop  }
0x90: {  	s18 =	sld [smem:$0x3FD0];
	(tm) =	ssettm $0x1  }
0x91: {  	s19 =	sld [smem:$0x3FFB];
	_ =	sdelay $0x3  }
0x92: {  	_ =	strace s19  }
0x93: {  	s2 =	sld [smem:$0x3FFC];
	_ =	sdelay $0x3  }
0x94: {  	_ =	strace s2  }
0x95: {  	s2 =	sld [smem:$0x3FFD];
	_ =	sdelay $0x3  }
0x96: {  	_ =	strace s2  }
0x97: {  	_ =	strace $0x8FFFFFFF  }
0x98: {  	s20 =	sld [smem:$0x3FDB];
	_ =	sdelay $0x1  }
0x99: {  	s4 =	simm.s32 $_scs_section_size  }
0x9a: {  	s5 =	simm.s32 $_size__tile_overlayer_lowered;
	s6 =	simm.s32 $_tile_overlayer_lowered  }
0x9b: {  	s7 =	simm.s32 $0x1BFF;
	s21 =	sshll.u32 s6, $0x1;
	s4 =	sadd.s32 s4, s20  }
0x9c: {  	s22 =	simm.s32 $0x0;
	s5 =	sshll.u32 s5, $0x1;
	s6 =	sadd.s32 s21, s4  }
0x9d: {  	[timem:s22], [sflag:s7] =	dma.local [hbm:s6], s5  }
0x9e: {  	_ =	swait.ge [sflag:s7], s5  }
0x9f: {  	s5 =	ssub.s32 $0x0, s5;
	[sflag:s7] =	ssyncset.done $0x0  }
0xa0: {  	[sflag:s7] =	ssyncadd.s32 s5;
	_ =	sdelay $0x1  }
0xa1: {  	s23 =	simm.s32 $0x1B8B  }
0xa2: {  	_ =	swait.ge [sflag:s23], $0x1  }
0xa3: {  	[sflag:s23] =	ssyncset.done $0x0  }
0xa4: {  	[sflag:s23] =	ssyncadd.s32 $0xFFFFFFFF  }
0xa5: {  	s5 =	sld [smem:$0x0]  }
0xa6: {  	s6 =	sand.u32 $0xFFFFFFFE, s1  }
0xa7: {  	p0 =	sne.s32 s1, s6  }
0xa8: {  	s6 =	sshll.u32 @p0 s6, $0xE  }
0xa9: {  	s6 =	sadd.s32 @p0 $0x11B8D, s6;
	s7 =	sshll.u32 @p0 s5, $0x11  }
0xaa: {  	s6 =	sor.u32 @p0 s7, s6  }
0xab: {  	[sflag:s6] =	ssyncadd.remote.s32 @p0 $0x1;
	_ =	sdelay $0x1  }
0xac: {  	s6 =	simm.s32 @p0 $0x1B8D  }
0xad: {  	_ =	swait.eq @p0 [sflag:s6], $0x1  }
0xae: {  	[sflag:s6] =	ssyncadd.s32 @p0 $0xFFFFFFFF  }
0xaf: {  	s7 =	sshll.u32 @!p0 s1, $0xE  }
0xb0: {  	s7 =	sor.u32 @!p0 $0x4000, s7;
	s6 =	simm.s32 @!p0 $0x1B8D  }
0xb1: {  	s5 =	sshll.u32 @!p0 s5, $0x11;
	s7 =	sadd.s32 @!p0 $0x11B8D, s7;
	_ =	swait.eq @!p0 [sflag:s6], $0x1  }
0xb2: {  	s5 =	sor.u32 @!p0 s5, s7;
	[sflag:s6] =	ssyncadd.s32 @!p0 $0xFFFFFFFF  }
0xb3: {  	s25 =	simm.s32 $0x1B8E;
	s24 =	sld [smem:$0x3FFE];
	[sflag:s5] =	ssyncadd.remote.s32 @!p0 $0x1  }
0xb4: {  	s26 =	simm.s32 $execute0_lowered;
	[smem:$0x3FD2] =	sst s25  }
0xb5: {  	s6 =	sshll.u32 s26, $0x1;
	_ =	strace $0x80000049;
	[dreg:$0x1] =	wrdreg $0xFFFFFFFF  }
0xb6: {  	s28 =	simm.s32 $_size_execute0_lowered;
	s4 =	sadd.s32 s4, s6;
	[dreg:$0x0] =	wrdreg $0x0  }
0xb7: {  	s6 =	sshll.u32 s28, $0x1;
	[dreg:$0x2] =	wrdreg s4  }
0xb8: {  	[dreg:$0x3] =	wrdreg s6  }
0xb9: {  	[dreg:$0x4] =	wrdreg $0xC0  }
0xba: {  	_ =	task [dreg:s22], $0x5FFFF  }
0xbb: {  	[dreg:$0x1] =	wrdreg $0xFFFFFFFF  }
0xbc: {  	[dreg:$0x0] =	wrdreg $0x60  }
0xbd: {  	[dreg:$0x2] =	wrdreg s18  }
0xbe: {  	[dreg:$0x3] =	wrdreg s24  }
0xbf: {  	[dreg:$0x4] =	wrdreg $0xC7800  }
0xc0: {  	[dreg:$0x5] =	wrdreg $0x9  }
0xc1: {  	_ =	task.clear_ibuf [dreg:s22], $0x6FFFF;
	_ =	strace $0x90000049  }
0xc2: {  	s29 =	simm.s32 $0x9;
	_ =	strace $0x8000004B  }
0xc3: {  	_ =	swait.ge [sflag:s29], $0x1  }
0xc4: {  	[sflag:s29] =	ssyncadd.s32 $0xFFFFFFFF  }
0xc5: {  	_ =	strace $0x9000004B  }
0xc6: {  	_ =	sfence  }
0xc7: {  	s30 =	sld [smem:$0x0];
	_ =	sdelay $0x2  }
0xc8: {  	s31 =	sshll.u32 s1, $0xD;
	s1 =	sshrl.u32 s1, $0x2  }
0xc9: {  	s4 =	sand.u32 $0x4000, s31;
	s1 =	sadd.s32 s1, s30  }
0xca: {  	s0 =	sor.u32 s4, s0;
	s1 =	sshll.u32 s1, $0x11  }
0xcb: {  	s0 =	sor.u32 s1, s0  }
0xcc: {  	s0 =	sadd.s32 $0x8F2B, s0  }
0xcd: {  	[sflag:s0] =	ssyncadd.remote.s32 $0x1  }
0xce: {  	_ =	sfence.sel $0xFFFF  }
0xcf: {  	[dreg:$0x0] =	wrdreg $0xFFFFFFFF;
	(pc) =	sbr.abs _section_cstart, $3  }
0xd0: {  	[dreg:$0x1] =	wrdreg $0xFFFFFFFF  }
0xd1: {  	_ =	task.clear_ibuf [dreg:s22], $0x2FFFF;
	_ =	strace $0x9FFFFFFF  }
0xd2: {  	(tm) =	ssettm $0x7FFFFFFF  }
0xd3: {  	_ =	shalt  }
tec
execute0_lowered:
.L_overlay_start_1:
0x0: {  	(tag) =	ssettag $0x1  }
0x1: {  	s0 =	rddreg [dreg:$0x0]  }
0x2: {  	s4 =	rddreg [dreg:$0x1]  }
0x3: {  	s2 =	rddreg [dreg:$0x2];
	s1 =	stileid.u32;
	s3 =	simm.s32 $0x0  }
0x4: {  	s7 =	srdreg.scid;
	s28 =	simm.s32 $0x7780;
	s5 =	smul.u32 $0x2780, s1  }
0x5: {  	s30 =	simm.s32 $0x9F80;
	s31 =	simm.s32 $0x1;
	s6 =	smul.u32 $0x2710, s1  }
0x6: {  	s29 =	simm.s32 $0x0;
	[smem:$0x7FF] =	sst s3;
	s10 =	smul.u32 $0x4F000, s1  }
0x7: {  	s7 =	sand.u32 $0x1, s7;
	s12 =	sadd.s32 $0x520400, s4;
	s20 =	smul.u32 $0x138800, s1  }
0x8: {  	s13 =	sadd.s32 $0x791400, s4;
	s25 =	smul.u32 $0x27100, s1;
	p0 =	seq.s32 s1, $0xF  }
0x9: {  	_ =	strace $0x8000004A;
	s18 =	ssub.s32 $0x2, s7;
	[dreg:$0x5] =	wrdreg s13  }
0xa: {  	[dreg:$0x4] =	wrdreg s12;
	p1 =	sne.s32 s7, $0x0;
	s7 =	simm.s32 $0x3  }
0xb: {  	s8 =	sadd.s32 s5, s4;
	s6 =	sshrl.u32 s6, $0x3;
	s11 =	sshrl.u32 s18, $0x1  }
0xc: {  	s19 =	sshrl.u32 s10, $0x2;
	s23 =	sshrl.u32 s20, $0x3;
	s24 =	sadd.s32 s0, s5  }
0xd: {  	s0 =	sadd.s32 $0x25080, s0;
	s15 =	sadd.s32 $0x25800, s25;
	s16 =	sadd.s32 $0x25D00, s25  }
0xe: {  	s17 =	sadd.s32 $0x26200, s25;
	s20 =	sadd.s32 s25, s12;
	s12 =	simm.s32 $0x7  }
0xf: {  	s9 =	sadd.s32 s6, s4;
	s11 =	ssub.s32 s18, s11;
	s6 =	sadd.s32 s19, s2  }
0x10: {  	s21 =	sadd.s32 $0xD200, s8;
	s8 =	sadd.s32 $0x128400, s2;
	[dreg:$0xa] =	wrdreg s24  }
0x11: {  	s4 =	sadd.s32 $0x32280, s4;
	s10 =	sadd.s32 $0x26C00, s23;
	[dreg:$0xb] =	wrdreg s0  }
0x12: {  	s18 =	sadd.s32 $0x26700, s25;
	s19 =	sadd.s32 s25, s13;
	s23 =	simm.s32 $0x50  }
0x13: {  	s24 =	simm.s32 $0x2780;
	s25 =	simm.s32 $0x4F80;
	[dreg:$0x6] =	wrdreg s6  }
.Ltmp0:
0x14: {  	s0 =	simm.s32 $0x2;
	[dreg:$0x7] =	wrdreg s21;
	(pc) =	sbr.rel .LBB2_1-.Ltmp0, $4  }
0x15: {  	s13 =	simm.s32 $0x8;
	[dreg:$0x8] =	wrdreg s4;
	s22 =	sadd.s32 $0x516400, s9  }
0x16: {  	s26 =	sadd.s32 $0x51B400, s9;
	s14 =	smax.u32 s11, $0x1;
	s21 =	sshrl.u32 @p0 s8, $0x3  }
0x17: {  	s8 =	simm.s32 $0x4;
	s9 =	simm.s32 $0x5;
	[dreg:$0x9] =	wrdreg s22  }
0x18: {  	s11 =	simm.s32 $0x6;
	[dreg:$0xc] =	wrdreg s26;
	s22 =	simm.s32 $0x9  }
.LBB2_7:
0x19: {  	[tilespmem:s30], [sflag:$0x4] =	stream.indirect.gather [spmem:s2], $0x80, s4, s23, $0xb8;
	v63 =	vld [tilespmem:$0x0]  }
0x1a: {  	s4 =	rddreg [dreg:$0x5]  }
.LBB2_8:
0x1b: {  	_ =	swait.ge [sflag:s31], $0x2800  }
0x1c: {  	[sflag:s31] =	ssyncset.done $0x0  }
0x1d: {  	s1 =	sadd.s32 s4, s15;
	[sflag:s31] =	ssyncadd.s32 $0xFFFFD800  }
0x1e: {  	[hbm4b:s1+s3] =	stream.linear.scatter [tilespmem:s24], [sflag:$0x5], $0x2800, $0x38;
	v63 =	vld [tilespmem:$0x0]  }
0x1f: {  	_ =	swait.ge [sflag:s0], $0x2800  }
0x20: {  	[sflag:s0] =	ssyncset.done $0x0  }
0x21: {  	s6 =	sadd.s32 s4, s16;
	[sflag:s0] =	ssyncadd.s32 $0xFFFFD800  }
0x22: {  	[hbm4b:s6+s3] =	stream.linear.scatter [tilespmem:s25], [sflag:$0x6], $0x2800, $0x38;
	v63 =	vld [tilespmem:$0x0]  }
0x23: {  	_ =	swait.ge [sflag:s7], $0x2800  }
0x24: {  	[sflag:s7] =	ssyncset.done $0x0  }
0x25: {  	s26 =	sadd.s32 s4, s17;
	[sflag:s7] =	ssyncadd.s32 $0xFFFFD800  }
0x26: {  	[hbm4b:s26+s3] =	stream.linear.scatter [tilespmem:s28], [sflag:$0x7], $0x2800, $0x38;
	v63 =	vld [tilespmem:$0x0]  }
0x27: {  	_ =	swait.ge [sflag:s8], $0x2800  }
0x28: {  	[sflag:s8] =	ssyncset.done $0x0  }
0x29: {  	s5 =	sadd.s32 s4, s18;
	[sflag:s8] =	ssyncadd.s32 $0xFFFFD800  }
0x2a: {  	[hbm4b:s5+s3] =	stream.linear.scatter [tilespmem:s30], [sflag:$0x8], $0x2800, $0x38;
	v63 =	vld [tilespmem:$0x0]  }
0x2b: {  	_ =	swait.ge [sflag:s9], $0x2800  }
0x2c: {  	[sflag:s9] =	ssyncset.done $0x0  }
0x2d: {  	s6 =	simm.s32 $0x26C0;
	[sflag:s9] =	ssyncadd.s32 $0xFFFFD800  }
0x2e: {  	[tilespmem:s24], [sflag:$0x1] =	stream.indirect.gather [spmem:s2], $0x80, s6, s23, $0xb8;
	v63 =	vld [tilespmem:$0x0]  }
0x2f: {  	_ =	swait.ge [sflag:s11], $0x2800  }
0x30: {  	[sflag:s11] =	ssyncset.done $0x0  }
0x31: {  	[sflag:s11] =	ssyncadd.s32 $0xFFFFD800  }
0x32: {  	_ =	swait.ge [sflag:s12], $0x2800  }
0x33: {  	[sflag:s12] =	ssyncset.done $0x0  }
0x34: {  	[sflag:s12] =	ssyncadd.s32 $0xFFFFD800  }
0x35: {  	_ =	swait.ge [sflag:s13], $0x2800  }
0x36: {  	[sflag:s13] =	ssyncset.done $0x0  }
0x37: {  	[sflag:s13] =	ssyncadd.s32 $0xFFFFD800  }
0x38: {  	s29 =	sadd.s32 $0x1, s29;
	_ =	swait.ge [sflag:s31], $0x2800  }
0x39: {  	p2 =	sne.s32 s29, s14;
	[sflag:s31] =	ssyncset.done $0x0  }
.Ltmp1:
0x3a: {  	s26 =	sadd.s32 s4, s10;
	[sflag:s31] =	ssyncadd.s32 $0xFFFFD800;
	(pc) =	sbr.rel @!p2 .LBB2_9-.Ltmp1, $4  }
0x3b: {  	[hbm4b:s26+s3] =	stream.linear.scatter [tilespmem:s24], [sflag:$0x5], $0x2800, $0x38;
	v63 =	vld [tilespmem:$0x0]  }
0x3c: {  	_ =	swait.ge [sflag:s9], $0x2800  }
0x3d: {  	[sflag:s9] =	ssyncset.done $0x0  }
0x3e: {  	[sflag:s9] =	ssyncadd.s32 $0xFFFFD800  }
.LBB2_1:
.Ltmp2:
0x3f: {  	(pc) =	sbr.rel @p1 .LBB2_5-.Ltmp2, $4  }
0x40: {  	_ = 	snop  }
0x41: {  	s1 =	stileid.u32  }
0x42: {  	s5 =	sshll.u32 @!p0 s1, $0x6;
	s1 =	rddreg [dreg:$0x6]  }
0x43: {  	s4 =	sshrl.u32 @!p0 s1, $0x3;
	s5 =	sor.u32 @!p0 $0x1C09, s5  }
0x44: {  	s26 =	simm.s32 @p0 $0x1FC9;
	s1 =	rddreg [dreg:$0xb]  }
0x45: {  	[spmem:s21], [sflag:s26] =	dma.local @p0 [hbm:s1], $0x2080  }
0x46: {  	s26 =	simm.s32 @p0 $0x9  }
0x47: {  	_ =	swait.ge @p0 [sflag:s26], $0x2080  }
0x48: {  	[sflag:s26] =	ssyncset.done @p0 $0x0  }
0x49: {  	s1 =	rddreg [dreg:$0xa];
	[sflag:s26] =	ssyncadd.s32 @p0 $0xFFFFDF80  }
0x4a: {  	[spmem:s4], [sflag:s5] =	dma.local @!p0 [hbm:s1], $0x2780  }
0x4b: {  	s4 =	simm.s32 @!p0 $0x9  }
0x4c: {  	_ =	swait.ge @!p0 [sflag:s4], $0x2780  }
0x4d: {  	[sflag:s4] =	ssyncset.done @!p0 $0x0  }
0x4e: {  	[sflag:s4] =	ssyncadd.s32 @!p0 $0xFFFFD880  }
0x4f: {  	[bflag:$0x0] =	sbarrier.arrive $0xFFFF  }
0x50: {  	s6 =	simm.s32 $0x0;
	s26 =	rddreg [dreg:$0xc]  }
0x51: {  	[tilespmem:s6], [sflag:$0x9] =	stream.linear.gather [hbm4b:s26+s6], $0x2710, $0x38;
	v63 =	vld [tilespmem:$0x0]  }
0x52: {  	_ =	swait.ge [sflag:s22], $0x2710  }
0x53: {  	[sflag:s22] =	ssyncset.done $0x0  }
0x54: {  	[sflag:s22] =	ssyncadd.s32 $0xFFFFD8F0  }
0x55: {  	[tilespmem:s24], [sflag:$0x1] =	stream.indirect.gather [spmem:s2], $0x80, s6, s23, $0xb8;
	v63 =	vld [tilespmem:$0x0]  }
0x56: {  	_ = 	snop  }
0x57: {  	[tilespmem:s25], [sflag:$0x2] =	stream.indirect.gather [spmem:s2], $0x80, s23, s23, $0xb8;
	v63 =	vld [tilespmem:$0x0]  }
0x58: {  	s4 =	simm.s32 $0xA0  }
0x59: {  	[tilespmem:s28], [sflag:$0x3] =	stream.indirect.gather [spmem:s2], $0x80, s4, s23, $0xb8;
	v63 =	vld [tilespmem:$0x0]  }
0x5a: {  	s5 =	simm.s32 $0xF0  }
0x5b: {  	[tilespmem:s30], [sflag:$0x4] =	stream.indirect.gather [spmem:s2], $0x80, s5, s23, $0xb8;
	v63 =	vld [tilespmem:$0x0]  }
0x5c: {  	_ =	swait.ge [sflag:s31], $0x2800  }
0x5d: {  	[sflag:s31] =	ssyncset.done $0x0  }
0x5e: {  	s6 =	sadd.s32 $0x0, s20;
	[sflag:s31] =	ssyncadd.s32 $0xFFFFD800  }
0x5f: {  	[hbm4b:s6+s3] =	stream.linear.scatter [tilespmem:s24], [sflag:$0x5], $0x2800, $0x38;
	v63 =	vld [tilespmem:$0x0]  }
0x60: {  	_ =	swait.ge [sflag:s0], $0x2800  }
0x61: {  	[sflag:s0] =	ssyncset.done $0x0  }
0x62: {  	s26 =	sadd.s32 $0x500, s6;
	[sflag:s0] =	ssyncadd.s32 $0xFFFFD800  }
0x63: {  	[hbm4b:s26+s3] =	stream.linear.scatter [tilespmem:s25], [sflag:$0x6], $0x2800, $0x38;
	v63 =	vld [tilespmem:$0x0]  }
0x64: {  	_ =	swait.ge [sflag:s7], $0x2800  }
0x65: {  	[sflag:s7] =	ssyncset.done $0x0  }
0x66: {  	s1 =	sadd.s32 $0xA00, s6;
	[sflag:s7] =	ssyncadd.s32 $0xFFFFD800  }
0x67: {  	[hbm4b:s1+s3] =	stream.linear.scatter [tilespmem:s28], [sflag:$0x7], $0x2800, $0x38;
	v63 =	vld [tilespmem:$0x0]  }
0x68: {  	_ =	swait.ge [sflag:s8], $0x2800  }
0x69: {  	[sflag:s8] =	ssyncset.done $0x0  }
0x6a: {  	s4 =	sadd.s32 $0xF00, s6;
	[sflag:s8] =	ssyncadd.s32 $0xFFFFD800  }
0x6b: {  	[hbm4b:s4+s3] =	stream.linear.scatter [tilespmem:s30], [sflag:$0x8], $0x2800, $0x38;
	v63 =	vld [tilespmem:$0x0]  }
0x6c: {  	_ =	swait.ge [sflag:s9], $0x2800  }
0x6d: {  	[sflag:s9] =	ssyncset.done $0x0  }
0x6e: {  	s5 =	simm.s32 $0x140;
	[sflag:s9] =	ssyncadd.s32 $0xFFFFD800  }
0x6f: {  	[tilespmem:s24], [sflag:$0x1] =	stream.indirect.gather [spmem:s2], $0x80, s5, s23, $0xb8;
	v63 =	vld [tilespmem:$0x0]  }
0x70: {  	_ =	swait.ge [sflag:s11], $0x2800  }
0x71: {  	[sflag:s11] =	ssyncset.done $0x0  }
0x72: {  	s6 =	simm.s32 $0x190;
	[sflag:s11] =	ssyncadd.s32 $0xFFFFD800  }
0x73: {  	[tilespmem:s25], [sflag:$0x2] =	stream.indirect.gather [spmem:s2], $0x80, s6, s23, $0xb8;
	v63 =	vld [tilespmem:$0x0]  }
0x74: {  	_ =	swait.ge [sflag:s12], $0x2800  }
0x75: {  	[sflag:s12] =	ssyncset.done $0x0  }
0x76: {  	s26 =	simm.s32 $0x1E0;
	[sflag:s12] =	ssyncadd.s32 $0xFFFFD800  }
0x77: {  	[tilespmem:s28], [sflag:$0x3] =	stream.indirect.gather [spmem:s2], $0x80, s26, s23, $0xb8;
	v63 =	vld [tilespmem:$0x0]  }
0x78: {  	_ =	swait.ge [sflag:s13], $0x2800  }
0x79: {  	s4 =	simm.s32 $0x230;
	[sflag:s13] =	ssyncset.done $0x0  }
0x7a: {  	s5 =	simm.s32 $0x1400;
	s26 =	simm.s32 $0x370;
	[sflag:s13] =	ssyncadd.s32 $0xFFFFD800  }
.LBB2_3:
0x7b: {  	[tilespmem:s30], [sflag:$0x4] =	stream.indirect.gather [spmem:s2], $0x80, s4, s23, $0xb8;
	v63 =	vld [tilespmem:$0x0]  }
0x7c: {  	s1 =	smov.u32 s5;
	s4 =	smov.u32 s26  }
0x7d: {  	p2 =	seq.s32 s5, $0x24400;
	s5 =	sadd.s32 $0x1400, s5;
	_ =	swait.ge [sflag:s31], $0x2800  }
0x7e: {  	[sflag:s31] =	ssyncset.done $0x0  }
0x7f: {  	s1 =	sadd.s32 s1, s20;
	[sflag:s31] =	ssyncadd.s32 $0xFFFFD800  }
0x80: {  	[hbm4b:s1+s3] =	stream.linear.scatter [tilespmem:s24], [sflag:$0x5], $0x2800, $0x38;
	v63 =	vld [tilespmem:$0x0]  }
0x81: {  	_ =	swait.ge [sflag:s0], $0x2800  }
0x82: {  	[sflag:s0] =	ssyncset.done $0x0  }
0x83: {  	s6 =	sadd.s32 $0x500, s1;
	[sflag:s0] =	ssyncadd.s32 $0xFFFFD800  }
0x84: {  	[hbm4b:s6+s3] =	stream.linear.scatter [tilespmem:s25], [sflag:$0x6], $0x2800, $0x38;
	v63 =	vld [tilespmem:$0x0]  }
0x85: {  	_ =	swait.ge [sflag:s7], $0x2800  }
0x86: {  	[sflag:s7] =	ssyncset.done $0x0  }
0x87: {  	s6 =	sadd.s32 $0xA00, s1;
	[sflag:s7] =	ssyncadd.s32 $0xFFFFD800  }
0x88: {  	[hbm4b:s6+s3] =	stream.linear.scatter [tilespmem:s28], [sflag:$0x7], $0x2800, $0x38;
	v63 =	vld [tilespmem:$0x0]  }
0x89: {  	_ =	swait.ge [sflag:s8], $0x2800  }
0x8a: {  	[sflag:s8] =	ssyncset.done $0x0  }
0x8b: {  	s1 =	sadd.s32 $0xF00, s1;
	[sflag:s8] =	ssyncadd.s32 $0xFFFFD800  }
0x8c: {  	[hbm4b:s1+s3] =	stream.linear.scatter [tilespmem:s30], [sflag:$0x8], $0x2800, $0x38;
	v63 =	vld [tilespmem:$0x0]  }
0x8d: {  	_ =	swait.ge [sflag:s9], $0x2800  }
0x8e: {  	[sflag:s9] =	ssyncset.done $0x0  }
0x8f: {  	s1 =	sadd.s32 $0xFFFFFF10, s26;
	[sflag:s9] =	ssyncadd.s32 $0xFFFFD800  }
0x90: {  	[tilespmem:s24], [sflag:$0x1] =	stream.indirect.gather [spmem:s2], $0x80, s1, s23, $0xb8;
	v63 =	vld [tilespmem:$0x0]  }
0x91: {  	_ =	swait.ge [sflag:s11], $0x2800  }
0x92: {  	[sflag:s11] =	ssyncset.done $0x0  }
0x93: {  	s1 =	sadd.s32 $0xFFFFFF60, s26;
	[sflag:s11] =	ssyncadd.s32 $0xFFFFD800  }
0x94: {  	[tilespmem:s25], [sflag:$0x2] =	stream.indirect.gather [spmem:s2], $0x80, s1, s23, $0xb8;
	v63 =	vld [tilespmem:$0x0]  }
0x95: {  	_ =	swait.ge [sflag:s12], $0x2800  }
0x96: {  	[sflag:s12] =	ssyncset.done $0x0  }
.Ltmp3:
0x97: {  	s1 =	sadd.s32 $0xFFFFFFB0, s26;
	[sflag:s12] =	ssyncadd.s32 $0xFFFFD800;
	(pc) =	sbr.rel @!p2 .LBB2_3-.Ltmp3, $4  }
0x98: {  	[tilespmem:s28], [sflag:$0x3] =	stream.indirect.gather [spmem:s2], $0x80, s1, s23, $0xb8;
	v63 =	vld [tilespmem:$0x0]  }
0x99: {  	_ =	swait.ge [sflag:s13], $0x2800  }
0x9a: {  	[sflag:s13] =	ssyncset.done $0x0  }
0x9b: {  	s26 =	sadd.s32 $0x140, s26;
	[sflag:s13] =	ssyncadd.s32 $0xFFFFD800  }
.Ltmp4:
0x9c: {  	(pc) =	sbr.rel .LBB2_8-.Ltmp4, $3  }
0x9d: {  	_ =	sdelay $0x1  }
0x9e: {  	[tilespmem:s30], [sflag:$0x4] =	stream.indirect.gather [spmem:s2], $0x80, s4, s23, $0xb8;
	v63 =	vld [tilespmem:$0x0]  }
0x9f: {  	s4 =	rddreg [dreg:$0x4]  }
.LBB2_5:
0xa0: {  	s26 =	simm.s32 @p0 $0x1FC9;
	s1 =	rddreg [dreg:$0x8]  }
0xa1: {  	[spmem:s21], [sflag:s26] =	dma.local @p0 [hbm:s1], $0x2080  }
0xa2: {  	s26 =	simm.s32 @p0 $0x9  }
0xa3: {  	_ =	swait.ge @p0 [sflag:s26], $0x2080  }
0xa4: {  	[sflag:s26] =	ssyncset.done @p0 $0x0  }
0xa5: {  	s1 =	rddreg [dreg:$0x7];
	[sflag:s26] =	ssyncadd.s32 @p0 $0xFFFFDF80  }
0xa6: {  	[spmem:s4], [sflag:s5] =	dma.local @!p0 [hbm:s1], $0x2780  }
0xa7: {  	s4 =	simm.s32 @!p0 $0x9  }
0xa8: {  	_ =	swait.ge @!p0 [sflag:s4], $0x2780  }
0xa9: {  	[sflag:s4] =	ssyncset.done @!p0 $0x0  }
0xaa: {  	[sflag:s4] =	ssyncadd.s32 @!p0 $0xFFFFD880  }
0xab: {  	[bflag:$0x0] =	sbarrier.arrive $0xFFFF  }
0xac: {  	s6 =	simm.s32 $0x0;
	s26 =	rddreg [dreg:$0x9]  }
0xad: {  	[tilespmem:s6], [sflag:$0x9] =	stream.linear.gather [hbm4b:s26+s6], $0x2710, $0x38;
	v63 =	vld [tilespmem:$0x0]  }
0xae: {  	_ =	swait.ge [sflag:s22], $0x2710  }
0xaf: {  	[sflag:s22] =	ssyncset.done $0x0  }
0xb0: {  	[sflag:s22] =	ssyncadd.s32 $0xFFFFD8F0  }
0xb1: {  	[tilespmem:s24], [sflag:$0x1] =	stream.indirect.gather [spmem:s2], $0x80, s6, s23, $0xb8;
	v63 =	vld [tilespmem:$0x0]  }
0xb2: {  	_ = 	snop  }
0xb3: {  	[tilespmem:s25], [sflag:$0x2] =	stream.indirect.gather [spmem:s2], $0x80, s23, s23, $0xb8;
	v63 =	vld [tilespmem:$0x0]  }
0xb4: {  	s4 =	simm.s32 $0xA0  }
0xb5: {  	[tilespmem:s28], [sflag:$0x3] =	stream.indirect.gather [spmem:s2], $0x80, s4, s23, $0xb8;
	v63 =	vld [tilespmem:$0x0]  }
0xb6: {  	s5 =	simm.s32 $0xF0  }
0xb7: {  	[tilespmem:s30], [sflag:$0x4] =	stream.indirect.gather [spmem:s2], $0x80, s5, s23, $0xb8;
	v63 =	vld [tilespmem:$0x0]  }
0xb8: {  	_ =	swait.ge [sflag:s31], $0x2800  }
0xb9: {  	[sflag:s31] =	ssyncset.done $0x0  }
0xba: {  	s1 =	sadd.s32 $0x0, s19;
	[sflag:s31] =	ssyncadd.s32 $0xFFFFD800  }
0xbb: {  	[hbm4b:s1+s3] =	stream.linear.scatter [tilespmem:s24], [sflag:$0x5], $0x2800, $0x38;
	v63 =	vld [tilespmem:$0x0]  }
0xbc: {  	_ =	swait.ge [sflag:s0], $0x2800  }
0xbd: {  	[sflag:s0] =	ssyncset.done $0x0  }
0xbe: {  	s6 =	sadd.s32 $0x500, s1;
	[sflag:s0] =	ssyncadd.s32 $0xFFFFD800  }
0xbf: {  	[hbm4b:s6+s3] =	stream.linear.scatter [tilespmem:s25], [sflag:$0x6], $0x2800, $0x38;
	v63 =	vld [tilespmem:$0x0]  }
0xc0: {  	_ =	swait.ge [sflag:s7], $0x2800  }
0xc1: {  	[sflag:s7] =	ssyncset.done $0x0  }
0xc2: {  	s26 =	sadd.s32 $0xA00, s1;
	[sflag:s7] =	ssyncadd.s32 $0xFFFFD800  }
0xc3: {  	[hbm4b:s26+s3] =	stream.linear.scatter [tilespmem:s28], [sflag:$0x7], $0x2800, $0x38;
	v63 =	vld [tilespmem:$0x0]  }
0xc4: {  	_ =	swait.ge [sflag:s8], $0x2800  }
0xc5: {  	[sflag:s8] =	ssyncset.done $0x0  }
0xc6: {  	s1 =	sadd.s32 $0xF00, s1;
	[sflag:s8] =	ssyncadd.s32 $0xFFFFD800  }
0xc7: {  	[hbm4b:s1+s3] =	stream.linear.scatter [tilespmem:s30], [sflag:$0x8], $0x2800, $0x38;
	v63 =	vld [tilespmem:$0x0]  }
0xc8: {  	_ =	swait.ge [sflag:s9], $0x2800  }
0xc9: {  	[sflag:s9] =	ssyncset.done $0x0  }
0xca: {  	s5 =	simm.s32 $0x140;
	[sflag:s9] =	ssyncadd.s32 $0xFFFFD800  }
0xcb: {  	[tilespmem:s24], [sflag:$0x1] =	stream.indirect.gather [spmem:s2], $0x80, s5, s23, $0xb8;
	v63 =	vld [tilespmem:$0x0]  }
0xcc: {  	_ =	swait.ge [sflag:s11], $0x2800  }
0xcd: {  	[sflag:s11] =	ssyncset.done $0x0  }
0xce: {  	s6 =	simm.s32 $0x190;
	[sflag:s11] =	ssyncadd.s32 $0xFFFFD800  }
0xcf: {  	[tilespmem:s25], [sflag:$0x2] =	stream.indirect.gather [spmem:s2], $0x80, s6, s23, $0xb8;
	v63 =	vld [tilespmem:$0x0]  }
0xd0: {  	_ =	swait.ge [sflag:s12], $0x2800  }
0xd1: {  	[sflag:s12] =	ssyncset.done $0x0  }
0xd2: {  	s26 =	simm.s32 $0x1E0;
	[sflag:s12] =	ssyncadd.s32 $0xFFFFD800  }
0xd3: {  	[tilespmem:s28], [sflag:$0x3] =	stream.indirect.gather [spmem:s2], $0x80, s26, s23, $0xb8;
	v63 =	vld [tilespmem:$0x0]  }
0xd4: {  	_ =	swait.ge [sflag:s13], $0x2800  }
0xd5: {  	s4 =	simm.s32 $0x230;
	[sflag:s13] =	ssyncset.done $0x0  }
0xd6: {  	s5 =	simm.s32 $0x1400;
	s26 =	simm.s32 $0x370;
	[sflag:s13] =	ssyncadd.s32 $0xFFFFD800  }
.LBB2_6:
0xd7: {  	[tilespmem:s30], [sflag:$0x4] =	stream.indirect.gather [spmem:s2], $0x80, s4, s23, $0xb8;
	v63 =	vld [tilespmem:$0x0]  }
0xd8: {  	s1 =	smov.u32 s5;
	s4 =	smov.u32 s26  }
0xd9: {  	p2 =	sne.s32 s5, $0x24400;
	s5 =	sadd.s32 $0x1400, s5;
	_ =	swait.ge [sflag:s31], $0x2800  }
0xda: {  	[sflag:s31] =	ssyncset.done $0x0  }
0xdb: {  	s1 =	sadd.s32 s1, s19;
	[sflag:s31] =	ssyncadd.s32 $0xFFFFD800  }
0xdc: {  	[hbm4b:s1+s3] =	stream.linear.scatter [tilespmem:s24], [sflag:$0x5], $0x2800, $0x38;
	v63 =	vld [tilespmem:$0x0]  }
0xdd: {  	_ =	swait.ge [sflag:s0], $0x2800  }
0xde: {  	[sflag:s0] =	ssyncset.done $0x0  }
0xdf: {  	s6 =	sadd.s32 $0x500, s1;
	[sflag:s0] =	ssyncadd.s32 $0xFFFFD800  }
0xe0: {  	[hbm4b:s6+s3] =	stream.linear.scatter [tilespmem:s25], [sflag:$0x6], $0x2800, $0x38;
	v63 =	vld [tilespmem:$0x0]  }
0xe1: {  	_ =	swait.ge [sflag:s7], $0x2800  }
0xe2: {  	[sflag:s7] =	ssyncset.done $0x0  }
0xe3: {  	s6 =	sadd.s32 $0xA00, s1;
	[sflag:s7] =	ssyncadd.s32 $0xFFFFD800  }
0xe4: {  	[hbm4b:s6+s3] =	stream.linear.scatter [tilespmem:s28], [sflag:$0x7], $0x2800, $0x38;
	v63 =	vld [tilespmem:$0x0]  }
0xe5: {  	_ =	swait.ge [sflag:s8], $0x2800  }
0xe6: {  	[sflag:s8] =	ssyncset.done $0x0  }
0xe7: {  	s1 =	sadd.s32 $0xF00, s1;
	[sflag:s8] =	ssyncadd.s32 $0xFFFFD800  }
0xe8: {  	[hbm4b:s1+s3] =	stream.linear.scatter [tilespmem:s30], [sflag:$0x8], $0x2800, $0x38;
	v63 =	vld [tilespmem:$0x0]  }
0xe9: {  	_ =	swait.ge [sflag:s9], $0x2800  }
0xea: {  	[sflag:s9] =	ssyncset.done $0x0  }
0xeb: {  	s1 =	sadd.s32 $0xFFFFFF10, s26;
	[sflag:s9] =	ssyncadd.s32 $0xFFFFD800  }
0xec: {  	[tilespmem:s24], [sflag:$0x1] =	stream.indirect.gather [spmem:s2], $0x80, s1, s23, $0xb8;
	v63 =	vld [tilespmem:$0x0]  }
0xed: {  	_ =	swait.ge [sflag:s11], $0x2800  }
0xee: {  	[sflag:s11] =	ssyncset.done $0x0  }
0xef: {  	s1 =	sadd.s32 $0xFFFFFF60, s26;
	[sflag:s11] =	ssyncadd.s32 $0xFFFFD800  }
0xf0: {  	[tilespmem:s25], [sflag:$0x2] =	stream.indirect.gather [spmem:s2], $0x80, s1, s23, $0xb8;
	v63 =	vld [tilespmem:$0x0]  }
0xf1: {  	_ =	swait.ge [sflag:s12], $0x2800  }
0xf2: {  	[sflag:s12] =	ssyncset.done $0x0  }
.Ltmp5:
0xf3: {  	s1 =	sadd.s32 $0xFFFFFFB0, s26;
	[sflag:s12] =	ssyncadd.s32 $0xFFFFD800;
	(pc) =	sbr.rel @p2 .LBB2_6-.Ltmp5, $4  }
0xf4: {  	[tilespmem:s28], [sflag:$0x3] =	stream.indirect.gather [spmem:s2], $0x80, s1, s23, $0xb8;
	v63 =	vld [tilespmem:$0x0]  }
0xf5: {  	_ =	swait.ge [sflag:s13], $0x2800  }
0xf6: {  	[sflag:s13] =	ssyncset.done $0x0  }
0xf7: {  	s26 =	sadd.s32 $0x140, s26;
	[sflag:s13] =	ssyncadd.s32 $0xFFFFD800  }
.Ltmp6:
0xf8: {  	_ = 	snop;
	(pc) =	sbr.rel .LBB2_7-.Ltmp6, $1  }
0xf9: {  	_ =	sdelay $0x3  }
.LBB2_9:
0xfa: {  	_ =	sfence.sel $0x180000  }
0xfb: {  	[bflag:$0x0] =	sbarrier.arrive $0xFFFF  }
0xfc: {  	_ =	strace $0x9000004A  }
0xfd: {  	s0 =	stileid.u32;
	[bflag:$0x2] =	sbarrier.arrive $0xFFFF  }
0xfe: {  	p0 =	sne.s32 s0, $0x0;
	s0 =	rddreg [dreg:$0x3]  }
0xff: {  	s0 =	sadd.s32 @!p0 $0x100000, s0  }
0x100: {  	[sflag:s0] =	ssyncadd.tile.s32 @!p0 $0x1;
	_ =	shalt  }
.Lfunc_end2:
_tile_overlayer_lowered:
.L_overlay_start_2:
0x101: {  	(tag) =	ssettag $0x2  }
0x102: {  	s0 =	rddreg [dreg:$0x0];
	s2 =	stileid.u32  }
0x103: {  	s1 =	rddreg [dreg:$0x1];
	p0 =	sne.s32 s2, $0x0  }
0x104: {  	s3 =	rddreg [dreg:$0x2];
	[bflag:$0x3] =	sbarrier.arrive $0xFFFF;
	s2 =	simm.s32 @!p0 $0x1C09  }
0x105: {  	[timem:s3], [sflag:s2] =	dma.local @!p0 [hbm:s0], s1  }
0x106: {  	s0 =	simm.s32 @!p0 $0x9  }
0x107: {  	_ =	swait.ge @!p0 [sflag:s0], s1  }
0x108: {  	s1 =	ssub.s32 @!p0 $0x0, s1;
	[sflag:s0] =	ssyncset.done @!p0 $0x0  }
0x109: {  	[sflag:s0] =	ssyncadd.s32 @!p0 s1  }
0x10a: {  	[bflag:$0x3] =	sbarrier.arrive $0xFFFF  }
0x10b: {  	_ =	shalt  }

// kernel: kernel.13.cloned.1.call-start
scs
__scs_entry_jumppad:
0x0: {  	(pc) =	sbr.rel $0x88, $3  }
0x1: {  	(tag) =	ssettag $0x0;
	lr =	simm.s32 $0x1  }
0x2: {  	[smem:$0x3F96] =	sst lr;
	_ =	strace $0xD0000000  }
0x3: {  	_ = 	snop  }
0x4: {  	_ = 	snop  }
0x5: {  	_ = 	snop  }
0x6: {  	_ = 	snop  }
0x7: {  	_ = 	snop  }
__scs_overlays_trampoline_lowered:
0x8: {  	[smem:$0x3FA5] =	sst s0  }
0x9: {  	[smem:$0x3FA6] =	sst s1  }
0xa: {  	[smem:$0x3FA7] =	sst s2  }
0xb: {  	[smem:$0x3FA8] =	sst s3  }
0xc: {  	[smem:$0x3FA9] =	sst s4  }
0xd: {  	[smem:$0x3FAA] =	sst s5  }
0xe: {  	[smem:$0x3FAB] =	sst s6  }
0xf: {  	[smem:$0x3FAC] =	sst s7  }
0x10: {  	[smem:$0x3FAD] =	sst s8  }
0x11: {  	[smem:$0x3FAE] =	sst s9;
	s0 =	simm.s32 @!p0 $0x0  }
0x12: {  	s1 =	sld [smem:$0x3F94];
	s0 =	simm.s32 @p0 $0x1  }
0x13: {  	[smem:$0x3FAF] =	sst s0;
	s0 =	simm.s32 @!p1 $0x0  }
0x14: {  	s2 =	sld [smem:$0x3F93];
	s0 =	simm.s32 @p1 $0x1  }
0x15: {  	[smem:$0x3FB0] =	sst s0;
	s0 =	simm.s32 @!p2 $0x0  }
0x16: {  	s3 =	sld [smem:$0x3FDB];
	s0 =	simm.s32 @p2 $0x1  }
0x17: {  	s4 =	simm.s32 $0x1BF5;
	[smem:$0x3FB2] =	sst s0  }
0x18: {  	s0 =	sld [smem:$0x3F95];
	_ =	swait.ge [sflag:s4], $0x0  }
0x19: {  	s7 =	sld [smem:$0x3F96]  }
0x1a: {  	s8 =	sadd.s32 $0xFFFFE003, lr  }
0x1b: {  	s9 =	sadd.s32 $0xFFFFFEF7, lr;
	s5 =	simm.s32 $0xFFFFFFFF;
	p2 =	slt.u32 s8, $0xFFFFF086  }
0x1c: {  	p1 =	slt.u32 s9, $0xF7A;
	s5 =	simm.s32 @!p2 $0x0  }
0x1d: {  	s5 =	simm.s32 @p1 $0x1;
	p0 =	seq.s32 s7, s2  }
0x1e: {  	s7 =	smul.u32 @!p0 $0xF7A, s2;
	p2 =	seq.s32 @!p0 s5, $0x0  }
0x1f: {  	s9 =	smul.u32 $0xF7A, s1;
	s8 =	simm.s32 @!p0 $0x1BF5;
	p2 =	por !p2, p0  }
0x20: {  	[sflag:s8] =	ssyncset.s32 @!p0 $0xFFFFF086;
	s6 =	sadd.s32 @!p0 s3, s7;
	s7 =	simm.s32 @!p0 $0x108  }
0x21: {  	s3 =	sadd.s32 s3, s9;
	s6 =	sadd.s32 @!p0 $0x88, s6;
	s7 =	simm.s32 @p2 $0x1082  }
0x22: {  	[simem:s7], [sflag:s8] =	dma.local @!p0 [hbm:s6], $0xF7A  }
0x23: {  	s9 =	sor.u32 $0xD0000000, s2;
	s6 =	simm.s32 $0x108;
	_ =	swait.ge @!p0 [sflag:s8], $0x0  }
0x24: {  	s3 =	sadd.s32 $0x88, s3;
	s6 =	simm.s32 @!p1 $0x1082;
	[sflag:s4] =	ssyncset.s32 $0xFFFFF086  }
0x25: {  	[simem:s6], [sflag:s4] =	dma.local [hbm:s3], $0xF7A  }
0x26: {  	[smem:$0x3F96] =	sst s1;
	(tag) =	ssettag s2;
	_ =	strace s9  }
0x27: {  	s1 =	sld [smem:$0x3FA6]  }
0x28: {  	s2 =	sld [smem:$0x3FA7]  }
0x29: {  	s4 =	sld [smem:$0x3FA9]  }
0x2a: {  	p0 =	seq.s32 s5, $0x0;
	s5 =	sld [smem:$0x3FAA]  }
0x2b: {  	s6 =	sld [smem:$0x3FAB]  }
0x2c: {  	s7 =	sld [smem:$0x3FAC]  }
0x2d: {  	s3 =	simm.s32 $0x108;
	s8 =	sld [smem:$0x3FAD]  }
0x2e: {  	s3 =	simm.s32 @!p0 $0x1082;
	s9 =	sld [smem:$0x3FAE]  }
0x2f: {  	lr =	sadd.s32 s0, s3;
	s0 =	sld [smem:$0x3FA5]  }
0x30: {  	s3 =	sld [smem:$0x3FA8]  }
0x31: {  	[smem:$0x3FB1] =	sst s10  }
0x32: {  	s10 =	sld [smem:$0x3FAF];
	_ =	sdelay $0x3  }
0x33: {  	p0 =	seq.s32 s10, $0x1;
	s10 =	sld [smem:$0x3FB1];
	_ =	sdelay $0x3  }
0x34: {  	[smem:$0x3FB1] =	sst s10  }
0x35: {  	s10 =	sld [smem:$0x3FB0];
	_ =	sdelay $0x3  }
0x36: {  	p1 =	seq.s32 s10, $0x1;
	s10 =	sld [smem:$0x3FB1];
	_ =	sdelay $0x3  }
0x37: {  	[smem:$0x3FB1] =	sst s10  }
0x38: {  	s10 =	sld [smem:$0x3FB2]  }
0x39: {  	_ = 	snop;
	(pc) =	sbr.ind lr, $3  }
0x3a: {  	_ = 	snop  }
0x3b: {  	_ = 	snop  }
0x3c: {  	p2 =	seq.s32 s10, $0x1;
	s10 =	sld [smem:$0x3FB1]  }
0x3d: {  	_ =	shalt  }
0x3e: {  	_ =	shalt  }
0x3f: {  	_ =	shalt  }
0x40: {  	_ =	shalt  }
0x41: {  	_ =	shalt  }
0x42: {  	_ =	shalt  }
0x43: {  	_ =	shalt  }
0x44: {  	_ =	shalt  }
0x45: {  	_ =	shalt  }
0x46: {  	_ =	shalt  }
0x47: {  	_ =	shalt  }
0x48: {  	_ =	shalt  }
0x49: {  	_ =	shalt  }
0x4a: {  	_ =	shalt  }
0x4b: {  	_ =	shalt  }
0x4c: {  	_ =	shalt  }
0x4d: {  	_ =	shalt  }
0x4e: {  	_ =	shalt  }
0x4f: {  	_ =	shalt  }
0x50: {  	_ =	shalt  }
0x51: {  	_ =	shalt  }
0x52: {  	_ =	shalt  }
0x53: {  	_ =	shalt  }
0x54: {  	_ =	shalt  }
0x55: {  	_ =	shalt  }
0x56: {  	_ =	shalt  }
0x57: {  	_ =	shalt  }
0x58: {  	_ =	shalt  }
0x59: {  	_ =	shalt  }
0x5a: {  	_ =	shalt  }
0x5b: {  	_ =	shalt  }
0x5c: {  	_ =	shalt  }
0x5d: {  	_ =	shalt  }
0x5e: {  	_ =	shalt  }
0x5f: {  	_ =	shalt  }
0x60: {  	_ =	shalt  }
0x61: {  	_ =	shalt  }
0x62: {  	_ =	shalt  }
0x63: {  	_ =	shalt  }
0x64: {  	_ =	shalt  }
0x65: {  	_ =	shalt  }
0x66: {  	_ =	shalt  }
0x67: {  	_ =	shalt  }
0x68: {  	_ =	shalt  }
0x69: {  	_ =	shalt  }
0x6a: {  	_ =	shalt  }
0x6b: {  	_ =	shalt  }
0x6c: {  	_ =	shalt  }
0x6d: {  	_ =	shalt  }
0x6e: {  	_ =	shalt  }
0x6f: {  	_ =	shalt  }
0x70: {  	_ =	shalt  }
0x71: {  	_ =	shalt  }
0x72: {  	_ =	shalt  }
0x73: {  	_ =	shalt  }
0x74: {  	_ =	shalt  }
0x75: {  	_ =	shalt  }
0x76: {  	_ =	shalt  }
0x77: {  	_ =	shalt  }
0x78: {  	_ =	shalt  }
0x79: {  	_ =	shalt  }
0x7a: {  	_ =	shalt  }
0x7b: {  	_ =	shalt  }
0x7c: {  	_ =	shalt  }
0x7d: {  	_ =	shalt  }
0x7e: {  	_ =	shalt  }
0x7f: {  	_ =	shalt  }
0x80: {  	_ =	shalt  }
0x81: {  	_ =	shalt  }
0x82: {  	_ =	shalt  }
0x83: {  	_ =	shalt  }
0x84: {  	_ =	shalt  }
0x85: {  	_ =	shalt  }
0x86: {  	_ =	shalt  }
0x87: {  	_ =	shalt  }
.Lfunc_end0:
.L_simem_size_0:
called_computation.1_lowered:
.L_overlay_start_0:
0x88: {  	s2 =	sld [smem:$0x3FD9]  }
0x89: {  	s3 =	sld [smem:$0x3FFE];
	_ =	sdelay $0x1  }
0x8a: {  	s1 =	srdreg.scid  }
0x8b: {  	s0 =	sand.u32 $0x1, s1  }
0x8c: {  	s17 =	sshll.u32 s0, $0xA;
	s2 =	sadd.s32 s3, s2  }
0x8d: {  	s2 =	sadd.s32 s2, s17  }
0x8e: {  	[smem:$0x3FBD] =	sst s2  }
0x8f: {  	_ = 	snop  }
0x90: {  	(tm) =	ssettm $0x1  }
0x91: {  	s18 =	sld [smem:$0x3FFB];
	_ =	sdelay $0x3  }
0x92: {  	_ =	strace s18  }
0x93: {  	s2 =	sld [smem:$0x3FFC];
	_ =	sdelay $0x3  }
0x94: {  	_ =	strace s2  }
0x95: {  	s2 =	sld [smem:$0x3FFD];
	_ =	sdelay $0x3  }
0x96: {  	_ =	strace s2  }
0x97: {  	_ =	strace $0x8FFFFFFF  }
0x98: {  	s19 =	sld [smem:$0x3FDB];
	_ =	sdelay $0x1  }
0x99: {  	s20 =	simm.s32 $_scs_section_size  }
0x9a: {  	s4 =	simm.s32 $_size__tile_overlayer_lowered;
	s5 =	simm.s32 $_tile_overlayer_lowered  }
0x9b: {  	s6 =	simm.s32 $0x1BFF;
	s21 =	sshll.u32 s5, $0x1;
	s3 =	sadd.s32 s20, s19  }
0x9c: {  	s22 =	simm.s32 $0x0;
	s4 =	sshll.u32 s4, $0x1;
	s5 =	sadd.s32 s21, s3  }
0x9d: {  	[timem:s22], [sflag:s6] =	dma.local [hbm:s5], s4  }
0x9e: {  	_ =	swait.ge [sflag:s6], s4  }
0x9f: {  	s4 =	ssub.s32 $0x0, s4;
	[sflag:s6] =	ssyncset.done $0x0  }
0xa0: {  	[sflag:s6] =	ssyncadd.s32 s4;
	_ =	sdelay $0x1  }
0xa1: {  	s23 =	simm.s32 $0x1B8B  }
0xa2: {  	_ =	swait.ge [sflag:s23], $0x1  }
0xa3: {  	[sflag:s23] =	ssyncset.done $0x0  }
0xa4: {  	[sflag:s23] =	ssyncadd.s32 $0xFFFFFFFF  }
0xa5: {  	s4 =	sld [smem:$0x0]  }
0xa6: {  	s5 =	sand.u32 $0xFFFFFFFE, s1  }
0xa7: {  	p0 =	sne.s32 s1, s5  }
0xa8: {  	s5 =	sshll.u32 @p0 s5, $0xE  }
0xa9: {  	s5 =	sadd.s32 @p0 $0x11B8D, s5;
	s6 =	sshll.u32 @p0 s4, $0x11  }
0xaa: {  	s5 =	sor.u32 @p0 s6, s5  }
0xab: {  	[sflag:s5] =	ssyncadd.remote.s32 @p0 $0x1;
	_ =	sdelay $0x1  }
0xac: {  	s5 =	simm.s32 @p0 $0x1B8D  }
0xad: {  	_ =	swait.eq @p0 [sflag:s5], $0x1  }
0xae: {  	[sflag:s5] =	ssyncadd.s32 @p0 $0xFFFFFFFF  }
0xaf: {  	s6 =	sshll.u32 @!p0 s1, $0xE  }
0xb0: {  	s6 =	sor.u32 @!p0 $0x4000, s6;
	s5 =	simm.s32 @!p0 $0x1B8D  }
0xb1: {  	s4 =	sshll.u32 @!p0 s4, $0x11;
	s6 =	sadd.s32 @!p0 $0x11B8D, s6;
	_ =	swait.eq @!p0 [sflag:s5], $0x1  }
0xb2: {  	s4 =	sor.u32 @!p0 s4, s6;
	[sflag:s5] =	ssyncadd.s32 @!p0 $0xFFFFFFFF  }
0xb3: {  	s25 =	simm.s32 $0x1B8E;
	s24 =	sld [smem:$0x3FFE];
	[sflag:s4] =	ssyncadd.remote.s32 @!p0 $0x1  }
0xb4: {  	s26 =	simm.s32 $execute0_lowered;
	[smem:$0x3FD2] =	sst s25  }
0xb5: {  	s5 =	sshll.u32 s26, $0x1;
	_ =	strace $0x8000004F;
	[dreg:$0x1] =	wrdreg $0xFFFFFFFF  }
0xb6: {  	s28 =	simm.s32 $_size_execute0_lowered;
	s3 =	sadd.s32 s3, s5;
	[dreg:$0x0] =	wrdreg $0x0  }
0xb7: {  	s5 =	sshll.u32 s28, $0x1;
	[dreg:$0x2] =	wrdreg s3  }
0xb8: {  	[dreg:$0x3] =	wrdreg s5  }
0xb9: {  	[dreg:$0x4] =	wrdreg $0xC0  }
0xba: {  	_ =	task [dreg:s22], $0x5FFFF  }
0xbb: {  	[dreg:$0x1] =	wrdreg $0xFFFFFFFF  }
0xbc: {  	[dreg:$0x0] =	wrdreg $0x60  }
0xbd: {  	[dreg:$0x2] =	wrdreg s24  }
0xbe: {  	[dreg:$0x3] =	wrdreg $0xA4000  }
0xbf: {  	[dreg:$0x4] =	wrdreg $0x9  }
0xc0: {  	_ =	task.clear_ibuf [dreg:s22], $0x5FFFF;
	_ =	strace $0x9000004F  }
0xc1: {  	s29 =	simm.s32 $0x9;
	_ =	strace $0x80000051  }
0xc2: {  	_ =	swait.ge [sflag:s29], $0x1  }
0xc3: {  	[sflag:s29] =	ssyncadd.s32 $0xFFFFFFFF  }
0xc4: {  	_ =	strace $0x90000051  }
0xc5: {  	_ =	sfence  }
0xc6: {  	s30 =	sld [smem:$0x0];
	_ =	sdelay $0x2  }
0xc7: {  	s31 =	sshll.u32 s1, $0xD;
	s1 =	sshrl.u32 s1, $0x2  }
0xc8: {  	s4 =	sand.u32 $0x4000, s31;
	s1 =	sadd.s32 s1, s30  }
0xc9: {  	s0 =	sor.u32 s4, s0;
	s1 =	sshll.u32 s1, $0x11  }
0xca: {  	s0 =	sor.u32 s1, s0  }
0xcb: {  	s0 =	sadd.s32 $0x8F2B, s0  }
0xcc: {  	[sflag:s0] =	ssyncadd.remote.s32 $0x1  }
0xcd: {  	_ =	sfence.sel $0xFFFF  }
0xce: {  	[dreg:$0x0] =	wrdreg $0xFFFFFFFF;
	(pc) =	sbr.abs _section_cstart, $3  }
0xcf: {  	[dreg:$0x1] =	wrdreg $0xFFFFFFFF  }
0xd0: {  	_ =	task.clear_ibuf [dreg:s22], $0x2FFFF;
	_ =	strace $0x9FFFFFFF  }
0xd1: {  	(tm) =	ssettm $0x7FFFFFFF  }
tec
execute0_lowered:
.L_overlay_start_1:
0x0: {  	(tag) =	ssettag $0x1  }
0x1: {  	s18 =	stileid.u32;
	s0 =	srdreg.scid  }
0x2: {  	s2 =	rddreg [dreg:$0x0];
	s28 =	simm.s32 $0x11;
	s29 =	simm.s32 $0xC  }
0x3: {  	s30 =	simm.s32 $0xD;
	s31 =	simm.s32 $0x6;
	s19 =	smul.u32 $0x2780, s18  }
0x4: {  	s0 =	sand.u32 $0x1, s0;
	s1 =	sshll.u32 s18, $0x1;
	s23 =	smul.u32 $0x27100, s18  }
0x5: {  	s6 =	sadd.s32 $0x2A5400, s2;
	s26 =	smul.u32 $0x2710, s18;
	s3 =	sor.u32 s0, s1  }
0x6: {  	p0 =	seq.s32 s18, $0xF;
	s4 =	ssub.s32 $0x2, s0;
	s5 =	smul.u32 $0x1388, s3  }
0x7: {  	s1 =	rddreg [dreg:$0x1];
	s7 =	sshrl.u32 s4, $0x1;
	s3 =	smul.u32 $0x13880, s3  }
0x8: {  	s4 =	ssub.s32 s4, s7;
	s8 =	sadd.s32 $0x28, s5;
	s9 =	sadd.s32 $0x50, s5  }
0x9: {  	s3 =	sadd.s32 s6, s3;
	s7 =	sadd.s32 $0xA0, s5;
	s14 =	sadd.s32 $0x118, s5  }
0xa: {  	s16 =	sshll.u32 s8, $0x4;
	s10 =	sshll.u32 s9, $0x4;
	[dreg:$0x4] =	wrdreg s3  }
0xb: {  	s3 =	sadd.s32 $0x78, s5;
	s12 =	sshll.u32 s7, $0x4;
	s15 =	sshll.u32 s14, $0x4  }
0xc: {  	s17 =	sadd.s32 s6, s16;
	s20 =	sadd.s32 s6, s10;
	s10 =	sadd.s32 $0xC8, s5  }
0xd: {  	s11 =	sshll.u32 s3, $0x4;
	s21 =	sadd.s32 s6, s12;
	s12 =	sadd.s32 $0xF0, s5  }
0xe: {  	s16 =	smul.u32 $0x13880, s0;
	s25 =	sadd.s32 s6, s15;
	[dreg:$0x5] =	wrdreg s17  }
0xf: {  	s5 =	sshrl.u32 s5, $0x3;
	s3 =	sshrl.u32 s3, $0x3;
	[dreg:$0x6] =	wrdreg s20  }
0x10: {  	s13 =	sshll.u32 s10, $0x4;
	s11 =	sadd.s32 s6, s11;
	[dreg:$0x8] =	wrdreg s21  }
0x11: {  	s24 =	sshll.u32 s12, $0x4;
	[dreg:$0xb] =	wrdreg s25;
	s17 =	smul.u32 $0x1388, s0  }
0x12: {  	s0 =	smul.u32 $0x27100, s0;
	s20 =	sshrl.u32 s8, $0x3;
	s21 =	sadd.s32 $0x51B400, s2  }
0x13: {  	s25 =	sshrl.u32 s7, $0x3;
	[dreg:$0x7] =	wrdreg s11;
	s22 =	sadd.s32 s6, s13  }
0x14: {  	s7 =	sshrl.u32 s14, $0x3;
	s13 =	sadd.s32 s6, s24;
	[dreg:$0x9] =	wrdreg s22  }
0x15: {  	s8 =	simm.s32 $0x2C00;
	s11 =	simm.s32 $0x0;
	[dreg:$0xa] =	wrdreg s13  }
0x16: {  	s6 =	sadd.s32 s23, s6;
	s23 =	sadd.s32 s21, s20;
	[smem:$0x7FF] =	sst s11  }
0x17: {  	s15 =	sadd.s32 s17, s26;
	s17 =	sadd.s32 s19, s2;
	s0 =	sadd.s32 s0, s2  }
0x18: {  	s2 =	sadd.s32 $0xA3AE80, s2;
	_ =	strace $0x80000050;
	[dreg:$0x3] =	wrdreg s19  }
0x19: {  	s24 =	sshrl.u32 s9, $0x3;
	s22 =	sadd.s32 s21, s5;
	[dreg:$0xf] =	wrdreg s2  }
0x1a: {  	s13 =	sadd.s32 s16, s6;
	s16 =	smul.u32 $0x4F000, s18;
	[dreg:$0x10] =	wrdreg s22  }
0x1b: {  	s26 =	sadd.s32 s21, s3;
	s3 =	sadd.s32 s21, s25;
	[dreg:$0x11] =	wrdreg s23  }
0x1c: {  	s5 =	sshrl.u32 s10, $0x3;
	s10 =	sadd.s32 s21, s7;
	[dreg:$0x13] =	wrdreg s26  }
0x1d: {  	s18 =	simm.s32 $0x5400;
	s7 =	simm.s32 $0x0;
	[dreg:$0x14] =	wrdreg s3  }
0x1e: {  	s19 =	sadd.s32 $0xA15E00, s17;
	s2 =	sadd.s32 s21, s24;
	[dreg:$0xe] =	wrdreg s21  }
0x1f: {  	[dreg:$0x17] =	wrdreg s10;
	s0 =	sadd.s32 $0xA8B200, s0;
	s14 =	sadd.s32 $0x258, s15  }
0x20: {  	s17 =	sadd.s32 $0x208, s15;
	s20 =	sadd.s32 $0x1E0, s15;
	s22 =	sadd.s32 $0x190, s15  }
0x21: {  	s24 =	sadd.s32 $0x168, s15;
	s25 =	sadd.s32 $0x140, s15;
	s26 =	sadd.s32 $0x128400, s1  }
0x22: {  	s10 =	simm.s32 $0x400;
	s3 =	simm.s32 $0x10;
	[dreg:$0xd] =	wrdreg s19  }
0x23: {  	s6 =	sshrl.u32 s16, $0x2;
	[dreg:$0x12] =	wrdreg s2;
	s2 =	sadd.s32 s21, s5  }
0x24: {  	[dreg:$0x18] =	wrdreg s0;
	s0 =	sshrl.u32 s14, $0x3;
	s16 =	sadd.s32 $0x230, s15  }
0x25: {  	s19 =	sshrl.u32 s17, $0x3;
	s23 =	sshrl.u32 s22, $0x3;
	[smem:$0x7FC] =	sst s25  }
0x26: {  	[smem:$0x7FD] =	sst s26;
	s14 =	simm.s32 $0x80;
	s22 =	simm.s32 $0x100  }
0x27: {  	s17 =	simm.s32 $0x200;
	s25 =	simm.s32 $0x28;
	[dreg:$0x15] =	wrdreg s2  }
0x28: {  	s5 =	simm.s32 $0xA;
	s26 =	simm.s32 $0x3;
	[dreg:$0x1a] =	wrdreg s0  }
0x29: {  	s6 =	sadd.s32 s6, s1;
	s0 =	sshrl.u32 s16, $0x3;
	[dreg:$0x1c] =	wrdreg s19  }
0x2a: {  	[dreg:$0x1f] =	wrdreg s23;
	s23 =	simm.s32 $0x1;
	s2 =	simm.s32 $0x2  }
0x2b: {  	s19 =	simm.s32 $0xB;
	s16 =	simm.s32 $0x5;
	[dreg:$0xc] =	wrdreg s6  }
0x2c: {  	s6 =	sshrl.u32 s12, $0x3;
	s12 =	smax.u32 s4, $0x1;
	[dreg:$0x1b] =	wrdreg s0  }
0x2d: {  	s0 =	sshrl.u32 s20, $0x3;
	s20 =	simm.s32 $0x4;
	[dreg:$0x19] =	wrdreg s12  }
.Ltmp0:
0x2e: {  	s9 =	sadd.s32 s21, s6;
	[dreg:$0x1d] =	wrdreg s0;
	(pc) =	sbr.rel .LBB2_1-.Ltmp0, $4  }
0x2f: {  	s21 =	sadd.s32 $0x1B8, s15;
	s15 =	simm.s32 $0x4000;
	s12 =	simm.s32 $0xE  }
0x30: {  	[dreg:$0x16] =	wrdreg s9;
	s0 =	sshrl.u32 s21, $0x3;
	s21 =	simm.s32 $0x1800  }
0x31: {  	s9 =	simm.s32 $0x180;
	[dreg:$0x1e] =	wrdreg s0;
	s0 =	sshrl.u32 s24, $0x3  }
0x32: {  	s24 =	simm.s32 $0x9;
	[smem:$0x7FB] =	sst s0;
	s0 =	simm.s32 $0x8  }
.LBB2_4:
0x33: {  	_ =	swait.ge [sflag:s23], $0x28  }
0x34: {  	[sflag:s23] =	ssyncset.done $0x0  }
0x35: {  	[sflag:s23] =	ssyncadd.s32 $0xFFFFFFD8  }
0x36: {  	_ =	swait.ge [sflag:s24], $0x1400  }
0x37: {  	[sflag:s24] =	ssyncset.done $0x0  }
0x38: {  	s10 =	simm.s32 $0x400;
	[sflag:s24] =	ssyncadd.s32 $0xFFFFEC00  }
0x39: {  	[spmem:s1] =	stream.indirect.scatter.add.f32 [tilespmem:s10], [sflag:$0x11], $0x80, s11, s25, $0xb8;
	[tilespmem:$0x1DC80] =	vst v63  }
0x3a: {  	_ =	swait.ge [sflag:s28], $0x1400  }
0x3b: {  	[sflag:s28] =	ssyncset.done $0x0  }
0x3c: {  	[sflag:s28] =	ssyncadd.s32 $0xFFFFEC00  }
0x3d: {  	_ =	swait.ge [sflag:s2], $0x28  }
0x3e: {  	[sflag:s2] =	ssyncset.done $0x0  }
0x3f: {  	[sflag:s2] =	ssyncadd.s32 $0xFFFFFFD8  }
0x40: {  	_ =	swait.ge [sflag:s5], $0x1400  }
0x41: {  	[sflag:s5] =	ssyncset.done $0x0  }
0x42: {  	s14 =	simm.s32 $0x80;
	s21 =	simm.s32 $0x1800;
	[sflag:s5] =	ssyncadd.s32 $0xFFFFEC00  }
0x43: {  	[spmem:s1] =	stream.indirect.scatter.add.f32 [tilespmem:s21], [sflag:$0x11], $0x80, s14, s25, $0xb8;
	[tilespmem:$0x1DC80] =	vst v63  }
0x44: {  	_ =	swait.ge [sflag:s28], $0x1400  }
0x45: {  	[sflag:s28] =	ssyncset.done $0x0  }
0x46: {  	[sflag:s28] =	ssyncadd.s32 $0xFFFFEC00  }
0x47: {  	_ =	swait.ge [sflag:s26], $0x28  }
0x48: {  	[sflag:s26] =	ssyncset.done $0x0  }
0x49: {  	[sflag:s26] =	ssyncadd.s32 $0xFFFFFFD8  }
0x4a: {  	_ =	swait.ge [sflag:s19], $0x1400  }
0x4b: {  	[sflag:s19] =	ssyncset.done $0x0  }
0x4c: {  	s22 =	simm.s32 $0x100;
	s4 =	simm.s32 $0x2C00;
	[sflag:s19] =	ssyncadd.s32 $0xFFFFEC00  }
0x4d: {  	[spmem:s1] =	stream.indirect.scatter.add.f32 [tilespmem:s4], [sflag:$0x11], $0x80, s22, s25, $0xb8;
	[tilespmem:$0x1DC80] =	vst v63  }
0x4e: {  	_ =	swait.ge [sflag:s28], $0x1400  }
0x4f: {  	[sflag:s28] =	ssyncset.done $0x0  }
0x50: {  	[sflag:s28] =	ssyncadd.s32 $0xFFFFEC00  }
0x51: {  	_ =	swait.ge [sflag:s20], $0x28  }
0x52: {  	[sflag:s20] =	ssyncset.done $0x0  }
0x53: {  	[sflag:s20] =	ssyncadd.s32 $0xFFFFFFD8  }
0x54: {  	_ =	swait.ge [sflag:s29], $0x1400  }
0x55: {  	[sflag:s29] =	ssyncset.done $0x0  }
0x56: {  	s9 =	simm.s32 $0x180;
	s15 =	simm.s32 $0x4000;
	[sflag:s29] =	ssyncadd.s32 $0xFFFFEC00  }
0x57: {  	[spmem:s1] =	stream.indirect.scatter.add.f32 [tilespmem:s15], [sflag:$0x11], $0x80, s9, s25, $0xb8;
	[tilespmem:$0x1DC80] =	vst v63  }
0x58: {  	_ =	swait.ge [sflag:s28], $0x1400  }
0x59: {  	[sflag:s28] =	ssyncset.done $0x0  }
0x5a: {  	[sflag:s28] =	ssyncadd.s32 $0xFFFFEC00  }
0x5b: {  	_ =	swait.ge [sflag:s16], $0x28  }
0x5c: {  	[sflag:s16] =	ssyncset.done $0x0  }
0x5d: {  	[sflag:s16] =	ssyncadd.s32 $0xFFFFFFD8  }
0x5e: {  	_ =	swait.ge [sflag:s30], $0x1400  }
0x5f: {  	[sflag:s30] =	ssyncset.done $0x0  }
0x60: {  	s17 =	simm.s32 $0x200;
	[sflag:s30] =	ssyncadd.s32 $0xFFFFEC00  }
0x61: {  	[spmem:s1] =	stream.indirect.scatter.add.f32 [tilespmem:s18], [sflag:$0x11], $0x80, s17, s25, $0xb8;
	[tilespmem:$0x1DC80] =	vst v63  }
0x62: {  	_ =	swait.ge [sflag:s28], $0x1400  }
0x63: {  	[sflag:s28] =	ssyncset.done $0x0  }
0x64: {  	[sflag:s28] =	ssyncadd.s32 $0xFFFFEC00  }
0x65: {  	[bflag:$0x0] =	sbarrier.arrive $0xFFFF  }
0x66: {  	s8 =	sld [smem:$0x7F8]  }
0x67: {  	s7 =	rddreg [dreg:$0x18]  }
0x68: {  	s6 =	simm.s32 @p0 $0x1FD1;
	s4 =	sadd.s32 @p0 $0x25080, s7  }
0x69: {  	[hbm:s4], [sflag:s6] =	dma.local @p0 [spmem:s8], $0x2080  }
0x6a: {  	s4 =	simm.s32 @p0 $0x11  }
0x6b: {  	_ =	swait.ge @p0 [sflag:s4], $0x2080  }
0x6c: {  	[sflag:s4] =	ssyncset.done @p0 $0x0;
	s6 =	sld [smem:$0x7F9]  }
0x6d: {  	[sflag:s4] =	ssyncadd.s32 @p0 $0xFFFFDF80;
	s4 =	rddreg [dreg:$0x3]  }
0x6e: {  	s4 =	sadd.s32 @!p0 s4, s7;
	s7 =	sld [smem:$0x7FA];
	_ =	sdelay $0x2  }
0x6f: {  	[hbm:s4], [sflag:s6] =	dma.local @!p0 [spmem:s7], $0x2780  }
0x70: {  	s4 =	simm.s32 @!p0 $0x11  }
0x71: {  	_ =	swait.ge @!p0 [sflag:s4], $0x2780  }
0x72: {  	s6 =	sld [smem:$0x7F7];
	_ =	sdelay $0x2  }
0x73: {  	s7 =	sadd.s32 $0x1, s6;
	s6 =	rddreg [dreg:$0x19]  }
0x74: {  	p1 =	sne.s32 s7, s6  }
.Ltmp1:
0x75: {  	_ = 	snop;
	(pc) =	sbr.rel @!p1 .LBB2_5-.Ltmp1, $3  }
0x76: {  	_ =	sdelay $0x1  }
0x77: {  	[sflag:s4] =	ssyncset.done @!p0 $0x0  }
0x78: {  	s8 =	simm.s32 $0x2C00;
	[sflag:s4] =	ssyncadd.s32 @!p0 $0xFFFFD880  }
.LBB2_1:
0x79: {  	s4 =	sld [smem:$0x7FD];
	_ =	sdelay $0x1  }
0x7a: {  	[smem:$0x7F7] =	sst s7  }
0x7b: {  	s6 =	rddreg [dreg:$0xf];
	s7 =	sshrl.u32 @p0 s4, $0x3  }
0x7c: {  	s4 =	simm.s32 @p0 $0x1FD1;
	[smem:$0x7F8] =	sst s7  }
0x7d: {  	[spmem:s7], [sflag:s4] =	dma.local @p0 [hbm:s6], $0x2080  }
0x7e: {  	s4 =	simm.s32 @p0 $0x11  }
0x7f: {  	s6 =	stileid.u32;
	_ =	swait.ge @p0 [sflag:s4], $0x2080  }
0x80: {  	s6 =	sshll.u32 @!p0 s6, $0x6;
	[sflag:s4] =	ssyncset.done @p0 $0x0  }
0x81: {  	s6 =	sor.u32 @!p0 $0x1C11, s6;
	[sflag:s4] =	ssyncadd.s32 @p0 $0xFFFFDF80;
	s4 =	rddreg [dreg:$0xc]  }
0x82: {  	[smem:$0x7F9] =	sst s6  }
0x83: {  	s7 =	sshrl.u32 @!p0 s4, $0x3;
	s4 =	rddreg [dreg:$0xd]  }
0x84: {  	[smem:$0x7FA] =	sst s7  }
0x85: {  	[spmem:s7], [sflag:s6] =	dma.local @!p0 [hbm:s4], $0x2780  }
0x86: {  	s4 =	simm.s32 @!p0 $0x11  }
0x87: {  	_ =	swait.ge @!p0 [sflag:s4], $0x2780  }
0x88: {  	[sflag:s4] =	ssyncset.done @!p0 $0x0  }
0x89: {  	[sflag:s4] =	ssyncadd.s32 @!p0 $0xFFFFD880  }
0x8a: {  	[bflag:$0x0] =	sbarrier.arrive $0xFFFF  }
0x8b: {  	s6 =	rddreg [dreg:$0x10]  }
0x8c: {  	s7 =	rddreg [dreg:$0x4]  }
0x8d: {  	s4 =	sld [smem:$0x7FC]  }
0x8e: {  	[tilespmem:s11], [sflag:$0x1] =	stream.linear.gather [hbm4b:s6+s11], $0x28, $0x38;
	[tilespmem:$0x1DC80] =	vst v63  }
0x8f: {  	s6 =	rddreg [dreg:$0x11]  }
0x90: {  	[tilespmem:s10], [sflag:$0x9] =	stream.linear.gather [hbm4b:s7+s11], $0x1400, $0x38;
	[tilespmem:$0x1DC80] =	vst v63  }
0x91: {  	s7 =	rddreg [dreg:$0x5]  }
0x92: {  	[tilespmem:s14], [sflag:$0x2] =	stream.linear.gather [hbm4b:s6+s11], $0x28, $0x38;
	[tilespmem:$0x1DC80] =	vst v63  }
0x93: {  	s6 =	rddreg [dreg:$0x12]  }
0x94: {  	[tilespmem:s21], [sflag:$0xA] =	stream.linear.gather [hbm4b:s7+s11], $0x1400, $0x38;
	[tilespmem:$0x1DC80] =	vst v63  }
0x95: {  	s7 =	rddreg [dreg:$0x6]  }
0x96: {  	[tilespmem:s22], [sflag:$0x3] =	stream.linear.gather [hbm4b:s6+s11], $0x28, $0x38;
	[tilespmem:$0x1DC80] =	vst v63  }
0x97: {  	s6 =	rddreg [dreg:$0x15]  }
0x98: {  	[tilespmem:s8], [sflag:$0xB] =	stream.linear.gather [hbm4b:s7+s11], $0x1400, $0x38;
	[tilespmem:$0x1DC80] =	vst v63  }
0x99: {  	s8 =	rddreg [dreg:$0x13]  }
0x9a: {  	[tilespmem:s9], [sflag:$0x4] =	stream.linear.gather [hbm4b:s8+s11], $0x28, $0x38;
	[tilespmem:$0x1DC80] =	vst v63  }
0x9b: {  	s9 =	rddreg [dreg:$0x7]  }
0x9c: {  	[tilespmem:s15], [sflag:$0xC] =	stream.linear.gather [hbm4b:s9+s11], $0x1400, $0x38;
	[tilespmem:$0x1DC80] =	vst v63  }
0x9d: {  	s15 =	rddreg [dreg:$0x14]  }
0x9e: {  	[tilespmem:s17], [sflag:$0x5] =	stream.linear.gather [hbm4b:s15+s11], $0x28, $0x38;
	[tilespmem:$0x1DC80] =	vst v63  }
0x9f: {  	s17 =	rddreg [dreg:$0x8]  }
0xa0: {  	[tilespmem:s18], [sflag:$0xD] =	stream.linear.gather [hbm4b:s17+s11], $0x1400, $0x38;
	[tilespmem:$0x1DC80] =	vst v63  }
0xa1: {  	s7 =	simm.s32 $0x280;
	s8 =	rddreg [dreg:$0x9]  }
0xa2: {  	[tilespmem:s7], [sflag:$0x6] =	stream.linear.gather [hbm4b:s6+s11], $0x28, $0x38;
	[tilespmem:$0x1DC80] =	vst v63  }
0xa3: {  	s9 =	simm.s32 $0x6800;
	s15 =	rddreg [dreg:$0x16]  }
0xa4: {  	[tilespmem:s9], [sflag:$0xE] =	stream.linear.gather [hbm4b:s8+s11], $0x1400, $0x38;
	[tilespmem:$0x1DC80] =	vst v63  }
0xa5: {  	s17 =	simm.s32 $0x300;
	s6 =	rddreg [dreg:$0xa]  }
0xa6: {  	[tilespmem:s17], [sflag:$0x7] =	stream.linear.gather [hbm4b:s15+s11], $0x28, $0x38;
	[tilespmem:$0x1DC80] =	vst v63  }
0xa7: {  	s7 =	simm.s32 $0x7C00;
	s8 =	rddreg [dreg:$0x17]  }
0xa8: {  	[tilespmem:s7], [sflag:$0xF] =	stream.linear.gather [hbm4b:s6+s11], $0x1400, $0x38;
	[tilespmem:$0x1DC80] =	vst v63  }
0xa9: {  	s9 =	rddreg [dreg:$0xb];
	s15 =	simm.s32 $0x380  }
0xaa: {  	[tilespmem:s15], [sflag:$0x8] =	stream.linear.gather [hbm4b:s8+s11], $0x28, $0x38;
	[tilespmem:$0x1DC80] =	vst v63  }
0xab: {  	s17 =	simm.s32 $0x9000;
	s6 =	rddreg [dreg:$0xe];
	s7 =	simm.s32 $0x0  }
0xac: {  	[tilespmem:s17], [sflag:$0x10] =	stream.linear.gather [hbm4b:s9+s11], $0x1400, $0x38;
	[tilespmem:$0x1DC80] =	vst v63  }
.LBB2_2:
0xad: {  	_ =	swait.ge [sflag:s23], $0x28  }
0xae: {  	[sflag:s23] =	ssyncset.done $0x0  }
0xaf: {  	[sflag:s23] =	ssyncadd.s32 $0xFFFFFFD8  }
0xb0: {  	_ =	swait.ge [sflag:s24], $0x1400  }
0xb1: {  	[sflag:s24] =	ssyncset.done $0x0  }
0xb2: {  	[sflag:s24] =	ssyncadd.s32 $0xFFFFEC00  }
0xb3: {  	[spmem:s1] =	stream.indirect.scatter.add.f32 [tilespmem:s10], [sflag:$0x11], $0x80, s11, s25, $0xb8;
	[tilespmem:$0x1DC80] =	vst v63  }
0xb4: {  	_ =	swait.ge [sflag:s28], $0x1400  }
0xb5: {  	s8 =	sshrl.u32 s4, $0x3;
	[sflag:s28] =	ssyncset.done $0x0;
	s9 =	rddreg [dreg:$0xe]  }
0xb6: {  	[sflag:s28] =	ssyncadd.s32 $0xFFFFEC00;
	s8 =	sadd.s32 s9, s8  }
0xb7: {  	[tilespmem:s11], [sflag:$0x1] =	stream.linear.gather [hbm4b:s8+s11], $0x28, $0x38;
	[tilespmem:$0x1DC80] =	vst v63  }
0xb8: {  	s8 =	sadd.s32 s7, s13  }
0xb9: {  	s9 =	sadd.s32 $0x1400, s8  }
0xba: {  	[tilespmem:s10], [sflag:$0x9] =	stream.linear.gather [hbm4b:s9+s11], $0x1400, $0x38;
	[tilespmem:$0x1DC80] =	vst v63  }
0xbb: {  	_ =	swait.ge [sflag:s2], $0x28  }
0xbc: {  	[sflag:s2] =	ssyncset.done $0x0  }
0xbd: {  	[sflag:s2] =	ssyncadd.s32 $0xFFFFFFD8  }
0xbe: {  	_ =	swait.ge [sflag:s5], $0x1400  }
0xbf: {  	[sflag:s5] =	ssyncset.done $0x0  }
0xc0: {  	[sflag:s5] =	ssyncadd.s32 $0xFFFFEC00  }
0xc1: {  	[spmem:s1] =	stream.indirect.scatter.add.f32 [tilespmem:s21], [sflag:$0x11], $0x80, s14, s25, $0xb8;
	[tilespmem:$0x1DC80] =	vst v63  }
0xc2: {  	_ =	swait.ge [sflag:s28], $0x1400  }
0xc3: {  	s10 =	sld [smem:$0x7FB];
	_ =	sdelay $0x1  }
0xc4: {  	[sflag:s28] =	ssyncset.done $0x0  }
0xc5: {  	[sflag:s28] =	ssyncadd.s32 $0xFFFFEC00;
	s9 =	sadd.s32 s6, s10  }
0xc6: {  	[tilespmem:s14], [sflag:$0x2] =	stream.linear.gather [hbm4b:s9+s11], $0x28, $0x38;
	[tilespmem:$0x1DC80] =	vst v63  }
0xc7: {  	s10 =	sadd.s32 $0x1680, s8  }
0xc8: {  	[tilespmem:s21], [sflag:$0xA] =	stream.linear.gather [hbm4b:s10+s11], $0x1400, $0x38;
	[tilespmem:$0x1DC80] =	vst v63  }
0xc9: {  	_ =	swait.ge [sflag:s26], $0x28  }
0xca: {  	[sflag:s26] =	ssyncset.done $0x0  }
0xcb: {  	[sflag:s26] =	ssyncadd.s32 $0xFFFFFFD8  }
0xcc: {  	_ =	swait.ge [sflag:s19], $0x1400  }
0xcd: {  	[sflag:s19] =	ssyncset.done $0x0  }
0xce: {  	s14 =	simm.s32 $0x2C00;
	[sflag:s19] =	ssyncadd.s32 $0xFFFFEC00  }
0xcf: {  	[spmem:s1] =	stream.indirect.scatter.add.f32 [tilespmem:s14], [sflag:$0x11], $0x80, s22, s25, $0xb8;
	[tilespmem:$0x1DC80] =	vst v63  }
0xd0: {  	_ =	swait.ge [sflag:s28], $0x1400  }
0xd1: {  	[sflag:s28] =	ssyncset.done $0x0;
	s21 =	rddreg [dreg:$0x1f]  }
0xd2: {  	[sflag:s28] =	ssyncadd.s32 $0xFFFFEC00;
	s9 =	sadd.s32 s6, s21  }
0xd3: {  	[tilespmem:s22], [sflag:$0x3] =	stream.linear.gather [hbm4b:s9+s11], $0x28, $0x38;
	[tilespmem:$0x1DC80] =	vst v63  }
0xd4: {  	s22 =	sadd.s32 $0x1900, s8  }
0xd5: {  	[tilespmem:s14], [sflag:$0xB] =	stream.linear.gather [hbm4b:s22+s11], $0x1400, $0x38;
	[tilespmem:$0x1DC80] =	vst v63  }
0xd6: {  	_ =	swait.ge [sflag:s20], $0x28  }
0xd7: {  	[sflag:s20] =	ssyncset.done $0x0  }
0xd8: {  	[sflag:s20] =	ssyncadd.s32 $0xFFFFFFD8  }
0xd9: {  	_ =	swait.ge [sflag:s29], $0x1400  }
0xda: {  	[sflag:s29] =	ssyncset.done $0x0  }
0xdb: {  	s21 =	simm.s32 $0x4000;
	s14 =	simm.s32 $0x180;
	[sflag:s29] =	ssyncadd.s32 $0xFFFFEC00  }
0xdc: {  	[spmem:s1] =	stream.indirect.scatter.add.f32 [tilespmem:s21], [sflag:$0x11], $0x80, s14, s25, $0xb8;
	[tilespmem:$0x1DC80] =	vst v63  }
0xdd: {  	_ =	swait.ge [sflag:s28], $0x1400  }
0xde: {  	[sflag:s28] =	ssyncset.done $0x0;
	s22 =	rddreg [dreg:$0x1e]  }
0xdf: {  	[sflag:s28] =	ssyncadd.s32 $0xFFFFEC00;
	s9 =	sadd.s32 s6, s22  }
0xe0: {  	[tilespmem:s14], [sflag:$0x4] =	stream.linear.gather [hbm4b:s9+s11], $0x28, $0x38;
	[tilespmem:$0x1DC80] =	vst v63  }
0xe1: {  	s10 =	sadd.s32 $0x1B80, s8  }
0xe2: {  	[tilespmem:s21], [sflag:$0xC] =	stream.linear.gather [hbm4b:s10+s11], $0x1400, $0x38;
	[tilespmem:$0x1DC80] =	vst v63  }
0xe3: {  	_ =	swait.ge [sflag:s16], $0x28  }
0xe4: {  	[sflag:s16] =	ssyncset.done $0x0  }
0xe5: {  	[sflag:s16] =	ssyncadd.s32 $0xFFFFFFD8  }
0xe6: {  	_ =	swait.ge [sflag:s30], $0x1400  }
0xe7: {  	[sflag:s30] =	ssyncset.done $0x0  }
0xe8: {  	s21 =	simm.s32 $0x200;
	[sflag:s30] =	ssyncadd.s32 $0xFFFFEC00  }
0xe9: {  	[spmem:s1] =	stream.indirect.scatter.add.f32 [tilespmem:s18], [sflag:$0x11], $0x80, s21, s25, $0xb8;
	[tilespmem:$0x1DC80] =	vst v63  }
0xea: {  	_ =	swait.ge [sflag:s28], $0x1400  }
0xeb: {  	[sflag:s28] =	ssyncset.done $0x0;
	s22 =	rddreg [dreg:$0x1d]  }
0xec: {  	[sflag:s28] =	ssyncadd.s32 $0xFFFFEC00;
	s9 =	sadd.s32 s6, s22  }
0xed: {  	[tilespmem:s21], [sflag:$0x5] =	stream.linear.gather [hbm4b:s9+s11], $0x28, $0x38;
	[tilespmem:$0x1DC80] =	vst v63  }
0xee: {  	s14 =	sadd.s32 $0x1E00, s8  }
0xef: {  	[tilespmem:s18], [sflag:$0xD] =	stream.linear.gather [hbm4b:s14+s11], $0x1400, $0x38;
	[tilespmem:$0x1DC80] =	vst v63  }
0xf0: {  	_ =	swait.ge [sflag:s31], $0x28  }
0xf1: {  	[sflag:s31] =	ssyncset.done $0x0  }
0xf2: {  	[sflag:s31] =	ssyncadd.s32 $0xFFFFFFD8  }
0xf3: {  	_ =	swait.ge [sflag:s12], $0x1400  }
0xf4: {  	[sflag:s12] =	ssyncset.done $0x0  }
0xf5: {  	s22 =	simm.s32 $0x6800;
	s21 =	simm.s32 $0x280;
	[sflag:s12] =	ssyncadd.s32 $0xFFFFEC00  }
0xf6: {  	[spmem:s1] =	stream.indirect.scatter.add.f32 [tilespmem:s22], [sflag:$0x11], $0x80, s21, s25, $0xb8;
	[tilespmem:$0x1DC80] =	vst v63  }
0xf7: {  	_ =	swait.ge [sflag:s28], $0x1400  }
0xf8: {  	p1 =	seq.s32 s7, $0x11800;
	[sflag:s28] =	ssyncset.done $0x0  }
0xf9: {  	s9 =	simm.s32 @p1 $0x7;
	[sflag:s28] =	ssyncadd.s32 $0xFFFFEC00  }
0xfa: {  	_ =	swait.ge @p1 [sflag:s9], $0x28  }
0xfb: {  	[sflag:s9] =	ssyncset.done @p1 $0x0  }
0xfc: {  	[sflag:s9] =	ssyncadd.s32 @p1 $0xFFFFFFD8;
	s9 =	simm.s32 @p1 $0xF  }
0xfd: {  	_ =	swait.ge @p1 [sflag:s9], $0x1400  }
0xfe: {  	s10 =	simm.s32 @p1 $0x7C00;
	[sflag:s9] =	ssyncset.done @p1 $0x0  }
0xff: {  	s21 =	simm.s32 @p1 $0x300;
	[sflag:s9] =	ssyncadd.s32 @p1 $0xFFFFEC00;
	s9 =	simm.s32 @p1 $0x28  }
0x100: {  	[spmem:s1] =	stream.indirect.scatter.add.f32 @p1 [tilespmem:s10], [sflag:$0x11], $0x80, s21, s9, $0xb8;
	[tilespmem:$0x1DC80] =	vst v63  }
0x101: {  	s9 =	simm.s32 @p1 $0x11  }
0x102: {  	_ =	swait.ge @p1 [sflag:s9], $0x1400  }
0x103: {  	[sflag:s9] =	ssyncset.done @p1 $0x0  }
0x104: {  	[sflag:s9] =	ssyncadd.s32 @p1 $0xFFFFEC00;
	s9 =	rddreg [dreg:$0x1c]  }
0x105: {  	s10 =	simm.s32 @!p1 $0x0;
	s21 =	simm.s32 @!p1 $0x280;
	s9 =	sadd.s32 @!p1 s6, s9  }
0x106: {  	[tilespmem:s21], [sflag:$0x6] =	stream.linear.gather @!p1 [hbm4b:s9+s10], $0x28, $0x38;
	[tilespmem:$0x1DC80] =	vst v63  }
0x107: {  	s9 =	sadd.s32 @!p1 s7, s13  }
0x108: {  	s22 =	simm.s32 @!p1 $0x6800;
	s21 =	sadd.s32 @!p1 $0x2080, s9  }
0x109: {  	[tilespmem:s22], [sflag:$0xE] =	stream.linear.gather @!p1 [hbm4b:s21+s10], $0x1400, $0x38;
	[tilespmem:$0x1DC80] =	vst v63  }
0x10a: {  	s21 =	simm.s32 @!p1 $0x7  }
0x10b: {  	_ =	swait.ge @!p1 [sflag:s21], $0x28  }
0x10c: {  	[sflag:s21] =	ssyncset.done @!p1 $0x0  }
0x10d: {  	[sflag:s21] =	ssyncadd.s32 @!p1 $0xFFFFFFD8;
	s21 =	simm.s32 @!p1 $0xF  }
0x10e: {  	_ =	swait.ge @!p1 [sflag:s21], $0x1400  }
0x10f: {  	s14 =	simm.s32 @!p1 $0x7C00;
	[sflag:s21] =	ssyncset.done @!p1 $0x0  }
0x110: {  	s22 =	simm.s32 @!p1 $0x300;
	[sflag:s21] =	ssyncadd.s32 @!p1 $0xFFFFEC00;
	s21 =	simm.s32 @!p1 $0x28  }
0x111: {  	[spmem:s1] =	stream.indirect.scatter.add.f32 @!p1 [tilespmem:s14], [sflag:$0x11], $0x80, s22, s21, $0xb8;
	[tilespmem:$0x1DC80] =	vst v63  }
0x112: {  	s21 =	simm.s32 @!p1 $0x11  }
0x113: {  	_ =	swait.ge @!p1 [sflag:s21], $0x1400  }
0x114: {  	[sflag:s21] =	ssyncset.done @!p1 $0x0  }
0x115: {  	[sflag:s21] =	ssyncadd.s32 @!p1 $0xFFFFEC00;
	s21 =	rddreg [dreg:$0x1b]  }
0x116: {  	s21 =	sadd.s32 @!p1 s6, s21  }
0x117: {  	[tilespmem:s22], [sflag:$0x7] =	stream.linear.gather @!p1 [hbm4b:s21+s10], $0x28, $0x38;
	[tilespmem:$0x1DC80] =	vst v63  }
0x118: {  	s9 =	sadd.s32 @!p1 $0x2300, s9  }
0x119: {  	[tilespmem:s14], [sflag:$0xF] =	stream.linear.gather @!p1 [hbm4b:s9+s10], $0x1400, $0x38;
	[tilespmem:$0x1DC80] =	vst v63  }
0x11a: {  	_ =	swait.ge [sflag:s0], $0x28  }
0x11b: {  	[sflag:s0] =	ssyncset.done $0x0  }
0x11c: {  	[sflag:s0] =	ssyncadd.s32 $0xFFFFFFD8  }
0x11d: {  	_ =	swait.ge [sflag:s3], $0x1400  }
0x11e: {  	[sflag:s3] =	ssyncset.done $0x0  }
.Ltmp2:
0x11f: {  	[sflag:s3] =	ssyncadd.s32 $0xFFFFEC00;
	(pc) =	sbr.rel @p1 .LBB2_4-.Ltmp2, $4  }
0x120: {  	[spmem:s1] =	stream.indirect.scatter.add.f32 [tilespmem:s17], [sflag:$0x11], $0x80, s15, s25, $0xb8;
	[tilespmem:$0x1DC80] =	vst v63  }
0x121: {  	_ =	swait.ge [sflag:s28], $0x1400  }
0x122: {  	[sflag:s28] =	ssyncset.done $0x0  }
0x123: {  	s10 =	simm.s32 $0x380;
	s14 =	simm.s32 $0x9000;
	[sflag:s28] =	ssyncadd.s32 $0xFFFFEC00  }
0x124: {  	s9 =	rddreg [dreg:$0x1a]  }
0x125: {  	s8 =	sadd.s32 $0x2580, s8;
	s7 =	sadd.s32 $0x1400, s7;
	s4 =	sadd.s32 $0x140, s4  }
.Ltmp3:
0x126: {  	s15 =	simm.s32 $0x380;
	s9 =	sadd.s32 s6, s9;
	(pc) =	sbr.rel .LBB2_2-.Ltmp3, $4  }
0x127: {  	[tilespmem:s10], [sflag:$0x8] =	stream.linear.gather [hbm4b:s9+s11], $0x28, $0x38;
	[tilespmem:$0x1DC80] =	vst v63  }
0x128: {  	s17 =	simm.s32 $0x9000;
	s21 =	simm.s32 $0x1800;
	s22 =	simm.s32 $0x100  }
0x129: {  	[tilespmem:s14], [sflag:$0x10] =	stream.linear.gather [hbm4b:s8+s11], $0x1400, $0x38;
	[tilespmem:$0x1DC80] =	vst v63  }
0x12a: {  	s6 =	sadd.s32 $0x28, s6;
	s10 =	simm.s32 $0x400;
	s14 =	simm.s32 $0x80  }
.LBB2_5:
0x12b: {  	_ =	sfence.sel $0x180000  }
0x12c: {  	[bflag:$0x0] =	sbarrier.arrive $0xFFFF  }
0x12d: {  	_ =	strace $0x90000050  }
0x12e: {  	s0 =	stileid.u32;
	[bflag:$0x2] =	sbarrier.arrive $0xFFFF  }
0x12f: {  	p0 =	sne.s32 s0, $0x0;
	s0 =	rddreg [dreg:$0x2]  }
0x130: {  	s0 =	sadd.s32 @!p0 $0x100000, s0  }
0x131: {  	[sflag:s0] =	ssyncadd.tile.s32 @!p0 $0x1;
	_ =	shalt  }
.Lfunc_end2:
_tile_overlayer_lowered:
.L_overlay_start_2:
0x132: {  	(tag) =	ssettag $0x2  }
0x133: {  	s0 =	rddreg [dreg:$0x0];
	s2 =	stileid.u32  }
0x134: {  	s1 =	rddreg [dreg:$0x1];
	p0 =	sne.s32 s2, $0x0  }
0x135: {  	s3 =	rddreg [dreg:$0x2];
	[bflag:$0x3] =	sbarrier.arrive $0xFFFF;
	s2 =	simm.s32 @!p0 $0x1C11  }
0x136: {  	[timem:s3], [sflag:s2] =	dma.local @!p0 [hbm:s0], s1  }
0x137: {  	s0 =	simm.s32 @!p0 $0x11  }
0x138: {  	_ =	swait.ge @!p0 [sflag:s0], s1  }
0x139: {  	s1 =	ssub.s32 @!p0 $0x0, s1;
	[sflag:s0] =	ssyncset.done @!p0 $0x0  }
0x13a: {  	[sflag:s0] =	ssyncadd.s32 @!p0 s1  }
0x13b: {  	[bflag:$0x3] =	sbarrier.arrive $0xFFFF  }
0x13c: {  	_ =	shalt  }

// kernel: kernel.16.cloned.1.call-start
scs
__scs_entry_jumppad:
0x0: {  	(pc) =	sbr.rel $0x88, $3  }
0x1: {  	(tag) =	ssettag $0x0;
	lr =	simm.s32 $0x1  }
0x2: {  	[smem:$0x3F96] =	sst lr;
	_ =	strace $0xD0000000  }
0x3: {  	_ = 	snop  }
0x4: {  	_ = 	snop  }
0x5: {  	_ = 	snop  }
0x6: {  	_ = 	snop  }
0x7: {  	_ = 	snop  }
__scs_overlays_trampoline_lowered:
0x8: {  	[smem:$0x3FA5] =	sst s0  }
0x9: {  	[smem:$0x3FA6] =	sst s1  }
0xa: {  	[smem:$0x3FA7] =	sst s2  }
0xb: {  	[smem:$0x3FA8] =	sst s3  }
0xc: {  	[smem:$0x3FA9] =	sst s4  }
0xd: {  	[smem:$0x3FAA] =	sst s5  }
0xe: {  	[smem:$0x3FAB] =	sst s6  }
0xf: {  	[smem:$0x3FAC] =	sst s7  }
0x10: {  	[smem:$0x3FAD] =	sst s8  }
0x11: {  	[smem:$0x3FAE] =	sst s9;
	s0 =	simm.s32 @!p0 $0x0  }
0x12: {  	s1 =	sld [smem:$0x3F94];
	s0 =	simm.s32 @p0 $0x1  }
0x13: {  	[smem:$0x3FAF] =	sst s0;
	s0 =	simm.s32 @!p1 $0x0  }
0x14: {  	s2 =	sld [smem:$0x3F93];
	s0 =	simm.s32 @p1 $0x1  }
0x15: {  	[smem:$0x3FB0] =	sst s0;
	s0 =	simm.s32 @!p2 $0x0  }
0x16: {  	s3 =	sld [smem:$0x3FDB];
	s0 =	simm.s32 @p2 $0x1  }
0x17: {  	s4 =	simm.s32 $0x1BF5;
	[smem:$0x3FB2] =	sst s0  }
0x18: {  	s0 =	sld [smem:$0x3F95];
	_ =	swait.ge [sflag:s4], $0x0  }
0x19: {  	s7 =	sld [smem:$0x3F96]  }
0x1a: {  	s8 =	sadd.s32 $0xFFFFE003, lr  }
0x1b: {  	s9 =	sadd.s32 $0xFFFFFEF7, lr;
	s5 =	simm.s32 $0xFFFFFFFF;
	p2 =	slt.u32 s8, $0xFFFFF086  }
0x1c: {  	p1 =	slt.u32 s9, $0xF7A;
	s5 =	simm.s32 @!p2 $0x0  }
0x1d: {  	s5 =	simm.s32 @p1 $0x1;
	p0 =	seq.s32 s7, s2  }
0x1e: {  	s7 =	smul.u32 @!p0 $0xF7A, s2;
	p2 =	seq.s32 @!p0 s5, $0x0  }
0x1f: {  	s9 =	smul.u32 $0xF7A, s1;
	s8 =	simm.s32 @!p0 $0x1BF5;
	p2 =	por !p2, p0  }
0x20: {  	[sflag:s8] =	ssyncset.s32 @!p0 $0xFFFFF086;
	s6 =	sadd.s32 @!p0 s3, s7;
	s7 =	simm.s32 @!p0 $0x108  }
0x21: {  	s3 =	sadd.s32 s3, s9;
	s6 =	sadd.s32 @!p0 $0x88, s6;
	s7 =	simm.s32 @p2 $0x1082  }
0x22: {  	[simem:s7], [sflag:s8] =	dma.local @!p0 [hbm:s6], $0xF7A  }
0x23: {  	s9 =	sor.u32 $0xD0000000, s2;
	s6 =	simm.s32 $0x108;
	_ =	swait.ge @!p0 [sflag:s8], $0x0  }
0x24: {  	s3 =	sadd.s32 $0x88, s3;
	s6 =	simm.s32 @!p1 $0x1082;
	[sflag:s4] =	ssyncset.s32 $0xFFFFF086  }
0x25: {  	[simem:s6], [sflag:s4] =	dma.local [hbm:s3], $0xF7A  }
0x26: {  	[smem:$0x3F96] =	sst s1;
	(tag) =	ssettag s2;
	_ =	strace s9  }
0x27: {  	s1 =	sld [smem:$0x3FA6]  }
0x28: {  	s2 =	sld [smem:$0x3FA7]  }
0x29: {  	s4 =	sld [smem:$0x3FA9]  }
0x2a: {  	p0 =	seq.s32 s5, $0x0;
	s5 =	sld [smem:$0x3FAA]  }
0x2b: {  	s6 =	sld [smem:$0x3FAB]  }
0x2c: {  	s7 =	sld [smem:$0x3FAC]  }
0x2d: {  	s3 =	simm.s32 $0x108;
	s8 =	sld [smem:$0x3FAD]  }
0x2e: {  	s3 =	simm.s32 @!p0 $0x1082;
	s9 =	sld [smem:$0x3FAE]  }
0x2f: {  	lr =	sadd.s32 s0, s3;
	s0 =	sld [smem:$0x3FA5]  }
0x30: {  	s3 =	sld [smem:$0x3FA8]  }
0x31: {  	[smem:$0x3FB1] =	sst s10  }
0x32: {  	s10 =	sld [smem:$0x3FAF];
	_ =	sdelay $0x3  }
0x33: {  	p0 =	seq.s32 s10, $0x1;
	s10 =	sld [smem:$0x3FB1];
	_ =	sdelay $0x3  }
0x34: {  	[smem:$0x3FB1] =	sst s10  }
0x35: {  	s10 =	sld [smem:$0x3FB0];
	_ =	sdelay $0x3  }
0x36: {  	p1 =	seq.s32 s10, $0x1;
	s10 =	sld [smem:$0x3FB1];
	_ =	sdelay $0x3  }
0x37: {  	[smem:$0x3FB1] =	sst s10  }
0x38: {  	s10 =	sld [smem:$0x3FB2]  }
0x39: {  	_ = 	snop;
	(pc) =	sbr.ind lr, $3  }
0x3a: {  	_ = 	snop  }
0x3b: {  	_ = 	snop  }
0x3c: {  	p2 =	seq.s32 s10, $0x1;
	s10 =	sld [smem:$0x3FB1]  }
0x3d: {  	_ =	shalt  }
0x3e: {  	_ =	shalt  }
0x3f: {  	_ =	shalt  }
0x40: {  	_ =	shalt  }
0x41: {  	_ =	shalt  }
0x42: {  	_ =	shalt  }
0x43: {  	_ =	shalt  }
0x44: {  	_ =	shalt  }
0x45: {  	_ =	shalt  }
0x46: {  	_ =	shalt  }
0x47: {  	_ =	shalt  }
0x48: {  	_ =	shalt  }
0x49: {  	_ =	shalt  }
0x4a: {  	_ =	shalt  }
0x4b: {  	_ =	shalt  }
0x4c: {  	_ =	shalt  }
0x4d: {  	_ =	shalt  }
0x4e: {  	_ =	shalt  }
0x4f: {  	_ =	shalt  }
0x50: {  	_ =	shalt  }
0x51: {  	_ =	shalt  }
0x52: {  	_ =	shalt  }
0x53: {  	_ =	shalt  }
0x54: {  	_ =	shalt  }
0x55: {  	_ =	shalt  }
0x56: {  	_ =	shalt  }
0x57: {  	_ =	shalt  }
0x58: {  	_ =	shalt  }
0x59: {  	_ =	shalt  }
0x5a: {  	_ =	shalt  }
0x5b: {  	_ =	shalt  }
0x5c: {  	_ =	shalt  }
0x5d: {  	_ =	shalt  }
0x5e: {  	_ =	shalt  }
0x5f: {  	_ =	shalt  }
0x60: {  	_ =	shalt  }
0x61: {  	_ =	shalt  }
0x62: {  	_ =	shalt  }
0x63: {  	_ =	shalt  }
0x64: {  	_ =	shalt  }
0x65: {  	_ =	shalt  }
0x66: {  	_ =	shalt  }
0x67: {  	_ =	shalt  }
0x68: {  	_ =	shalt  }
0x69: {  	_ =	shalt  }
0x6a: {  	_ =	shalt  }
0x6b: {  	_ =	shalt  }
0x6c: {  	_ =	shalt  }
0x6d: {  	_ =	shalt  }
0x6e: {  	_ =	shalt  }
0x6f: {  	_ =	shalt  }
0x70: {  	_ =	shalt  }
0x71: {  	_ =	shalt  }
0x72: {  	_ =	shalt  }
0x73: {  	_ =	shalt  }
0x74: {  	_ =	shalt  }
0x75: {  	_ =	shalt  }
0x76: {  	_ =	shalt  }
0x77: {  	_ =	shalt  }
0x78: {  	_ =	shalt  }
0x79: {  	_ =	shalt  }
0x7a: {  	_ =	shalt  }
0x7b: {  	_ =	shalt  }
0x7c: {  	_ =	shalt  }
0x7d: {  	_ =	shalt  }
0x7e: {  	_ =	shalt  }
0x7f: {  	_ =	shalt  }
0x80: {  	_ =	shalt  }
0x81: {  	_ =	shalt  }
0x82: {  	_ =	shalt  }
0x83: {  	_ =	shalt  }
0x84: {  	_ =	shalt  }
0x85: {  	_ =	shalt  }
0x86: {  	_ =	shalt  }
0x87: {  	_ =	shalt  }
.Lfunc_end0:
.L_simem_size_0:
called_computation.2_lowered:
.L_overlay_start_0:
0x88: {  	s2 =	sld [smem:$0x3FD9]  }
0x89: {  	s3 =	sld [smem:$0x3FFE];
	_ =	sdelay $0x1  }
0x8a: {  	s1 =	srdreg.scid  }
0x8b: {  	s0 =	sand.u32 $0x1, s1  }
0x8c: {  	s17 =	sshll.u32 s0, $0xA;
	s2 =	sadd.s32 s3, s2  }
0x8d: {  	s2 =	sadd.s32 s2, s17  }
0x8e: {  	[smem:$0x3FBD] =	sst s2  }
0x8f: {  	_ = 	snop  }
0x90: {  	s2 =	sld [smem:$0x3FD0];
	(tm) =	ssettm $0x1  }
0x91: {  	s18 =	sld [smem:$0x3FFB];
	_ =	sdelay $0x3  }
0x92: {  	_ =	strace s18  }
0x93: {  	s3 =	sld [smem:$0x3FFC];
	_ =	sdelay $0x3  }
0x94: {  	_ =	strace s3  }
0x95: {  	s3 =	sld [smem:$0x3FFD];
	_ =	sdelay $0x3  }
0x96: {  	_ =	strace s3  }
0x97: {  	_ =	strace $0x8FFFFFFF  }
0x98: {  	s19 =	sld [smem:$0x3FDB];
	_ =	sdelay $0x1  }
0x99: {  	s4 =	simm.s32 $_scs_section_size  }
0x9a: {  	s5 =	simm.s32 $_size__tile_overlayer_lowered;
	s6 =	simm.s32 $_tile_overlayer_lowered  }
0x9b: {  	s22 =	simm.s32 $0x1BFF;
	s21 =	sshll.u32 s6, $0x1;
	s3 =	sadd.s32 s4, s19  }
0x9c: {  	s7 =	simm.s32 $0x0;
	s20 =	sshll.u32 s5, $0x1;
	s5 =	sadd.s32 s21, s3  }
0x9d: {  	[timem:s7], [sflag:s22] =	dma.local [hbm:s5], s20  }
0x9e: {  	_ =	swait.ge [sflag:s22], s20  }
0x9f: {  	s4 =	ssub.s32 $0x0, s20;
	[sflag:s22] =	ssyncset.done $0x0  }
0xa0: {  	[sflag:s22] =	ssyncadd.s32 s4;
	_ =	sdelay $0x1  }
0xa1: {  	s23 =	simm.s32 $0x1B8B  }
0xa2: {  	_ =	swait.ge [sflag:s23], $0x1  }
0xa3: {  	[sflag:s23] =	ssyncset.done $0x0  }
0xa4: {  	s25 =	simm.s32 $0x1B8E;
	s24 =	sld [smem:$0x3FFE];
	[sflag:s23] =	ssyncadd.s32 $0xFFFFFFFF  }
0xa5: {  	s26 =	simm.s32 $execute0_lowered;
	[smem:$0x3FD2] =	sst s25  }
0xa6: {  	s5 =	sshll.u32 s26, $0x1;
	_ =	strace $0x80000046;
	[dreg:$0x1] =	wrdreg $0xFFFFFFFF  }
0xa7: {  	s28 =	simm.s32 $_size_execute0_lowered;
	s3 =	sadd.s32 s3, s5;
	[dreg:$0x0] =	wrdreg $0x0  }
0xa8: {  	s5 =	sshll.u32 s28, $0x1;
	[dreg:$0x2] =	wrdreg s3  }
0xa9: {  	[dreg:$0x3] =	wrdreg s5  }
0xaa: {  	[dreg:$0x4] =	wrdreg $0xC0  }
0xab: {  	_ =	task [dreg:s7], $0x5FFFF  }
0xac: {  	[dreg:$0x1] =	wrdreg $0xFFFFFFFF  }
0xad: {  	[dreg:$0x0] =	wrdreg $0x60  }
0xae: {  	[dreg:$0x2] =	wrdreg s2  }
0xaf: {  	[dreg:$0x3] =	wrdreg s24  }
0xb0: {  	[dreg:$0x4] =	wrdreg $0xC7800  }
0xb1: {  	[dreg:$0x5] =	wrdreg $0xA  }
0xb2: {  	_ =	task.clear_ibuf [dreg:s7], $0x6FFFF;
	_ =	strace $0x90000046  }
0xb3: {  	s29 =	simm.s32 $0xA;
	_ =	strace $0x80000048  }
0xb4: {  	_ =	swait.ge [sflag:s29], $0x1  }
0xb5: {  	[sflag:s29] =	ssyncadd.s32 $0xFFFFFFFF  }
0xb6: {  	_ =	strace $0x90000048  }
0xb7: {  	_ =	sfence  }
0xb8: {  	s30 =	sld [smem:$0x0];
	_ =	sdelay $0x2  }
0xb9: {  	s31 =	sshll.u32 s1, $0xD;
	s1 =	sshrl.u32 s1, $0x2  }
0xba: {  	s3 =	sand.u32 $0x4000, s31;
	s1 =	sadd.s32 s1, s30  }
0xbb: {  	s0 =	sor.u32 s3, s0;
	s1 =	sshll.u32 s1, $0x11  }
0xbc: {  	s0 =	sor.u32 s1, s0  }
0xbd: {  	s0 =	sadd.s32 $0x8F2B, s0  }
0xbe: {  	[sflag:s0] =	ssyncadd.remote.s32 $0x1  }
0xbf: {  	_ =	sfence.sel $0xFFFF  }
0xc0: {  	[dreg:$0x0] =	wrdreg $0xFFFFFFFF;
	(pc) =	sbr.abs _section_cstart, $3  }
0xc1: {  	[dreg:$0x1] =	wrdreg $0xFFFFFFFF  }
0xc2: {  	_ =	task.clear_ibuf [dreg:s7], $0x2FFFF;
	_ =	strace $0x9FFFFFFF  }
0xc3: {  	(tm) =	ssettm $0x7FFFFFFF  }
tec
execute0_lowered:
.L_overlay_start_1:
0x0: {  	(tag) =	ssettag $0x1  }
0x1: {  	s0 =	rddreg [dreg:$0x0]  }
0x2: {  	s4 =	rddreg [dreg:$0x1]  }
0x3: {  	s2 =	rddreg [dreg:$0x2];
	s1 =	stileid.u32;
	s3 =	simm.s32 $0x0  }
0x4: {  	s7 =	srdreg.scid;
	s28 =	simm.s32 $0x7780;
	s5 =	smul.u32 $0x2780, s1  }
0x5: {  	s30 =	simm.s32 $0x9F80;
	s31 =	simm.s32 $0x1;
	s6 =	smul.u32 $0x2710, s1  }
0x6: {  	s29 =	simm.s32 $0x0;
	[smem:$0x7FF] =	sst s3;
	s10 =	smul.u32 $0x4F000, s1  }
0x7: {  	s7 =	sand.u32 $0x1, s7;
	s12 =	sadd.s32 $0x34400, s4;
	s20 =	smul.u32 $0x138800, s1  }
0x8: {  	s13 =	sadd.s32 $0x2A5400, s4;
	s25 =	smul.u32 $0x27100, s1;
	p0 =	seq.s32 s1, $0xF  }
0x9: {  	_ =	strace $0x80000047;
	s18 =	ssub.s32 $0x2, s7;
	[dreg:$0x5] =	wrdreg s13  }
0xa: {  	[dreg:$0x4] =	wrdreg s12;
	p1 =	sne.s32 s7, $0x0;
	s7 =	simm.s32 $0x3  }
0xb: {  	s8 =	sadd.s32 s5, s4;
	s6 =	sshrl.u32 s6, $0x3;
	s11 =	sshrl.u32 s18, $0x1  }
0xc: {  	s19 =	sshrl.u32 s10, $0x2;
	s23 =	sshrl.u32 s20, $0x3;
	s24 =	sadd.s32 s0, s5  }
0xd: {  	s0 =	sadd.s32 $0x25080, s0;
	s15 =	sadd.s32 $0x25800, s25;
	s16 =	sadd.s32 $0x25D00, s25  }
0xe: {  	s17 =	sadd.s32 $0x26200, s25;
	s20 =	sadd.s32 s25, s12;
	s12 =	simm.s32 $0x7  }
0xf: {  	s9 =	sadd.s32 s6, s4;
	s11 =	ssub.s32 s18, s11;
	s6 =	sadd.s32 s19, s2  }
0x10: {  	s21 =	sadd.s32 $0xD200, s8;
	s8 =	sadd.s32 $0x128400, s2;
	[dreg:$0xa] =	wrdreg s24  }
0x11: {  	s4 =	sadd.s32 $0x32280, s4;
	s10 =	sadd.s32 $0x26C00, s23;
	[dreg:$0xb] =	wrdreg s0  }
0x12: {  	s18 =	sadd.s32 $0x26700, s25;
	s19 =	sadd.s32 s25, s13;
	s23 =	simm.s32 $0x50  }
0x13: {  	s24 =	simm.s32 $0x2780;
	s25 =	simm.s32 $0x4F80;
	[dreg:$0x6] =	wrdreg s6  }
.Ltmp0:
0x14: {  	s0 =	simm.s32 $0x2;
	[dreg:$0x7] =	wrdreg s21;
	(pc) =	sbr.rel .LBB2_1-.Ltmp0, $4  }
0x15: {  	s13 =	simm.s32 $0x8;
	[dreg:$0x8] =	wrdreg s4;
	s22 =	sadd.s32 $0x8200, s9  }
0x16: {  	s26 =	sadd.s32 $0x3200, s9;
	s14 =	smax.u32 s11, $0x1;
	s21 =	sshrl.u32 @p0 s8, $0x3  }
0x17: {  	s8 =	simm.s32 $0x4;
	s9 =	simm.s32 $0x5;
	[dreg:$0x9] =	wrdreg s22  }
0x18: {  	s11 =	simm.s32 $0x6;
	[dreg:$0xc] =	wrdreg s26;
	s22 =	simm.s32 $0x9  }
.LBB2_7:
0x19: {  	[tilespmem:s30], [sflag:$0x4] =	stream.indirect.gather [spmem:s2], $0x80, s4, s23, $0xb8;
	v63 =	vld [tilespmem:$0x0]  }
0x1a: {  	s4 =	rddreg [dreg:$0x5]  }
.LBB2_8:
0x1b: {  	_ =	swait.ge [sflag:s31], $0x2800  }
0x1c: {  	[sflag:s31] =	ssyncset.done $0x0  }
0x1d: {  	s1 =	sadd.s32 s4, s15;
	[sflag:s31] =	ssyncadd.s32 $0xFFFFD800  }
0x1e: {  	[hbm4b:s1+s3] =	stream.linear.scatter [tilespmem:s24], [sflag:$0x5], $0x2800, $0x38;
	v63 =	vld [tilespmem:$0x0]  }
0x1f: {  	_ =	swait.ge [sflag:s0], $0x2800  }
0x20: {  	[sflag:s0] =	ssyncset.done $0x0  }
0x21: {  	s6 =	sadd.s32 s4, s16;
	[sflag:s0] =	ssyncadd.s32 $0xFFFFD800  }
0x22: {  	[hbm4b:s6+s3] =	stream.linear.scatter [tilespmem:s25], [sflag:$0x6], $0x2800, $0x38;
	v63 =	vld [tilespmem:$0x0]  }
0x23: {  	_ =	swait.ge [sflag:s7], $0x2800  }
0x24: {  	[sflag:s7] =	ssyncset.done $0x0  }
0x25: {  	s26 =	sadd.s32 s4, s17;
	[sflag:s7] =	ssyncadd.s32 $0xFFFFD800  }
0x26: {  	[hbm4b:s26+s3] =	stream.linear.scatter [tilespmem:s28], [sflag:$0x7], $0x2800, $0x38;
	v63 =	vld [tilespmem:$0x0]  }
0x27: {  	_ =	swait.ge [sflag:s8], $0x2800  }
0x28: {  	[sflag:s8] =	ssyncset.done $0x0  }
0x29: {  	s5 =	sadd.s32 s4, s18;
	[sflag:s8] =	ssyncadd.s32 $0xFFFFD800  }
0x2a: {  	[hbm4b:s5+s3] =	stream.linear.scatter [tilespmem:s30], [sflag:$0x8], $0x2800, $0x38;
	v63 =	vld [tilespmem:$0x0]  }
0x2b: {  	_ =	swait.ge [sflag:s9], $0x2800  }
0x2c: {  	[sflag:s9] =	ssyncset.done $0x0  }
0x2d: {  	s6 =	simm.s32 $0x26C0;
	[sflag:s9] =	ssyncadd.s32 $0xFFFFD800  }
0x2e: {  	[tilespmem:s24], [sflag:$0x1] =	stream.indirect.gather [spmem:s2], $0x80, s6, s23, $0xb8;
	v63 =	vld [tilespmem:$0x0]  }
0x2f: {  	_ =	swait.ge [sflag:s11], $0x2800  }
0x30: {  	[sflag:s11] =	ssyncset.done $0x0  }
0x31: {  	[sflag:s11] =	ssyncadd.s32 $0xFFFFD800  }
0x32: {  	_ =	swait.ge [sflag:s12], $0x2800  }
0x33: {  	[sflag:s12] =	ssyncset.done $0x0  }
0x34: {  	[sflag:s12] =	ssyncadd.s32 $0xFFFFD800  }
0x35: {  	_ =	swait.ge [sflag:s13], $0x2800  }
0x36: {  	[sflag:s13] =	ssyncset.done $0x0  }
0x37: {  	[sflag:s13] =	ssyncadd.s32 $0xFFFFD800  }
0x38: {  	s29 =	sadd.s32 $0x1, s29;
	_ =	swait.ge [sflag:s31], $0x2800  }
0x39: {  	p2 =	sne.s32 s29, s14;
	[sflag:s31] =	ssyncset.done $0x0  }
.Ltmp1:
0x3a: {  	s26 =	sadd.s32 s4, s10;
	[sflag:s31] =	ssyncadd.s32 $0xFFFFD800;
	(pc) =	sbr.rel @!p2 .LBB2_9-.Ltmp1, $4  }
0x3b: {  	[hbm4b:s26+s3] =	stream.linear.scatter [tilespmem:s24], [sflag:$0x5], $0x2800, $0x38;
	v63 =	vld [tilespmem:$0x0]  }
0x3c: {  	_ =	swait.ge [sflag:s9], $0x2800  }
0x3d: {  	[sflag:s9] =	ssyncset.done $0x0  }
0x3e: {  	[sflag:s9] =	ssyncadd.s32 $0xFFFFD800  }
.LBB2_1:
.Ltmp2:
0x3f: {  	(pc) =	sbr.rel @p1 .LBB2_5-.Ltmp2, $4  }
0x40: {  	_ = 	snop  }
0x41: {  	s1 =	stileid.u32  }
0x42: {  	s5 =	sshll.u32 @!p0 s1, $0x6;
	s1 =	rddreg [dreg:$0x6]  }
0x43: {  	s4 =	sshrl.u32 @!p0 s1, $0x3;
	s5 =	sor.u32 @!p0 $0x1C09, s5  }
0x44: {  	s26 =	simm.s32 @p0 $0x1FC9;
	s1 =	rddreg [dreg:$0xb]  }
0x45: {  	[spmem:s21], [sflag:s26] =	dma.local @p0 [hbm:s1], $0x2080  }
0x46: {  	s26 =	simm.s32 @p0 $0x9  }
0x47: {  	_ =	swait.ge @p0 [sflag:s26], $0x2080  }
0x48: {  	[sflag:s26] =	ssyncset.done @p0 $0x0  }
0x49: {  	s1 =	rddreg [dreg:$0xa];
	[sflag:s26] =	ssyncadd.s32 @p0 $0xFFFFDF80  }
0x4a: {  	[spmem:s4], [sflag:s5] =	dma.local @!p0 [hbm:s1], $0x2780  }
0x4b: {  	s4 =	simm.s32 @!p0 $0x9  }
0x4c: {  	_ =	swait.ge @!p0 [sflag:s4], $0x2780  }
0x4d: {  	[sflag:s4] =	ssyncset.done @!p0 $0x0  }
0x4e: {  	[sflag:s4] =	ssyncadd.s32 @!p0 $0xFFFFD880  }
0x4f: {  	[bflag:$0x0] =	sbarrier.arrive $0xFFFF  }
0x50: {  	s6 =	simm.s32 $0x0;
	s26 =	rddreg [dreg:$0xc]  }
0x51: {  	[tilespmem:s6], [sflag:$0x9] =	stream.linear.gather [hbm4b:s26+s6], $0x2710, $0x38;
	v63 =	vld [tilespmem:$0x0]  }
0x52: {  	_ =	swait.ge [sflag:s22], $0x2710  }
0x53: {  	[sflag:s22] =	ssyncset.done $0x0  }
0x54: {  	[sflag:s22] =	ssyncadd.s32 $0xFFFFD8F0  }
0x55: {  	[tilespmem:s24], [sflag:$0x1] =	stream.indirect.gather [spmem:s2], $0x80, s6, s23, $0xb8;
	v63 =	vld [tilespmem:$0x0]  }
0x56: {  	_ = 	snop  }
0x57: {  	[tilespmem:s25], [sflag:$0x2] =	stream.indirect.gather [spmem:s2], $0x80, s23, s23, $0xb8;
	v63 =	vld [tilespmem:$0x0]  }
0x58: {  	s4 =	simm.s32 $0xA0  }
0x59: {  	[tilespmem:s28], [sflag:$0x3] =	stream.indirect.gather [spmem:s2], $0x80, s4, s23, $0xb8;
	v63 =	vld [tilespmem:$0x0]  }
0x5a: {  	s5 =	simm.s32 $0xF0  }
0x5b: {  	[tilespmem:s30], [sflag:$0x4] =	stream.indirect.gather [spmem:s2], $0x80, s5, s23, $0xb8;
	v63 =	vld [tilespmem:$0x0]  }
0x5c: {  	_ =	swait.ge [sflag:s31], $0x2800  }
0x5d: {  	[sflag:s31] =	ssyncset.done $0x0  }
0x5e: {  	s6 =	sadd.s32 $0x0, s20;
	[sflag:s31] =	ssyncadd.s32 $0xFFFFD800  }
0x5f: {  	[hbm4b:s6+s3] =	stream.linear.scatter [tilespmem:s24], [sflag:$0x5], $0x2800, $0x38;
	v63 =	vld [tilespmem:$0x0]  }
0x60: {  	_ =	swait.ge [sflag:s0], $0x2800  }
0x61: {  	[sflag:s0] =	ssyncset.done $0x0  }
0x62: {  	s26 =	sadd.s32 $0x500, s6;
	[sflag:s0] =	ssyncadd.s32 $0xFFFFD800  }
0x63: {  	[hbm4b:s26+s3] =	stream.linear.scatter [tilespmem:s25], [sflag:$0x6], $0x2800, $0x38;
	v63 =	vld [tilespmem:$0x0]  }
0x64: {  	_ =	swait.ge [sflag:s7], $0x2800  }
0x65: {  	[sflag:s7] =	ssyncset.done $0x0  }
0x66: {  	s1 =	sadd.s32 $0xA00, s6;
	[sflag:s7] =	ssyncadd.s32 $0xFFFFD800  }
0x67: {  	[hbm4b:s1+s3] =	stream.linear.scatter [tilespmem:s28], [sflag:$0x7], $0x2800, $0x38;
	v63 =	vld [tilespmem:$0x0]  }
0x68: {  	_ =	swait.ge [sflag:s8], $0x2800  }
0x69: {  	[sflag:s8] =	ssyncset.done $0x0  }
0x6a: {  	s4 =	sadd.s32 $0xF00, s6;
	[sflag:s8] =	ssyncadd.s32 $0xFFFFD800  }
0x6b: {  	[hbm4b:s4+s3] =	stream.linear.scatter [tilespmem:s30], [sflag:$0x8], $0x2800, $0x38;
	v63 =	vld [tilespmem:$0x0]  }
0x6c: {  	_ =	swait.ge [sflag:s9], $0x2800  }
0x6d: {  	[sflag:s9] =	ssyncset.done $0x0  }
0x6e: {  	s5 =	simm.s32 $0x140;
	[sflag:s9] =	ssyncadd.s32 $0xFFFFD800  }
0x6f: {  	[tilespmem:s24], [sflag:$0x1] =	stream.indirect.gather [spmem:s2], $0x80, s5, s23, $0xb8;
	v63 =	vld [tilespmem:$0x0]  }
0x70: {  	_ =	swait.ge [sflag:s11], $0x2800  }
0x71: {  	[sflag:s11] =	ssyncset.done $0x0  }
0x72: {  	s6 =	simm.s32 $0x190;
	[sflag:s11] =	ssyncadd.s32 $0xFFFFD800  }
0x73: {  	[tilespmem:s25], [sflag:$0x2] =	stream.indirect.gather [spmem:s2], $0x80, s6, s23, $0xb8;
	v63 =	vld [tilespmem:$0x0]  }
0x74: {  	_ =	swait.ge [sflag:s12], $0x2800  }
0x75: {  	[sflag:s12] =	ssyncset.done $0x0  }
0x76: {  	s26 =	simm.s32 $0x1E0;
	[sflag:s12] =	ssyncadd.s32 $0xFFFFD800  }
0x77: {  	[tilespmem:s28], [sflag:$0x3] =	stream.indirect.gather [spmem:s2], $0x80, s26, s23, $0xb8;
	v63 =	vld [tilespmem:$0x0]  }
0x78: {  	_ =	swait.ge [sflag:s13], $0x2800  }
0x79: {  	s4 =	simm.s32 $0x230;
	[sflag:s13] =	ssyncset.done $0x0  }
0x7a: {  	s5 =	simm.s32 $0x1400;
	s26 =	simm.s32 $0x370;
	[sflag:s13] =	ssyncadd.s32 $0xFFFFD800  }
.LBB2_3:
0x7b: {  	[tilespmem:s30], [sflag:$0x4] =	stream.indirect.gather [spmem:s2], $0x80, s4, s23, $0xb8;
	v63 =	vld [tilespmem:$0x0]  }
0x7c: {  	s1 =	smov.u32 s5;
	s4 =	smov.u32 s26  }
0x7d: {  	p2 =	seq.s32 s5, $0x24400;
	s5 =	sadd.s32 $0x1400, s5;
	_ =	swait.ge [sflag:s31], $0x2800  }
0x7e: {  	[sflag:s31] =	ssyncset.done $0x0  }
0x7f: {  	s1 =	sadd.s32 s1, s20;
	[sflag:s31] =	ssyncadd.s32 $0xFFFFD800  }
0x80: {  	[hbm4b:s1+s3] =	stream.linear.scatter [tilespmem:s24], [sflag:$0x5], $0x2800, $0x38;
	v63 =	vld [tilespmem:$0x0]  }
0x81: {  	_ =	swait.ge [sflag:s0], $0x2800  }
0x82: {  	[sflag:s0] =	ssyncset.done $0x0  }
0x83: {  	s6 =	sadd.s32 $0x500, s1;
	[sflag:s0] =	ssyncadd.s32 $0xFFFFD800  }
0x84: {  	[hbm4b:s6+s3] =	stream.linear.scatter [tilespmem:s25], [sflag:$0x6], $0x2800, $0x38;
	v63 =	vld [tilespmem:$0x0]  }
0x85: {  	_ =	swait.ge [sflag:s7], $0x2800  }
0x86: {  	[sflag:s7] =	ssyncset.done $0x0  }
0x87: {  	s6 =	sadd.s32 $0xA00, s1;
	[sflag:s7] =	ssyncadd.s32 $0xFFFFD800  }
0x88: {  	[hbm4b:s6+s3] =	stream.linear.scatter [tilespmem:s28], [sflag:$0x7], $0x2800, $0x38;
	v63 =	vld [tilespmem:$0x0]  }
0x89: {  	_ =	swait.ge [sflag:s8], $0x2800  }
0x8a: {  	[sflag:s8] =	ssyncset.done $0x0  }
0x8b: {  	s1 =	sadd.s32 $0xF00, s1;
	[sflag:s8] =	ssyncadd.s32 $0xFFFFD800  }
0x8c: {  	[hbm4b:s1+s3] =	stream.linear.scatter [tilespmem:s30], [sflag:$0x8], $0x2800, $0x38;
	v63 =	vld [tilespmem:$0x0]  }
0x8d: {  	_ =	swait.ge [sflag:s9], $0x2800  }
0x8e: {  	[sflag:s9] =	ssyncset.done $0x0  }
0x8f: {  	s1 =	sadd.s32 $0xFFFFFF10, s26;
	[sflag:s9] =	ssyncadd.s32 $0xFFFFD800  }
0x90: {  	[tilespmem:s24], [sflag:$0x1] =	stream.indirect.gather [spmem:s2], $0x80, s1, s23, $0xb8;
	v63 =	vld [tilespmem:$0x0]  }
0x91: {  	_ =	swait.ge [sflag:s11], $0x2800  }
0x92: {  	[sflag:s11] =	ssyncset.done $0x0  }
0x93: {  	s1 =	sadd.s32 $0xFFFFFF60, s26;
	[sflag:s11] =	ssyncadd.s32 $0xFFFFD800  }
0x94: {  	[tilespmem:s25], [sflag:$0x2] =	stream.indirect.gather [spmem:s2], $0x80, s1, s23, $0xb8;
	v63 =	vld [tilespmem:$0x0]  }
0x95: {  	_ =	swait.ge [sflag:s12], $0x2800  }
0x96: {  	[sflag:s12] =	ssyncset.done $0x0  }
.Ltmp3:
0x97: {  	s1 =	sadd.s32 $0xFFFFFFB0, s26;
	[sflag:s12] =	ssyncadd.s32 $0xFFFFD800;
	(pc) =	sbr.rel @!p2 .LBB2_3-.Ltmp3, $4  }
0x98: {  	[tilespmem:s28], [sflag:$0x3] =	stream.indirect.gather [spmem:s2], $0x80, s1, s23, $0xb8;
	v63 =	vld [tilespmem:$0x0]  }
0x99: {  	_ =	swait.ge [sflag:s13], $0x2800  }
0x9a: {  	[sflag:s13] =	ssyncset.done $0x0  }
0x9b: {  	s26 =	sadd.s32 $0x140, s26;
	[sflag:s13] =	ssyncadd.s32 $0xFFFFD800  }
.Ltmp4:
0x9c: {  	(pc) =	sbr.rel .LBB2_8-.Ltmp4, $3  }
0x9d: {  	_ =	sdelay $0x1  }
0x9e: {  	[tilespmem:s30], [sflag:$0x4] =	stream.indirect.gather [spmem:s2], $0x80, s4, s23, $0xb8;
	v63 =	vld [tilespmem:$0x0]  }
0x9f: {  	s4 =	rddreg [dreg:$0x4]  }
.LBB2_5:
0xa0: {  	s26 =	simm.s32 @p0 $0x1FC9;
	s1 =	rddreg [dreg:$0x8]  }
0xa1: {  	[spmem:s21], [sflag:s26] =	dma.local @p0 [hbm:s1], $0x2080  }
0xa2: {  	s26 =	simm.s32 @p0 $0x9  }
0xa3: {  	_ =	swait.ge @p0 [sflag:s26], $0x2080  }
0xa4: {  	[sflag:s26] =	ssyncset.done @p0 $0x0  }
0xa5: {  	s1 =	rddreg [dreg:$0x7];
	[sflag:s26] =	ssyncadd.s32 @p0 $0xFFFFDF80  }
0xa6: {  	[spmem:s4], [sflag:s5] =	dma.local @!p0 [hbm:s1], $0x2780  }
0xa7: {  	s4 =	simm.s32 @!p0 $0x9  }
0xa8: {  	_ =	swait.ge @!p0 [sflag:s4], $0x2780  }
0xa9: {  	[sflag:s4] =	ssyncset.done @!p0 $0x0  }
0xaa: {  	[sflag:s4] =	ssyncadd.s32 @!p0 $0xFFFFD880  }
0xab: {  	[bflag:$0x0] =	sbarrier.arrive $0xFFFF  }
0xac: {  	s6 =	simm.s32 $0x0;
	s26 =	rddreg [dreg:$0x9]  }
0xad: {  	[tilespmem:s6], [sflag:$0x9] =	stream.linear.gather [hbm4b:s26+s6], $0x2710, $0x38;
	v63 =	vld [tilespmem:$0x0]  }
0xae: {  	_ =	swait.ge [sflag:s22], $0x2710  }
0xaf: {  	[sflag:s22] =	ssyncset.done $0x0  }
0xb0: {  	[sflag:s22] =	ssyncadd.s32 $0xFFFFD8F0  }
0xb1: {  	[tilespmem:s24], [sflag:$0x1] =	stream.indirect.gather [spmem:s2], $0x80, s6, s23, $0xb8;
	v63 =	vld [tilespmem:$0x0]  }
0xb2: {  	_ = 	snop  }
0xb3: {  	[tilespmem:s25], [sflag:$0x2] =	stream.indirect.gather [spmem:s2], $0x80, s23, s23, $0xb8;
	v63 =	vld [tilespmem:$0x0]  }
0xb4: {  	s4 =	simm.s32 $0xA0  }
0xb5: {  	[tilespmem:s28], [sflag:$0x3] =	stream.indirect.gather [spmem:s2], $0x80, s4, s23, $0xb8;
	v63 =	vld [tilespmem:$0x0]  }
0xb6: {  	s5 =	simm.s32 $0xF0  }
0xb7: {  	[tilespmem:s30], [sflag:$0x4] =	stream.indirect.gather [spmem:s2], $0x80, s5, s23, $0xb8;
	v63 =	vld [tilespmem:$0x0]  }
0xb8: {  	_ =	swait.ge [sflag:s31], $0x2800  }
0xb9: {  	[sflag:s31] =	ssyncset.done $0x0  }
0xba: {  	s1 =	sadd.s32 $0x0, s19;
	[sflag:s31] =	ssyncadd.s32 $0xFFFFD800  }
0xbb: {  	[hbm4b:s1+s3] =	stream.linear.scatter [tilespmem:s24], [sflag:$0x5], $0x2800, $0x38;
	v63 =	vld [tilespmem:$0x0]  }
0xbc: {  	_ =	swait.ge [sflag:s0], $0x2800  }
0xbd: {  	[sflag:s0] =	ssyncset.done $0x0  }
0xbe: {  	s6 =	sadd.s32 $0x500, s1;
	[sflag:s0] =	ssyncadd.s32 $0xFFFFD800  }
0xbf: {  	[hbm4b:s6+s3] =	stream.linear.scatter [tilespmem:s25], [sflag:$0x6], $0x2800, $0x38;
	v63 =	vld [tilespmem:$0x0]  }
0xc0: {  	_ =	swait.ge [sflag:s7], $0x2800  }
0xc1: {  	[sflag:s7] =	ssyncset.done $0x0  }
0xc2: {  	s26 =	sadd.s32 $0xA00, s1;
	[sflag:s7] =	ssyncadd.s32 $0xFFFFD800  }
0xc3: {  	[hbm4b:s26+s3] =	stream.linear.scatter [tilespmem:s28], [sflag:$0x7], $0x2800, $0x38;
	v63 =	vld [tilespmem:$0x0]  }
0xc4: {  	_ =	swait.ge [sflag:s8], $0x2800  }
0xc5: {  	[sflag:s8] =	ssyncset.done $0x0  }
0xc6: {  	s1 =	sadd.s32 $0xF00, s1;
	[sflag:s8] =	ssyncadd.s32 $0xFFFFD800  }
0xc7: {  	[hbm4b:s1+s3] =	stream.linear.scatter [tilespmem:s30], [sflag:$0x8], $0x2800, $0x38;
	v63 =	vld [tilespmem:$0x0]  }
0xc8: {  	_ =	swait.ge [sflag:s9], $0x2800  }
0xc9: {  	[sflag:s9] =	ssyncset.done $0x0  }
0xca: {  	s5 =	simm.s32 $0x140;
	[sflag:s9] =	ssyncadd.s32 $0xFFFFD800  }
0xcb: {  	[tilespmem:s24], [sflag:$0x1] =	stream.indirect.gather [spmem:s2], $0x80, s5, s23, $0xb8;
	v63 =	vld [tilespmem:$0x0]  }
0xcc: {  	_ =	swait.ge [sflag:s11], $0x2800  }
0xcd: {  	[sflag:s11] =	ssyncset.done $0x0  }
0xce: {  	s6 =	simm.s32 $0x190;
	[sflag:s11] =	ssyncadd.s32 $0xFFFFD800  }
0xcf: {  	[tilespmem:s25], [sflag:$0x2] =	stream.indirect.gather [spmem:s2], $0x80, s6, s23, $0xb8;
	v63 =	vld [tilespmem:$0x0]  }
0xd0: {  	_ =	swait.ge [sflag:s12], $0x2800  }
0xd1: {  	[sflag:s12] =	ssyncset.done $0x0  }
0xd2: {  	s26 =	simm.s32 $0x1E0;
	[sflag:s12] =	ssyncadd.s32 $0xFFFFD800  }
0xd3: {  	[tilespmem:s28], [sflag:$0x3] =	stream.indirect.gather [spmem:s2], $0x80, s26, s23, $0xb8;
	v63 =	vld [tilespmem:$0x0]  }
0xd4: {  	_ =	swait.ge [sflag:s13], $0x2800  }
0xd5: {  	s4 =	simm.s32 $0x230;
	[sflag:s13] =	ssyncset.done $0x0  }
0xd6: {  	s5 =	simm.s32 $0x1400;
	s26 =	simm.s32 $0x370;
	[sflag:s13] =	ssyncadd.s32 $0xFFFFD800  }
.LBB2_6:
0xd7: {  	[tilespmem:s30], [sflag:$0x4] =	stream.indirect.gather [spmem:s2], $0x80, s4, s23, $0xb8;
	v63 =	vld [tilespmem:$0x0]  }
0xd8: {  	s1 =	smov.u32 s5;
	s4 =	smov.u32 s26  }
0xd9: {  	p2 =	sne.s32 s5, $0x24400;
	s5 =	sadd.s32 $0x1400, s5;
	_ =	swait.ge [sflag:s31], $0x2800  }
0xda: {  	[sflag:s31] =	ssyncset.done $0x0  }
0xdb: {  	s1 =	sadd.s32 s1, s19;
	[sflag:s31] =	ssyncadd.s32 $0xFFFFD800  }
0xdc: {  	[hbm4b:s1+s3] =	stream.linear.scatter [tilespmem:s24], [sflag:$0x5], $0x2800, $0x38;
	v63 =	vld [tilespmem:$0x0]  }
0xdd: {  	_ =	swait.ge [sflag:s0], $0x2800  }
0xde: {  	[sflag:s0] =	ssyncset.done $0x0  }
0xdf: {  	s6 =	sadd.s32 $0x500, s1;
	[sflag:s0] =	ssyncadd.s32 $0xFFFFD800  }
0xe0: {  	[hbm4b:s6+s3] =	stream.linear.scatter [tilespmem:s25], [sflag:$0x6], $0x2800, $0x38;
	v63 =	vld [tilespmem:$0x0]  }
0xe1: {  	_ =	swait.ge [sflag:s7], $0x2800  }
0xe2: {  	[sflag:s7] =	ssyncset.done $0x0  }
0xe3: {  	s6 =	sadd.s32 $0xA00, s1;
	[sflag:s7] =	ssyncadd.s32 $0xFFFFD800  }
0xe4: {  	[hbm4b:s6+s3] =	stream.linear.scatter [tilespmem:s28], [sflag:$0x7], $0x2800, $0x38;
	v63 =	vld [tilespmem:$0x0]  }
0xe5: {  	_ =	swait.ge [sflag:s8], $0x2800  }
0xe6: {  	[sflag:s8] =	ssyncset.done $0x0  }
0xe7: {  	s1 =	sadd.s32 $0xF00, s1;
	[sflag:s8] =	ssyncadd.s32 $0xFFFFD800  }
0xe8: {  	[hbm4b:s1+s3] =	stream.linear.scatter [tilespmem:s30], [sflag:$0x8], $0x2800, $0x38;
	v63 =	vld [tilespmem:$0x0]  }
0xe9: {  	_ =	swait.ge [sflag:s9], $0x2800  }
0xea: {  	[sflag:s9] =	ssyncset.done $0x0  }
0xeb: {  	s1 =	sadd.s32 $0xFFFFFF10, s26;
	[sflag:s9] =	ssyncadd.s32 $0xFFFFD800  }
0xec: {  	[tilespmem:s24], [sflag:$0x1] =	stream.indirect.gather [spmem:s2], $0x80, s1, s23, $0xb8;
	v63 =	vld [tilespmem:$0x0]  }
0xed: {  	_ =	swait.ge [sflag:s11], $0x2800  }
0xee: {  	[sflag:s11] =	ssyncset.done $0x0  }
0xef: {  	s1 =	sadd.s32 $0xFFFFFF60, s26;
	[sflag:s11] =	ssyncadd.s32 $0xFFFFD800  }
0xf0: {  	[tilespmem:s25], [sflag:$0x2] =	stream.indirect.gather [spmem:s2], $0x80, s1, s23, $0xb8;
	v63 =	vld [tilespmem:$0x0]  }
0xf1: {  	_ =	swait.ge [sflag:s12], $0x2800  }
0xf2: {  	[sflag:s12] =	ssyncset.done $0x0  }
.Ltmp5:
0xf3: {  	s1 =	sadd.s32 $0xFFFFFFB0, s26;
	[sflag:s12] =	ssyncadd.s32 $0xFFFFD800;
	(pc) =	sbr.rel @p2 .LBB2_6-.Ltmp5, $4  }
0xf4: {  	[tilespmem:s28], [sflag:$0x3] =	stream.indirect.gather [spmem:s2], $0x80, s1, s23, $0xb8;
	v63 =	vld [tilespmem:$0x0]  }
0xf5: {  	_ =	swait.ge [sflag:s13], $0x2800  }
0xf6: {  	[sflag:s13] =	ssyncset.done $0x0  }
0xf7: {  	s26 =	sadd.s32 $0x140, s26;
	[sflag:s13] =	ssyncadd.s32 $0xFFFFD800  }
.Ltmp6:
0xf8: {  	_ = 	snop;
	(pc) =	sbr.rel .LBB2_7-.Ltmp6, $1  }
0xf9: {  	_ =	sdelay $0x3  }
.LBB2_9:
0xfa: {  	_ =	sfence.sel $0x180000  }
0xfb: {  	[bflag:$0x0] =	sbarrier.arrive $0xFFFF  }
0xfc: {  	_ =	strace $0x90000047  }
0xfd: {  	s0 =	stileid.u32;
	[bflag:$0x2] =	sbarrier.arrive $0xFFFF  }
0xfe: {  	p0 =	sne.s32 s0, $0x0;
	s0 =	rddreg [dreg:$0x3]  }
0xff: {  	s0 =	sadd.s32 @!p0 $0x100000, s0  }
0x100: {  	[sflag:s0] =	ssyncadd.tile.s32 @!p0 $0x1;
	_ =	shalt  }
.Lfunc_end2:
_tile_overlayer_lowered:
.L_overlay_start_2:
0x101: {  	(tag) =	ssettag $0x2  }
0x102: {  	s0 =	rddreg [dreg:$0x0];
	s2 =	stileid.u32  }
0x103: {  	s1 =	rddreg [dreg:$0x1];
	p0 =	sne.s32 s2, $0x0  }
0x104: {  	s3 =	rddreg [dreg:$0x2];
	[bflag:$0x3] =	sbarrier.arrive $0xFFFF;
	s2 =	simm.s32 @!p0 $0x1C09  }
0x105: {  	[timem:s3], [sflag:s2] =	dma.local @!p0 [hbm:s0], s1  }
0x106: {  	s0 =	simm.s32 @!p0 $0x9  }
0x107: {  	_ =	swait.ge @!p0 [sflag:s0], s1  }
0x108: {  	s1 =	ssub.s32 @!p0 $0x0, s1;
	[sflag:s0] =	ssyncset.done @!p0 $0x0  }
0x109: {  	[sflag:s0] =	ssyncadd.s32 @!p0 s1  }
0x10a: {  	[bflag:$0x3] =	sbarrier.arrive $0xFFFF  }
0x10b: {  	_ =	shalt  }

// kernel: kernel.19.cloned.1.call-start
scs
__scs_entry_jumppad:
0x0: {  	(pc) =	sbr.rel $0x88, $3  }
0x1: {  	(tag) =	ssettag $0x0;
	lr =	simm.s32 $0x1  }
0x2: {  	[smem:$0x3F96] =	sst lr;
	_ =	strace $0xD0000000  }
0x3: {  	_ = 	snop  }
0x4: {  	_ = 	snop  }
0x5: {  	_ = 	snop  }
0x6: {  	_ = 	snop  }
0x7: {  	_ = 	snop  }
__scs_overlays_trampoline_lowered:
0x8: {  	[smem:$0x3FA5] =	sst s0  }
0x9: {  	[smem:$0x3FA6] =	sst s1  }
0xa: {  	[smem:$0x3FA7] =	sst s2  }
0xb: {  	[smem:$0x3FA8] =	sst s3  }
0xc: {  	[smem:$0x3FA9] =	sst s4  }
0xd: {  	[smem:$0x3FAA] =	sst s5  }
0xe: {  	[smem:$0x3FAB] =	sst s6  }
0xf: {  	[smem:$0x3FAC] =	sst s7  }
0x10: {  	[smem:$0x3FAD] =	sst s8  }
0x11: {  	[smem:$0x3FAE] =	sst s9;
	s0 =	simm.s32 @!p0 $0x0  }
0x12: {  	s1 =	sld [smem:$0x3F94];
	s0 =	simm.s32 @p0 $0x1  }
0x13: {  	[smem:$0x3FAF] =	sst s0;
	s0 =	simm.s32 @!p1 $0x0  }
0x14: {  	s2 =	sld [smem:$0x3F93];
	s0 =	simm.s32 @p1 $0x1  }
0x15: {  	[smem:$0x3FB0] =	sst s0;
	s0 =	simm.s32 @!p2 $0x0  }
0x16: {  	s3 =	sld [smem:$0x3FDB];
	s0 =	simm.s32 @p2 $0x1  }
0x17: {  	s4 =	simm.s32 $0x1BF5;
	[smem:$0x3FB2] =	sst s0  }
0x18: {  	s0 =	sld [smem:$0x3F95];
	_ =	swait.ge [sflag:s4], $0x0  }
0x19: {  	s7 =	sld [smem:$0x3F96]  }
0x1a: {  	s8 =	sadd.s32 $0xFFFFE003, lr  }
0x1b: {  	s9 =	sadd.s32 $0xFFFFFEF7, lr;
	s5 =	simm.s32 $0xFFFFFFFF;
	p2 =	slt.u32 s8, $0xFFFFF086  }
0x1c: {  	p1 =	slt.u32 s9, $0xF7A;
	s5 =	simm.s32 @!p2 $0x0  }
0x1d: {  	s5 =	simm.s32 @p1 $0x1;
	p0 =	seq.s32 s7, s2  }
0x1e: {  	s7 =	smul.u32 @!p0 $0xF7A, s2;
	p2 =	seq.s32 @!p0 s5, $0x0  }
0x1f: {  	s9 =	smul.u32 $0xF7A, s1;
	s8 =	simm.s32 @!p0 $0x1BF5;
	p2 =	por !p2, p0  }
0x20: {  	[sflag:s8] =	ssyncset.s32 @!p0 $0xFFFFF086;
	s6 =	sadd.s32 @!p0 s3, s7;
	s7 =	simm.s32 @!p0 $0x108  }
0x21: {  	s3 =	sadd.s32 s3, s9;
	s6 =	sadd.s32 @!p0 $0x88, s6;
	s7 =	simm.s32 @p2 $0x1082  }
0x22: {  	[simem:s7], [sflag:s8] =	dma.local @!p0 [hbm:s6], $0xF7A  }
0x23: {  	s9 =	sor.u32 $0xD0000000, s2;
	s6 =	simm.s32 $0x108;
	_ =	swait.ge @!p0 [sflag:s8], $0x0  }
0x24: {  	s3 =	sadd.s32 $0x88, s3;
	s6 =	simm.s32 @!p1 $0x1082;
	[sflag:s4] =	ssyncset.s32 $0xFFFFF086  }
0x25: {  	[simem:s6], [sflag:s4] =	dma.local [hbm:s3], $0xF7A  }
0x26: {  	[smem:$0x3F96] =	sst s1;
	(tag) =	ssettag s2;
	_ =	strace s9  }
0x27: {  	s1 =	sld [smem:$0x3FA6]  }
0x28: {  	s2 =	sld [smem:$0x3FA7]  }
0x29: {  	s4 =	sld [smem:$0x3FA9]  }
0x2a: {  	p0 =	seq.s32 s5, $0x0;
	s5 =	sld [smem:$0x3FAA]  }
0x2b: {  	s6 =	sld [smem:$0x3FAB]  }
0x2c: {  	s7 =	sld [smem:$0x3FAC]  }
0x2d: {  	s3 =	simm.s32 $0x108;
	s8 =	sld [smem:$0x3FAD]  }
0x2e: {  	s3 =	simm.s32 @!p0 $0x1082;
	s9 =	sld [smem:$0x3FAE]  }
0x2f: {  	lr =	sadd.s32 s0, s3;
	s0 =	sld [smem:$0x3FA5]  }
0x30: {  	s3 =	sld [smem:$0x3FA8]  }
0x31: {  	[smem:$0x3FB1] =	sst s10  }
0x32: {  	s10 =	sld [smem:$0x3FAF];
	_ =	sdelay $0x3  }
0x33: {  	p0 =	seq.s32 s10, $0x1;
	s10 =	sld [smem:$0x3FB1];
	_ =	sdelay $0x3  }
0x34: {  	[smem:$0x3FB1] =	sst s10  }
0x35: {  	s10 =	sld [smem:$0x3FB0];
	_ =	sdelay $0x3  }
0x36: {  	p1 =	seq.s32 s10, $0x1;
	s10 =	sld [smem:$0x3FB1];
	_ =	sdelay $0x3  }
0x37: {  	[smem:$0x3FB1] =	sst s10  }
0x38: {  	s10 =	sld [smem:$0x3FB2]  }
0x39: {  	_ = 	snop;
	(pc) =	sbr.ind lr, $3  }
0x3a: {  	_ = 	snop  }
0x3b: {  	_ = 	snop  }
0x3c: {  	p2 =	seq.s32 s10, $0x1;
	s10 =	sld [smem:$0x3FB1]  }
0x3d: {  	_ =	shalt  }
0x3e: {  	_ =	shalt  }
0x3f: {  	_ =	shalt  }
0x40: {  	_ =	shalt  }
0x41: {  	_ =	shalt  }
0x42: {  	_ =	shalt  }
0x43: {  	_ =	shalt  }
0x44: {  	_ =	shalt  }
0x45: {  	_ =	shalt  }
0x46: {  	_ =	shalt  }
0x47: {  	_ =	shalt  }
0x48: {  	_ =	shalt  }
0x49: {  	_ =	shalt  }
0x4a: {  	_ =	shalt  }
0x4b: {  	_ =	shalt  }
0x4c: {  	_ =	shalt  }
0x4d: {  	_ =	shalt  }
0x4e: {  	_ =	shalt  }
0x4f: {  	_ =	shalt  }
0x50: {  	_ =	shalt  }
0x51: {  	_ =	shalt  }
0x52: {  	_ =	shalt  }
0x53: {  	_ =	shalt  }
0x54: {  	_ =	shalt  }
0x55: {  	_ =	shalt  }
0x56: {  	_ =	shalt  }
0x57: {  	_ =	shalt  }
0x58: {  	_ =	shalt  }
0x59: {  	_ =	shalt  }
0x5a: {  	_ =	shalt  }
0x5b: {  	_ =	shalt  }
0x5c: {  	_ =	shalt  }
0x5d: {  	_ =	shalt  }
0x5e: {  	_ =	shalt  }
0x5f: {  	_ =	shalt  }
0x60: {  	_ =	shalt  }
0x61: {  	_ =	shalt  }
0x62: {  	_ =	shalt  }
0x63: {  	_ =	shalt  }
0x64: {  	_ =	shalt  }
0x65: {  	_ =	shalt  }
0x66: {  	_ =	shalt  }
0x67: {  	_ =	shalt  }
0x68: {  	_ =	shalt  }
0x69: {  	_ =	shalt  }
0x6a: {  	_ =	shalt  }
0x6b: {  	_ =	shalt  }
0x6c: {  	_ =	shalt  }
0x6d: {  	_ =	shalt  }
0x6e: {  	_ =	shalt  }
0x6f: {  	_ =	shalt  }
0x70: {  	_ =	shalt  }
0x71: {  	_ =	shalt  }
0x72: {  	_ =	shalt  }
0x73: {  	_ =	shalt  }
0x74: {  	_ =	shalt  }
0x75: {  	_ =	shalt  }
0x76: {  	_ =	shalt  }
0x77: {  	_ =	shalt  }
0x78: {  	_ =	shalt  }
0x79: {  	_ =	shalt  }
0x7a: {  	_ =	shalt  }
0x7b: {  	_ =	shalt  }
0x7c: {  	_ =	shalt  }
0x7d: {  	_ =	shalt  }
0x7e: {  	_ =	shalt  }
0x7f: {  	_ =	shalt  }
0x80: {  	_ =	shalt  }
0x81: {  	_ =	shalt  }
0x82: {  	_ =	shalt  }
0x83: {  	_ =	shalt  }
0x84: {  	_ =	shalt  }
0x85: {  	_ =	shalt  }
0x86: {  	_ =	shalt  }
0x87: {  	_ =	shalt  }
.Lfunc_end0:
.L_simem_size_0:
called_computation.3_lowered:
.L_overlay_start_0:
0x88: {  	s2 =	sld [smem:$0x3FD9]  }
0x89: {  	s3 =	sld [smem:$0x3FFE];
	_ =	sdelay $0x1  }
0x8a: {  	s1 =	srdreg.scid  }
0x8b: {  	s0 =	sand.u32 $0x1, s1  }
0x8c: {  	s17 =	sshll.u32 s0, $0xA;
	s2 =	sadd.s32 s3, s2  }
0x8d: {  	s2 =	sadd.s32 s2, s17  }
0x8e: {  	[smem:$0x3FBD] =	sst s2  }
0x8f: {  	_ = 	snop  }
0x90: {  	(tm) =	ssettm $0x1  }
0x91: {  	s18 =	sld [smem:$0x3FFB];
	_ =	sdelay $0x3  }
0x92: {  	_ =	strace s18  }
0x93: {  	s2 =	sld [smem:$0x3FFC];
	_ =	sdelay $0x3  }
0x94: {  	_ =	strace s2  }
0x95: {  	s2 =	sld [smem:$0x3FFD];
	_ =	sdelay $0x3  }
0x96: {  	_ =	strace s2  }
0x97: {  	_ =	strace $0x8FFFFFFF  }
0x98: {  	s19 =	sld [smem:$0x3FDB];
	_ =	sdelay $0x1  }
0x99: {  	s20 =	simm.s32 $_scs_section_size  }
0x9a: {  	s4 =	simm.s32 $_size__tile_overlayer_lowered;
	s5 =	simm.s32 $_tile_overlayer_lowered  }
0x9b: {  	s6 =	simm.s32 $0x1BFF;
	s21 =	sshll.u32 s5, $0x1;
	s3 =	sadd.s32 s20, s19  }
0x9c: {  	s22 =	simm.s32 $0x0;
	s4 =	sshll.u32 s4, $0x1;
	s5 =	sadd.s32 s21, s3  }
0x9d: {  	[timem:s22], [sflag:s6] =	dma.local [hbm:s5], s4  }
0x9e: {  	_ =	swait.ge [sflag:s6], s4  }
0x9f: {  	s4 =	ssub.s32 $0x0, s4;
	[sflag:s6] =	ssyncset.done $0x0  }
0xa0: {  	[sflag:s6] =	ssyncadd.s32 s4;
	_ =	sdelay $0x1  }
0xa1: {  	s23 =	simm.s32 $0x1B8B  }
0xa2: {  	_ =	swait.ge [sflag:s23], $0x1  }
0xa3: {  	[sflag:s23] =	ssyncset.done $0x0  }
0xa4: {  	[sflag:s23] =	ssyncadd.s32 $0xFFFFFFFF  }
0xa5: {  	s4 =	sld [smem:$0x0]  }
0xa6: {  	s5 =	sand.u32 $0xFFFFFFFE, s1  }
0xa7: {  	p0 =	sne.s32 s1, s5  }
0xa8: {  	s5 =	sshll.u32 @p0 s5, $0xE  }
0xa9: {  	s5 =	sadd.s32 @p0 $0x11B8D, s5;
	s6 =	sshll.u32 @p0 s4, $0x11  }
0xaa: {  	s5 =	sor.u32 @p0 s6, s5  }
0xab: {  	[sflag:s5] =	ssyncadd.remote.s32 @p0 $0x1;
	_ =	sdelay $0x1  }
0xac: {  	s5 =	simm.s32 @p0 $0x1B8D  }
0xad: {  	_ =	swait.eq @p0 [sflag:s5], $0x1  }
0xae: {  	[sflag:s5] =	ssyncadd.s32 @p0 $0xFFFFFFFF  }
0xaf: {  	s6 =	sshll.u32 @!p0 s1, $0xE  }
0xb0: {  	s6 =	sor.u32 @!p0 $0x4000, s6;
	s5 =	simm.s32 @!p0 $0x1B8D  }
0xb1: {  	s4 =	sshll.u32 @!p0 s4, $0x11;
	s6 =	sadd.s32 @!p0 $0x11B8D, s6;
	_ =	swait.eq @!p0 [sflag:s5], $0x1  }
0xb2: {  	s4 =	sor.u32 @!p0 s4, s6;
	[sflag:s5] =	ssyncadd.s32 @!p0 $0xFFFFFFFF  }
0xb3: {  	s25 =	simm.s32 $0x1B8E;
	s24 =	sld [smem:$0x3FFE];
	[sflag:s4] =	ssyncadd.remote.s32 @!p0 $0x1  }
0xb4: {  	s26 =	simm.s32 $execute0_lowered;
	[smem:$0x3FD2] =	sst s25  }
0xb5: {  	s5 =	sshll.u32 s26, $0x1;
	_ =	strace $0x8000004C;
	[dreg:$0x1] =	wrdreg $0xFFFFFFFF  }
0xb6: {  	s28 =	simm.s32 $_size_execute0_lowered;
	s3 =	sadd.s32 s3, s5;
	[dreg:$0x0] =	wrdreg $0x0  }
0xb7: {  	s5 =	sshll.u32 s28, $0x1;
	[dreg:$0x2] =	wrdreg s3  }
0xb8: {  	[dreg:$0x3] =	wrdreg s5  }
0xb9: {  	[dreg:$0x4] =	wrdreg $0xC0  }
0xba: {  	_ =	task [dreg:s22], $0x5FFFF  }
0xbb: {  	[dreg:$0x1] =	wrdreg $0xFFFFFFFF  }
0xbc: {  	[dreg:$0x0] =	wrdreg $0x60  }
0xbd: {  	[dreg:$0x2] =	wrdreg s24  }
0xbe: {  	[dreg:$0x3] =	wrdreg $0xA4000  }
0xbf: {  	[dreg:$0x4] =	wrdreg $0xA  }
0xc0: {  	_ =	task.clear_ibuf [dreg:s22], $0x5FFFF;
	_ =	strace $0x9000004C  }
0xc1: {  	s29 =	simm.s32 $0xA;
	_ =	strace $0x8000004E  }
0xc2: {  	_ =	swait.ge [sflag:s29], $0x1  }
0xc3: {  	[sflag:s29] =	ssyncadd.s32 $0xFFFFFFFF  }
0xc4: {  	_ =	strace $0x9000004E  }
0xc5: {  	_ =	sfence  }
0xc6: {  	s30 =	sld [smem:$0x0];
	_ =	sdelay $0x2  }
0xc7: {  	s31 =	sshll.u32 s1, $0xD;
	s1 =	sshrl.u32 s1, $0x2  }
0xc8: {  	s4 =	sand.u32 $0x4000, s31;
	s1 =	sadd.s32 s1, s30  }
0xc9: {  	s0 =	sor.u32 s4, s0;
	s1 =	sshll.u32 s1, $0x11  }
0xca: {  	s0 =	sor.u32 s1, s0  }
0xcb: {  	s0 =	sadd.s32 $0x8F2B, s0  }
0xcc: {  	[sflag:s0] =	ssyncadd.remote.s32 $0x1  }
0xcd: {  	_ =	sfence.sel $0xFFFF  }
0xce: {  	[dreg:$0x0] =	wrdreg $0xFFFFFFFF;
	(pc) =	sbr.abs _section_cstart, $3  }
0xcf: {  	[dreg:$0x1] =	wrdreg $0xFFFFFFFF  }
0xd0: {  	_ =	task.clear_ibuf [dreg:s22], $0x2FFFF;
	_ =	strace $0x9FFFFFFF  }
0xd1: {  	(tm) =	ssettm $0x7FFFFFFF  }
tec
execute0_lowered:
.L_overlay_start_1:
0x0: {  	(tag) =	ssettag $0x1  }
0x1: {  	s18 =	stileid.u32;
	s0 =	srdreg.scid  }
0x2: {  	s2 =	rddreg [dreg:$0x0];
	s28 =	simm.s32 $0x11;
	s29 =	simm.s32 $0xC  }
0x3: {  	s30 =	simm.s32 $0xD;
	s31 =	simm.s32 $0x6;
	s19 =	smul.u32 $0x2780, s18  }
0x4: {  	s0 =	sand.u32 $0x1, s0;
	s1 =	sshll.u32 s18, $0x1;
	s23 =	smul.u32 $0x27100, s18  }
0x5: {  	s6 =	sadd.s32 $0xC86E00, s2;
	s26 =	smul.u32 $0x2710, s18;
	s3 =	sor.u32 s0, s1  }
0x6: {  	p0 =	seq.s32 s18, $0xF;
	s4 =	ssub.s32 $0x2, s0;
	s5 =	smul.u32 $0x1388, s3  }
0x7: {  	s1 =	rddreg [dreg:$0x1];
	s7 =	sshrl.u32 s4, $0x1;
	s3 =	smul.u32 $0x13880, s3  }
0x8: {  	s4 =	ssub.s32 s4, s7;
	s8 =	sadd.s32 $0x28, s5;
	s9 =	sadd.s32 $0x50, s5  }
0x9: {  	s3 =	sadd.s32 s6, s3;
	s7 =	sadd.s32 $0xA0, s5;
	s14 =	sadd.s32 $0x118, s5  }
0xa: {  	s16 =	sshll.u32 s8, $0x4;
	s10 =	sshll.u32 s9, $0x4;
	[dreg:$0x4] =	wrdreg s3  }
0xb: {  	s3 =	sadd.s32 $0x78, s5;
	s12 =	sshll.u32 s7, $0x4;
	s15 =	sshll.u32 s14, $0x4  }
0xc: {  	s17 =	sadd.s32 s6, s16;
	s20 =	sadd.s32 s6, s10;
	s10 =	sadd.s32 $0xC8, s5  }
0xd: {  	s11 =	sshll.u32 s3, $0x4;
	s21 =	sadd.s32 s6, s12;
	s12 =	sadd.s32 $0xF0, s5  }
0xe: {  	s16 =	smul.u32 $0x13880, s0;
	s25 =	sadd.s32 s6, s15;
	[dreg:$0x5] =	wrdreg s17  }
0xf: {  	s5 =	sshrl.u32 s5, $0x3;
	s3 =	sshrl.u32 s3, $0x3;
	[dreg:$0x6] =	wrdreg s20  }
0x10: {  	s13 =	sshll.u32 s10, $0x4;
	s11 =	sadd.s32 s6, s11;
	[dreg:$0x8] =	wrdreg s21  }
0x11: {  	s24 =	sshll.u32 s12, $0x4;
	[dreg:$0xb] =	wrdreg s25;
	s17 =	smul.u32 $0x1388, s0  }
0x12: {  	s0 =	smul.u32 $0x27100, s0;
	s20 =	sshrl.u32 s8, $0x3;
	s21 =	sadd.s32 $0x3200, s2  }
0x13: {  	s25 =	sshrl.u32 s7, $0x3;
	[dreg:$0x7] =	wrdreg s11;
	s22 =	sadd.s32 s6, s13  }
0x14: {  	s7 =	sshrl.u32 s14, $0x3;
	s13 =	sadd.s32 s6, s24;
	[dreg:$0x9] =	wrdreg s22  }
0x15: {  	s8 =	simm.s32 $0x2C00;
	s11 =	simm.s32 $0x0;
	[dreg:$0xa] =	wrdreg s13  }
0x16: {  	s6 =	sadd.s32 s23, s6;
	s23 =	sadd.s32 s21, s20;
	[smem:$0x7FF] =	sst s11  }
0x17: {  	s15 =	sadd.s32 s17, s26;
	s17 =	sadd.s32 s19, s2;
	s0 =	sadd.s32 s0, s2  }
0x18: {  	s2 =	sadd.s32 $0xA3AE80, s2;
	_ =	strace $0x8000004D;
	[dreg:$0x3] =	wrdreg s19  }
0x19: {  	s24 =	sshrl.u32 s9, $0x3;
	s22 =	sadd.s32 s21, s5;
	[dreg:$0xf] =	wrdreg s2  }
0x1a: {  	s13 =	sadd.s32 s16, s6;
	s16 =	smul.u32 $0x4F000, s18;
	[dreg:$0x10] =	wrdreg s22  }
0x1b: {  	s26 =	sadd.s32 s21, s3;
	s3 =	sadd.s32 s21, s25;
	[dreg:$0x11] =	wrdreg s23  }
0x1c: {  	s5 =	sshrl.u32 s10, $0x3;
	s10 =	sadd.s32 s21, s7;
	[dreg:$0x13] =	wrdreg s26  }
0x1d: {  	s18 =	simm.s32 $0x5400;
	s7 =	simm.s32 $0x0;
	[dreg:$0x14] =	wrdreg s3  }
0x1e: {  	s19 =	sadd.s32 $0xA15E00, s17;
	s2 =	sadd.s32 s21, s24;
	[dreg:$0xe] =	wrdreg s21  }
0x1f: {  	[dreg:$0x17] =	wrdreg s10;
	s0 =	sadd.s32 $0xA3D000, s0;
	s14 =	sadd.s32 $0x258, s15  }
0x20: {  	s17 =	sadd.s32 $0x208, s15;
	s20 =	sadd.s32 $0x1E0, s15;
	s22 =	sadd.s32 $0x190, s15  }
0x21: {  	s24 =	sadd.s32 $0x168, s15;
	s25 =	sadd.s32 $0x140, s15;
	s26 =	sadd.s32 $0x128400, s1  }
0x22: {  	s10 =	simm.s32 $0x400;
	s3 =	simm.s32 $0x10;
	[dreg:$0xd] =	wrdreg s19  }
0x23: {  	s6 =	sshrl.u32 s16, $0x2;
	[dreg:$0x12] =	wrdreg s2;
	s2 =	sadd.s32 s21, s5  }
0x24: {  	[dreg:$0x18] =	wrdreg s0;
	s0 =	sshrl.u32 s14, $0x3;
	s16 =	sadd.s32 $0x230, s15  }
0x25: {  	s19 =	sshrl.u32 s17, $0x3;
	s23 =	sshrl.u32 s22, $0x3;
	[smem:$0x7FC] =	sst s25  }
0x26: {  	[smem:$0x7FD] =	sst s26;
	s14 =	simm.s32 $0x80;
	s22 =	simm.s32 $0x100  }
0x27: {  	s17 =	simm.s32 $0x200;
	s25 =	simm.s32 $0x28;
	[dreg:$0x15] =	wrdreg s2  }
0x28: {  	s5 =	simm.s32 $0xA;
	s26 =	simm.s32 $0x3;
	[dreg:$0x1a] =	wrdreg s0  }
0x29: {  	s6 =	sadd.s32 s6, s1;
	s0 =	sshrl.u32 s16, $0x3;
	[dreg:$0x1c] =	wrdreg s19  }
0x2a: {  	[dreg:$0x1f] =	wrdreg s23;
	s23 =	simm.s32 $0x1;
	s2 =	simm.s32 $0x2  }
0x2b: {  	s19 =	simm.s32 $0xB;
	s16 =	simm.s32 $0x5;
	[dreg:$0xc] =	wrdreg s6  }
0x2c: {  	s6 =	sshrl.u32 s12, $0x3;
	s12 =	smax.u32 s4, $0x1;
	[dreg:$0x1b] =	wrdreg s0  }
0x2d: {  	s0 =	sshrl.u32 s20, $0x3;
	s20 =	simm.s32 $0x4;
	[dreg:$0x19] =	wrdreg s12  }
.Ltmp0:
0x2e: {  	s9 =	sadd.s32 s21, s6;
	[dreg:$0x1d] =	wrdreg s0;
	(pc) =	sbr.rel .LBB2_1-.Ltmp0, $4  }
0x2f: {  	s21 =	sadd.s32 $0x1B8, s15;
	s15 =	simm.s32 $0x4000;
	s12 =	simm.s32 $0xE  }
0x30: {  	[dreg:$0x16] =	wrdreg s9;
	s0 =	sshrl.u32 s21, $0x3;
	s21 =	simm.s32 $0x1800  }
0x31: {  	s9 =	simm.s32 $0x180;
	[dreg:$0x1e] =	wrdreg s0;
	s0 =	sshrl.u32 s24, $0x3  }
0x32: {  	s24 =	simm.s32 $0x9;
	[smem:$0x7FB] =	sst s0;
	s0 =	simm.s32 $0x8  }
.LBB2_4:
0x33: {  	_ =	swait.ge [sflag:s23], $0x28  }
0x34: {  	[sflag:s23] =	ssyncset.done $0x0  }
0x35: {  	[sflag:s23] =	ssyncadd.s32 $0xFFFFFFD8  }
0x36: {  	_ =	swait.ge [sflag:s24], $0x1400  }
0x37: {  	[sflag:s24] =	ssyncset.done $0x0  }
0x38: {  	s10 =	simm.s32 $0x400;
	[sflag:s24] =	ssyncadd.s32 $0xFFFFEC00  }
0x39: {  	[spmem:s1] =	stream.indirect.scatter.add.f32 [tilespmem:s10], [sflag:$0x11], $0x80, s11, s25, $0xb8;
	[tilespmem:$0x1DC80] =	vst v63  }
0x3a: {  	_ =	swait.ge [sflag:s28], $0x1400  }
0x3b: {  	[sflag:s28] =	ssyncset.done $0x0  }
0x3c: {  	[sflag:s28] =	ssyncadd.s32 $0xFFFFEC00  }
0x3d: {  	_ =	swait.ge [sflag:s2], $0x28  }
0x3e: {  	[sflag:s2] =	ssyncset.done $0x0  }
0x3f: {  	[sflag:s2] =	ssyncadd.s32 $0xFFFFFFD8  }
0x40: {  	_ =	swait.ge [sflag:s5], $0x1400  }
0x41: {  	[sflag:s5] =	ssyncset.done $0x0  }
0x42: {  	s14 =	simm.s32 $0x80;
	s21 =	simm.s32 $0x1800;
	[sflag:s5] =	ssyncadd.s32 $0xFFFFEC00  }
0x43: {  	[spmem:s1] =	stream.indirect.scatter.add.f32 [tilespmem:s21], [sflag:$0x11], $0x80, s14, s25, $0xb8;
	[tilespmem:$0x1DC80] =	vst v63  }
0x44: {  	_ =	swait.ge [sflag:s28], $0x1400  }
0x45: {  	[sflag:s28] =	ssyncset.done $0x0  }
0x46: {  	[sflag:s28] =	ssyncadd.s32 $0xFFFFEC00  }
0x47: {  	_ =	swait.ge [sflag:s26], $0x28  }
0x48: {  	[sflag:s26] =	ssyncset.done $0x0  }
0x49: {  	[sflag:s26] =	ssyncadd.s32 $0xFFFFFFD8  }
0x4a: {  	_ =	swait.ge [sflag:s19], $0x1400  }
0x4b: {  	[sflag:s19] =	ssyncset.done $0x0  }
0x4c: {  	s22 =	simm.s32 $0x100;
	s4 =	simm.s32 $0x2C00;
	[sflag:s19] =	ssyncadd.s32 $0xFFFFEC00  }
0x4d: {  	[spmem:s1] =	stream.indirect.scatter.add.f32 [tilespmem:s4], [sflag:$0x11], $0x80, s22, s25, $0xb8;
	[tilespmem:$0x1DC80] =	vst v63  }
0x4e: {  	_ =	swait.ge [sflag:s28], $0x1400  }
0x4f: {  	[sflag:s28] =	ssyncset.done $0x0  }
0x50: {  	[sflag:s28] =	ssyncadd.s32 $0xFFFFEC00  }
0x51: {  	_ =	swait.ge [sflag:s20], $0x28  }
0x52: {  	[sflag:s20] =	ssyncset.done $0x0  }
0x53: {  	[sflag:s20] =	ssyncadd.s32 $0xFFFFFFD8  }
0x54: {  	_ =	swait.ge [sflag:s29], $0x1400  }
0x55: {  	[sflag:s29] =	ssyncset.done $0x0  }
0x56: {  	s9 =	simm.s32 $0x180;
	s15 =	simm.s32 $0x4000;
	[sflag:s29] =	ssyncadd.s32 $0xFFFFEC00  }
0x57: {  	[spmem:s1] =	stream.indirect.scatter.add.f32 [tilespmem:s15], [sflag:$0x11], $0x80, s9, s25, $0xb8;
	[tilespmem:$0x1DC80] =	vst v63  }
0x58: {  	_ =	swait.ge [sflag:s28], $0x1400  }
0x59: {  	[sflag:s28] =	ssyncset.done $0x0  }
0x5a: {  	[sflag:s28] =	ssyncadd.s32 $0xFFFFEC00  }
0x5b: {  	_ =	swait.ge [sflag:s16], $0x28  }
0x5c: {  	[sflag:s16] =	ssyncset.done $0x0  }
0x5d: {  	[sflag:s16] =	ssyncadd.s32 $0xFFFFFFD8  }
0x5e: {  	_ =	swait.ge [sflag:s30], $0x1400  }
0x5f: {  	[sflag:s30] =	ssyncset.done $0x0  }
0x60: {  	s17 =	simm.s32 $0x200;
	[sflag:s30] =	ssyncadd.s32 $0xFFFFEC00  }
0x61: {  	[spmem:s1] =	stream.indirect.scatter.add.f32 [tilespmem:s18], [sflag:$0x11], $0x80, s17, s25, $0xb8;
	[tilespmem:$0x1DC80] =	vst v63  }
0x62: {  	_ =	swait.ge [sflag:s28], $0x1400  }
0x63: {  	[sflag:s28] =	ssyncset.done $0x0  }
0x64: {  	[sflag:s28] =	ssyncadd.s32 $0xFFFFEC00  }
0x65: {  	[bflag:$0x0] =	sbarrier.arrive $0xFFFF  }
0x66: {  	s8 =	sld [smem:$0x7F8]  }
0x67: {  	s7 =	rddreg [dreg:$0x18]  }
0x68: {  	s6 =	simm.s32 @p0 $0x1FD1;
	s4 =	sadd.s32 @p0 $0x25080, s7  }
0x69: {  	[hbm:s4], [sflag:s6] =	dma.local @p0 [spmem:s8], $0x2080  }
0x6a: {  	s4 =	simm.s32 @p0 $0x11  }
0x6b: {  	_ =	swait.ge @p0 [sflag:s4], $0x2080  }
0x6c: {  	[sflag:s4] =	ssyncset.done @p0 $0x0;
	s6 =	sld [smem:$0x7F9]  }
0x6d: {  	[sflag:s4] =	ssyncadd.s32 @p0 $0xFFFFDF80;
	s4 =	rddreg [dreg:$0x3]  }
0x6e: {  	s4 =	sadd.s32 @!p0 s4, s7;
	s7 =	sld [smem:$0x7FA];
	_ =	sdelay $0x2  }
0x6f: {  	[hbm:s4], [sflag:s6] =	dma.local @!p0 [spmem:s7], $0x2780  }
0x70: {  	s4 =	simm.s32 @!p0 $0x11  }
0x71: {  	_ =	swait.ge @!p0 [sflag:s4], $0x2780  }
0x72: {  	s6 =	sld [smem:$0x7F7];
	_ =	sdelay $0x2  }
0x73: {  	s7 =	sadd.s32 $0x1, s6;
	s6 =	rddreg [dreg:$0x19]  }
0x74: {  	p1 =	sne.s32 s7, s6  }
.Ltmp1:
0x75: {  	_ = 	snop;
	(pc) =	sbr.rel @!p1 .LBB2_5-.Ltmp1, $3  }
0x76: {  	_ =	sdelay $0x1  }
0x77: {  	[sflag:s4] =	ssyncset.done @!p0 $0x0  }
0x78: {  	s8 =	simm.s32 $0x2C00;
	[sflag:s4] =	ssyncadd.s32 @!p0 $0xFFFFD880  }
.LBB2_1:
0x79: {  	s4 =	sld [smem:$0x7FD];
	_ =	sdelay $0x1  }
0x7a: {  	[smem:$0x7F7] =	sst s7  }
0x7b: {  	s6 =	rddreg [dreg:$0xf];
	s7 =	sshrl.u32 @p0 s4, $0x3  }
0x7c: {  	s4 =	simm.s32 @p0 $0x1FD1;
	[smem:$0x7F8] =	sst s7  }
0x7d: {  	[spmem:s7], [sflag:s4] =	dma.local @p0 [hbm:s6], $0x2080  }
0x7e: {  	s4 =	simm.s32 @p0 $0x11  }
0x7f: {  	s6 =	stileid.u32;
	_ =	swait.ge @p0 [sflag:s4], $0x2080  }
0x80: {  	s6 =	sshll.u32 @!p0 s6, $0x6;
	[sflag:s4] =	ssyncset.done @p0 $0x0  }
0x81: {  	s6 =	sor.u32 @!p0 $0x1C11, s6;
	[sflag:s4] =	ssyncadd.s32 @p0 $0xFFFFDF80;
	s4 =	rddreg [dreg:$0xc]  }
0x82: {  	[smem:$0x7F9] =	sst s6  }
0x83: {  	s7 =	sshrl.u32 @!p0 s4, $0x3;
	s4 =	rddreg [dreg:$0xd]  }
0x84: {  	[smem:$0x7FA] =	sst s7  }
0x85: {  	[spmem:s7], [sflag:s6] =	dma.local @!p0 [hbm:s4], $0x2780  }
0x86: {  	s4 =	simm.s32 @!p0 $0x11  }
0x87: {  	_ =	swait.ge @!p0 [sflag:s4], $0x2780  }
0x88: {  	[sflag:s4] =	ssyncset.done @!p0 $0x0  }
0x89: {  	[sflag:s4] =	ssyncadd.s32 @!p0 $0xFFFFD880  }
0x8a: {  	[bflag:$0x0] =	sbarrier.arrive $0xFFFF  }
0x8b: {  	s6 =	rddreg [dreg:$0x10]  }
0x8c: {  	s7 =	rddreg [dreg:$0x4]  }
0x8d: {  	s4 =	sld [smem:$0x7FC]  }
0x8e: {  	[tilespmem:s11], [sflag:$0x1] =	stream.linear.gather [hbm4b:s6+s11], $0x28, $0x38;
	[tilespmem:$0x1DC80] =	vst v63  }
0x8f: {  	s6 =	rddreg [dreg:$0x11]  }
0x90: {  	[tilespmem:s10], [sflag:$0x9] =	stream.linear.gather [hbm4b:s7+s11], $0x1400, $0x38;
	[tilespmem:$0x1DC80] =	vst v63  }
0x91: {  	s7 =	rddreg [dreg:$0x5]  }
0x92: {  	[tilespmem:s14], [sflag:$0x2] =	stream.linear.gather [hbm4b:s6+s11], $0x28, $0x38;
	[tilespmem:$0x1DC80] =	vst v63  }
0x93: {  	s6 =	rddreg [dreg:$0x12]  }
0x94: {  	[tilespmem:s21], [sflag:$0xA] =	stream.linear.gather [hbm4b:s7+s11], $0x1400, $0x38;
	[tilespmem:$0x1DC80] =	vst v63  }
0x95: {  	s7 =	rddreg [dreg:$0x6]  }
0x96: {  	[tilespmem:s22], [sflag:$0x3] =	stream.linear.gather [hbm4b:s6+s11], $0x28, $0x38;
	[tilespmem:$0x1DC80] =	vst v63  }
0x97: {  	s6 =	rddreg [dreg:$0x15]  }
0x98: {  	[tilespmem:s8], [sflag:$0xB] =	stream.linear.gather [hbm4b:s7+s11], $0x1400, $0x38;
	[tilespmem:$0x1DC80] =	vst v63  }
0x99: {  	s8 =	rddreg [dreg:$0x13]  }
0x9a: {  	[tilespmem:s9], [sflag:$0x4] =	stream.linear.gather [hbm4b:s8+s11], $0x28, $0x38;
	[tilespmem:$0x1DC80] =	vst v63  }
0x9b: {  	s9 =	rddreg [dreg:$0x7]  }
0x9c: {  	[tilespmem:s15], [sflag:$0xC] =	stream.linear.gather [hbm4b:s9+s11], $0x1400, $0x38;
	[tilespmem:$0x1DC80] =	vst v63  }
0x9d: {  	s15 =	rddreg [dreg:$0x14]  }
0x9e: {  	[tilespmem:s17], [sflag:$0x5] =	stream.linear.gather [hbm4b:s15+s11], $0x28, $0x38;
	[tilespmem:$0x1DC80] =	vst v63  }
0x9f: {  	s17 =	rddreg [dreg:$0x8]  }
0xa0: {  	[tilespmem:s18], [sflag:$0xD] =	stream.linear.gather [hbm4b:s17+s11], $0x1400, $0x38;
	[tilespmem:$0x1DC80] =	vst v63  }
0xa1: {  	s7 =	simm.s32 $0x280;
	s8 =	rddreg [dreg:$0x9]  }
0xa2: {  	[tilespmem:s7], [sflag:$0x6] =	stream.linear.gather [hbm4b:s6+s11], $0x28, $0x38;
	[tilespmem:$0x1DC80] =	vst v63  }
0xa3: {  	s9 =	simm.s32 $0x6800;
	s15 =	rddreg [dreg:$0x16]  }
0xa4: {  	[tilespmem:s9], [sflag:$0xE] =	stream.linear.gather [hbm4b:s8+s11], $0x1400, $0x38;
	[tilespmem:$0x1DC80] =	vst v63  }
0xa5: {  	s17 =	simm.s32 $0x300;
	s6 =	rddreg [dreg:$0xa]  }
0xa6: {  	[tilespmem:s17], [sflag:$0x7] =	stream.linear.gather [hbm4b:s15+s11], $0x28, $0x38;
	[tilespmem:$0x1DC80] =	vst v63  }
0xa7: {  	s7 =	simm.s32 $0x7C00;
	s8 =	rddreg [dreg:$0x17]  }
0xa8: {  	[tilespmem:s7], [sflag:$0xF] =	stream.linear.gather [hbm4b:s6+s11], $0x1400, $0x38;
	[tilespmem:$0x1DC80] =	vst v63  }
0xa9: {  	s9 =	rddreg [dreg:$0xb];
	s15 =	simm.s32 $0x380  }
0xaa: {  	[tilespmem:s15], [sflag:$0x8] =	stream.linear.gather [hbm4b:s8+s11], $0x28, $0x38;
	[tilespmem:$0x1DC80] =	vst v63  }
0xab: {  	s17 =	simm.s32 $0x9000;
	s6 =	rddreg [dreg:$0xe];
	s7 =	simm.s32 $0x0  }
0xac: {  	[tilespmem:s17], [sflag:$0x10] =	stream.linear.gather [hbm4b:s9+s11], $0x1400, $0x38;
	[tilespmem:$0x1DC80] =	vst v63  }
.LBB2_2:
0xad: {  	_ =	swait.ge [sflag:s23], $0x28  }
0xae: {  	[sflag:s23] =	ssyncset.done $0x0  }
0xaf: {  	[sflag:s23] =	ssyncadd.s32 $0xFFFFFFD8  }
0xb0: {  	_ =	swait.ge [sflag:s24], $0x1400  }
0xb1: {  	[sflag:s24] =	ssyncset.done $0x0  }
0xb2: {  	[sflag:s24] =	ssyncadd.s32 $0xFFFFEC00  }
0xb3: {  	[spmem:s1] =	stream.indirect.scatter.add.f32 [tilespmem:s10], [sflag:$0x11], $0x80, s11, s25, $0xb8;
	[tilespmem:$0x1DC80] =	vst v63  }
0xb4: {  	_ =	swait.ge [sflag:s28], $0x1400  }
0xb5: {  	s8 =	sshrl.u32 s4, $0x3;
	[sflag:s28] =	ssyncset.done $0x0;
	s9 =	rddreg [dreg:$0xe]  }
0xb6: {  	[sflag:s28] =	ssyncadd.s32 $0xFFFFEC00;
	s8 =	sadd.s32 s9, s8  }
0xb7: {  	[tilespmem:s11], [sflag:$0x1] =	stream.linear.gather [hbm4b:s8+s11], $0x28, $0x38;
	[tilespmem:$0x1DC80] =	vst v63  }
0xb8: {  	s8 =	sadd.s32 s7, s13  }
0xb9: {  	s9 =	sadd.s32 $0x1400, s8  }
0xba: {  	[tilespmem:s10], [sflag:$0x9] =	stream.linear.gather [hbm4b:s9+s11], $0x1400, $0x38;
	[tilespmem:$0x1DC80] =	vst v63  }
0xbb: {  	_ =	swait.ge [sflag:s2], $0x28  }
0xbc: {  	[sflag:s2] =	ssyncset.done $0x0  }
0xbd: {  	[sflag:s2] =	ssyncadd.s32 $0xFFFFFFD8  }
0xbe: {  	_ =	swait.ge [sflag:s5], $0x1400  }
0xbf: {  	[sflag:s5] =	ssyncset.done $0x0  }
0xc0: {  	[sflag:s5] =	ssyncadd.s32 $0xFFFFEC00  }
0xc1: {  	[spmem:s1] =	stream.indirect.scatter.add.f32 [tilespmem:s21], [sflag:$0x11], $0x80, s14, s25, $0xb8;
	[tilespmem:$0x1DC80] =	vst v63  }
0xc2: {  	_ =	swait.ge [sflag:s28], $0x1400  }
0xc3: {  	s10 =	sld [smem:$0x7FB];
	_ =	sdelay $0x1  }
0xc4: {  	[sflag:s28] =	ssyncset.done $0x0  }
0xc5: {  	[sflag:s28] =	ssyncadd.s32 $0xFFFFEC00;
	s9 =	sadd.s32 s6, s10  }
0xc6: {  	[tilespmem:s14], [sflag:$0x2] =	stream.linear.gather [hbm4b:s9+s11], $0x28, $0x38;
	[tilespmem:$0x1DC80] =	vst v63  }
0xc7: {  	s10 =	sadd.s32 $0x1680, s8  }
0xc8: {  	[tilespmem:s21], [sflag:$0xA] =	stream.linear.gather [hbm4b:s10+s11], $0x1400, $0x38;
	[tilespmem:$0x1DC80] =	vst v63  }
0xc9: {  	_ =	swait.ge [sflag:s26], $0x28  }
0xca: {  	[sflag:s26] =	ssyncset.done $0x0  }
0xcb: {  	[sflag:s26] =	ssyncadd.s32 $0xFFFFFFD8  }
0xcc: {  	_ =	swait.ge [sflag:s19], $0x1400  }
0xcd: {  	[sflag:s19] =	ssyncset.done $0x0  }
0xce: {  	s14 =	simm.s32 $0x2C00;
	[sflag:s19] =	ssyncadd.s32 $0xFFFFEC00  }
0xcf: {  	[spmem:s1] =	stream.indirect.scatter.add.f32 [tilespmem:s14], [sflag:$0x11], $0x80, s22, s25, $0xb8;
	[tilespmem:$0x1DC80] =	vst v63  }
0xd0: {  	_ =	swait.ge [sflag:s28], $0x1400  }
0xd1: {  	[sflag:s28] =	ssyncset.done $0x0;
	s21 =	rddreg [dreg:$0x1f]  }
0xd2: {  	[sflag:s28] =	ssyncadd.s32 $0xFFFFEC00;
	s9 =	sadd.s32 s6, s21  }
0xd3: {  	[tilespmem:s22], [sflag:$0x3] =	stream.linear.gather [hbm4b:s9+s11], $0x28, $0x38;
	[tilespmem:$0x1DC80] =	vst v63  }
0xd4: {  	s22 =	sadd.s32 $0x1900, s8  }
0xd5: {  	[tilespmem:s14], [sflag:$0xB] =	stream.linear.gather [hbm4b:s22+s11], $0x1400, $0x38;
	[tilespmem:$0x1DC80] =	vst v63  }
0xd6: {  	_ =	swait.ge [sflag:s20], $0x28  }
0xd7: {  	[sflag:s20] =	ssyncset.done $0x0  }
0xd8: {  	[sflag:s20] =	ssyncadd.s32 $0xFFFFFFD8  }
0xd9: {  	_ =	swait.ge [sflag:s29], $0x1400  }
0xda: {  	[sflag:s29] =	ssyncset.done $0x0  }
0xdb: {  	s21 =	simm.s32 $0x4000;
	s14 =	simm.s32 $0x180;
	[sflag:s29] =	ssyncadd.s32 $0xFFFFEC00  }
0xdc: {  	[spmem:s1] =	stream.indirect.scatter.add.f32 [tilespmem:s21], [sflag:$0x11], $0x80, s14, s25, $0xb8;
	[tilespmem:$0x1DC80] =	vst v63  }
0xdd: {  	_ =	swait.ge [sflag:s28], $0x1400  }
0xde: {  	[sflag:s28] =	ssyncset.done $0x0;
	s22 =	rddreg [dreg:$0x1e]  }
0xdf: {  	[sflag:s28] =	ssyncadd.s32 $0xFFFFEC00;
	s9 =	sadd.s32 s6, s22  }
0xe0: {  	[tilespmem:s14], [sflag:$0x4] =	stream.linear.gather [hbm4b:s9+s11], $0x28, $0x38;
	[tilespmem:$0x1DC80] =	vst v63  }
0xe1: {  	s10 =	sadd.s32 $0x1B80, s8  }
0xe2: {  	[tilespmem:s21], [sflag:$0xC] =	stream.linear.gather [hbm4b:s10+s11], $0x1400, $0x38;
	[tilespmem:$0x1DC80] =	vst v63  }
0xe3: {  	_ =	swait.ge [sflag:s16], $0x28  }
0xe4: {  	[sflag:s16] =	ssyncset.done $0x0  }
0xe5: {  	[sflag:s16] =	ssyncadd.s32 $0xFFFFFFD8  }
0xe6: {  	_ =	swait.ge [sflag:s30], $0x1400  }
0xe7: {  	[sflag:s30] =	ssyncset.done $0x0  }
0xe8: {  	s21 =	simm.s32 $0x200;
	[sflag:s30] =	ssyncadd.s32 $0xFFFFEC00  }
0xe9: {  	[spmem:s1] =	stream.indirect.scatter.add.f32 [tilespmem:s18], [sflag:$0x11], $0x80, s21, s25, $0xb8;
	[tilespmem:$0x1DC80] =	vst v63  }
0xea: {  	_ =	swait.ge [sflag:s28], $0x1400  }
0xeb: {  	[sflag:s28] =	ssyncset.done $0x0;
	s22 =	rddreg [dreg:$0x1d]  }
0xec: {  	[sflag:s28] =	ssyncadd.s32 $0xFFFFEC00;
	s9 =	sadd.s32 s6, s22  }
0xed: {  	[tilespmem:s21], [sflag:$0x5] =	stream.linear.gather [hbm4b:s9+s11], $0x28, $0x38;
	[tilespmem:$0x1DC80] =	vst v63  }
0xee: {  	s14 =	sadd.s32 $0x1E00, s8  }
0xef: {  	[tilespmem:s18], [sflag:$0xD] =	stream.linear.gather [hbm4b:s14+s11], $0x1400, $0x38;
	[tilespmem:$0x1DC80] =	vst v63  }
0xf0: {  	_ =	swait.ge [sflag:s31], $0x28  }
0xf1: {  	[sflag:s31] =	ssyncset.done $0x0  }
0xf2: {  	[sflag:s31] =	ssyncadd.s32 $0xFFFFFFD8  }
0xf3: {  	_ =	swait.ge [sflag:s12], $0x1400  }
0xf4: {  	[sflag:s12] =	ssyncset.done $0x0  }
0xf5: {  	s22 =	simm.s32 $0x6800;
	s21 =	simm.s32 $0x280;
	[sflag:s12] =	ssyncadd.s32 $0xFFFFEC00  }
0xf6: {  	[spmem:s1] =	stream.indirect.scatter.add.f32 [tilespmem:s22], [sflag:$0x11], $0x80, s21, s25, $0xb8;
	[tilespmem:$0x1DC80] =	vst v63  }
0xf7: {  	_ =	swait.ge [sflag:s28], $0x1400  }
0xf8: {  	p1 =	seq.s32 s7, $0x11800;
	[sflag:s28] =	ssyncset.done $0x0  }
0xf9: {  	s9 =	simm.s32 @p1 $0x7;
	[sflag:s28] =	ssyncadd.s32 $0xFFFFEC00  }
0xfa: {  	_ =	swait.ge @p1 [sflag:s9], $0x28  }
0xfb: {  	[sflag:s9] =	ssyncset.done @p1 $0x0  }
0xfc: {  	[sflag:s9] =	ssyncadd.s32 @p1 $0xFFFFFFD8;
	s9 =	simm.s32 @p1 $0xF  }
0xfd: {  	_ =	swait.ge @p1 [sflag:s9], $0x1400  }
0xfe: {  	s10 =	simm.s32 @p1 $0x7C00;
	[sflag:s9] =	ssyncset.done @p1 $0x0  }
0xff: {  	s21 =	simm.s32 @p1 $0x300;
	[sflag:s9] =	ssyncadd.s32 @p1 $0xFFFFEC00;
	s9 =	simm.s32 @p1 $0x28  }
0x100: {  	[spmem:s1] =	stream.indirect.scatter.add.f32 @p1 [tilespmem:s10], [sflag:$0x11], $0x80, s21, s9, $0xb8;
	[tilespmem:$0x1DC80] =	vst v63  }
0x101: {  	s9 =	simm.s32 @p1 $0x11  }
0x102: {  	_ =	swait.ge @p1 [sflag:s9], $0x1400  }
0x103: {  	[sflag:s9] =	ssyncset.done @p1 $0x0  }
0x104: {  	[sflag:s9] =	ssyncadd.s32 @p1 $0xFFFFEC00;
	s9 =	rddreg [dreg:$0x1c]  }
0x105: {  	s10 =	simm.s32 @!p1 $0x0;
	s21 =	simm.s32 @!p1 $0x280;
	s9 =	sadd.s32 @!p1 s6, s9  }
0x106: {  	[tilespmem:s21], [sflag:$0x6] =	stream.linear.gather @!p1 [hbm4b:s9+s10], $0x28, $0x38;
	[tilespmem:$0x1DC80] =	vst v63  }
0x107: {  	s9 =	sadd.s32 @!p1 s7, s13  }
0x108: {  	s22 =	simm.s32 @!p1 $0x6800;
	s21 =	sadd.s32 @!p1 $0x2080, s9  }
0x109: {  	[tilespmem:s22], [sflag:$0xE] =	stream.linear.gather @!p1 [hbm4b:s21+s10], $0x1400, $0x38;
	[tilespmem:$0x1DC80] =	vst v63  }
0x10a: {  	s21 =	simm.s32 @!p1 $0x7  }
0x10b: {  	_ =	swait.ge @!p1 [sflag:s21], $0x28  }
0x10c: {  	[sflag:s21] =	ssyncset.done @!p1 $0x0  }
0x10d: {  	[sflag:s21] =	ssyncadd.s32 @!p1 $0xFFFFFFD8;
	s21 =	simm.s32 @!p1 $0xF  }
0x10e: {  	_ =	swait.ge @!p1 [sflag:s21], $0x1400  }
0x10f: {  	s14 =	simm.s32 @!p1 $0x7C00;
	[sflag:s21] =	ssyncset.done @!p1 $0x0  }
0x110: {  	s22 =	simm.s32 @!p1 $0x300;
	[sflag:s21] =	ssyncadd.s32 @!p1 $0xFFFFEC00;
	s21 =	simm.s32 @!p1 $0x28  }
0x111: {  	[spmem:s1] =	stream.indirect.scatter.add.f32 @!p1 [tilespmem:s14], [sflag:$0x11], $0x80, s22, s21, $0xb8;
	[tilespmem:$0x1DC80] =	vst v63  }
0x112: {  	s21 =	simm.s32 @!p1 $0x11  }
0x113: {  	_ =	swait.ge @!p1 [sflag:s21], $0x1400  }
0x114: {  	[sflag:s21] =	ssyncset.done @!p1 $0x0  }
0x115: {  	[sflag:s21] =	ssyncadd.s32 @!p1 $0xFFFFEC00;
	s21 =	rddreg [dreg:$0x1b]  }
0x116: {  	s21 =	sadd.s32 @!p1 s6, s21  }
0x117: {  	[tilespmem:s22], [sflag:$0x7] =	stream.linear.gather @!p1 [hbm4b:s21+s10], $0x28, $0x38;
	[tilespmem:$0x1DC80] =	vst v63  }
0x118: {  	s9 =	sadd.s32 @!p1 $0x2300, s9  }
0x119: {  	[tilespmem:s14], [sflag:$0xF] =	stream.linear.gather @!p1 [hbm4b:s9+s10], $0x1400, $0x38;
	[tilespmem:$0x1DC80] =	vst v63  }
0x11a: {  	_ =	swait.ge [sflag:s0], $0x28  }
0x11b: {  	[sflag:s0] =	ssyncset.done $0x0  }
0x11c: {  	[sflag:s0] =	ssyncadd.s32 $0xFFFFFFD8  }
0x11d: {  	_ =	swait.ge [sflag:s3], $0x1400  }
0x11e: {  	[sflag:s3] =	ssyncset.done $0x0  }
.Ltmp2:
0x11f: {  	[sflag:s3] =	ssyncadd.s32 $0xFFFFEC00;
	(pc) =	sbr.rel @p1 .LBB2_4-.Ltmp2, $4  }
0x120: {  	[spmem:s1] =	stream.indirect.scatter.add.f32 [tilespmem:s17], [sflag:$0x11], $0x80, s15, s25, $0xb8;
	[tilespmem:$0x1DC80] =	vst v63  }
0x121: {  	_ =	swait.ge [sflag:s28], $0x1400  }
0x122: {  	[sflag:s28] =	ssyncset.done $0x0  }
0x123: {  	s10 =	simm.s32 $0x380;
	s14 =	simm.s32 $0x9000;
	[sflag:s28] =	ssyncadd.s32 $0xFFFFEC00  }
0x124: {  	s9 =	rddreg [dreg:$0x1a]  }
0x125: {  	s8 =	sadd.s32 $0x2580, s8;
	s7 =	sadd.s32 $0x1400, s7;
	s4 =	sadd.s32 $0x140, s4  }
.Ltmp3:
0x126: {  	s15 =	simm.s32 $0x380;
	s9 =	sadd.s32 s6, s9;
	(pc) =	sbr.rel .LBB2_2-.Ltmp3, $4  }
0x127: {  	[tilespmem:s10], [sflag:$0x8] =	stream.linear.gather [hbm4b:s9+s11], $0x28, $0x38;
	[tilespmem:$0x1DC80] =	vst v63  }
0x128: {  	s17 =	simm.s32 $0x9000;
	s21 =	simm.s32 $0x1800;
	s22 =	simm.s32 $0x100  }
0x129: {  	[tilespmem:s14], [sflag:$0x10] =	stream.linear.gather [hbm4b:s8+s11], $0x1400, $0x38;
	[tilespmem:$0x1DC80] =	vst v63  }
0x12a: {  	s6 =	sadd.s32 $0x28, s6;
	s10 =	simm.s32 $0x400;
	s14 =	simm.s32 $0x80  }
.LBB2_5:
0x12b: {  	_ =	sfence.sel $0x180000  }
0x12c: {  	[bflag:$0x0] =	sbarrier.arrive $0xFFFF  }
0x12d: {  	_ =	strace $0x9000004D  }
0x12e: {  	s0 =	stileid.u32;
	[bflag:$0x2] =	sbarrier.arrive $0xFFFF  }
0x12f: {  	p0 =	sne.s32 s0, $0x0;
	s0 =	rddreg [dreg:$0x2]  }
0x130: {  	s0 =	sadd.s32 @!p0 $0x100000, s0  }
0x131: {  	[sflag:s0] =	ssyncadd.tile.s32 @!p0 $0x1;
	_ =	shalt  }
.Lfunc_end2:
_tile_overlayer_lowered:
.L_overlay_start_2:
0x132: {  	(tag) =	ssettag $0x2  }
0x133: {  	s0 =	rddreg [dreg:$0x0];
	s2 =	stileid.u32  }
0x134: {  	s1 =	rddreg [dreg:$0x1];
	p0 =	sne.s32 s2, $0x0  }
0x135: {  	s3 =	rddreg [dreg:$0x2];
	[bflag:$0x3] =	sbarrier.arrive $0xFFFF;
	s2 =	simm.s32 @!p0 $0x1C11  }
0x136: {  	[timem:s3], [sflag:s2] =	dma.local @!p0 [hbm:s0], s1  }
0x137: {  	s0 =	simm.s32 @!p0 $0x11  }
0x138: {  	_ =	swait.ge @!p0 [sflag:s0], s1  }
0x139: {  	s1 =	ssub.s32 @!p0 $0x0, s1;
	[sflag:s0] =	ssyncset.done @!p0 $0x0  }
0x13a: {  	[sflag:s0] =	ssyncadd.s32 @!p0 s1  }
0x13b: {  	[bflag:$0x3] =	sbarrier.arrive $0xFFFF  }
0x13c: {  	_ =	shalt  }

</sc_bundles>
